<compile_context>
chip_gen: v7x
topology: tpu7x:2x2x1
jax: 0.10.2.dev20260603
libtpu: 0.0.44.dev20260713+nightly
codegen_flags: <defaults>
</compile_context>

<pallas_src>
import functools

import jax
import jax.numpy as jnp
from jax import lax
from jax.experimental import pallas as pl
from jax.experimental.pallas import tpu as pltpu
from jax.experimental.pallas import tpu_sc as plsc

B = 4096
L = 50
D = 64
TOK = 128
NR = 5


@functools.cache
def _build():
    info = plsc.get_sparse_core_info()
    NC, NS = info.num_cores, info.num_subcores
    NW = NC * NS
    n_per_w = B * L // NW
    g_per_w = n_per_w // TOK
    mesh = plsc.VectorSubcoreMesh(core_axis_name="c", subcore_axis_name="s")

    @functools.partial(
        pl.kernel,
        mesh=mesh,
        out_type=jax.ShapeDtypeStruct((L, B, D), jnp.float32),
        scratch_types=[
            pltpu.VMEM((g_per_w, TOK), jnp.int32),
        ]
        + [pltpu.VMEM((TOK, D), jnp.float32)] * NR
        + [pltpu.SemaphoreType.DMA] * (2 * NR),
        compiler_params=pltpu.CompilerParams(use_tc_tiling_on_sc=True),
    )
    def emb(idx_hbm, tab_hbm, out_hbm, idx_v, *bufs):
        rows = bufs[:NR]
        gsems = bufs[NR:2 * NR]
        ssems = bufs[2 * NR:]
        wid = lax.axis_index("s") * NC + lax.axis_index("c")
        t0w = wid * n_per_w
        pltpu.sync_copy(idx_hbm.at[wid], idx_v)

        def issue_fetch(g, s):
            def fbody(jg, c):
                v = idx_v[g, pl.ds(jg * 16, 16)]
                for k in range(16):
                    pltpu.async_copy(
                        tab_hbm.at[pl.ds(v[k], 1)],
                        rows[s].at[pl.ds(jg * 16 + k, 1)], gsems[s])
                return c
            lax.fori_loop(0, 8, fbody, 0)

        def drain_fetch(s):
            pltpu.make_async_copy(
                tab_hbm.at[pl.ds(0, TOK)], rows[s], gsems[s]).wait()

        def out_dst(g):
            t0 = t0w + g * TOK
            l = t0 >> 12
            b0 = pl.multiple_of(t0 & (B - 1), TOK)
            return out_hbm.at[l, pl.ds(b0, TOK), pl.ds(0, D)]

        def store_block(g, s):
            pltpu.async_copy(rows[s], out_dst(g), ssems[s])

        def drain_store(g, s):
            pltpu.make_async_copy(rows[s], out_dst(g), ssems[s]).wait()

        for s in range(NR):
            issue_fetch(s, s)

        def ring(i, c):
            g0 = NR * i
            for s in range(NR):
                g = g0 + s
                sprev = (s - 1) % NR
                drain_fetch(s)
                store_block(g, s)

                @pl.when(g >= 1)
                def _():
                    drain_store(g - 1, sprev)

                @pl.when((g >= 1) & (g - 1 + NR < g_per_w))
                def _():
                    issue_fetch(g - 1 + NR, sprev)

            return c

        lax.fori_loop(0, g_per_w // NR, ring, 0)
        drain_store(g_per_w - 1, NR - 1)

    return emb


def kernel(x, table):
    info = plsc.get_sparse_core_info()
    NW = info.num_cores * info.num_subcores
    idx = x.astype(jnp.int32).T.reshape(NW, B * L // NW // TOK, TOK)
    out = _build()(idx, table)
    return out.transpose(1, 0, 2)

# --- scband reference (transcript-rebuilt; emitter-appended) ---
"""Pipeline reference for scband-lookup-table-embeddings-5420248728045 (READ-ONLY COPY).

The authoritative reference and input builder live on the scoring server;
editing this copy changes nothing except your own understanding.
"""

import jax, jax.numpy as jnp
import numpy as np

VSZ = 1000000
DSZ = 64
B = 4096
L = 50

def setup_inputs(seed: int = 0) -> dict:
    key = jax.random.key(seed)
    k_idx, k_tab = jax.random.split(key)
    x = jax.random.randint(k_idx, (B, L), 0, VSZ, dtype=jnp.int64)
    table = jax.random.normal(k_tab, (VSZ, DSZ), dtype=jnp.float32) * 0.02
    return {"x": x, "table": table}

def reference(x, table):
    # LookupTableEmbeddings.forward: a plain nn.Embedding lookup
    return jnp.take(table, x, axis=0)

if __name__ == "__main__":
    import jax
    _d = setup_inputs()
    print(jax.jit(kernel)(*tuple(_d.values())))

</pallas_src>

<mosaic_0001>
#map = affine_map<(d0, d1) -> (0, 0, 0)>
#map1 = affine_map<(d0, d1) -> (0, 0)>
module attributes {stable_mosaic.version = 14 : i64} {
  func.func @emb(%arg0: i32, %arg1: i32, %arg2: memref<32x50x128xi32, #tpu.memory_space<hbm>>, %arg3: memref<1000000x64xf32, #tpu.memory_space<hbm>>, %arg4: memref<50x4096x64xf32, #tpu.memory_space<hbm>>, %arg5: memref<50x128xi32, #tpu.memory_space<vmem>>, %arg6: memref<128x64xf32, #tpu.memory_space<vmem>>, %arg7: memref<128x64xf32, #tpu.memory_space<vmem>>, %arg8: memref<128x64xf32, #tpu.memory_space<vmem>>, %arg9: memref<128x64xf32, #tpu.memory_space<vmem>>, %arg10: memref<128x64xf32, #tpu.memory_space<vmem>>, %arg11: memref<!tpu.dma_semaphore, #tpu.memory_space<semaphore_mem>>, %arg12: memref<!tpu.dma_semaphore, #tpu.memory_space<semaphore_mem>>, %arg13: memref<!tpu.dma_semaphore, #tpu.memory_space<semaphore_mem>>, %arg14: memref<!tpu.dma_semaphore, #tpu.memory_space<semaphore_mem>>, %arg15: memref<!tpu.dma_semaphore, #tpu.memory_space<semaphore_mem>>, %arg16: memref<!tpu.dma_semaphore, #tpu.memory_space<semaphore_mem>>, %arg17: memref<!tpu.dma_semaphore, #tpu.memory_space<semaphore_mem>>, %arg18: memref<!tpu.dma_semaphore, #tpu.memory_space<semaphore_mem>>, %arg19: memref<!tpu.dma_semaphore, #tpu.memory_space<semaphore_mem>>, %arg20: memref<!tpu.dma_semaphore, #tpu.memory_space<semaphore_mem>>) attributes {dimension_semantics = [#tpu.dimension_semantics<core_parallel>, #tpu.dimension_semantics<subcore_parallel>], iteration_bounds = array<i64: 2, 16>, scalar_prefetch = 0 : i64, scratch_operands = 16 : i64, tpu.core_type = #tpu.core_type<sc_vector_subcore>, window_params = [{transform_indices = #map}, {transform_indices = #map1}, {transform_indices = #map}]} {
    %mul3A = arith.constant 2 : i32
    %mul3A_0 = arith.muli %arg1, %mul3A : i32
    %add3A = arith.addi %mul3A_0, %arg0 : i32
    %mul3A_1 = arith.constant 6400 : i32
    %mul3A_2 = arith.muli %add3A, %mul3A_1 : i32
    "tpu.region"() ({
      %run_scoped3A = tpu.sem_alloc : memref<!tpu.dma_semaphore, #tpu.memory_space<semaphore_mem>>
      %dma_start3A = arith.constant 0 : i32
      %dma_start3A_47 = arith.constant 0 : i32
      %dma_start3A_48 = tpu.memref_slice %arg2[%add3A, %dma_start3A, %dma_start3A_47] : memref<32x50x128xi32, #tpu.memory_space<hbm>> -> memref<1x50x128xi32, #tpu.memory_space<hbm>>
      %dma_start3A_49 = tpu.memref_squeeze %dma_start3A_48 : memref<1x50x128xi32, #tpu.memory_space<hbm>> -> memref<50x128xi32, #tpu.memory_space<hbm>>
      %dma_start3A_50 = arith.constant 0 : i32
      %dma_start3A_51 = arith.constant 0 : i32
      %dma_start3A_52 = tpu.memref_slice %arg2[%add3A, %dma_start3A_50, %dma_start3A_51] : memref<32x50x128xi32, #tpu.memory_space<hbm>> -> memref<1x50x128xi32, #tpu.memory_space<hbm>>
      %dma_start3A_53 = tpu.memref_squeeze %dma_start3A_52 : memref<1x50x128xi32, #tpu.memory_space<hbm>> -> memref<50x128xi32, #tpu.memory_space<hbm>>
      tpu.enqueue_dma source(%dma_start3A_53 : memref<50x128xi32, #tpu.memory_space<hbm>>) target(%arg5 : memref<50x128xi32, #tpu.memory_space<vmem>>) target_semaphore(%run_scoped3A : memref<!tpu.dma_semaphore, #tpu.memory_space<semaphore_mem>>)
      %dma_wait3A_54 = arith.constant 0 : i32
      %dma_wait3A_55 = arith.constant 0 : i32
      %dma_wait3A_56 = tpu.memref_slice %arg2[%add3A, %dma_wait3A_54, %dma_wait3A_55] : memref<32x50x128xi32, #tpu.memory_space<hbm>> -> memref<1x50x128xi32, #tpu.memory_space<hbm>>
      %dma_wait3A_57 = tpu.memref_squeeze %dma_wait3A_56 : memref<1x50x128xi32, #tpu.memory_space<hbm>> -> memref<50x128xi32, #tpu.memory_space<hbm>>
      %dma_wait3A_58 = arith.constant 0 : i32
      %dma_wait3A_59 = arith.constant 0 : i32
      %dma_wait3A_60 = tpu.memref_slice %arg2[%add3A, %dma_wait3A_58, %dma_wait3A_59] : memref<32x50x128xi32, #tpu.memory_space<hbm>> -> memref<1x50x128xi32, #tpu.memory_space<hbm>>
      %dma_wait3A_61 = tpu.memref_squeeze %dma_wait3A_60 : memref<1x50x128xi32, #tpu.memory_space<hbm>> -> memref<50x128xi32, #tpu.memory_space<hbm>>
      tpu.wait_dma2 semaphore(%run_scoped3A : memref<!tpu.dma_semaphore, #tpu.memory_space<semaphore_mem>>) src(%dma_wait3A_61 : memref<50x128xi32, #tpu.memory_space<hbm>>) dst(%arg5 : memref<50x128xi32, #tpu.memory_space<vmem>>)
      tpu.yield
    }) : () -> ()
    %scan3A = arith.constant 0 : i32
    %scan3A_3 = arith.constant 0 : i32
    %scan3A_4 = arith.constant 8 : i32
    %scan3A_5 = arith.addi %scan3A_3, %scan3A_4 : i32
    %scan3A_6 = arith.constant 1 : i32
    scf.for %scan3A_47 = %scan3A_3 to %scan3A_5 step %scan3A_6  : i32 {
      %mul3A_48 = arith.constant 16 : i32
      %mul3A_49 = arith.muli %scan3A_47, %mul3A_48 : i32
      %get3A = arith.constant 0 : i32
      %get3A_50 = arith.index_cast %get3A : i32 to index
      %get3A_51 = arith.index_cast %mul3A_49 : i32 to index
      %get3A_52 = tpu.vector_load %arg5[%get3A_50, %get3A_51] {strides = array<i32>} : memref<50x128xi32, #tpu.memory_space<vmem>>, vector<1x16xi32>,
      %get3A_53 = vector.shape_cast %get3A_52 : vector<1x16xi32> to vector<16xi32>
      %slice3A = vector.extract_strided_slice %get3A_53 {offsets = [0], sizes = [1], strides = [1]} : vector<16xi32> to vector<1xi32>
      %squeeze3A = vector.extract %slice3A[0] : i32 from vector<1xi32>
      %mul3A_54 = arith.constant 16 : i32
      %mul3A_55 = arith.muli %scan3A_47, %mul3A_54 : i32
      %add3A_56 = arith.constant 0 : i32
      %add3A_57 = arith.addi %mul3A_55, %add3A_56 : i32
      %dma_start3A = arith.constant 0 : i32
      %dma_start3A_58 = tpu.memref_slice %arg6[%add3A_57, %dma_start3A] : memref<128x64xf32, #tpu.memory_space<vmem>> -> memref<1x64xf32, #tpu.memory_space<vmem>>
      %dma_start3A_59 = arith.constant 0 : i32
      %dma_start3A_60 = tpu.memref_slice %arg3[%squeeze3A, %dma_start3A_59] : memref<1000000x64xf32, #tpu.memory_space<hbm>> -> memref<1x64xf32, #tpu.memory_space<hbm>>
      %dma_start3A_61 = arith.constant 0 : i32
      %dma_start3A_62 = tpu.memref_slice %arg6[%add3A_57, %dma_start3A_61] : memref<128x64xf32, #tpu.memory_space<vmem>> -> memref<1x64xf32, #tpu.memory_space<vmem>>
      %dma_start3A_63 = arith.constant 0 : i32
      %dma_start3A_64 = tpu.memref_slice %arg3[%squeeze3A, %dma_start3A_63] : memref<1000000x64xf32, #tpu.memory_space<hbm>> -> memref<1x64xf32, #tpu.memory_space<hbm>>
      tpu.enqueue_dma source(%dma_start3A_64 : memref<1x64xf32, #tpu.memory_space<hbm>>) target(%dma_start3A_62 : memref<1x64xf32, #tpu.memory_space<vmem>>) target_semaphore(%arg11 : memref<!tpu.dma_semaphore, #tpu.memory_space<semaphore_mem>>)
      %slice3A_65 = vector.extract_strided_slice %get3A_53 {offsets = [1], sizes = [1], strides = [1]} : vector<16xi32> to vector<1xi32>
      %squeeze3A_66 = vector.extract %slice3A_65[0] : i32 from vector<1xi32>
      %mul3A_67 = arith.constant 16 : i32
      %mul3A_68 = arith.muli %scan3A_47, %mul3A_67 : i32
      %add3A_69 = arith.constant 1 : i32
      %add3A_70 = arith.addi %mul3A_68, %add3A_69 : i32
      %dma_start3A_71 = arith.constant 0 : i32
      %dma_start3A_72 = tpu.memref_slice %arg6[%add3A_70, %dma_start3A_71] : memref<128x64xf32, #tpu.memory_space<vmem>> -> memref<1x64xf32, #tpu.memory_space<vmem>>
      %dma_start3A_73 = arith.constant 0 : i32
      %dma_start3A_74 = tpu.memref_slice %arg3[%squeeze3A_66, %dma_start3A_73] : memref<1000000x64xf32, #tpu.memory_space<hbm>> -> memref<1x64xf32, #tpu.memory_space<hbm>>
      %dma_start3A_75 = arith.constant 0 : i32
      %dma_start3A_76 = tpu.memref_slice %arg6[%add3A_70, %dma_start3A_75] : memref<128x64xf32, #tpu.memory_space<vmem>> -> memref<1x64xf32, #tpu.memory_space<vmem>>
      %dma_start3A_77 = arith.constant 0 : i32
      %dma_start3A_78 = tpu.memref_slice %arg3[%squeeze3A_66, %dma_start3A_77] : memref<1000000x64xf32, #tpu.memory_space<hbm>> -> memref<1x64xf32, #tpu.memory_space<hbm>>
      tpu.enqueue_dma source(%dma_start3A_78 : memref<1x64xf32, #tpu.memory_space<hbm>>) target(%dma_start3A_76 : memref<1x64xf32, #tpu.memory_space<vmem>>) target_semaphore(%arg11 : memref<!tpu.dma_semaphore, #tpu.memory_space<semaphore_mem>>)
      %slice3A_79 = vector.extract_strided_slice %get3A_53 {offsets = [2], sizes = [1], strides = [1]} : vector<16xi32> to vector<1xi32>
      %squeeze3A_80 = vector.extract %slice3A_79[0] : i32 from vector<1xi32>
      %mul3A_81 = arith.constant 16 : i32
      %mul3A_82 = arith.muli %scan3A_47, %mul3A_81 : i32
      %add3A_83 = arith.constant 2 : i32
      %add3A_84 = arith.addi %mul3A_82, %add3A_83 : i32
      %dma_start3A_85 = arith.constant 0 : i32
      %dma_start3A_86 = tpu.memref_slice %arg6[%add3A_84, %dma_start3A_85] : memref<128x64xf32, #tpu.memory_space<vmem>> -> memref<1x64xf32, #tpu.memory_space<vmem>>
      %dma_start3A_87 = arith.constant 0 : i32
      %dma_start3A_88 = tpu.memref_slice %arg3[%squeeze3A_80, %dma_start3A_87] : memref<1000000x64xf32, #tpu.memory_space<hbm>> -> memref<1x64xf32, #tpu.memory_space<hbm>>
      %dma_start3A_89 = arith.constant 0 : i32
      %dma_start3A_90 = tpu.memref_slice %arg6[%add3A_84, %dma_start3A_89] : memref<128x64xf32, #tpu.memory_space<vmem>> -> memref<1x64xf32, #tpu.memory_space<vmem>>
      %dma_start3A_91 = arith.constant 0 : i32
      %dma_start3A_92 = tpu.memref_slice %arg3[%squeeze3A_80, %dma_start3A_91] : memref<1000000x64xf32, #tpu.memory_space<hbm>> -> memref<1x64xf32, #tpu.memory_space<hbm>>
      tpu.enqueue_dma source(%dma_start3A_92 : memref<1x64xf32, #tpu.memory_space<hbm>>) target(%dma_start3A_90 : memref<1x64xf32, #tpu.memory_space<vmem>>) target_semaphore(%arg11 : memref<!tpu.dma_semaphore, #tpu.memory_space<semaphore_mem>>)
      %slice3A_93 = vector.extract_strided_slice %get3A_53 {offsets = [3], sizes = [1], strides = [1]} : vector<16xi32> to vector<1xi32>
      %squeeze3A_94 = vector.extract %slice3A_93[0] : i32 from vector<1xi32>
      %mul3A_95 = arith.constant 16 : i32
      %mul3A_96 = arith.muli %scan3A_47, %mul3A_95 : i32
      %add3A_97 = arith.constant 3 : i32
      %add3A_98 = arith.addi %mul3A_96, %add3A_97 : i32
      %dma_start3A_99 = arith.constant 0 : i32
      %dma_start3A_100 = tpu.memref_slice %arg6[%add3A_98, %dma_start3A_99] : memref<128x64xf32, #tpu.memory_space<vmem>> -> memref<1x64xf32, #tpu.memory_space<vmem>>
      %dma_start3A_101 = arith.constant 0 : i32
      %dma_start3A_102 = tpu.memref_slice %arg3[%squeeze3A_94, %dma_start3A_101] : memref<1000000x64xf32, #tpu.memory_space<hbm>> -> memref<1x64xf32, #tpu.memory_space<hbm>>
      %dma_start3A_103 = arith.constant 0 : i32
      %dma_start3A_104 = tpu.memref_slice %arg6[%add3A_98, %dma_start3A_103] : memref<128x64xf32, #tpu.memory_space<vmem>> -> memref<1x64xf32, #tpu.memory_space<vmem>>
      %dma_start3A_105 = arith.constant 0 : i32
      %dma_start3A_106 = tpu.memref_slice %arg3[%squeeze3A_94, %dma_start3A_105] : memref<1000000x64xf32, #tpu.memory_space<hbm>> -> memref<1x64xf32, #tpu.memory_space<hbm>>
      tpu.enqueue_dma source(%dma_start3A_106 : memref<1x64xf32, #tpu.memory_space<hbm>>) target(%dma_start3A_104 : memref<1x64xf32, #tpu.memory_space<vmem>>) target_semaphore(%arg11 : memref<!tpu.dma_semaphore, #tpu.memory_space<semaphore_mem>>)
      %slice3A_107 = vector.extract_strided_slice %get3A_53 {offsets = [4], sizes = [1], strides = [1]} : vector<16xi32> to vector<1xi32>
      %squeeze3A_108 = vector.extract %slice3A_107[0] : i32 from vector<1xi32>
      %mul3A_109 = arith.constant 16 : i32
      %mul3A_110 = arith.muli %scan3A_47, %mul3A_109 : i32
      %add3A_111 = arith.constant 4 : i32
      %add3A_112 = arith.addi %mul3A_110, %add3A_111 : i32
      %dma_start3A_113 = arith.constant 0 : i32
      %dma_start3A_114 = tpu.memref_slice %arg6[%add3A_112, %dma_start3A_113] : memref<128x64xf32, #tpu.memory_space<vmem>> -> memref<1x64xf32, #tpu.memory_space<vmem>>
      %dma_start3A_115 = arith.constant 0 : i32
      %dma_start3A_116 = tpu.memref_slice %arg3[%squeeze3A_108, %dma_start3A_115] : memref<1000000x64xf32, #tpu.memory_space<hbm>> -> memref<1x64xf32, #tpu.memory_space<hbm>>
      %dma_start3A_117 = arith.constant 0 : i32
      %dma_start3A_118 = tpu.memref_slice %arg6[%add3A_112, %dma_start3A_117] : memref<128x64xf32, #tpu.memory_space<vmem>> -> memref<1x64xf32, #tpu.memory_space<vmem>>
      %dma_start3A_119 = arith.constant 0 : i32
      %dma_start3A_120 = tpu.memref_slice %arg3[%squeeze3A_108, %dma_start3A_119] : memref<1000000x64xf32, #tpu.memory_space<hbm>> -> memref<1x64xf32, #tpu.memory_space<hbm>>
      tpu.enqueue_dma source(%dma_start3A_120 : memref<1x64xf32, #tpu.memory_space<hbm>>) target(%dma_start3A_118 : memref<1x64xf32, #tpu.memory_space<vmem>>) target_semaphore(%arg11 : memref<!tpu.dma_semaphore, #tpu.memory_space<semaphore_mem>>)
      %slice3A_121 = vector.extract_strided_slice %get3A_53 {offsets = [5], sizes = [1], strides = [1]} : vector<16xi32> to vector<1xi32>
      %squeeze3A_122 = vector.extract %slice3A_121[0] : i32 from vector<1xi32>
      %mul3A_123 = arith.constant 16 : i32
      %mul3A_124 = arith.muli %scan3A_47, %mul3A_123 : i32
      %add3A_125 = arith.constant 5 : i32
      %add3A_126 = arith.addi %mul3A_124, %add3A_125 : i32
      %dma_start3A_127 = arith.constant 0 : i32
      %dma_start3A_128 = tpu.memref_slice %arg6[%add3A_126, %dma_start3A_127] : memref<128x64xf32, #tpu.memory_space<vmem>> -> memref<1x64xf32, #tpu.memory_space<vmem>>
      %dma_start3A_129 = arith.constant 0 : i32
      %dma_start3A_130 = tpu.memref_slice %arg3[%squeeze3A_122, %dma_start3A_129] : memref<1000000x64xf32, #tpu.memory_space<hbm>> -> memref<1x64xf32, #tpu.memory_space<hbm>>
      %dma_start3A_131 = arith.constant 0 : i32
      %dma_start3A_132 = tpu.memref_slice %arg6[%add3A_126, %dma_start3A_131] : memref<128x64xf32, #tpu.memory_space<vmem>> -> memref<1x64xf32, #tpu.memory_space<vmem>>
      %dma_start3A_133 = arith.constant 0 : i32
      %dma_start3A_134 = tpu.memref_slice %arg3[%squeeze3A_122, %dma_start3A_133] : memref<1000000x64xf32, #tpu.memory_space<hbm>> -> memref<1x64xf32, #tpu.memory_space<hbm>>
      tpu.enqueue_dma source(%dma_start3A_134 : memref<1x64xf32, #tpu.memory_space<hbm>>) target(%dma_start3A_132 : memref<1x64xf32, #tpu.memory_space<vmem>>) target_semaphore(%arg11 : memref<!tpu.dma_semaphore, #tpu.memory_space<semaphore_mem>>)
      %slice3A_135 = vector.extract_strided_slice %get3A_53 {offsets = [6], sizes = [1], strides = [1]} : vector<16xi32> to vector<1xi32>
      %squeeze3A_136 = vector.extract %slice3A_135[0] : i32 from vector<1xi32>
      %mul3A_137 = arith.constant 16 : i32
      %mul3A_138 = arith.muli %scan3A_47, %mul3A_137 : i32
      %add3A_139 = arith.constant 6 : i32
      %add3A_140 = arith.addi %mul3A_138, %add3A_139 : i32
      %dma_start3A_141 = arith.constant 0 : i32
      %dma_start3A_142 = tpu.memref_slice %arg6[%add3A_140, %dma_start3A_141] : memref<128x64xf32, #tpu.memory_space<vmem>> -> memref<1x64xf32, #tpu.memory_space<vmem>>
      %dma_start3A_143 = arith.constant 0 : i32
      %dma_start3A_144 = tpu.memref_slice %arg3[%squeeze3A_136, %dma_start3A_143] : memref<1000000x64xf32, #tpu.memory_space<hbm>> -> memref<1x64xf32, #tpu.memory_space<hbm>>
      %dma_start3A_145 = arith.constant 0 : i32
      %dma_start3A_146 = tpu.memref_slice %arg6[%add3A_140, %dma_start3A_145] : memref<128x64xf32, #tpu.memory_space<vmem>> -> memref<1x64xf32, #tpu.memory_space<vmem>>
      %dma_start3A_147 = arith.constant 0 : i32
      %dma_start3A_148 = tpu.memref_slice %arg3[%squeeze3A_136, %dma_start3A_147] : memref<1000000x64xf32, #tpu.memory_space<hbm>> -> memref<1x64xf32, #tpu.memory_space<hbm>>
      tpu.enqueue_dma source(%dma_start3A_148 : memref<1x64xf32, #tpu.memory_space<hbm>>) target(%dma_start3A_146 : memref<1x64xf32, #tpu.memory_space<vmem>>) target_semaphore(%arg11 : memref<!tpu.dma_semaphore, #tpu.memory_space<semaphore_mem>>)
      %slice3A_149 = vector.extract_strided_slice %get3A_53 {offsets = [7], sizes = [1], strides = [1]} : vector<16xi32> to vector<1xi32>
      %squeeze3A_150 = vector.extract %slice3A_149[0] : i32 from vector<1xi32>
      %mul3A_151 = arith.constant 16 : i32
      %mul3A_152 = arith.muli %scan3A_47, %mul3A_151 : i32
      %add3A_153 = arith.constant 7 : i32
      %add3A_154 = arith.addi %mul3A_152, %add3A_153 : i32
      %dma_start3A_155 = arith.constant 0 : i32
      %dma_start3A_156 = tpu.memref_slice %arg6[%add3A_154, %dma_start3A_155] : memref<128x64xf32, #tpu.memory_space<vmem>> -> memref<1x64xf32, #tpu.memory_space<vmem>>
      %dma_start3A_157 = arith.constant 0 : i32
      %dma_start3A_158 = tpu.memref_slice %arg3[%squeeze3A_150, %dma_start3A_157] : memref<1000000x64xf32, #tpu.memory_space<hbm>> -> memref<1x64xf32, #tpu.memory_space<hbm>>
      %dma_start3A_159 = arith.constant 0 : i32
      %dma_start3A_160 = tpu.memref_slice %arg6[%add3A_154, %dma_start3A_159] : memref<128x64xf32, #tpu.memory_space<vmem>> -> memref<1x64xf32, #tpu.memory_space<vmem>>
      %dma_start3A_161 = arith.constant 0 : i32
      %dma_start3A_162 = tpu.memref_slice %arg3[%squeeze3A_150, %dma_start3A_161] : memref<1000000x64xf32, #tpu.memory_space<hbm>> -> memref<1x64xf32, #tpu.memory_space<hbm>>
      tpu.enqueue_dma source(%dma_start3A_162 : memref<1x64xf32, #tpu.memory_space<hbm>>) target(%dma_start3A_160 : memref<1x64xf32, #tpu.memory_space<vmem>>) target_semaphore(%arg11 : memref<!tpu.dma_semaphore, #tpu.memory_space<semaphore_mem>>)
      %slice3A_163 = vector.extract_strided_slice %get3A_53 {offsets = [8], sizes = [1], strides = [1]} : vector<16xi32> to vector<1xi32>
      %squeeze3A_164 = vector.extract %slice3A_163[0] : i32 from vector<1xi32>
      %mul3A_165 = arith.constant 16 : i32
      %mul3A_166 = arith.muli %scan3A_47, %mul3A_165 : i32
      %add3A_167 = arith.constant 8 : i32
      %add3A_168 = arith.addi %mul3A_166, %add3A_167 : i32
      %dma_start3A_169 = arith.constant 0 : i32
      %dma_start3A_170 = tpu.memref_slice %arg6[%add3A_168, %dma_start3A_169] : memref<128x64xf32, #tpu.memory_space<vmem>> -> memref<1x64xf32, #tpu.memory_space<vmem>>
      %dma_start3A_171 = arith.constant 0 : i32
      %dma_start3A_172 = tpu.memref_slice %arg3[%squeeze3A_164, %dma_start3A_171] : memref<1000000x64xf32, #tpu.memory_space<hbm>> -> memref<1x64xf32, #tpu.memory_space<hbm>>
      %dma_start3A_173 = arith.constant 0 : i32
      %dma_start3A_174 = tpu.memref_slice %arg6[%add3A_168, %dma_start3A_173] : memref<128x64xf32, #tpu.memory_space<vmem>> -> memref<1x64xf32, #tpu.memory_space<vmem>>
      %dma_start3A_175 = arith.constant 0 : i32
      %dma_start3A_176 = tpu.memref_slice %arg3[%squeeze3A_164, %dma_start3A_175] : memref<1000000x64xf32, #tpu.memory_space<hbm>> -> memref<1x64xf32, #tpu.memory_space<hbm>>
      tpu.enqueue_dma source(%dma_start3A_176 : memref<1x64xf32, #tpu.memory_space<hbm>>) target(%dma_start3A_174 : memref<1x64xf32, #tpu.memory_space<vmem>>) target_semaphore(%arg11 : memref<!tpu.dma_semaphore, #tpu.memory_space<semaphore_mem>>)
      %slice3A_177 = vector.extract_strided_slice %get3A_53 {offsets = [9], sizes = [1], strides = [1]} : vector<16xi32> to vector<1xi32>
      %squeeze3A_178 = vector.extract %slice3A_177[0] : i32 from vector<1xi32>
      %mul3A_179 = arith.constant 16 : i32
      %mul3A_180 = arith.muli %scan3A_47, %mul3A_179 : i32
      %add3A_181 = arith.constant 9 : i32
      %add3A_182 = arith.addi %mul3A_180, %add3A_181 : i32
      %dma_start3A_183 = arith.constant 0 : i32
      %dma_start3A_184 = tpu.memref_slice %arg6[%add3A_182, %dma_start3A_183] : memref<128x64xf32, #tpu.memory_space<vmem>> -> memref<1x64xf32, #tpu.memory_space<vmem>>
      %dma_start3A_185 = arith.constant 0 : i32
      %dma_start3A_186 = tpu.memref_slice %arg3[%squeeze3A_178, %dma_start3A_185] : memref<1000000x64xf32, #tpu.memory_space<hbm>> -> memref<1x64xf32, #tpu.memory_space<hbm>>
      %dma_start3A_187 = arith.constant 0 : i32
      %dma_start3A_188 = tpu.memref_slice %arg6[%add3A_182, %dma_start3A_187] : memref<128x64xf32, #tpu.memory_space<vmem>> -> memref<1x64xf32, #tpu.memory_space<vmem>>
      %dma_start3A_189 = arith.constant 0 : i32
      %dma_start3A_190 = tpu.memref_slice %arg3[%squeeze3A_178, %dma_start3A_189] : memref<1000000x64xf32, #tpu.memory_space<hbm>> -> memref<1x64xf32, #tpu.memory_space<hbm>>
      tpu.enqueue_dma source(%dma_start3A_190 : memref<1x64xf32, #tpu.memory_space<hbm>>) target(%dma_start3A_188 : memref<1x64xf32, #tpu.memory_space<vmem>>) target_semaphore(%arg11 : memref<!tpu.dma_semaphore, #tpu.memory_space<semaphore_mem>>)
      %slice3A_191 = vector.extract_strided_slice %get3A_53 {offsets = [10], sizes = [1], strides = [1]} : vector<16xi32> to vector<1xi32>
      %squeeze3A_192 = vector.extract %slice3A_191[0] : i32 from vector<1xi32>
      %mul3A_193 = arith.constant 16 : i32
      %mul3A_194 = arith.muli %scan3A_47, %mul3A_193 : i32
      %add3A_195 = arith.constant 10 : i32
      %add3A_196 = arith.addi %mul3A_194, %add3A_195 : i32
      %dma_start3A_197 = arith.constant 0 : i32
      %dma_start3A_198 = tpu.memref_slice %arg6[%add3A_196, %dma_start3A_197] : memref<128x64xf32, #tpu.memory_space<vmem>> -> memref<1x64xf32, #tpu.memory_space<vmem>>
      %dma_start3A_199 = arith.constant 0 : i32
      %dma_start3A_200 = tpu.memref_slice %arg3[%squeeze3A_192, %dma_start3A_199] : memref<1000000x64xf32, #tpu.memory_space<hbm>> -> memref<1x64xf32, #tpu.memory_space<hbm>>
      %dma_start3A_201 = arith.constant 0 : i32
      %dma_start3A_202 = tpu.memref_slice %arg6[%add3A_196, %dma_start3A_201] : memref<128x64xf32, #tpu.memory_space<vmem>> -> memref<1x64xf32, #tpu.memory_space<vmem>>
      %dma_start3A_203 = arith.constant 0 : i32
      %dma_start3A_204 = tpu.memref_slice %arg3[%squeeze3A_192, %dma_start3A_203] : memref<1000000x64xf32, #tpu.memory_space<hbm>> -> memref<1x64xf32, #tpu.memory_space<hbm>>
      tpu.enqueue_dma source(%dma_start3A_204 : memref<1x64xf32, #tpu.memory_space<hbm>>) target(%dma_start3A_202 : memref<1x64xf32, #tpu.memory_space<vmem>>) target_semaphore(%arg11 : memref<!tpu.dma_semaphore, #tpu.memory_space<semaphore_mem>>)
      %slice3A_205 = vector.extract_strided_slice %get3A_53 {offsets = [11], sizes = [1], strides = [1]} : vector<16xi32> to vector<1xi32>
      %squeeze3A_206 = vector.extract %slice3A_205[0] : i32 from vector<1xi32>
      %mul3A_207 = arith.constant 16 : i32
      %mul3A_208 = arith.muli %scan3A_47, %mul3A_207 : i32
      %add3A_209 = arith.constant 11 : i32
      %add3A_210 = arith.addi %mul3A_208, %add3A_209 : i32
      %dma_start3A_211 = arith.constant 0 : i32
      %dma_start3A_212 = tpu.memref_slice %arg6[%add3A_210, %dma_start3A_211] : memref<128x64xf32, #tpu.memory_space<vmem>> -> memref<1x64xf32, #tpu.memory_space<vmem>>
      %dma_start3A_213 = arith.constant 0 : i32
      %dma_start3A_214 = tpu.memref_slice %arg3[%squeeze3A_206, %dma_start3A_213] : memref<1000000x64xf32, #tpu.memory_space<hbm>> -> memref<1x64xf32, #tpu.memory_space<hbm>>
      %dma_start3A_215 = arith.constant 0 : i32
      %dma_start3A_216 = tpu.memref_slice %arg6[%add3A_210, %dma_start3A_215] : memref<128x64xf32, #tpu.memory_space<vmem>> -> memref<1x64xf32, #tpu.memory_space<vmem>>
      %dma_start3A_217 = arith.constant 0 : i32
      %dma_start3A_218 = tpu.memref_slice %arg3[%squeeze3A_206, %dma_start3A_217] : memref<1000000x64xf32, #tpu.memory_space<hbm>> -> memref<1x64xf32, #tpu.memory_space<hbm>>
      tpu.enqueue_dma source(%dma_start3A_218 : memref<1x64xf32, #tpu.memory_space<hbm>>) target(%dma_start3A_216 : memref<1x64xf32, #tpu.memory_space<vmem>>) target_semaphore(%arg11 : memref<!tpu.dma_semaphore, #tpu.memory_space<semaphore_mem>>)
      %slice3A_219 = vector.extract_strided_slice %get3A_53 {offsets = [12], sizes = [1], strides = [1]} : vector<16xi32> to vector<1xi32>
      %squeeze3A_220 = vector.extract %slice3A_219[0] : i32 from vector<1xi32>
      %mul3A_221 = arith.constant 16 : i32
      %mul3A_222 = arith.muli %scan3A_47, %mul3A_221 : i32
      %add3A_223 = arith.constant 12 : i32
      %add3A_224 = arith.addi %mul3A_222, %add3A_223 : i32
      %dma_start3A_225 = arith.constant 0 : i32
      %dma_start3A_226 = tpu.memref_slice %arg6[%add3A_224, %dma_start3A_225] : memref<128x64xf32, #tpu.memory_space<vmem>> -> memref<1x64xf32, #tpu.memory_space<vmem>>
      %dma_start3A_227 = arith.constant 0 : i32
      %dma_start3A_228 = tpu.memref_slice %arg3[%squeeze3A_220, %dma_start3A_227] : memref<1000000x64xf32, #tpu.memory_space<hbm>> -> memref<1x64xf32, #tpu.memory_space<hbm>>
      %dma_start3A_229 = arith.constant 0 : i32
      %dma_start3A_230 = tpu.memref_slice %arg6[%add3A_224, %dma_start3A_229] : memref<128x64xf32, #tpu.memory_space<vmem>> -> memref<1x64xf32, #tpu.memory_space<vmem>>
      %dma_start3A_231 = arith.constant 0 : i32
      %dma_start3A_232 = tpu.memref_slice %arg3[%squeeze3A_220, %dma_start3A_231] : memref<1000000x64xf32, #tpu.memory_space<hbm>> -> memref<1x64xf32, #tpu.memory_space<hbm>>
      tpu.enqueue_dma source(%dma_start3A_232 : memref<1x64xf32, #tpu.memory_space<hbm>>) target(%dma_start3A_230 : memref<1x64xf32, #tpu.memory_space<vmem>>) target_semaphore(%arg11 : memref<!tpu.dma_semaphore, #tpu.memory_space<semaphore_mem>>)
      %slice3A_233 = vector.extract_strided_slice %get3A_53 {offsets = [13], sizes = [1], strides = [1]} : vector<16xi32> to vector<1xi32>
      %squeeze3A_234 = vector.extract %slice3A_233[0] : i32 from vector<1xi32>
      %mul3A_235 = arith.constant 16 : i32
      %mul3A_236 = arith.muli %scan3A_47, %mul3A_235 : i32
      %add3A_237 = arith.constant 13 : i32
      %add3A_238 = arith.addi %mul3A_236, %add3A_237 : i32
      %dma_start3A_239 = arith.constant 0 : i32
      %dma_start3A_240 = tpu.memref_slice %arg6[%add3A_238, %dma_start3A_239] : memref<128x64xf32, #tpu.memory_space<vmem>> -> memref<1x64xf32, #tpu.memory_space<vmem>>
      %dma_start3A_241 = arith.constant 0 : i32
      %dma_start3A_242 = tpu.memref_slice %arg3[%squeeze3A_234, %dma_start3A_241] : memref<1000000x64xf32, #tpu.memory_space<hbm>> -> memref<1x64xf32, #tpu.memory_space<hbm>>
      %dma_start3A_243 = arith.constant 0 : i32
      %dma_start3A_244 = tpu.memref_slice %arg6[%add3A_238, %dma_start3A_243] : memref<128x64xf32, #tpu.memory_space<vmem>> -> memref<1x64xf32, #tpu.memory_space<vmem>>
      %dma_start3A_245 = arith.constant 0 : i32
      %dma_start3A_246 = tpu.memref_slice %arg3[%squeeze3A_234, %dma_start3A_245] : memref<1000000x64xf32, #tpu.memory_space<hbm>> -> memref<1x64xf32, #tpu.memory_space<hbm>>
      tpu.enqueue_dma source(%dma_start3A_246 : memref<1x64xf32, #tpu.memory_space<hbm>>) target(%dma_start3A_244 : memref<1x64xf32, #tpu.memory_space<vmem>>) target_semaphore(%arg11 : memref<!tpu.dma_semaphore, #tpu.memory_space<semaphore_mem>>)
      %slice3A_247 = vector.extract_strided_slice %get3A_53 {offsets = [14], sizes = [1], strides = [1]} : vector<16xi32> to vector<1xi32>
      %squeeze3A_248 = vector.extract %slice3A_247[0] : i32 from vector<1xi32>
      %mul3A_249 = arith.constant 16 : i32
      %mul3A_250 = arith.muli %scan3A_47, %mul3A_249 : i32
      %add3A_251 = arith.constant 14 : i32
      %add3A_252 = arith.addi %mul3A_250, %add3A_251 : i32
      %dma_start3A_253 = arith.constant 0 : i32
      %dma_start3A_254 = tpu.memref_slice %arg6[%add3A_252, %dma_start3A_253] : memref<128x64xf32, #tpu.memory_space<vmem>> -> memref<1x64xf32, #tpu.memory_space<vmem>>
      %dma_start3A_255 = arith.constant 0 : i32
      %dma_start3A_256 = tpu.memref_slice %arg3[%squeeze3A_248, %dma_start3A_255] : memref<1000000x64xf32, #tpu.memory_space<hbm>> -> memref<1x64xf32, #tpu.memory_space<hbm>>
      %dma_start3A_257 = arith.constant 0 : i32
      %dma_start3A_258 = tpu.memref_slice %arg6[%add3A_252, %dma_start3A_257] : memref<128x64xf32, #tpu.memory_space<vmem>> -> memref<1x64xf32, #tpu.memory_space<vmem>>
      %dma_start3A_259 = arith.constant 0 : i32
      %dma_start3A_260 = tpu.memref_slice %arg3[%squeeze3A_248, %dma_start3A_259] : memref<1000000x64xf32, #tpu.memory_space<hbm>> -> memref<1x64xf32, #tpu.memory_space<hbm>>
      tpu.enqueue_dma source(%dma_start3A_260 : memref<1x64xf32, #tpu.memory_space<hbm>>) target(%dma_start3A_258 : memref<1x64xf32, #tpu.memory_space<vmem>>) target_semaphore(%arg11 : memref<!tpu.dma_semaphore, #tpu.memory_space<semaphore_mem>>)
      %slice3A_261 = vector.extract_strided_slice %get3A_53 {offsets = [15], sizes = [1], strides = [1]} : vector<16xi32> to vector<1xi32>
      %squeeze3A_262 = vector.extract %slice3A_261[0] : i32 from vector<1xi32>
      %mul3A_263 = arith.constant 16 : i32
      %mul3A_264 = arith.muli %scan3A_47, %mul3A_263 : i32
      %add3A_265 = arith.constant 15 : i32
      %add3A_266 = arith.addi %mul3A_264, %add3A_265 : i32
      %dma_start3A_267 = arith.constant 0 : i32
      %dma_start3A_268 = tpu.memref_slice %arg6[%add3A_266, %dma_start3A_267] : memref<128x64xf32, #tpu.memory_space<vmem>> -> memref<1x64xf32, #tpu.memory_space<vmem>>
      %dma_start3A_269 = arith.constant 0 : i32
      %dma_start3A_270 = tpu.memref_slice %arg3[%squeeze3A_262, %dma_start3A_269] : memref<1000000x64xf32, #tpu.memory_space<hbm>> -> memref<1x64xf32, #tpu.memory_space<hbm>>
      %dma_start3A_271 = arith.constant 0 : i32
      %dma_start3A_272 = tpu.memref_slice %arg6[%add3A_266, %dma_start3A_271] : memref<128x64xf32, #tpu.memory_space<vmem>> -> memref<1x64xf32, #tpu.memory_space<vmem>>
      %dma_start3A_273 = arith.constant 0 : i32
      %dma_start3A_274 = tpu.memref_slice %arg3[%squeeze3A_262, %dma_start3A_273] : memref<1000000x64xf32, #tpu.memory_space<hbm>> -> memref<1x64xf32, #tpu.memory_space<hbm>>
      tpu.enqueue_dma source(%dma_start3A_274 : memref<1x64xf32, #tpu.memory_space<hbm>>) target(%dma_start3A_272 : memref<1x64xf32, #tpu.memory_space<vmem>>) target_semaphore(%arg11 : memref<!tpu.dma_semaphore, #tpu.memory_space<semaphore_mem>>)
    }
    %scan3A_7 = arith.constant 8 : i32
    %scan3A_8 = arith.constant 0 : i32
    %scan3A_9 = arith.constant 0 : i32
    %scan3A_10 = arith.constant 8 : i32
    %scan3A_11 = arith.addi %scan3A_9, %scan3A_10 : i32
    %scan3A_12 = arith.constant 1 : i32
    scf.for %scan3A_47 = %scan3A_9 to %scan3A_11 step %scan3A_12  : i32 {
      %mul3A_48 = arith.constant 16 : i32
      %mul3A_49 = arith.muli %scan3A_47, %mul3A_48 : i32
      %get3A = arith.constant 1 : i32
      %get3A_50 = arith.index_cast %get3A : i32 to index
      %get3A_51 = arith.index_cast %mul3A_49 : i32 to index
      %get3A_52 = tpu.vector_load %arg5[%get3A_50, %get3A_51] {strides = array<i32>} : memref<50x128xi32, #tpu.memory_space<vmem>>, vector<1x16xi32>,
      %get3A_53 = vector.shape_cast %get3A_52 : vector<1x16xi32> to vector<16xi32>
      %slice3A = vector.extract_strided_slice %get3A_53 {offsets = [0], sizes = [1], strides = [1]} : vector<16xi32> to vector<1xi32>
      %squeeze3A = vector.extract %slice3A[0] : i32 from vector<1xi32>
      %mul3A_54 = arith.constant 16 : i32
      %mul3A_55 = arith.muli %scan3A_47, %mul3A_54 : i32
      %add3A_56 = arith.constant 0 : i32
      %add3A_57 = arith.addi %mul3A_55, %add3A_56 : i32
      %dma_start3A = arith.constant 0 : i32
      %dma_start3A_58 = tpu.memref_slice %arg7[%add3A_57, %dma_start3A] : memref<128x64xf32, #tpu.memory_space<vmem>> -> memref<1x64xf32, #tpu.memory_space<vmem>>
      %dma_start3A_59 = arith.constant 0 : i32
      %dma_start3A_60 = tpu.memref_slice %arg3[%squeeze3A, %dma_start3A_59] : memref<1000000x64xf32, #tpu.memory_space<hbm>> -> memref<1x64xf32, #tpu.memory_space<hbm>>
      %dma_start3A_61 = arith.constant 0 : i32
      %dma_start3A_62 = tpu.memref_slice %arg7[%add3A_57, %dma_start3A_61] : memref<128x64xf32, #tpu.memory_space<vmem>> -> memref<1x64xf32, #tpu.memory_space<vmem>>
      %dma_start3A_63 = arith.constant 0 : i32
      %dma_start3A_64 = tpu.memref_slice %arg3[%squeeze3A, %dma_start3A_63] : memref<1000000x64xf32, #tpu.memory_space<hbm>> -> memref<1x64xf32, #tpu.memory_space<hbm>>
      tpu.enqueue_dma source(%dma_start3A_64 : memref<1x64xf32, #tpu.memory_space<hbm>>) target(%dma_start3A_62 : memref<1x64xf32, #tpu.memory_space<vmem>>) target_semaphore(%arg12 : memref<!tpu.dma_semaphore, #tpu.memory_space<semaphore_mem>>)
      %slice3A_65 = vector.extract_strided_slice %get3A_53 {offsets = [1], sizes = [1], strides = [1]} : vector<16xi32> to vector<1xi32>
      %squeeze3A_66 = vector.extract %slice3A_65[0] : i32 from vector<1xi32>
      %mul3A_67 = arith.constant 16 : i32
      %mul3A_68 = arith.muli %scan3A_47, %mul3A_67 : i32
      %add3A_69 = arith.constant 1 : i32
      %add3A_70 = arith.addi %mul3A_68, %add3A_69 : i32
      %dma_start3A_71 = arith.constant 0 : i32
      %dma_start3A_72 = tpu.memref_slice %arg7[%add3A_70, %dma_start3A_71] : memref<128x64xf32, #tpu.memory_space<vmem>> -> memref<1x64xf32, #tpu.memory_space<vmem>>
      %dma_start3A_73 = arith.constant 0 : i32
      %dma_start3A_74 = tpu.memref_slice %arg3[%squeeze3A_66, %dma_start3A_73] : memref<1000000x64xf32, #tpu.memory_space<hbm>> -> memref<1x64xf32, #tpu.memory_space<hbm>>
      %dma_start3A_75 = arith.constant 0 : i32
      %dma_start3A_76 = tpu.memref_slice %arg7[%add3A_70, %dma_start3A_75] : memref<128x64xf32, #tpu.memory_space<vmem>> -> memref<1x64xf32, #tpu.memory_space<vmem>>
      %dma_start3A_77 = arith.constant 0 : i32
      %dma_start3A_78 = tpu.memref_slice %arg3[%squeeze3A_66, %dma_start3A_77] : memref<1000000x64xf32, #tpu.memory_space<hbm>> -> memref<1x64xf32, #tpu.memory_space<hbm>>
      tpu.enqueue_dma source(%dma_start3A_78 : memref<1x64xf32, #tpu.memory_space<hbm>>) target(%dma_start3A_76 : memref<1x64xf32, #tpu.memory_space<vmem>>) target_semaphore(%arg12 : memref<!tpu.dma_semaphore, #tpu.memory_space<semaphore_mem>>)
      %slice3A_79 = vector.extract_strided_slice %get3A_53 {offsets = [2], sizes = [1], strides = [1]} : vector<16xi32> to vector<1xi32>
      %squeeze3A_80 = vector.extract %slice3A_79[0] : i32 from vector<1xi32>
      %mul3A_81 = arith.constant 16 : i32
      %mul3A_82 = arith.muli %scan3A_47, %mul3A_81 : i32
      %add3A_83 = arith.constant 2 : i32
      %add3A_84 = arith.addi %mul3A_82, %add3A_83 : i32
      %dma_start3A_85 = arith.constant 0 : i32
      %dma_start3A_86 = tpu.memref_slice %arg7[%add3A_84, %dma_start3A_85] : memref<128x64xf32, #tpu.memory_space<vmem>> -> memref<1x64xf32, #tpu.memory_space<vmem>>
      %dma_start3A_87 = arith.constant 0 : i32
      %dma_start3A_88 = tpu.memref_slice %arg3[%squeeze3A_80, %dma_start3A_87] : memref<1000000x64xf32, #tpu.memory_space<hbm>> -> memref<1x64xf32, #tpu.memory_space<hbm>>
      %dma_start3A_89 = arith.constant 0 : i32
      %dma_start3A_90 = tpu.memref_slice %arg7[%add3A_84, %dma_start3A_89] : memref<128x64xf32, #tpu.memory_space<vmem>> -> memref<1x64xf32, #tpu.memory_space<vmem>>
      %dma_start3A_91 = arith.constant 0 : i32
      %dma_start3A_92 = tpu.memref_slice %arg3[%squeeze3A_80, %dma_start3A_91] : memref<1000000x64xf32, #tpu.memory_space<hbm>> -> memref<1x64xf32, #tpu.memory_space<hbm>>
      tpu.enqueue_dma source(%dma_start3A_92 : memref<1x64xf32, #tpu.memory_space<hbm>>) target(%dma_start3A_90 : memref<1x64xf32, #tpu.memory_space<vmem>>) target_semaphore(%arg12 : memref<!tpu.dma_semaphore, #tpu.memory_space<semaphore_mem>>)
      %slice3A_93 = vector.extract_strided_slice %get3A_53 {offsets = [3], sizes = [1], strides = [1]} : vector<16xi32> to vector<1xi32>
      %squeeze3A_94 = vector.extract %slice3A_93[0] : i32 from vector<1xi32>
      %mul3A_95 = arith.constant 16 : i32
      %mul3A_96 = arith.muli %scan3A_47, %mul3A_95 : i32
      %add3A_97 = arith.constant 3 : i32
      %add3A_98 = arith.addi %mul3A_96, %add3A_97 : i32
      %dma_start3A_99 = arith.constant 0 : i32
      %dma_start3A_100 = tpu.memref_slice %arg7[%add3A_98, %dma_start3A_99] : memref<128x64xf32, #tpu.memory_space<vmem>> -> memref<1x64xf32, #tpu.memory_space<vmem>>
      %dma_start3A_101 = arith.constant 0 : i32
      %dma_start3A_102 = tpu.memref_slice %arg3[%squeeze3A_94, %dma_start3A_101] : memref<1000000x64xf32, #tpu.memory_space<hbm>> -> memref<1x64xf32, #tpu.memory_space<hbm>>
      %dma_start3A_103 = arith.constant 0 : i32
      %dma_start3A_104 = tpu.memref_slice %arg7[%add3A_98, %dma_start3A_103] : memref<128x64xf32, #tpu.memory_space<vmem>> -> memref<1x64xf32, #tpu.memory_space<vmem>>
      %dma_start3A_105 = arith.constant 0 : i32
      %dma_start3A_106 = tpu.memref_slice %arg3[%squeeze3A_94, %dma_start3A_105] : memref<1000000x64xf32, #tpu.memory_space<hbm>> -> memref<1x64xf32, #tpu.memory_space<hbm>>
      tpu.enqueue_dma source(%dma_start3A_106 : memref<1x64xf32, #tpu.memory_space<hbm>>) target(%dma_start3A_104 : memref<1x64xf32, #tpu.memory_space<vmem>>) target_semaphore(%arg12 : memref<!tpu.dma_semaphore, #tpu.memory_space<semaphore_mem>>)
      %slice3A_107 = vector.extract_strided_slice %get3A_53 {offsets = [4], sizes = [1], strides = [1]} : vector<16xi32> to vector<1xi32>
      %squeeze3A_108 = vector.extract %slice3A_107[0] : i32 from vector<1xi32>
      %mul3A_109 = arith.constant 16 : i32
      %mul3A_110 = arith.muli %scan3A_47, %mul3A_109 : i32
      %add3A_111 = arith.constant 4 : i32
      %add3A_112 = arith.addi %mul3A_110, %add3A_111 : i32
      %dma_start3A_113 = arith.constant 0 : i32
      %dma_start3A_114 = tpu.memref_slice %arg7[%add3A_112, %dma_start3A_113] : memref<128x64xf32, #tpu.memory_space<vmem>> -> memref<1x64xf32, #tpu.memory_space<vmem>>
      %dma_start3A_115 = arith.constant 0 : i32
      %dma_start3A_116 = tpu.memref_slice %arg3[%squeeze3A_108, %dma_start3A_115] : memref<1000000x64xf32, #tpu.memory_space<hbm>> -> memref<1x64xf32, #tpu.memory_space<hbm>>
      %dma_start3A_117 = arith.constant 0 : i32
      %dma_start3A_118 = tpu.memref_slice %arg7[%add3A_112, %dma_start3A_117] : memref<128x64xf32, #tpu.memory_space<vmem>> -> memref<1x64xf32, #tpu.memory_space<vmem>>
      %dma_start3A_119 = arith.constant 0 : i32
      %dma_start3A_120 = tpu.memref_slice %arg3[%squeeze3A_108, %dma_start3A_119] : memref<1000000x64xf32, #tpu.memory_space<hbm>> -> memref<1x64xf32, #tpu.memory_space<hbm>>
      tpu.enqueue_dma source(%dma_start3A_120 : memref<1x64xf32, #tpu.memory_space<hbm>>) target(%dma_start3A_118 : memref<1x64xf32, #tpu.memory_space<vmem>>) target_semaphore(%arg12 : memref<!tpu.dma_semaphore, #tpu.memory_space<semaphore_mem>>)
      %slice3A_121 = vector.extract_strided_slice %get3A_53 {offsets = [5], sizes = [1], strides = [1]} : vector<16xi32> to vector<1xi32>
      %squeeze3A_122 = vector.extract %slice3A_121[0] : i32 from vector<1xi32>
      %mul3A_123 = arith.constant 16 : i32
      %mul3A_124 = arith.muli %scan3A_47, %mul3A_123 : i32
      %add3A_125 = arith.constant 5 : i32
      %add3A_126 = arith.addi %mul3A_124, %add3A_125 : i32
      %dma_start3A_127 = arith.constant 0 : i32
      %dma_start3A_128 = tpu.memref_slice %arg7[%add3A_126, %dma_start3A_127] : memref<128x64xf32, #tpu.memory_space<vmem>> -> memref<1x64xf32, #tpu.memory_space<vmem>>
      %dma_start3A_129 = arith.constant 0 : i32
      %dma_start3A_130 = tpu.memref_slice %arg3[%squeeze3A_122, %dma_start3A_129] : memref<1000000x64xf32, #tpu.memory_space<hbm>> -> memref<1x64xf32, #tpu.memory_space<hbm>>
      %dma_start3A_131 = arith.constant 0 : i32
      %dma_start3A_132 = tpu.memref_slice %arg7[%add3A_126, %dma_start3A_131] : memref<128x64xf32, #tpu.memory_space<vmem>> -> memref<1x64xf32, #tpu.memory_space<vmem>>
      %dma_start3A_133 = arith.constant 0 : i32
      %dma_start3A_134 = tpu.memref_slice %arg3[%squeeze3A_122, %dma_start3A_133] : memref<1000000x64xf32, #tpu.memory_space<hbm>> -> memref<1x64xf32, #tpu.memory_space<hbm>>
      tpu.enqueue_dma source(%dma_start3A_134 : memref<1x64xf32, #tpu.memory_space<hbm>>) target(%dma_start3A_132 : memref<1x64xf32, #tpu.memory_space<vmem>>) target_semaphore(%arg12 : memref<!tpu.dma_semaphore, #tpu.memory_space<semaphore_mem>>)
      %slice3A_135 = vector.extract_strided_slice %get3A_53 {offsets = [6], sizes = [1], strides = [1]} : vector<16xi32> to vector<1xi32>
      %squeeze3A_136 = vector.extract %slice3A_135[0] : i32 from vector<1xi32>
      %mul3A_137 = arith.constant 16 : i32
      %mul3A_138 = arith.muli %scan3A_47, %mul3A_137 : i32
      %add3A_139 = arith.constant 6 : i32
      %add3A_140 = arith.addi %mul3A_138, %add3A_139 : i32
      %dma_start3A_141 = arith.constant 0 : i32
      %dma_start3A_142 = tpu.memref_slice %arg7[%add3A_140, %dma_start3A_141] : memref<128x64xf32, #tpu.memory_space<vmem>> -> memref<1x64xf32, #tpu.memory_space<vmem>>
      %dma_start3A_143 = arith.constant 0 : i32
      %dma_start3A_144 = tpu.memref_slice %arg3[%squeeze3A_136, %dma_start3A_143] : memref<1000000x64xf32, #tpu.memory_space<hbm>> -> memref<1x64xf32, #tpu.memory_space<hbm>>
      %dma_start3A_145 = arith.constant 0 : i32
      %dma_start3A_146 = tpu.memref_slice %arg7[%add3A_140, %dma_start3A_145] : memref<128x64xf32, #tpu.memory_space<vmem>> -> memref<1x64xf32, #tpu.memory_space<vmem>>
      %dma_start3A_147 = arith.constant 0 : i32
      %dma_start3A_148 = tpu.memref_slice %arg3[%squeeze3A_136, %dma_start3A_147] : memref<1000000x64xf32, #tpu.memory_space<hbm>> -> memref<1x64xf32, #tpu.memory_space<hbm>>
      tpu.enqueue_dma source(%dma_start3A_148 : memref<1x64xf32, #tpu.memory_space<hbm>>) target(%dma_start3A_146 : memref<1x64xf32, #tpu.memory_space<vmem>>) target_semaphore(%arg12 : memref<!tpu.dma_semaphore, #tpu.memory_space<semaphore_mem>>)
      %slice3A_149 = vector.extract_strided_slice %get3A_53 {offsets = [7], sizes = [1], strides = [1]} : vector<16xi32> to vector<1xi32>
      %squeeze3A_150 = vector.extract %slice3A_149[0] : i32 from vector<1xi32>
      %mul3A_151 = arith.constant 16 : i32
      %mul3A_152 = arith.muli %scan3A_47, %mul3A_151 : i32
      %add3A_153 = arith.constant 7 : i32
      %add3A_154 = arith.addi %mul3A_152, %add3A_153 : i32
      %dma_start3A_155 = arith.constant 0 : i32
      %dma_start3A_156 = tpu.memref_slice %arg7[%add3A_154, %dma_start3A_155] : memref<128x64xf32, #tpu.memory_space<vmem>> -> memref<1x64xf32, #tpu.memory_space<vmem>>
      %dma_start3A_157 = arith.constant 0 : i32
      %dma_start3A_158 = tpu.memref_slice %arg3[%squeeze3A_150, %dma_start3A_157] : memref<1000000x64xf32, #tpu.memory_space<hbm>> -> memref<1x64xf32, #tpu.memory_space<hbm>>
      %dma_start3A_159 = arith.constant 0 : i32
      %dma_start3A_160 = tpu.memref_slice %arg7[%add3A_154, %dma_start3A_159] : memref<128x64xf32, #tpu.memory_space<vmem>> -> memref<1x64xf32, #tpu.memory_space<vmem>>
      %dma_start3A_161 = arith.constant 0 : i32
      %dma_start3A_162 = tpu.memref_slice %arg3[%squeeze3A_150, %dma_start3A_161] : memref<1000000x64xf32, #tpu.memory_space<hbm>> -> memref<1x64xf32, #tpu.memory_space<hbm>>
      tpu.enqueue_dma source(%dma_start3A_162 : memref<1x64xf32, #tpu.memory_space<hbm>>) target(%dma_start3A_160 : memref<1x64xf32, #tpu.memory_space<vmem>>) target_semaphore(%arg12 : memref<!tpu.dma_semaphore, #tpu.memory_space<semaphore_mem>>)
      %slice3A_163 = vector.extract_strided_slice %get3A_53 {offsets = [8], sizes = [1], strides = [1]} : vector<16xi32> to vector<1xi32>
      %squeeze3A_164 = vector.extract %slice3A_163[0] : i32 from vector<1xi32>
      %mul3A_165 = arith.constant 16 : i32
      %mul3A_166 = arith.muli %scan3A_47, %mul3A_165 : i32
      %add3A_167 = arith.constant 8 : i32
      %add3A_168 = arith.addi %mul3A_166, %add3A_167 : i32
      %dma_start3A_169 = arith.constant 0 : i32
      %dma_start3A_170 = tpu.memref_slice %arg7[%add3A_168, %dma_start3A_169] : memref<128x64xf32, #tpu.memory_space<vmem>> -> memref<1x64xf32, #tpu.memory_space<vmem>>
      %dma_start3A_171 = arith.constant 0 : i32
      %dma_start3A_172 = tpu.memref_slice %arg3[%squeeze3A_164, %dma_start3A_171] : memref<1000000x64xf32, #tpu.memory_space<hbm>> -> memref<1x64xf32, #tpu.memory_space<hbm>>
      %dma_start3A_173 = arith.constant 0 : i32
      %dma_start3A_174 = tpu.memref_slice %arg7[%add3A_168, %dma_start3A_173] : memref<128x64xf32, #tpu.memory_space<vmem>> -> memref<1x64xf32, #tpu.memory_space<vmem>>
      %dma_start3A_175 = arith.constant 0 : i32
      %dma_start3A_176 = tpu.memref_slice %arg3[%squeeze3A_164, %dma_start3A_175] : memref<1000000x64xf32, #tpu.memory_space<hbm>> -> memref<1x64xf32, #tpu.memory_space<hbm>>
      tpu.enqueue_dma source(%dma_start3A_176 : memref<1x64xf32, #tpu.memory_space<hbm>>) target(%dma_start3A_174 : memref<1x64xf32, #tpu.memory_space<vmem>>) target_semaphore(%arg12 : memref<!tpu.dma_semaphore, #tpu.memory_space<semaphore_mem>>)
      %slice3A_177 = vector.extract_strided_slice %get3A_53 {offsets = [9], sizes = [1], strides = [1]} : vector<16xi32> to vector<1xi32>
      %squeeze3A_178 = vector.extract %slice3A_177[0] : i32 from vector<1xi32>
      %mul3A_179 = arith.constant 16 : i32
      %mul3A_180 = arith.muli %scan3A_47, %mul3A_179 : i32
      %add3A_181 = arith.constant 9 : i32
      %add3A_182 = arith.addi %mul3A_180, %add3A_181 : i32
      %dma_start3A_183 = arith.constant 0 : i32
      %dma_start3A_184 = tpu.memref_slice %arg7[%add3A_182, %dma_start3A_183] : memref<128x64xf32, #tpu.memory_space<vmem>> -> memref<1x64xf32, #tpu.memory_space<vmem>>
      %dma_start3A_185 = arith.constant 0 : i32
      %dma_start3A_186 = tpu.memref_slice %arg3[%squeeze3A_178, %dma_start3A_185] : memref<1000000x64xf32, #tpu.memory_space<hbm>> -> memref<1x64xf32, #tpu.memory_space<hbm>>
      %dma_start3A_187 = arith.constant 0 : i32
      %dma_start3A_188 = tpu.memref_slice %arg7[%add3A_182, %dma_start3A_187] : memref<128x64xf32, #tpu.memory_space<vmem>> -> memref<1x64xf32, #tpu.memory_space<vmem>>
      %dma_start3A_189 = arith.constant 0 : i32
      %dma_start3A_190 = tpu.memref_slice %arg3[%squeeze3A_178, %dma_start3A_189] : memref<1000000x64xf32, #tpu.memory_space<hbm>> -> memref<1x64xf32, #tpu.memory_space<hbm>>
      tpu.enqueue_dma source(%dma_start3A_190 : memref<1x64xf32, #tpu.memory_space<hbm>>) target(%dma_start3A_188 : memref<1x64xf32, #tpu.memory_space<vmem>>) target_semaphore(%arg12 : memref<!tpu.dma_semaphore, #tpu.memory_space<semaphore_mem>>)
      %slice3A_191 = vector.extract_strided_slice %get3A_53 {offsets = [10], sizes = [1], strides = [1]} : vector<16xi32> to vector<1xi32>
      %squeeze3A_192 = vector.extract %slice3A_191[0] : i32 from vector<1xi32>
      %mul3A_193 = arith.constant 16 : i32
      %mul3A_194 = arith.muli %scan3A_47, %mul3A_193 : i32
      %add3A_195 = arith.constant 10 : i32
      %add3A_196 = arith.addi %mul3A_194, %add3A_195 : i32
      %dma_start3A_197 = arith.constant 0 : i32
      %dma_start3A_198 = tpu.memref_slice %arg7[%add3A_196, %dma_start3A_197] : memref<128x64xf32, #tpu.memory_space<vmem>> -> memref<1x64xf32, #tpu.memory_space<vmem>>
      %dma_start3A_199 = arith.constant 0 : i32
      %dma_start3A_200 = tpu.memref_slice %arg3[%squeeze3A_192, %dma_start3A_199] : memref<1000000x64xf32, #tpu.memory_space<hbm>> -> memref<1x64xf32, #tpu.memory_space<hbm>>
      %dma_start3A_201 = arith.constant 0 : i32
      %dma_start3A_202 = tpu.memref_slice %arg7[%add3A_196, %dma_start3A_201] : memref<128x64xf32, #tpu.memory_space<vmem>> -> memref<1x64xf32, #tpu.memory_space<vmem>>
      %dma_start3A_203 = arith.constant 0 : i32
      %dma_start3A_204 = tpu.memref_slice %arg3[%squeeze3A_192, %dma_start3A_203] : memref<1000000x64xf32, #tpu.memory_space<hbm>> -> memref<1x64xf32, #tpu.memory_space<hbm>>
      tpu.enqueue_dma source(%dma_start3A_204 : memref<1x64xf32, #tpu.memory_space<hbm>>) target(%dma_start3A_202 : memref<1x64xf32, #tpu.memory_space<vmem>>) target_semaphore(%arg12 : memref<!tpu.dma_semaphore, #tpu.memory_space<semaphore_mem>>)
      %slice3A_205 = vector.extract_strided_slice %get3A_53 {offsets = [11], sizes = [1], strides = [1]} : vector<16xi32> to vector<1xi32>
      %squeeze3A_206 = vector.extract %slice3A_205[0] : i32 from vector<1xi32>
      %mul3A_207 = arith.constant 16 : i32
      %mul3A_208 = arith.muli %scan3A_47, %mul3A_207 : i32
      %add3A_209 = arith.constant 11 : i32
      %add3A_210 = arith.addi %mul3A_208, %add3A_209 : i32
      %dma_start3A_211 = arith.constant 0 : i32
      %dma_start3A_212 = tpu.memref_slice %arg7[%add3A_210, %dma_start3A_211] : memref<128x64xf32, #tpu.memory_space<vmem>> -> memref<1x64xf32, #tpu.memory_space<vmem>>
      %dma_start3A_213 = arith.constant 0 : i32
      %dma_start3A_214 = tpu.memref_slice %arg3[%squeeze3A_206, %dma_start3A_213] : memref<1000000x64xf32, #tpu.memory_space<hbm>> -> memref<1x64xf32, #tpu.memory_space<hbm>>
      %dma_start3A_215 = arith.constant 0 : i32
      %dma_start3A_216 = tpu.memref_slice %arg7[%add3A_210, %dma_start3A_215] : memref<128x64xf32, #tpu.memory_space<vmem>> -> memref<1x64xf32, #tpu.memory_space<vmem>>
      %dma_start3A_217 = arith.constant 0 : i32
      %dma_start3A_218 = tpu.memref_slice %arg3[%squeeze3A_206, %dma_start3A_217] : memref<1000000x64xf32, #tpu.memory_space<hbm>> -> memref<1x64xf32, #tpu.memory_space<hbm>>
      tpu.enqueue_dma source(%dma_start3A_218 : memref<1x64xf32, #tpu.memory_space<hbm>>) target(%dma_start3A_216 : memref<1x64xf32, #tpu.memory_space<vmem>>) target_semaphore(%arg12 : memref<!tpu.dma_semaphore, #tpu.memory_space<semaphore_mem>>)
      %slice3A_219 = vector.extract_strided_slice %get3A_53 {offsets = [12], sizes = [1], strides = [1]} : vector<16xi32> to vector<1xi32>
      %squeeze3A_220 = vector.extract %slice3A_219[0] : i32 from vector<1xi32>
      %mul3A_221 = arith.constant 16 : i32
      %mul3A_222 = arith.muli %scan3A_47, %mul3A_221 : i32
      %add3A_223 = arith.constant 12 : i32
      %add3A_224 = arith.addi %mul3A_222, %add3A_223 : i32
      %dma_start3A_225 = arith.constant 0 : i32
      %dma_start3A_226 = tpu.memref_slice %arg7[%add3A_224, %dma_start3A_225] : memref<128x64xf32, #tpu.memory_space<vmem>> -> memref<1x64xf32, #tpu.memory_space<vmem>>
      %dma_start3A_227 = arith.constant 0 : i32
      %dma_start3A_228 = tpu.memref_slice %arg3[%squeeze3A_220, %dma_start3A_227] : memref<1000000x64xf32, #tpu.memory_space<hbm>> -> memref<1x64xf32, #tpu.memory_space<hbm>>
      %dma_start3A_229 = arith.constant 0 : i32
      %dma_start3A_230 = tpu.memref_slice %arg7[%add3A_224, %dma_start3A_229] : memref<128x64xf32, #tpu.memory_space<vmem>> -> memref<1x64xf32, #tpu.memory_space<vmem>>
      %dma_start3A_231 = arith.constant 0 : i32
      %dma_start3A_232 = tpu.memref_slice %arg3[%squeeze3A_220, %dma_start3A_231] : memref<1000000x64xf32, #tpu.memory_space<hbm>> -> memref<1x64xf32, #tpu.memory_space<hbm>>
      tpu.enqueue_dma source(%dma_start3A_232 : memref<1x64xf32, #tpu.memory_space<hbm>>) target(%dma_start3A_230 : memref<1x64xf32, #tpu.memory_space<vmem>>) target_semaphore(%arg12 : memref<!tpu.dma_semaphore, #tpu.memory_space<semaphore_mem>>)
      %slice3A_233 = vector.extract_strided_slice %get3A_53 {offsets = [13], sizes = [1], strides = [1]} : vector<16xi32> to vector<1xi32>
      %squeeze3A_234 = vector.extract %slice3A_233[0] : i32 from vector<1xi32>
      %mul3A_235 = arith.constant 16 : i32
      %mul3A_236 = arith.muli %scan3A_47, %mul3A_235 : i32
      %add3A_237 = arith.constant 13 : i32
      %add3A_238 = arith.addi %mul3A_236, %add3A_237 : i32
      %dma_start3A_239 = arith.constant 0 : i32
      %dma_start3A_240 = tpu.memref_slice %arg7[%add3A_238, %dma_start3A_239] : memref<128x64xf32, #tpu.memory_space<vmem>> -> memref<1x64xf32, #tpu.memory_space<vmem>>
      %dma_start3A_241 = arith.constant 0 : i32
      %dma_start3A_242 = tpu.memref_slice %arg3[%squeeze3A_234, %dma_start3A_241] : memref<1000000x64xf32, #tpu.memory_space<hbm>> -> memref<1x64xf32, #tpu.memory_space<hbm>>
      %dma_start3A_243 = arith.constant 0 : i32
      %dma_start3A_244 = tpu.memref_slice %arg7[%add3A_238, %dma_start3A_243] : memref<128x64xf32, #tpu.memory_space<vmem>> -> memref<1x64xf32, #tpu.memory_space<vmem>>
      %dma_start3A_245 = arith.constant 0 : i32
      %dma_start3A_246 = tpu.memref_slice %arg3[%squeeze3A_234, %dma_start3A_245] : memref<1000000x64xf32, #tpu.memory_space<hbm>> -> memref<1x64xf32, #tpu.memory_space<hbm>>
      tpu.enqueue_dma source(%dma_start3A_246 : memref<1x64xf32, #tpu.memory_space<hbm>>) target(%dma_start3A_244 : memref<1x64xf32, #tpu.memory_space<vmem>>) target_semaphore(%arg12 : memref<!tpu.dma_semaphore, #tpu.memory_space<semaphore_mem>>)
      %slice3A_247 = vector.extract_strided_slice %get3A_53 {offsets = [14], sizes = [1], strides = [1]} : vector<16xi32> to vector<1xi32>
      %squeeze3A_248 = vector.extract %slice3A_247[0] : i32 from vector<1xi32>
      %mul3A_249 = arith.constant 16 : i32
      %mul3A_250 = arith.muli %scan3A_47, %mul3A_249 : i32
      %add3A_251 = arith.constant 14 : i32
      %add3A_252 = arith.addi %mul3A_250, %add3A_251 : i32
      %dma_start3A_253 = arith.constant 0 : i32
      %dma_start3A_254 = tpu.memref_slice %arg7[%add3A_252, %dma_start3A_253] : memref<128x64xf32, #tpu.memory_space<vmem>> -> memref<1x64xf32, #tpu.memory_space<vmem>>
      %dma_start3A_255 = arith.constant 0 : i32
      %dma_start3A_256 = tpu.memref_slice %arg3[%squeeze3A_248, %dma_start3A_255] : memref<1000000x64xf32, #tpu.memory_space<hbm>> -> memref<1x64xf32, #tpu.memory_space<hbm>>
      %dma_start3A_257 = arith.constant 0 : i32
      %dma_start3A_258 = tpu.memref_slice %arg7[%add3A_252, %dma_start3A_257] : memref<128x64xf32, #tpu.memory_space<vmem>> -> memref<1x64xf32, #tpu.memory_space<vmem>>
      %dma_start3A_259 = arith.constant 0 : i32
      %dma_start3A_260 = tpu.memref_slice %arg3[%squeeze3A_248, %dma_start3A_259] : memref<1000000x64xf32, #tpu.memory_space<hbm>> -> memref<1x64xf32, #tpu.memory_space<hbm>>
      tpu.enqueue_dma source(%dma_start3A_260 : memref<1x64xf32, #tpu.memory_space<hbm>>) target(%dma_start3A_258 : memref<1x64xf32, #tpu.memory_space<vmem>>) target_semaphore(%arg12 : memref<!tpu.dma_semaphore, #tpu.memory_space<semaphore_mem>>)
      %slice3A_261 = vector.extract_strided_slice %get3A_53 {offsets = [15], sizes = [1], strides = [1]} : vector<16xi32> to vector<1xi32>
      %squeeze3A_262 = vector.extract %slice3A_261[0] : i32 from vector<1xi32>
      %mul3A_263 = arith.constant 16 : i32
      %mul3A_264 = arith.muli %scan3A_47, %mul3A_263 : i32
      %add3A_265 = arith.constant 15 : i32
      %add3A_266 = arith.addi %mul3A_264, %add3A_265 : i32
      %dma_start3A_267 = arith.constant 0 : i32
      %dma_start3A_268 = tpu.memref_slice %arg7[%add3A_266, %dma_start3A_267] : memref<128x64xf32, #tpu.memory_space<vmem>> -> memref<1x64xf32, #tpu.memory_space<vmem>>
      %dma_start3A_269 = arith.constant 0 : i32
      %dma_start3A_270 = tpu.memref_slice %arg3[%squeeze3A_262, %dma_start3A_269] : memref<1000000x64xf32, #tpu.memory_space<hbm>> -> memref<1x64xf32, #tpu.memory_space<hbm>>
      %dma_start3A_271 = arith.constant 0 : i32
      %dma_start3A_272 = tpu.memref_slice %arg7[%add3A_266, %dma_start3A_271] : memref<128x64xf32, #tpu.memory_space<vmem>> -> memref<1x64xf32, #tpu.memory_space<vmem>>
      %dma_start3A_273 = arith.constant 0 : i32
      %dma_start3A_274 = tpu.memref_slice %arg3[%squeeze3A_262, %dma_start3A_273] : memref<1000000x64xf32, #tpu.memory_space<hbm>> -> memref<1x64xf32, #tpu.memory_space<hbm>>
      tpu.enqueue_dma source(%dma_start3A_274 : memref<1x64xf32, #tpu.memory_space<hbm>>) target(%dma_start3A_272 : memref<1x64xf32, #tpu.memory_space<vmem>>) target_semaphore(%arg12 : memref<!tpu.dma_semaphore, #tpu.memory_space<semaphore_mem>>)
    }
    %scan3A_13 = arith.constant 8 : i32
    %scan3A_14 = arith.constant 0 : i32
    %scan3A_15 = arith.constant 0 : i32
    %scan3A_16 = arith.constant 8 : i32
    %scan3A_17 = arith.addi %scan3A_15, %scan3A_16 : i32
    %scan3A_18 = arith.constant 1 : i32
    scf.for %scan3A_47 = %scan3A_15 to %scan3A_17 step %scan3A_18  : i32 {
      %mul3A_48 = arith.constant 16 : i32
      %mul3A_49 = arith.muli %scan3A_47, %mul3A_48 : i32
      %get3A = arith.constant 2 : i32
      %get3A_50 = arith.index_cast %get3A : i32 to index
      %get3A_51 = arith.index_cast %mul3A_49 : i32 to index
      %get3A_52 = tpu.vector_load %arg5[%get3A_50, %get3A_51] {strides = array<i32>} : memref<50x128xi32, #tpu.memory_space<vmem>>, vector<1x16xi32>,
      %get3A_53 = vector.shape_cast %get3A_52 : vector<1x16xi32> to vector<16xi32>
      %slice3A = vector.extract_strided_slice %get3A_53 {offsets = [0], sizes = [1], strides = [1]} : vector<16xi32> to vector<1xi32>
      %squeeze3A = vector.extract %slice3A[0] : i32 from vector<1xi32>
      %mul3A_54 = arith.constant 16 : i32
      %mul3A_55 = arith.muli %scan3A_47, %mul3A_54 : i32
      %add3A_56 = arith.constant 0 : i32
      %add3A_57 = arith.addi %mul3A_55, %add3A_56 : i32
      %dma_start3A = arith.constant 0 : i32
      %dma_start3A_58 = tpu.memref_slice %arg8[%add3A_57, %dma_start3A] : memref<128x64xf32, #tpu.memory_space<vmem>> -> memref<1x64xf32, #tpu.memory_space<vmem>>
      %dma_start3A_59 = arith.constant 0 : i32
      %dma_start3A_60 = tpu.memref_slice %arg3[%squeeze3A, %dma_start3A_59] : memref<1000000x64xf32, #tpu.memory_space<hbm>> -> memref<1x64xf32, #tpu.memory_space<hbm>>
      %dma_start3A_61 = arith.constant 0 : i32
      %dma_start3A_62 = tpu.memref_slice %arg8[%add3A_57, %dma_start3A_61] : memref<128x64xf32, #tpu.memory_space<vmem>> -> memref<1x64xf32, #tpu.memory_space<vmem>>
      %dma_start3A_63 = arith.constant 0 : i32
      %dma_start3A_64 = tpu.memref_slice %arg3[%squeeze3A, %dma_start3A_63] : memref<1000000x64xf32, #tpu.memory_space<hbm>> -> memref<1x64xf32, #tpu.memory_space<hbm>>
      tpu.enqueue_dma source(%dma_start3A_64 : memref<1x64xf32, #tpu.memory_space<hbm>>) target(%dma_start3A_62 : memref<1x64xf32, #tpu.memory_space<vmem>>) target_semaphore(%arg13 : memref<!tpu.dma_semaphore, #tpu.memory_space<semaphore_mem>>)
      %slice3A_65 = vector.extract_strided_slice %get3A_53 {offsets = [1], sizes = [1], strides = [1]} : vector<16xi32> to vector<1xi32>
      %squeeze3A_66 = vector.extract %slice3A_65[0] : i32 from vector<1xi32>
      %mul3A_67 = arith.constant 16 : i32
      %mul3A_68 = arith.muli %scan3A_47, %mul3A_67 : i32
      %add3A_69 = arith.constant 1 : i32
      %add3A_70 = arith.addi %mul3A_68, %add3A_69 : i32
      %dma_start3A_71 = arith.constant 0 : i32
      %dma_start3A_72 = tpu.memref_slice %arg8[%add3A_70, %dma_start3A_71] : memref<128x64xf32, #tpu.memory_space<vmem>> -> memref<1x64xf32, #tpu.memory_space<vmem>>
      %dma_start3A_73 = arith.constant 0 : i32
      %dma_start3A_74 = tpu.memref_slice %arg3[%squeeze3A_66, %dma_start3A_73] : memref<1000000x64xf32, #tpu.memory_space<hbm>> -> memref<1x64xf32, #tpu.memory_space<hbm>>
      %dma_start3A_75 = arith.constant 0 : i32
      %dma_start3A_76 = tpu.memref_slice %arg8[%add3A_70, %dma_start3A_75] : memref<128x64xf32, #tpu.memory_space<vmem>> -> memref<1x64xf32, #tpu.memory_space<vmem>>
      %dma_start3A_77 = arith.constant 0 : i32
      %dma_start3A_78 = tpu.memref_slice %arg3[%squeeze3A_66, %dma_start3A_77] : memref<1000000x64xf32, #tpu.memory_space<hbm>> -> memref<1x64xf32, #tpu.memory_space<hbm>>
      tpu.enqueue_dma source(%dma_start3A_78 : memref<1x64xf32, #tpu.memory_space<hbm>>) target(%dma_start3A_76 : memref<1x64xf32, #tpu.memory_space<vmem>>) target_semaphore(%arg13 : memref<!tpu.dma_semaphore, #tpu.memory_space<semaphore_mem>>)
      %slice3A_79 = vector.extract_strided_slice %get3A_53 {offsets = [2], sizes = [1], strides = [1]} : vector<16xi32> to vector<1xi32>
      %squeeze3A_80 = vector.extract %slice3A_79[0] : i32 from vector<1xi32>
      %mul3A_81 = arith.constant 16 : i32
      %mul3A_82 = arith.muli %scan3A_47, %mul3A_81 : i32
      %add3A_83 = arith.constant 2 : i32
      %add3A_84 = arith.addi %mul3A_82, %add3A_83 : i32
      %dma_start3A_85 = arith.constant 0 : i32
      %dma_start3A_86 = tpu.memref_slice %arg8[%add3A_84, %dma_start3A_85] : memref<128x64xf32, #tpu.memory_space<vmem>> -> memref<1x64xf32, #tpu.memory_space<vmem>>
      %dma_start3A_87 = arith.constant 0 : i32
      %dma_start3A_88 = tpu.memref_slice %arg3[%squeeze3A_80, %dma_start3A_87] : memref<1000000x64xf32, #tpu.memory_space<hbm>> -> memref<1x64xf32, #tpu.memory_space<hbm>>
      %dma_start3A_89 = arith.constant 0 : i32
      %dma_start3A_90 = tpu.memref_slice %arg8[%add3A_84, %dma_start3A_89] : memref<128x64xf32, #tpu.memory_space<vmem>> -> memref<1x64xf32, #tpu.memory_space<vmem>>
      %dma_start3A_91 = arith.constant 0 : i32
      %dma_start3A_92 = tpu.memref_slice %arg3[%squeeze3A_80, %dma_start3A_91] : memref<1000000x64xf32, #tpu.memory_space<hbm>> -> memref<1x64xf32, #tpu.memory_space<hbm>>
      tpu.enqueue_dma source(%dma_start3A_92 : memref<1x64xf32, #tpu.memory_space<hbm>>) target(%dma_start3A_90 : memref<1x64xf32, #tpu.memory_space<vmem>>) target_semaphore(%arg13 : memref<!tpu.dma_semaphore, #tpu.memory_space<semaphore_mem>>)
      %slice3A_93 = vector.extract_strided_slice %get3A_53 {offsets = [3], sizes = [1], strides = [1]} : vector<16xi32> to vector<1xi32>
      %squeeze3A_94 = vector.extract %slice3A_93[0] : i32 from vector<1xi32>
      %mul3A_95 = arith.constant 16 : i32
      %mul3A_96 = arith.muli %scan3A_47, %mul3A_95 : i32
      %add3A_97 = arith.constant 3 : i32
      %add3A_98 = arith.addi %mul3A_96, %add3A_97 : i32
      %dma_start3A_99 = arith.constant 0 : i32
      %dma_start3A_100 = tpu.memref_slice %arg8[%add3A_98, %dma_start3A_99] : memref<128x64xf32, #tpu.memory_space<vmem>> -> memref<1x64xf32, #tpu.memory_space<vmem>>
      %dma_start3A_101 = arith.constant 0 : i32
      %dma_start3A_102 = tpu.memref_slice %arg3[%squeeze3A_94, %dma_start3A_101] : memref<1000000x64xf32, #tpu.memory_space<hbm>> -> memref<1x64xf32, #tpu.memory_space<hbm>>
      %dma_start3A_103 = arith.constant 0 : i32
      %dma_start3A_104 = tpu.memref_slice %arg8[%add3A_98, %dma_start3A_103] : memref<128x64xf32, #tpu.memory_space<vmem>> -> memref<1x64xf32, #tpu.memory_space<vmem>>
      %dma_start3A_105 = arith.constant 0 : i32
      %dma_start3A_106 = tpu.memref_slice %arg3[%squeeze3A_94, %dma_start3A_105] : memref<1000000x64xf32, #tpu.memory_space<hbm>> -> memref<1x64xf32, #tpu.memory_space<hbm>>
      tpu.enqueue_dma source(%dma_start3A_106 : memref<1x64xf32, #tpu.memory_space<hbm>>) target(%dma_start3A_104 : memref<1x64xf32, #tpu.memory_space<vmem>>) target_semaphore(%arg13 : memref<!tpu.dma_semaphore, #tpu.memory_space<semaphore_mem>>)
      %slice3A_107 = vector.extract_strided_slice %get3A_53 {offsets = [4], sizes = [1], strides = [1]} : vector<16xi32> to vector<1xi32>
      %squeeze3A_108 = vector.extract %slice3A_107[0] : i32 from vector<1xi32>
      %mul3A_109 = arith.constant 16 : i32
      %mul3A_110 = arith.muli %scan3A_47, %mul3A_109 : i32
      %add3A_111 = arith.constant 4 : i32
      %add3A_112 = arith.addi %mul3A_110, %add3A_111 : i32
      %dma_start3A_113 = arith.constant 0 : i32
      %dma_start3A_114 = tpu.memref_slice %arg8[%add3A_112, %dma_start3A_113] : memref<128x64xf32, #tpu.memory_space<vmem>> -> memref<1x64xf32, #tpu.memory_space<vmem>>
      %dma_start3A_115 = arith.constant 0 : i32
      %dma_start3A_116 = tpu.memref_slice %arg3[%squeeze3A_108, %dma_start3A_115] : memref<1000000x64xf32, #tpu.memory_space<hbm>> -> memref<1x64xf32, #tpu.memory_space<hbm>>
      %dma_start3A_117 = arith.constant 0 : i32
      %dma_start3A_118 = tpu.memref_slice %arg8[%add3A_112, %dma_start3A_117] : memref<128x64xf32, #tpu.memory_space<vmem>> -> memref<1x64xf32, #tpu.memory_space<vmem>>
      %dma_start3A_119 = arith.constant 0 : i32
      %dma_start3A_120 = tpu.memref_slice %arg3[%squeeze3A_108, %dma_start3A_119] : memref<1000000x64xf32, #tpu.memory_space<hbm>> -> memref<1x64xf32, #tpu.memory_space<hbm>>
      tpu.enqueue_dma source(%dma_start3A_120 : memref<1x64xf32, #tpu.memory_space<hbm>>) target(%dma_start3A_118 : memref<1x64xf32, #tpu.memory_space<vmem>>) target_semaphore(%arg13 : memref<!tpu.dma_semaphore, #tpu.memory_space<semaphore_mem>>)
      %slice3A_121 = vector.extract_strided_slice %get3A_53 {offsets = [5], sizes = [1], strides = [1]} : vector<16xi32> to vector<1xi32>
      %squeeze3A_122 = vector.extract %slice3A_121[0] : i32 from vector<1xi32>
      %mul3A_123 = arith.constant 16 : i32
      %mul3A_124 = arith.muli %scan3A_47, %mul3A_123 : i32
      %add3A_125 = arith.constant 5 : i32
      %add3A_126 = arith.addi %mul3A_124, %add3A_125 : i32
      %dma_start3A_127 = arith.constant 0 : i32
      %dma_start3A_128 = tpu.memref_slice %arg8[%add3A_126, %dma_start3A_127] : memref<128x64xf32, #tpu.memory_space<vmem>> -> memref<1x64xf32, #tpu.memory_space<vmem>>
      %dma_start3A_129 = arith.constant 0 : i32
      %dma_start3A_130 = tpu.memref_slice %arg3[%squeeze3A_122, %dma_start3A_129] : memref<1000000x64xf32, #tpu.memory_space<hbm>> -> memref<1x64xf32, #tpu.memory_space<hbm>>
      %dma_start3A_131 = arith.constant 0 : i32
      %dma_start3A_132 = tpu.memref_slice %arg8[%add3A_126, %dma_start3A_131] : memref<128x64xf32, #tpu.memory_space<vmem>> -> memref<1x64xf32, #tpu.memory_space<vmem>>
      %dma_start3A_133 = arith.constant 0 : i32
      %dma_start3A_134 = tpu.memref_slice %arg3[%squeeze3A_122, %dma_start3A_133] : memref<1000000x64xf32, #tpu.memory_space<hbm>> -> memref<1x64xf32, #tpu.memory_space<hbm>>
      tpu.enqueue_dma source(%dma_start3A_134 : memref<1x64xf32, #tpu.memory_space<hbm>>) target(%dma_start3A_132 : memref<1x64xf32, #tpu.memory_space<vmem>>) target_semaphore(%arg13 : memref<!tpu.dma_semaphore, #tpu.memory_space<semaphore_mem>>)
      %slice3A_135 = vector.extract_strided_slice %get3A_53 {offsets = [6], sizes = [1], strides = [1]} : vector<16xi32> to vector<1xi32>
      %squeeze3A_136 = vector.extract %slice3A_135[0] : i32 from vector<1xi32>
      %mul3A_137 = arith.constant 16 : i32
      %mul3A_138 = arith.muli %scan3A_47, %mul3A_137 : i32
      %add3A_139 = arith.constant 6 : i32
      %add3A_140 = arith.addi %mul3A_138, %add3A_139 : i32
      %dma_start3A_141 = arith.constant 0 : i32
      %dma_start3A_142 = tpu.memref_slice %arg8[%add3A_140, %dma_start3A_141] : memref<128x64xf32, #tpu.memory_space<vmem>> -> memref<1x64xf32, #tpu.memory_space<vmem>>
      %dma_start3A_143 = arith.constant 0 : i32
      %dma_start3A_144 = tpu.memref_slice %arg3[%squeeze3A_136, %dma_start3A_143] : memref<1000000x64xf32, #tpu.memory_space<hbm>> -> memref<1x64xf32, #tpu.memory_space<hbm>>
      %dma_start3A_145 = arith.constant 0 : i32
      %dma_start3A_146 = tpu.memref_slice %arg8[%add3A_140, %dma_start3A_145] : memref<128x64xf32, #tpu.memory_space<vmem>> -> memref<1x64xf32, #tpu.memory_space<vmem>>
      %dma_start3A_147 = arith.constant 0 : i32
      %dma_start3A_148 = tpu.memref_slice %arg3[%squeeze3A_136, %dma_start3A_147] : memref<1000000x64xf32, #tpu.memory_space<hbm>> -> memref<1x64xf32, #tpu.memory_space<hbm>>
      tpu.enqueue_dma source(%dma_start3A_148 : memref<1x64xf32, #tpu.memory_space<hbm>>) target(%dma_start3A_146 : memref<1x64xf32, #tpu.memory_space<vmem>>) target_semaphore(%arg13 : memref<!tpu.dma_semaphore, #tpu.memory_space<semaphore_mem>>)
      %slice3A_149 = vector.extract_strided_slice %get3A_53 {offsets = [7], sizes = [1], strides = [1]} : vector<16xi32> to vector<1xi32>
      %squeeze3A_150 = vector.extract %slice3A_149[0] : i32 from vector<1xi32>
      %mul3A_151 = arith.constant 16 : i32
      %mul3A_152 = arith.muli %scan3A_47, %mul3A_151 : i32
      %add3A_153 = arith.constant 7 : i32
      %add3A_154 = arith.addi %mul3A_152, %add3A_153 : i32
      %dma_start3A_155 = arith.constant 0 : i32
      %dma_start3A_156 = tpu.memref_slice %arg8[%add3A_154, %dma_start3A_155] : memref<128x64xf32, #tpu.memory_space<vmem>> -> memref<1x64xf32, #tpu.memory_space<vmem>>
      %dma_start3A_157 = arith.constant 0 : i32
      %dma_start3A_158 = tpu.memref_slice %arg3[%squeeze3A_150, %dma_start3A_157] : memref<1000000x64xf32, #tpu.memory_space<hbm>> -> memref<1x64xf32, #tpu.memory_space<hbm>>
      %dma_start3A_159 = arith.constant 0 : i32
      %dma_start3A_160 = tpu.memref_slice %arg8[%add3A_154, %dma_start3A_159] : memref<128x64xf32, #tpu.memory_space<vmem>> -> memref<1x64xf32, #tpu.memory_space<vmem>>
      %dma_start3A_161 = arith.constant 0 : i32
      %dma_start3A_162 = tpu.memref_slice %arg3[%squeeze3A_150, %dma_start3A_161] : memref<1000000x64xf32, #tpu.memory_space<hbm>> -> memref<1x64xf32, #tpu.memory_space<hbm>>
      tpu.enqueue_dma source(%dma_start3A_162 : memref<1x64xf32, #tpu.memory_space<hbm>>) target(%dma_start3A_160 : memref<1x64xf32, #tpu.memory_space<vmem>>) target_semaphore(%arg13 : memref<!tpu.dma_semaphore, #tpu.memory_space<semaphore_mem>>)
      %slice3A_163 = vector.extract_strided_slice %get3A_53 {offsets = [8], sizes = [1], strides = [1]} : vector<16xi32> to vector<1xi32>
      %squeeze3A_164 = vector.extract %slice3A_163[0] : i32 from vector<1xi32>
      %mul3A_165 = arith.constant 16 : i32
      %mul3A_166 = arith.muli %scan3A_47, %mul3A_165 : i32
      %add3A_167 = arith.constant 8 : i32
      %add3A_168 = arith.addi %mul3A_166, %add3A_167 : i32
      %dma_start3A_169 = arith.constant 0 : i32
      %dma_start3A_170 = tpu.memref_slice %arg8[%add3A_168, %dma_start3A_169] : memref<128x64xf32, #tpu.memory_space<vmem>> -> memref<1x64xf32, #tpu.memory_space<vmem>>
      %dma_start3A_171 = arith.constant 0 : i32
      %dma_start3A_172 = tpu.memref_slice %arg3[%squeeze3A_164, %dma_start3A_171] : memref<1000000x64xf32, #tpu.memory_space<hbm>> -> memref<1x64xf32, #tpu.memory_space<hbm>>
      %dma_start3A_173 = arith.constant 0 : i32
      %dma_start3A_174 = tpu.memref_slice %arg8[%add3A_168, %dma_start3A_173] : memref<128x64xf32, #tpu.memory_space<vmem>> -> memref<1x64xf32, #tpu.memory_space<vmem>>
      %dma_start3A_175 = arith.constant 0 : i32
      %dma_start3A_176 = tpu.memref_slice %arg3[%squeeze3A_164, %dma_start3A_175] : memref<1000000x64xf32, #tpu.memory_space<hbm>> -> memref<1x64xf32, #tpu.memory_space<hbm>>
      tpu.enqueue_dma source(%dma_start3A_176 : memref<1x64xf32, #tpu.memory_space<hbm>>) target(%dma_start3A_174 : memref<1x64xf32, #tpu.memory_space<vmem>>) target_semaphore(%arg13 : memref<!tpu.dma_semaphore, #tpu.memory_space<semaphore_mem>>)
      %slice3A_177 = vector.extract_strided_slice %get3A_53 {offsets = [9], sizes = [1], strides = [1]} : vector<16xi32> to vector<1xi32>
      %squeeze3A_178 = vector.extract %slice3A_177[0] : i32 from vector<1xi32>
      %mul3A_179 = arith.constant 16 : i32
      %mul3A_180 = arith.muli %scan3A_47, %mul3A_179 : i32
      %add3A_181 = arith.constant 9 : i32
      %add3A_182 = arith.addi %mul3A_180, %add3A_181 : i32
      %dma_start3A_183 = arith.constant 0 : i32
      %dma_start3A_184 = tpu.memref_slice %arg8[%add3A_182, %dma_start3A_183] : memref<128x64xf32, #tpu.memory_space<vmem>> -> memref<1x64xf32, #tpu.memory_space<vmem>>
      %dma_start3A_185 = arith.constant 0 : i32
      %dma_start3A_186 = tpu.memref_slice %arg3[%squeeze3A_178, %dma_start3A_185] : memref<1000000x64xf32, #tpu.memory_space<hbm>> -> memref<1x64xf32, #tpu.memory_space<hbm>>
      %dma_start3A_187 = arith.constant 0 : i32
      %dma_start3A_188 = tpu.memref_slice %arg8[%add3A_182, %dma_start3A_187] : memref<128x64xf32, #tpu.memory_space<vmem>> -> memref<1x64xf32, #tpu.memory_space<vmem>>
      %dma_start3A_189 = arith.constant 0 : i32
      %dma_start3A_190 = tpu.memref_slice %arg3[%squeeze3A_178, %dma_start3A_189] : memref<1000000x64xf32, #tpu.memory_space<hbm>> -> memref<1x64xf32, #tpu.memory_space<hbm>>
      tpu.enqueue_dma source(%dma_start3A_190 : memref<1x64xf32, #tpu.memory_space<hbm>>) target(%dma_start3A_188 : memref<1x64xf32, #tpu.memory_space<vmem>>) target_semaphore(%arg13 : memref<!tpu.dma_semaphore, #tpu.memory_space<semaphore_mem>>)
      %slice3A_191 = vector.extract_strided_slice %get3A_53 {offsets = [10], sizes = [1], strides = [1]} : vector<16xi32> to vector<1xi32>
      %squeeze3A_192 = vector.extract %slice3A_191[0] : i32 from vector<1xi32>
      %mul3A_193 = arith.constant 16 : i32
      %mul3A_194 = arith.muli %scan3A_47, %mul3A_193 : i32
      %add3A_195 = arith.constant 10 : i32
      %add3A_196 = arith.addi %mul3A_194, %add3A_195 : i32
      %dma_start3A_197 = arith.constant 0 : i32
      %dma_start3A_198 = tpu.memref_slice %arg8[%add3A_196, %dma_start3A_197] : memref<128x64xf32, #tpu.memory_space<vmem>> -> memref<1x64xf32, #tpu.memory_space<vmem>>
      %dma_start3A_199 = arith.constant 0 : i32
      %dma_start3A_200 = tpu.memref_slice %arg3[%squeeze3A_192, %dma_start3A_199] : memref<1000000x64xf32, #tpu.memory_space<hbm>> -> memref<1x64xf32, #tpu.memory_space<hbm>>
      %dma_start3A_201 = arith.constant 0 : i32
      %dma_start3A_202 = tpu.memref_slice %arg8[%add3A_196, %dma_start3A_201] : memref<128x64xf32, #tpu.memory_space<vmem>> -> memref<1x64xf32, #tpu.memory_space<vmem>>
      %dma_start3A_203 = arith.constant 0 : i32
      %dma_start3A_204 = tpu.memref_slice %arg3[%squeeze3A_192, %dma_start3A_203] : memref<1000000x64xf32, #tpu.memory_space<hbm>> -> memref<1x64xf32, #tpu.memory_space<hbm>>
      tpu.enqueue_dma source(%dma_start3A_204 : memref<1x64xf32, #tpu.memory_space<hbm>>) target(%dma_start3A_202 : memref<1x64xf32, #tpu.memory_space<vmem>>) target_semaphore(%arg13 : memref<!tpu.dma_semaphore, #tpu.memory_space<semaphore_mem>>)
      %slice3A_205 = vector.extract_strided_slice %get3A_53 {offsets = [11], sizes = [1], strides = [1]} : vector<16xi32> to vector<1xi32>
      %squeeze3A_206 = vector.extract %slice3A_205[0] : i32 from vector<1xi32>
      %mul3A_207 = arith.constant 16 : i32
      %mul3A_208 = arith.muli %scan3A_47, %mul3A_207 : i32
      %add3A_209 = arith.constant 11 : i32
      %add3A_210 = arith.addi %mul3A_208, %add3A_209 : i32
      %dma_start3A_211 = arith.constant 0 : i32
      %dma_start3A_212 = tpu.memref_slice %arg8[%add3A_210, %dma_start3A_211] : memref<128x64xf32, #tpu.memory_space<vmem>> -> memref<1x64xf32, #tpu.memory_space<vmem>>
      %dma_start3A_213 = arith.constant 0 : i32
      %dma_start3A_214 = tpu.memref_slice %arg3[%squeeze3A_206, %dma_start3A_213] : memref<1000000x64xf32, #tpu.memory_space<hbm>> -> memref<1x64xf32, #tpu.memory_space<hbm>>
      %dma_start3A_215 = arith.constant 0 : i32
      %dma_start3A_216 = tpu.memref_slice %arg8[%add3A_210, %dma_start3A_215] : memref<128x64xf32, #tpu.memory_space<vmem>> -> memref<1x64xf32, #tpu.memory_space<vmem>>
      %dma_start3A_217 = arith.constant 0 : i32
      %dma_start3A_218 = tpu.memref_slice %arg3[%squeeze3A_206, %dma_start3A_217] : memref<1000000x64xf32, #tpu.memory_space<hbm>> -> memref<1x64xf32, #tpu.memory_space<hbm>>
      tpu.enqueue_dma source(%dma_start3A_218 : memref<1x64xf32, #tpu.memory_space<hbm>>) target(%dma_start3A_216 : memref<1x64xf32, #tpu.memory_space<vmem>>) target_semaphore(%arg13 : memref<!tpu.dma_semaphore, #tpu.memory_space<semaphore_mem>>)
      %slice3A_219 = vector.extract_strided_slice %get3A_53 {offsets = [12], sizes = [1], strides = [1]} : vector<16xi32> to vector<1xi32>
      %squeeze3A_220 = vector.extract %slice3A_219[0] : i32 from vector<1xi32>
      %mul3A_221 = arith.constant 16 : i32
      %mul3A_222 = arith.muli %scan3A_47, %mul3A_221 : i32
      %add3A_223 = arith.constant 12 : i32
      %add3A_224 = arith.addi %mul3A_222, %add3A_223 : i32
      %dma_start3A_225 = arith.constant 0 : i32
      %dma_start3A_226 = tpu.memref_slice %arg8[%add3A_224, %dma_start3A_225] : memref<128x64xf32, #tpu.memory_space<vmem>> -> memref<1x64xf32, #tpu.memory_space<vmem>>
      %dma_start3A_227 = arith.constant 0 : i32
      %dma_start3A_228 = tpu.memref_slice %arg3[%squeeze3A_220, %dma_start3A_227] : memref<1000000x64xf32, #tpu.memory_space<hbm>> -> memref<1x64xf32, #tpu.memory_space<hbm>>
      %dma_start3A_229 = arith.constant 0 : i32
      %dma_start3A_230 = tpu.memref_slice %arg8[%add3A_224, %dma_start3A_229] : memref<128x64xf32, #tpu.memory_space<vmem>> -> memref<1x64xf32, #tpu.memory_space<vmem>>
      %dma_start3A_231 = arith.constant 0 : i32
      %dma_start3A_232 = tpu.memref_slice %arg3[%squeeze3A_220, %dma_start3A_231] : memref<1000000x64xf32, #tpu.memory_space<hbm>> -> memref<1x64xf32, #tpu.memory_space<hbm>>
      tpu.enqueue_dma source(%dma_start3A_232 : memref<1x64xf32, #tpu.memory_space<hbm>>) target(%dma_start3A_230 : memref<1x64xf32, #tpu.memory_space<vmem>>) target_semaphore(%arg13 : memref<!tpu.dma_semaphore, #tpu.memory_space<semaphore_mem>>)
      %slice3A_233 = vector.extract_strided_slice %get3A_53 {offsets = [13], sizes = [1], strides = [1]} : vector<16xi32> to vector<1xi32>
      %squeeze3A_234 = vector.extract %slice3A_233[0] : i32 from vector<1xi32>
      %mul3A_235 = arith.constant 16 : i32
      %mul3A_236 = arith.muli %scan3A_47, %mul3A_235 : i32
      %add3A_237 = arith.constant 13 : i32
      %add3A_238 = arith.addi %mul3A_236, %add3A_237 : i32
      %dma_start3A_239 = arith.constant 0 : i32
      %dma_start3A_240 = tpu.memref_slice %arg8[%add3A_238, %dma_start3A_239] : memref<128x64xf32, #tpu.memory_space<vmem>> -> memref<1x64xf32, #tpu.memory_space<vmem>>
      %dma_start3A_241 = arith.constant 0 : i32
      %dma_start3A_242 = tpu.memref_slice %arg3[%squeeze3A_234, %dma_start3A_241] : memref<1000000x64xf32, #tpu.memory_space<hbm>> -> memref<1x64xf32, #tpu.memory_space<hbm>>
      %dma_start3A_243 = arith.constant 0 : i32
      %dma_start3A_244 = tpu.memref_slice %arg8[%add3A_238, %dma_start3A_243] : memref<128x64xf32, #tpu.memory_space<vmem>> -> memref<1x64xf32, #tpu.memory_space<vmem>>
      %dma_start3A_245 = arith.constant 0 : i32
      %dma_start3A_246 = tpu.memref_slice %arg3[%squeeze3A_234, %dma_start3A_245] : memref<1000000x64xf32, #tpu.memory_space<hbm>> -> memref<1x64xf32, #tpu.memory_space<hbm>>
      tpu.enqueue_dma source(%dma_start3A_246 : memref<1x64xf32, #tpu.memory_space<hbm>>) target(%dma_start3A_244 : memref<1x64xf32, #tpu.memory_space<vmem>>) target_semaphore(%arg13 : memref<!tpu.dma_semaphore, #tpu.memory_space<semaphore_mem>>)
      %slice3A_247 = vector.extract_strided_slice %get3A_53 {offsets = [14], sizes = [1], strides = [1]} : vector<16xi32> to vector<1xi32>
      %squeeze3A_248 = vector.extract %slice3A_247[0] : i32 from vector<1xi32>
      %mul3A_249 = arith.constant 16 : i32
      %mul3A_250 = arith.muli %scan3A_47, %mul3A_249 : i32
      %add3A_251 = arith.constant 14 : i32
      %add3A_252 = arith.addi %mul3A_250, %add3A_251 : i32
      %dma_start3A_253 = arith.constant 0 : i32
      %dma_start3A_254 = tpu.memref_slice %arg8[%add3A_252, %dma_start3A_253] : memref<128x64xf32, #tpu.memory_space<vmem>> -> memref<1x64xf32, #tpu.memory_space<vmem>>
      %dma_start3A_255 = arith.constant 0 : i32
      %dma_start3A_256 = tpu.memref_slice %arg3[%squeeze3A_248, %dma_start3A_255] : memref<1000000x64xf32, #tpu.memory_space<hbm>> -> memref<1x64xf32, #tpu.memory_space<hbm>>
      %dma_start3A_257 = arith.constant 0 : i32
      %dma_start3A_258 = tpu.memref_slice %arg8[%add3A_252, %dma_start3A_257] : memref<128x64xf32, #tpu.memory_space<vmem>> -> memref<1x64xf32, #tpu.memory_space<vmem>>
      %dma_start3A_259 = arith.constant 0 : i32
      %dma_start3A_260 = tpu.memref_slice %arg3[%squeeze3A_248, %dma_start3A_259] : memref<1000000x64xf32, #tpu.memory_space<hbm>> -> memref<1x64xf32, #tpu.memory_space<hbm>>
      tpu.enqueue_dma source(%dma_start3A_260 : memref<1x64xf32, #tpu.memory_space<hbm>>) target(%dma_start3A_258 : memref<1x64xf32, #tpu.memory_space<vmem>>) target_semaphore(%arg13 : memref<!tpu.dma_semaphore, #tpu.memory_space<semaphore_mem>>)
      %slice3A_261 = vector.extract_strided_slice %get3A_53 {offsets = [15], sizes = [1], strides = [1]} : vector<16xi32> to vector<1xi32>
      %squeeze3A_262 = vector.extract %slice3A_261[0] : i32 from vector<1xi32>
      %mul3A_263 = arith.constant 16 : i32
      %mul3A_264 = arith.muli %scan3A_47, %mul3A_263 : i32
      %add3A_265 = arith.constant 15 : i32
      %add3A_266 = arith.addi %mul3A_264, %add3A_265 : i32
      %dma_start3A_267 = arith.constant 0 : i32
      %dma_start3A_268 = tpu.memref_slice %arg8[%add3A_266, %dma_start3A_267] : memref<128x64xf32, #tpu.memory_space<vmem>> -> memref<1x64xf32, #tpu.memory_space<vmem>>
      %dma_start3A_269 = arith.constant 0 : i32
      %dma_start3A_270 = tpu.memref_slice %arg3[%squeeze3A_262, %dma_start3A_269] : memref<1000000x64xf32, #tpu.memory_space<hbm>> -> memref<1x64xf32, #tpu.memory_space<hbm>>
      %dma_start3A_271 = arith.constant 0 : i32
      %dma_start3A_272 = tpu.memref_slice %arg8[%add3A_266, %dma_start3A_271] : memref<128x64xf32, #tpu.memory_space<vmem>> -> memref<1x64xf32, #tpu.memory_space<vmem>>
      %dma_start3A_273 = arith.constant 0 : i32
      %dma_start3A_274 = tpu.memref_slice %arg3[%squeeze3A_262, %dma_start3A_273] : memref<1000000x64xf32, #tpu.memory_space<hbm>> -> memref<1x64xf32, #tpu.memory_space<hbm>>
      tpu.enqueue_dma source(%dma_start3A_274 : memref<1x64xf32, #tpu.memory_space<hbm>>) target(%dma_start3A_272 : memref<1x64xf32, #tpu.memory_space<vmem>>) target_semaphore(%arg13 : memref<!tpu.dma_semaphore, #tpu.memory_space<semaphore_mem>>)
    }
    %scan3A_19 = arith.constant 8 : i32
    %scan3A_20 = arith.constant 0 : i32
    %scan3A_21 = arith.constant 0 : i32
    %scan3A_22 = arith.constant 8 : i32
    %scan3A_23 = arith.addi %scan3A_21, %scan3A_22 : i32
    %scan3A_24 = arith.constant 1 : i32
    scf.for %scan3A_47 = %scan3A_21 to %scan3A_23 step %scan3A_24  : i32 {
      %mul3A_48 = arith.constant 16 : i32
      %mul3A_49 = arith.muli %scan3A_47, %mul3A_48 : i32
      %get3A = arith.constant 3 : i32
      %get3A_50 = arith.index_cast %get3A : i32 to index
      %get3A_51 = arith.index_cast %mul3A_49 : i32 to index
      %get3A_52 = tpu.vector_load %arg5[%get3A_50, %get3A_51] {strides = array<i32>} : memref<50x128xi32, #tpu.memory_space<vmem>>, vector<1x16xi32>,
      %get3A_53 = vector.shape_cast %get3A_52 : vector<1x16xi32> to vector<16xi32>
      %slice3A = vector.extract_strided_slice %get3A_53 {offsets = [0], sizes = [1], strides = [1]} : vector<16xi32> to vector<1xi32>
      %squeeze3A = vector.extract %slice3A[0] : i32 from vector<1xi32>
      %mul3A_54 = arith.constant 16 : i32
      %mul3A_55 = arith.muli %scan3A_47, %mul3A_54 : i32
      %add3A_56 = arith.constant 0 : i32
      %add3A_57 = arith.addi %mul3A_55, %add3A_56 : i32
      %dma_start3A = arith.constant 0 : i32
      %dma_start3A_58 = tpu.memref_slice %arg9[%add3A_57, %dma_start3A] : memref<128x64xf32, #tpu.memory_space<vmem>> -> memref<1x64xf32, #tpu.memory_space<vmem>>
      %dma_start3A_59 = arith.constant 0 : i32
      %dma_start3A_60 = tpu.memref_slice %arg3[%squeeze3A, %dma_start3A_59] : memref<1000000x64xf32, #tpu.memory_space<hbm>> -> memref<1x64xf32, #tpu.memory_space<hbm>>
      %dma_start3A_61 = arith.constant 0 : i32
      %dma_start3A_62 = tpu.memref_slice %arg9[%add3A_57, %dma_start3A_61] : memref<128x64xf32, #tpu.memory_space<vmem>> -> memref<1x64xf32, #tpu.memory_space<vmem>>
      %dma_start3A_63 = arith.constant 0 : i32
      %dma_start3A_64 = tpu.memref_slice %arg3[%squeeze3A, %dma_start3A_63] : memref<1000000x64xf32, #tpu.memory_space<hbm>> -> memref<1x64xf32, #tpu.memory_space<hbm>>
      tpu.enqueue_dma source(%dma_start3A_64 : memref<1x64xf32, #tpu.memory_space<hbm>>) target(%dma_start3A_62 : memref<1x64xf32, #tpu.memory_space<vmem>>) target_semaphore(%arg14 : memref<!tpu.dma_semaphore, #tpu.memory_space<semaphore_mem>>)
      %slice3A_65 = vector.extract_strided_slice %get3A_53 {offsets = [1], sizes = [1], strides = [1]} : vector<16xi32> to vector<1xi32>
      %squeeze3A_66 = vector.extract %slice3A_65[0] : i32 from vector<1xi32>
      %mul3A_67 = arith.constant 16 : i32
      %mul3A_68 = arith.muli %scan3A_47, %mul3A_67 : i32
      %add3A_69 = arith.constant 1 : i32
      %add3A_70 = arith.addi %mul3A_68, %add3A_69 : i32
      %dma_start3A_71 = arith.constant 0 : i32
      %dma_start3A_72 = tpu.memref_slice %arg9[%add3A_70, %dma_start3A_71] : memref<128x64xf32, #tpu.memory_space<vmem>> -> memref<1x64xf32, #tpu.memory_space<vmem>>
      %dma_start3A_73 = arith.constant 0 : i32
      %dma_start3A_74 = tpu.memref_slice %arg3[%squeeze3A_66, %dma_start3A_73] : memref<1000000x64xf32, #tpu.memory_space<hbm>> -> memref<1x64xf32, #tpu.memory_space<hbm>>
      %dma_start3A_75 = arith.constant 0 : i32
      %dma_start3A_76 = tpu.memref_slice %arg9[%add3A_70, %dma_start3A_75] : memref<128x64xf32, #tpu.memory_space<vmem>> -> memref<1x64xf32, #tpu.memory_space<vmem>>
      %dma_start3A_77 = arith.constant 0 : i32
      %dma_start3A_78 = tpu.memref_slice %arg3[%squeeze3A_66, %dma_start3A_77] : memref<1000000x64xf32, #tpu.memory_space<hbm>> -> memref<1x64xf32, #tpu.memory_space<hbm>>
      tpu.enqueue_dma source(%dma_start3A_78 : memref<1x64xf32, #tpu.memory_space<hbm>>) target(%dma_start3A_76 : memref<1x64xf32, #tpu.memory_space<vmem>>) target_semaphore(%arg14 : memref<!tpu.dma_semaphore, #tpu.memory_space<semaphore_mem>>)
      %slice3A_79 = vector.extract_strided_slice %get3A_53 {offsets = [2], sizes = [1], strides = [1]} : vector<16xi32> to vector<1xi32>
      %squeeze3A_80 = vector.extract %slice3A_79[0] : i32 from vector<1xi32>
      %mul3A_81 = arith.constant 16 : i32
      %mul3A_82 = arith.muli %scan3A_47, %mul3A_81 : i32
      %add3A_83 = arith.constant 2 : i32
      %add3A_84 = arith.addi %mul3A_82, %add3A_83 : i32
      %dma_start3A_85 = arith.constant 0 : i32
      %dma_start3A_86 = tpu.memref_slice %arg9[%add3A_84, %dma_start3A_85] : memref<128x64xf32, #tpu.memory_space<vmem>> -> memref<1x64xf32, #tpu.memory_space<vmem>>
      %dma_start3A_87 = arith.constant 0 : i32
      %dma_start3A_88 = tpu.memref_slice %arg3[%squeeze3A_80, %dma_start3A_87] : memref<1000000x64xf32, #tpu.memory_space<hbm>> -> memref<1x64xf32, #tpu.memory_space<hbm>>
      %dma_start3A_89 = arith.constant 0 : i32
      %dma_start3A_90 = tpu.memref_slice %arg9[%add3A_84, %dma_start3A_89] : memref<128x64xf32, #tpu.memory_space<vmem>> -> memref<1x64xf32, #tpu.memory_space<vmem>>
      %dma_start3A_91 = arith.constant 0 : i32
      %dma_start3A_92 = tpu.memref_slice %arg3[%squeeze3A_80, %dma_start3A_91] : memref<1000000x64xf32, #tpu.memory_space<hbm>> -> memref<1x64xf32, #tpu.memory_space<hbm>>
      tpu.enqueue_dma source(%dma_start3A_92 : memref<1x64xf32, #tpu.memory_space<hbm>>) target(%dma_start3A_90 : memref<1x64xf32, #tpu.memory_space<vmem>>) target_semaphore(%arg14 : memref<!tpu.dma_semaphore, #tpu.memory_space<semaphore_mem>>)
      %slice3A_93 = vector.extract_strided_slice %get3A_53 {offsets = [3], sizes = [1], strides = [1]} : vector<16xi32> to vector<1xi32>
      %squeeze3A_94 = vector.extract %slice3A_93[0] : i32 from vector<1xi32>
      %mul3A_95 = arith.constant 16 : i32
      %mul3A_96 = arith.muli %scan3A_47, %mul3A_95 : i32
      %add3A_97 = arith.constant 3 : i32
      %add3A_98 = arith.addi %mul3A_96, %add3A_97 : i32
      %dma_start3A_99 = arith.constant 0 : i32
      %dma_start3A_100 = tpu.memref_slice %arg9[%add3A_98, %dma_start3A_99] : memref<128x64xf32, #tpu.memory_space<vmem>> -> memref<1x64xf32, #tpu.memory_space<vmem>>
      %dma_start3A_101 = arith.constant 0 : i32
      %dma_start3A_102 = tpu.memref_slice %arg3[%squeeze3A_94, %dma_start3A_101] : memref<1000000x64xf32, #tpu.memory_space<hbm>> -> memref<1x64xf32, #tpu.memory_space<hbm>>
      %dma_start3A_103 = arith.constant 0 : i32
      %dma_start3A_104 = tpu.memref_slice %arg9[%add3A_98, %dma_start3A_103] : memref<128x64xf32, #tpu.memory_space<vmem>> -> memref<1x64xf32, #tpu.memory_space<vmem>>
      %dma_start3A_105 = arith.constant 0 : i32
      %dma_start3A_106 = tpu.memref_slice %arg3[%squeeze3A_94, %dma_start3A_105] : memref<1000000x64xf32, #tpu.memory_space<hbm>> -> memref<1x64xf32, #tpu.memory_space<hbm>>
      tpu.enqueue_dma source(%dma_start3A_106 : memref<1x64xf32, #tpu.memory_space<hbm>>) target(%dma_start3A_104 : memref<1x64xf32, #tpu.memory_space<vmem>>) target_semaphore(%arg14 : memref<!tpu.dma_semaphore, #tpu.memory_space<semaphore_mem>>)
      %slice3A_107 = vector.extract_strided_slice %get3A_53 {offsets = [4], sizes = [1], strides = [1]} : vector<16xi32> to vector<1xi32>
      %squeeze3A_108 = vector.extract %slice3A_107[0] : i32 from vector<1xi32>
      %mul3A_109 = arith.constant 16 : i32
      %mul3A_110 = arith.muli %scan3A_47, %mul3A_109 : i32
      %add3A_111 = arith.constant 4 : i32
      %add3A_112 = arith.addi %mul3A_110, %add3A_111 : i32
      %dma_start3A_113 = arith.constant 0 : i32
      %dma_start3A_114 = tpu.memref_slice %arg9[%add3A_112, %dma_start3A_113] : memref<128x64xf32, #tpu.memory_space<vmem>> -> memref<1x64xf32, #tpu.memory_space<vmem>>
      %dma_start3A_115 = arith.constant 0 : i32
      %dma_start3A_116 = tpu.memref_slice %arg3[%squeeze3A_108, %dma_start3A_115] : memref<1000000x64xf32, #tpu.memory_space<hbm>> -> memref<1x64xf32, #tpu.memory_space<hbm>>
      %dma_start3A_117 = arith.constant 0 : i32
      %dma_start3A_118 = tpu.memref_slice %arg9[%add3A_112, %dma_start3A_117] : memref<128x64xf32, #tpu.memory_space<vmem>> -> memref<1x64xf32, #tpu.memory_space<vmem>>
      %dma_start3A_119 = arith.constant 0 : i32
      %dma_start3A_120 = tpu.memref_slice %arg3[%squeeze3A_108, %dma_start3A_119] : memref<1000000x64xf32, #tpu.memory_space<hbm>> -> memref<1x64xf32, #tpu.memory_space<hbm>>
      tpu.enqueue_dma source(%dma_start3A_120 : memref<1x64xf32, #tpu.memory_space<hbm>>) target(%dma_start3A_118 : memref<1x64xf32, #tpu.memory_space<vmem>>) target_semaphore(%arg14 : memref<!tpu.dma_semaphore, #tpu.memory_space<semaphore_mem>>)
      %slice3A_121 = vector.extract_strided_slice %get3A_53 {offsets = [5], sizes = [1], strides = [1]} : vector<16xi32> to vector<1xi32>
      %squeeze3A_122 = vector.extract %slice3A_121[0] : i32 from vector<1xi32>
      %mul3A_123 = arith.constant 16 : i32
      %mul3A_124 = arith.muli %scan3A_47, %mul3A_123 : i32
      %add3A_125 = arith.constant 5 : i32
      %add3A_126 = arith.addi %mul3A_124, %add3A_125 : i32
      %dma_start3A_127 = arith.constant 0 : i32
      %dma_start3A_128 = tpu.memref_slice %arg9[%add3A_126, %dma_start3A_127] : memref<128x64xf32, #tpu.memory_space<vmem>> -> memref<1x64xf32, #tpu.memory_space<vmem>>
      %dma_start3A_129 = arith.constant 0 : i32
      %dma_start3A_130 = tpu.memref_slice %arg3[%squeeze3A_122, %dma_start3A_129] : memref<1000000x64xf32, #tpu.memory_space<hbm>> -> memref<1x64xf32, #tpu.memory_space<hbm>>
      %dma_start3A_131 = arith.constant 0 : i32
      %dma_start3A_132 = tpu.memref_slice %arg9[%add3A_126, %dma_start3A_131] : memref<128x64xf32, #tpu.memory_space<vmem>> -> memref<1x64xf32, #tpu.memory_space<vmem>>
      %dma_start3A_133 = arith.constant 0 : i32
      %dma_start3A_134 = tpu.memref_slice %arg3[%squeeze3A_122, %dma_start3A_133] : memref<1000000x64xf32, #tpu.memory_space<hbm>> -> memref<1x64xf32, #tpu.memory_space<hbm>>
      tpu.enqueue_dma source(%dma_start3A_134 : memref<1x64xf32, #tpu.memory_space<hbm>>) target(%dma_start3A_132 : memref<1x64xf32, #tpu.memory_space<vmem>>) target_semaphore(%arg14 : memref<!tpu.dma_semaphore, #tpu.memory_space<semaphore_mem>>)
      %slice3A_135 = vector.extract_strided_slice %get3A_53 {offsets = [6], sizes = [1], strides = [1]} : vector<16xi32> to vector<1xi32>
      %squeeze3A_136 = vector.extract %slice3A_135[0] : i32 from vector<1xi32>
      %mul3A_137 = arith.constant 16 : i32
      %mul3A_138 = arith.muli %scan3A_47, %mul3A_137 : i32
      %add3A_139 = arith.constant 6 : i32
      %add3A_140 = arith.addi %mul3A_138, %add3A_139 : i32
      %dma_start3A_141 = arith.constant 0 : i32
      %dma_start3A_142 = tpu.memref_slice %arg9[%add3A_140, %dma_start3A_141] : memref<128x64xf32, #tpu.memory_space<vmem>> -> memref<1x64xf32, #tpu.memory_space<vmem>>
      %dma_start3A_143 = arith.constant 0 : i32
      %dma_start3A_144 = tpu.memref_slice %arg3[%squeeze3A_136, %dma_start3A_143] : memref<1000000x64xf32, #tpu.memory_space<hbm>> -> memref<1x64xf32, #tpu.memory_space<hbm>>
      %dma_start3A_145 = arith.constant 0 : i32
      %dma_start3A_146 = tpu.memref_slice %arg9[%add3A_140, %dma_start3A_145] : memref<128x64xf32, #tpu.memory_space<vmem>> -> memref<1x64xf32, #tpu.memory_space<vmem>>
      %dma_start3A_147 = arith.constant 0 : i32
      %dma_start3A_148 = tpu.memref_slice %arg3[%squeeze3A_136, %dma_start3A_147] : memref<1000000x64xf32, #tpu.memory_space<hbm>> -> memref<1x64xf32, #tpu.memory_space<hbm>>
      tpu.enqueue_dma source(%dma_start3A_148 : memref<1x64xf32, #tpu.memory_space<hbm>>) target(%dma_start3A_146 : memref<1x64xf32, #tpu.memory_space<vmem>>) target_semaphore(%arg14 : memref<!tpu.dma_semaphore, #tpu.memory_space<semaphore_mem>>)
      %slice3A_149 = vector.extract_strided_slice %get3A_53 {offsets = [7], sizes = [1], strides = [1]} : vector<16xi32> to vector<1xi32>
      %squeeze3A_150 = vector.extract %slice3A_149[0] : i32 from vector<1xi32>
      %mul3A_151 = arith.constant 16 : i32
      %mul3A_152 = arith.muli %scan3A_47, %mul3A_151 : i32
      %add3A_153 = arith.constant 7 : i32
      %add3A_154 = arith.addi %mul3A_152, %add3A_153 : i32
      %dma_start3A_155 = arith.constant 0 : i32
      %dma_start3A_156 = tpu.memref_slice %arg9[%add3A_154, %dma_start3A_155] : memref<128x64xf32, #tpu.memory_space<vmem>> -> memref<1x64xf32, #tpu.memory_space<vmem>>
      %dma_start3A_157 = arith.constant 0 : i32
      %dma_start3A_158 = tpu.memref_slice %arg3[%squeeze3A_150, %dma_start3A_157] : memref<1000000x64xf32, #tpu.memory_space<hbm>> -> memref<1x64xf32, #tpu.memory_space<hbm>>
      %dma_start3A_159 = arith.constant 0 : i32
      %dma_start3A_160 = tpu.memref_slice %arg9[%add3A_154, %dma_start3A_159] : memref<128x64xf32, #tpu.memory_space<vmem>> -> memref<1x64xf32, #tpu.memory_space<vmem>>
      %dma_start3A_161 = arith.constant 0 : i32
      %dma_start3A_162 = tpu.memref_slice %arg3[%squeeze3A_150, %dma_start3A_161] : memref<1000000x64xf32, #tpu.memory_space<hbm>> -> memref<1x64xf32, #tpu.memory_space<hbm>>
      tpu.enqueue_dma source(%dma_start3A_162 : memref<1x64xf32, #tpu.memory_space<hbm>>) target(%dma_start3A_160 : memref<1x64xf32, #tpu.memory_space<vmem>>) target_semaphore(%arg14 : memref<!tpu.dma_semaphore, #tpu.memory_space<semaphore_mem>>)
      %slice3A_163 = vector.extract_strided_slice %get3A_53 {offsets = [8], sizes = [1], strides = [1]} : vector<16xi32> to vector<1xi32>
      %squeeze3A_164 = vector.extract %slice3A_163[0] : i32 from vector<1xi32>
      %mul3A_165 = arith.constant 16 : i32
      %mul3A_166 = arith.muli %scan3A_47, %mul3A_165 : i32
      %add3A_167 = arith.constant 8 : i32
      %add3A_168 = arith.addi %mul3A_166, %add3A_167 : i32
      %dma_start3A_169 = arith.constant 0 : i32
      %dma_start3A_170 = tpu.memref_slice %arg9[%add3A_168, %dma_start3A_169] : memref<128x64xf32, #tpu.memory_space<vmem>> -> memref<1x64xf32, #tpu.memory_space<vmem>>
      %dma_start3A_171 = arith.constant 0 : i32
      %dma_start3A_172 = tpu.memref_slice %arg3[%squeeze3A_164, %dma_start3A_171] : memref<1000000x64xf32, #tpu.memory_space<hbm>> -> memref<1x64xf32, #tpu.memory_space<hbm>>
      %dma_start3A_173 = arith.constant 0 : i32
      %dma_start3A_174 = tpu.memref_slice %arg9[%add3A_168, %dma_start3A_173] : memref<128x64xf32, #tpu.memory_space<vmem>> -> memref<1x64xf32, #tpu.memory_space<vmem>>
      %dma_start3A_175 = arith.constant 0 : i32
      %dma_start3A_176 = tpu.memref_slice %arg3[%squeeze3A_164, %dma_start3A_175] : memref<1000000x64xf32, #tpu.memory_space<hbm>> -> memref<1x64xf32, #tpu.memory_space<hbm>>
      tpu.enqueue_dma source(%dma_start3A_176 : memref<1x64xf32, #tpu.memory_space<hbm>>) target(%dma_start3A_174 : memref<1x64xf32, #tpu.memory_space<vmem>>) target_semaphore(%arg14 : memref<!tpu.dma_semaphore, #tpu.memory_space<semaphore_mem>>)
      %slice3A_177 = vector.extract_strided_slice %get3A_53 {offsets = [9], sizes = [1], strides = [1]} : vector<16xi32> to vector<1xi32>
      %squeeze3A_178 = vector.extract %slice3A_177[0] : i32 from vector<1xi32>
      %mul3A_179 = arith.constant 16 : i32
      %mul3A_180 = arith.muli %scan3A_47, %mul3A_179 : i32
      %add3A_181 = arith.constant 9 : i32
      %add3A_182 = arith.addi %mul3A_180, %add3A_181 : i32
      %dma_start3A_183 = arith.constant 0 : i32
      %dma_start3A_184 = tpu.memref_slice %arg9[%add3A_182, %dma_start3A_183] : memref<128x64xf32, #tpu.memory_space<vmem>> -> memref<1x64xf32, #tpu.memory_space<vmem>>
      %dma_start3A_185 = arith.constant 0 : i32
      %dma_start3A_186 = tpu.memref_slice %arg3[%squeeze3A_178, %dma_start3A_185] : memref<1000000x64xf32, #tpu.memory_space<hbm>> -> memref<1x64xf32, #tpu.memory_space<hbm>>
      %dma_start3A_187 = arith.constant 0 : i32
      %dma_start3A_188 = tpu.memref_slice %arg9[%add3A_182, %dma_start3A_187] : memref<128x64xf32, #tpu.memory_space<vmem>> -> memref<1x64xf32, #tpu.memory_space<vmem>>
      %dma_start3A_189 = arith.constant 0 : i32
      %dma_start3A_190 = tpu.memref_slice %arg3[%squeeze3A_178, %dma_start3A_189] : memref<1000000x64xf32, #tpu.memory_space<hbm>> -> memref<1x64xf32, #tpu.memory_space<hbm>>
      tpu.enqueue_dma source(%dma_start3A_190 : memref<1x64xf32, #tpu.memory_space<hbm>>) target(%dma_start3A_188 : memref<1x64xf32, #tpu.memory_space<vmem>>) target_semaphore(%arg14 : memref<!tpu.dma_semaphore, #tpu.memory_space<semaphore_mem>>)
      %slice3A_191 = vector.extract_strided_slice %get3A_53 {offsets = [10], sizes = [1], strides = [1]} : vector<16xi32> to vector<1xi32>
      %squeeze3A_192 = vector.extract %slice3A_191[0] : i32 from vector<1xi32>
      %mul3A_193 = arith.constant 16 : i32
      %mul3A_194 = arith.muli %scan3A_47, %mul3A_193 : i32
      %add3A_195 = arith.constant 10 : i32
      %add3A_196 = arith.addi %mul3A_194, %add3A_195 : i32
      %dma_start3A_197 = arith.constant 0 : i32
      %dma_start3A_198 = tpu.memref_slice %arg9[%add3A_196, %dma_start3A_197] : memref<128x64xf32, #tpu.memory_space<vmem>> -> memref<1x64xf32, #tpu.memory_space<vmem>>
      %dma_start3A_199 = arith.constant 0 : i32
      %dma_start3A_200 = tpu.memref_slice %arg3[%squeeze3A_192, %dma_start3A_199] : memref<1000000x64xf32, #tpu.memory_space<hbm>> -> memref<1x64xf32, #tpu.memory_space<hbm>>
      %dma_start3A_201 = arith.constant 0 : i32
      %dma_start3A_202 = tpu.memref_slice %arg9[%add3A_196, %dma_start3A_201] : memref<128x64xf32, #tpu.memory_space<vmem>> -> memref<1x64xf32, #tpu.memory_space<vmem>>
      %dma_start3A_203 = arith.constant 0 : i32
      %dma_start3A_204 = tpu.memref_slice %arg3[%squeeze3A_192, %dma_start3A_203] : memref<1000000x64xf32, #tpu.memory_space<hbm>> -> memref<1x64xf32, #tpu.memory_space<hbm>>
      tpu.enqueue_dma source(%dma_start3A_204 : memref<1x64xf32, #tpu.memory_space<hbm>>) target(%dma_start3A_202 : memref<1x64xf32, #tpu.memory_space<vmem>>) target_semaphore(%arg14 : memref<!tpu.dma_semaphore, #tpu.memory_space<semaphore_mem>>)
      %slice3A_205 = vector.extract_strided_slice %get3A_53 {offsets = [11], sizes = [1], strides = [1]} : vector<16xi32> to vector<1xi32>
      %squeeze3A_206 = vector.extract %slice3A_205[0] : i32 from vector<1xi32>
      %mul3A_207 = arith.constant 16 : i32
      %mul3A_208 = arith.muli %scan3A_47, %mul3A_207 : i32
      %add3A_209 = arith.constant 11 : i32
      %add3A_210 = arith.addi %mul3A_208, %add3A_209 : i32
      %dma_start3A_211 = arith.constant 0 : i32
      %dma_start3A_212 = tpu.memref_slice %arg9[%add3A_210, %dma_start3A_211] : memref<128x64xf32, #tpu.memory_space<vmem>> -> memref<1x64xf32, #tpu.memory_space<vmem>>
      %dma_start3A_213 = arith.constant 0 : i32
      %dma_start3A_214 = tpu.memref_slice %arg3[%squeeze3A_206, %dma_start3A_213] : memref<1000000x64xf32, #tpu.memory_space<hbm>> -> memref<1x64xf32, #tpu.memory_space<hbm>>
      %dma_start3A_215 = arith.constant 0 : i32
      %dma_start3A_216 = tpu.memref_slice %arg9[%add3A_210, %dma_start3A_215] : memref<128x64xf32, #tpu.memory_space<vmem>> -> memref<1x64xf32, #tpu.memory_space<vmem>>
      %dma_start3A_217 = arith.constant 0 : i32
      %dma_start3A_218 = tpu.memref_slice %arg3[%squeeze3A_206, %dma_start3A_217] : memref<1000000x64xf32, #tpu.memory_space<hbm>> -> memref<1x64xf32, #tpu.memory_space<hbm>>
      tpu.enqueue_dma source(%dma_start3A_218 : memref<1x64xf32, #tpu.memory_space<hbm>>) target(%dma_start3A_216 : memref<1x64xf32, #tpu.memory_space<vmem>>) target_semaphore(%arg14 : memref<!tpu.dma_semaphore, #tpu.memory_space<semaphore_mem>>)
      %slice3A_219 = vector.extract_strided_slice %get3A_53 {offsets = [12], sizes = [1], strides = [1]} : vector<16xi32> to vector<1xi32>
      %squeeze3A_220 = vector.extract %slice3A_219[0] : i32 from vector<1xi32>
      %mul3A_221 = arith.constant 16 : i32
      %mul3A_222 = arith.muli %scan3A_47, %mul3A_221 : i32
      %add3A_223 = arith.constant 12 : i32
      %add3A_224 = arith.addi %mul3A_222, %add3A_223 : i32
      %dma_start3A_225 = arith.constant 0 : i32
      %dma_start3A_226 = tpu.memref_slice %arg9[%add3A_224, %dma_start3A_225] : memref<128x64xf32, #tpu.memory_space<vmem>> -> memref<1x64xf32, #tpu.memory_space<vmem>>
      %dma_start3A_227 = arith.constant 0 : i32
      %dma_start3A_228 = tpu.memref_slice %arg3[%squeeze3A_220, %dma_start3A_227] : memref<1000000x64xf32, #tpu.memory_space<hbm>> -> memref<1x64xf32, #tpu.memory_space<hbm>>
      %dma_start3A_229 = arith.constant 0 : i32
      %dma_start3A_230 = tpu.memref_slice %arg9[%add3A_224, %dma_start3A_229] : memref<128x64xf32, #tpu.memory_space<vmem>> -> memref<1x64xf32, #tpu.memory_space<vmem>>
      %dma_start3A_231 = arith.constant 0 : i32
      %dma_start3A_232 = tpu.memref_slice %arg3[%squeeze3A_220, %dma_start3A_231] : memref<1000000x64xf32, #tpu.memory_space<hbm>> -> memref<1x64xf32, #tpu.memory_space<hbm>>
      tpu.enqueue_dma source(%dma_start3A_232 : memref<1x64xf32, #tpu.memory_space<hbm>>) target(%dma_start3A_230 : memref<1x64xf32, #tpu.memory_space<vmem>>) target_semaphore(%arg14 : memref<!tpu.dma_semaphore, #tpu.memory_space<semaphore_mem>>)
      %slice3A_233 = vector.extract_strided_slice %get3A_53 {offsets = [13], sizes = [1], strides = [1]} : vector<16xi32> to vector<1xi32>
      %squeeze3A_234 = vector.extract %slice3A_233[0] : i32 from vector<1xi32>
      %mul3A_235 = arith.constant 16 : i32
      %mul3A_236 = arith.muli %scan3A_47, %mul3A_235 : i32
      %add3A_237 = arith.constant 13 : i32
      %add3A_238 = arith.addi %mul3A_236, %add3A_237 : i32
      %dma_start3A_239 = arith.constant 0 : i32
      %dma_start3A_240 = tpu.memref_slice %arg9[%add3A_238, %dma_start3A_239] : memref<128x64xf32, #tpu.memory_space<vmem>> -> memref<1x64xf32, #tpu.memory_space<vmem>>
      %dma_start3A_241 = arith.constant 0 : i32
      %dma_start3A_242 = tpu.memref_slice %arg3[%squeeze3A_234, %dma_start3A_241] : memref<1000000x64xf32, #tpu.memory_space<hbm>> -> memref<1x64xf32, #tpu.memory_space<hbm>>
      %dma_start3A_243 = arith.constant 0 : i32
      %dma_start3A_244 = tpu.memref_slice %arg9[%add3A_238, %dma_start3A_243] : memref<128x64xf32, #tpu.memory_space<vmem>> -> memref<1x64xf32, #tpu.memory_space<vmem>>
      %dma_start3A_245 = arith.constant 0 : i32
      %dma_start3A_246 = tpu.memref_slice %arg3[%squeeze3A_234, %dma_start3A_245] : memref<1000000x64xf32, #tpu.memory_space<hbm>> -> memref<1x64xf32, #tpu.memory_space<hbm>>
      tpu.enqueue_dma source(%dma_start3A_246 : memref<1x64xf32, #tpu.memory_space<hbm>>) target(%dma_start3A_244 : memref<1x64xf32, #tpu.memory_space<vmem>>) target_semaphore(%arg14 : memref<!tpu.dma_semaphore, #tpu.memory_space<semaphore_mem>>)
      %slice3A_247 = vector.extract_strided_slice %get3A_53 {offsets = [14], sizes = [1], strides = [1]} : vector<16xi32> to vector<1xi32>
      %squeeze3A_248 = vector.extract %slice3A_247[0] : i32 from vector<1xi32>
      %mul3A_249 = arith.constant 16 : i32
      %mul3A_250 = arith.muli %scan3A_47, %mul3A_249 : i32
      %add3A_251 = arith.constant 14 : i32
      %add3A_252 = arith.addi %mul3A_250, %add3A_251 : i32
      %dma_start3A_253 = arith.constant 0 : i32
      %dma_start3A_254 = tpu.memref_slice %arg9[%add3A_252, %dma_start3A_253] : memref<128x64xf32, #tpu.memory_space<vmem>> -> memref<1x64xf32, #tpu.memory_space<vmem>>
      %dma_start3A_255 = arith.constant 0 : i32
      %dma_start3A_256 = tpu.memref_slice %arg3[%squeeze3A_248, %dma_start3A_255] : memref<1000000x64xf32, #tpu.memory_space<hbm>> -> memref<1x64xf32, #tpu.memory_space<hbm>>
      %dma_start3A_257 = arith.constant 0 : i32
      %dma_start3A_258 = tpu.memref_slice %arg9[%add3A_252, %dma_start3A_257] : memref<128x64xf32, #tpu.memory_space<vmem>> -> memref<1x64xf32, #tpu.memory_space<vmem>>
      %dma_start3A_259 = arith.constant 0 : i32
      %dma_start3A_260 = tpu.memref_slice %arg3[%squeeze3A_248, %dma_start3A_259] : memref<1000000x64xf32, #tpu.memory_space<hbm>> -> memref<1x64xf32, #tpu.memory_space<hbm>>
      tpu.enqueue_dma source(%dma_start3A_260 : memref<1x64xf32, #tpu.memory_space<hbm>>) target(%dma_start3A_258 : memref<1x64xf32, #tpu.memory_space<vmem>>) target_semaphore(%arg14 : memref<!tpu.dma_semaphore, #tpu.memory_space<semaphore_mem>>)
      %slice3A_261 = vector.extract_strided_slice %get3A_53 {offsets = [15], sizes = [1], strides = [1]} : vector<16xi32> to vector<1xi32>
      %squeeze3A_262 = vector.extract %slice3A_261[0] : i32 from vector<1xi32>
      %mul3A_263 = arith.constant 16 : i32
      %mul3A_264 = arith.muli %scan3A_47, %mul3A_263 : i32
      %add3A_265 = arith.constant 15 : i32
      %add3A_266 = arith.addi %mul3A_264, %add3A_265 : i32
      %dma_start3A_267 = arith.constant 0 : i32
      %dma_start3A_268 = tpu.memref_slice %arg9[%add3A_266, %dma_start3A_267] : memref<128x64xf32, #tpu.memory_space<vmem>> -> memref<1x64xf32, #tpu.memory_space<vmem>>
      %dma_start3A_269 = arith.constant 0 : i32
      %dma_start3A_270 = tpu.memref_slice %arg3[%squeeze3A_262, %dma_start3A_269] : memref<1000000x64xf32, #tpu.memory_space<hbm>> -> memref<1x64xf32, #tpu.memory_space<hbm>>
      %dma_start3A_271 = arith.constant 0 : i32
      %dma_start3A_272 = tpu.memref_slice %arg9[%add3A_266, %dma_start3A_271] : memref<128x64xf32, #tpu.memory_space<vmem>> -> memref<1x64xf32, #tpu.memory_space<vmem>>
      %dma_start3A_273 = arith.constant 0 : i32
      %dma_start3A_274 = tpu.memref_slice %arg3[%squeeze3A_262, %dma_start3A_273] : memref<1000000x64xf32, #tpu.memory_space<hbm>> -> memref<1x64xf32, #tpu.memory_space<hbm>>
      tpu.enqueue_dma source(%dma_start3A_274 : memref<1x64xf32, #tpu.memory_space<hbm>>) target(%dma_start3A_272 : memref<1x64xf32, #tpu.memory_space<vmem>>) target_semaphore(%arg14 : memref<!tpu.dma_semaphore, #tpu.memory_space<semaphore_mem>>)
    }
    %scan3A_25 = arith.constant 8 : i32
    %scan3A_26 = arith.constant 0 : i32
    %scan3A_27 = arith.constant 0 : i32
    %scan3A_28 = arith.constant 8 : i32
    %scan3A_29 = arith.addi %scan3A_27, %scan3A_28 : i32
    %scan3A_30 = arith.constant 1 : i32
    scf.for %scan3A_47 = %scan3A_27 to %scan3A_29 step %scan3A_30  : i32 {
      %mul3A_48 = arith.constant 16 : i32
      %mul3A_49 = arith.muli %scan3A_47, %mul3A_48 : i32
      %get3A = arith.constant 4 : i32
      %get3A_50 = arith.index_cast %get3A : i32 to index
      %get3A_51 = arith.index_cast %mul3A_49 : i32 to index
      %get3A_52 = tpu.vector_load %arg5[%get3A_50, %get3A_51] {strides = array<i32>} : memref<50x128xi32, #tpu.memory_space<vmem>>, vector<1x16xi32>,
      %get3A_53 = vector.shape_cast %get3A_52 : vector<1x16xi32> to vector<16xi32>
      %slice3A = vector.extract_strided_slice %get3A_53 {offsets = [0], sizes = [1], strides = [1]} : vector<16xi32> to vector<1xi32>
      %squeeze3A = vector.extract %slice3A[0] : i32 from vector<1xi32>
      %mul3A_54 = arith.constant 16 : i32
      %mul3A_55 = arith.muli %scan3A_47, %mul3A_54 : i32
      %add3A_56 = arith.constant 0 : i32
      %add3A_57 = arith.addi %mul3A_55, %add3A_56 : i32
      %dma_start3A = arith.constant 0 : i32
      %dma_start3A_58 = tpu.memref_slice %arg10[%add3A_57, %dma_start3A] : memref<128x64xf32, #tpu.memory_space<vmem>> -> memref<1x64xf32, #tpu.memory_space<vmem>>
      %dma_start3A_59 = arith.constant 0 : i32
      %dma_start3A_60 = tpu.memref_slice %arg3[%squeeze3A, %dma_start3A_59] : memref<1000000x64xf32, #tpu.memory_space<hbm>> -> memref<1x64xf32, #tpu.memory_space<hbm>>
      %dma_start3A_61 = arith.constant 0 : i32
      %dma_start3A_62 = tpu.memref_slice %arg10[%add3A_57, %dma_start3A_61] : memref<128x64xf32, #tpu.memory_space<vmem>> -> memref<1x64xf32, #tpu.memory_space<vmem>>
      %dma_start3A_63 = arith.constant 0 : i32
      %dma_start3A_64 = tpu.memref_slice %arg3[%squeeze3A, %dma_start3A_63] : memref<1000000x64xf32, #tpu.memory_space<hbm>> -> memref<1x64xf32, #tpu.memory_space<hbm>>
      tpu.enqueue_dma source(%dma_start3A_64 : memref<1x64xf32, #tpu.memory_space<hbm>>) target(%dma_start3A_62 : memref<1x64xf32, #tpu.memory_space<vmem>>) target_semaphore(%arg15 : memref<!tpu.dma_semaphore, #tpu.memory_space<semaphore_mem>>)
      %slice3A_65 = vector.extract_strided_slice %get3A_53 {offsets = [1], sizes = [1], strides = [1]} : vector<16xi32> to vector<1xi32>
      %squeeze3A_66 = vector.extract %slice3A_65[0] : i32 from vector<1xi32>
      %mul3A_67 = arith.constant 16 : i32
      %mul3A_68 = arith.muli %scan3A_47, %mul3A_67 : i32
      %add3A_69 = arith.constant 1 : i32
      %add3A_70 = arith.addi %mul3A_68, %add3A_69 : i32
      %dma_start3A_71 = arith.constant 0 : i32
      %dma_start3A_72 = tpu.memref_slice %arg10[%add3A_70, %dma_start3A_71] : memref<128x64xf32, #tpu.memory_space<vmem>> -> memref<1x64xf32, #tpu.memory_space<vmem>>
      %dma_start3A_73 = arith.constant 0 : i32
      %dma_start3A_74 = tpu.memref_slice %arg3[%squeeze3A_66, %dma_start3A_73] : memref<1000000x64xf32, #tpu.memory_space<hbm>> -> memref<1x64xf32, #tpu.memory_space<hbm>>
      %dma_start3A_75 = arith.constant 0 : i32
      %dma_start3A_76 = tpu.memref_slice %arg10[%add3A_70, %dma_start3A_75] : memref<128x64xf32, #tpu.memory_space<vmem>> -> memref<1x64xf32, #tpu.memory_space<vmem>>
      %dma_start3A_77 = arith.constant 0 : i32
      %dma_start3A_78 = tpu.memref_slice %arg3[%squeeze3A_66, %dma_start3A_77] : memref<1000000x64xf32, #tpu.memory_space<hbm>> -> memref<1x64xf32, #tpu.memory_space<hbm>>
      tpu.enqueue_dma source(%dma_start3A_78 : memref<1x64xf32, #tpu.memory_space<hbm>>) target(%dma_start3A_76 : memref<1x64xf32, #tpu.memory_space<vmem>>) target_semaphore(%arg15 : memref<!tpu.dma_semaphore, #tpu.memory_space<semaphore_mem>>)
      %slice3A_79 = vector.extract_strided_slice %get3A_53 {offsets = [2], sizes = [1], strides = [1]} : vector<16xi32> to vector<1xi32>
      %squeeze3A_80 = vector.extract %slice3A_79[0] : i32 from vector<1xi32>
      %mul3A_81 = arith.constant 16 : i32
      %mul3A_82 = arith.muli %scan3A_47, %mul3A_81 : i32
      %add3A_83 = arith.constant 2 : i32
      %add3A_84 = arith.addi %mul3A_82, %add3A_83 : i32
      %dma_start3A_85 = arith.constant 0 : i32
      %dma_start3A_86 = tpu.memref_slice %arg10[%add3A_84, %dma_start3A_85] : memref<128x64xf32, #tpu.memory_space<vmem>> -> memref<1x64xf32, #tpu.memory_space<vmem>>
      %dma_start3A_87 = arith.constant 0 : i32
      %dma_start3A_88 = tpu.memref_slice %arg3[%squeeze3A_80, %dma_start3A_87] : memref<1000000x64xf32, #tpu.memory_space<hbm>> -> memref<1x64xf32, #tpu.memory_space<hbm>>
      %dma_start3A_89 = arith.constant 0 : i32
      %dma_start3A_90 = tpu.memref_slice %arg10[%add3A_84, %dma_start3A_89] : memref<128x64xf32, #tpu.memory_space<vmem>> -> memref<1x64xf32, #tpu.memory_space<vmem>>
      %dma_start3A_91 = arith.constant 0 : i32
      %dma_start3A_92 = tpu.memref_slice %arg3[%squeeze3A_80, %dma_start3A_91] : memref<1000000x64xf32, #tpu.memory_space<hbm>> -> memref<1x64xf32, #tpu.memory_space<hbm>>
      tpu.enqueue_dma source(%dma_start3A_92 : memref<1x64xf32, #tpu.memory_space<hbm>>) target(%dma_start3A_90 : memref<1x64xf32, #tpu.memory_space<vmem>>) target_semaphore(%arg15 : memref<!tpu.dma_semaphore, #tpu.memory_space<semaphore_mem>>)
      %slice3A_93 = vector.extract_strided_slice %get3A_53 {offsets = [3], sizes = [1], strides = [1]} : vector<16xi32> to vector<1xi32>
      %squeeze3A_94 = vector.extract %slice3A_93[0] : i32 from vector<1xi32>
      %mul3A_95 = arith.constant 16 : i32
      %mul3A_96 = arith.muli %scan3A_47, %mul3A_95 : i32
      %add3A_97 = arith.constant 3 : i32
      %add3A_98 = arith.addi %mul3A_96, %add3A_97 : i32
      %dma_start3A_99 = arith.constant 0 : i32
      %dma_start3A_100 = tpu.memref_slice %arg10[%add3A_98, %dma_start3A_99] : memref<128x64xf32, #tpu.memory_space<vmem>> -> memref<1x64xf32, #tpu.memory_space<vmem>>
      %dma_start3A_101 = arith.constant 0 : i32
      %dma_start3A_102 = tpu.memref_slice %arg3[%squeeze3A_94, %dma_start3A_101] : memref<1000000x64xf32, #tpu.memory_space<hbm>> -> memref<1x64xf32, #tpu.memory_space<hbm>>
      %dma_start3A_103 = arith.constant 0 : i32
      %dma_start3A_104 = tpu.memref_slice %arg10[%add3A_98, %dma_start3A_103] : memref<128x64xf32, #tpu.memory_space<vmem>> -> memref<1x64xf32, #tpu.memory_space<vmem>>
      %dma_start3A_105 = arith.constant 0 : i32
      %dma_start3A_106 = tpu.memref_slice %arg3[%squeeze3A_94, %dma_start3A_105] : memref<1000000x64xf32, #tpu.memory_space<hbm>> -> memref<1x64xf32, #tpu.memory_space<hbm>>
      tpu.enqueue_dma source(%dma_start3A_106 : memref<1x64xf32, #tpu.memory_space<hbm>>) target(%dma_start3A_104 : memref<1x64xf32, #tpu.memory_space<vmem>>) target_semaphore(%arg15 : memref<!tpu.dma_semaphore, #tpu.memory_space<semaphore_mem>>)
      %slice3A_107 = vector.extract_strided_slice %get3A_53 {offsets = [4], sizes = [1], strides = [1]} : vector<16xi32> to vector<1xi32>
      %squeeze3A_108 = vector.extract %slice3A_107[0] : i32 from vector<1xi32>
      %mul3A_109 = arith.constant 16 : i32
      %mul3A_110 = arith.muli %scan3A_47, %mul3A_109 : i32
      %add3A_111 = arith.constant 4 : i32
      %add3A_112 = arith.addi %mul3A_110, %add3A_111 : i32
      %dma_start3A_113 = arith.constant 0 : i32
      %dma_start3A_114 = tpu.memref_slice %arg10[%add3A_112, %dma_start3A_113] : memref<128x64xf32, #tpu.memory_space<vmem>> -> memref<1x64xf32, #tpu.memory_space<vmem>>
      %dma_start3A_115 = arith.constant 0 : i32
      %dma_start3A_116 = tpu.memref_slice %arg3[%squeeze3A_108, %dma_start3A_115] : memref<1000000x64xf32, #tpu.memory_space<hbm>> -> memref<1x64xf32, #tpu.memory_space<hbm>>
      %dma_start3A_117 = arith.constant 0 : i32
      %dma_start3A_118 = tpu.memref_slice %arg10[%add3A_112, %dma_start3A_117] : memref<128x64xf32, #tpu.memory_space<vmem>> -> memref<1x64xf32, #tpu.memory_space<vmem>>
      %dma_start3A_119 = arith.constant 0 : i32
      %dma_start3A_120 = tpu.memref_slice %arg3[%squeeze3A_108, %dma_start3A_119] : memref<1000000x64xf32, #tpu.memory_space<hbm>> -> memref<1x64xf32, #tpu.memory_space<hbm>>
      tpu.enqueue_dma source(%dma_start3A_120 : memref<1x64xf32, #tpu.memory_space<hbm>>) target(%dma_start3A_118 : memref<1x64xf32, #tpu.memory_space<vmem>>) target_semaphore(%arg15 : memref<!tpu.dma_semaphore, #tpu.memory_space<semaphore_mem>>)
      %slice3A_121 = vector.extract_strided_slice %get3A_53 {offsets = [5], sizes = [1], strides = [1]} : vector<16xi32> to vector<1xi32>
      %squeeze3A_122 = vector.extract %slice3A_121[0] : i32 from vector<1xi32>
      %mul3A_123 = arith.constant 16 : i32
      %mul3A_124 = arith.muli %scan3A_47, %mul3A_123 : i32
      %add3A_125 = arith.constant 5 : i32
      %add3A_126 = arith.addi %mul3A_124, %add3A_125 : i32
      %dma_start3A_127 = arith.constant 0 : i32
      %dma_start3A_128 = tpu.memref_slice %arg10[%add3A_126, %dma_start3A_127] : memref<128x64xf32, #tpu.memory_space<vmem>> -> memref<1x64xf32, #tpu.memory_space<vmem>>
      %dma_start3A_129 = arith.constant 0 : i32
      %dma_start3A_130 = tpu.memref_slice %arg3[%squeeze3A_122, %dma_start3A_129] : memref<1000000x64xf32, #tpu.memory_space<hbm>> -> memref<1x64xf32, #tpu.memory_space<hbm>>
      %dma_start3A_131 = arith.constant 0 : i32
      %dma_start3A_132 = tpu.memref_slice %arg10[%add3A_126, %dma_start3A_131] : memref<128x64xf32, #tpu.memory_space<vmem>> -> memref<1x64xf32, #tpu.memory_space<vmem>>
      %dma_start3A_133 = arith.constant 0 : i32
      %dma_start3A_134 = tpu.memref_slice %arg3[%squeeze3A_122, %dma_start3A_133] : memref<1000000x64xf32, #tpu.memory_space<hbm>> -> memref<1x64xf32, #tpu.memory_space<hbm>>
      tpu.enqueue_dma source(%dma_start3A_134 : memref<1x64xf32, #tpu.memory_space<hbm>>) target(%dma_start3A_132 : memref<1x64xf32, #tpu.memory_space<vmem>>) target_semaphore(%arg15 : memref<!tpu.dma_semaphore, #tpu.memory_space<semaphore_mem>>)
      %slice3A_135 = vector.extract_strided_slice %get3A_53 {offsets = [6], sizes = [1], strides = [1]} : vector<16xi32> to vector<1xi32>
      %squeeze3A_136 = vector.extract %slice3A_135[0] : i32 from vector<1xi32>
      %mul3A_137 = arith.constant 16 : i32
      %mul3A_138 = arith.muli %scan3A_47, %mul3A_137 : i32
      %add3A_139 = arith.constant 6 : i32
      %add3A_140 = arith.addi %mul3A_138, %add3A_139 : i32
      %dma_start3A_141 = arith.constant 0 : i32
      %dma_start3A_142 = tpu.memref_slice %arg10[%add3A_140, %dma_start3A_141] : memref<128x64xf32, #tpu.memory_space<vmem>> -> memref<1x64xf32, #tpu.memory_space<vmem>>
      %dma_start3A_143 = arith.constant 0 : i32
      %dma_start3A_144 = tpu.memref_slice %arg3[%squeeze3A_136, %dma_start3A_143] : memref<1000000x64xf32, #tpu.memory_space<hbm>> -> memref<1x64xf32, #tpu.memory_space<hbm>>
      %dma_start3A_145 = arith.constant 0 : i32
      %dma_start3A_146 = tpu.memref_slice %arg10[%add3A_140, %dma_start3A_145] : memref<128x64xf32, #tpu.memory_space<vmem>> -> memref<1x64xf32, #tpu.memory_space<vmem>>
      %dma_start3A_147 = arith.constant 0 : i32
      %dma_start3A_148 = tpu.memref_slice %arg3[%squeeze3A_136, %dma_start3A_147] : memref<1000000x64xf32, #tpu.memory_space<hbm>> -> memref<1x64xf32, #tpu.memory_space<hbm>>
      tpu.enqueue_dma source(%dma_start3A_148 : memref<1x64xf32, #tpu.memory_space<hbm>>) target(%dma_start3A_146 : memref<1x64xf32, #tpu.memory_space<vmem>>) target_semaphore(%arg15 : memref<!tpu.dma_semaphore, #tpu.memory_space<semaphore_mem>>)
      %slice3A_149 = vector.extract_strided_slice %get3A_53 {offsets = [7], sizes = [1], strides = [1]} : vector<16xi32> to vector<1xi32>
      %squeeze3A_150 = vector.extract %slice3A_149[0] : i32 from vector<1xi32>
      %mul3A_151 = arith.constant 16 : i32
      %mul3A_152 = arith.muli %scan3A_47, %mul3A_151 : i32
      %add3A_153 = arith.constant 7 : i32
      %add3A_154 = arith.addi %mul3A_152, %add3A_153 : i32
      %dma_start3A_155 = arith.constant 0 : i32
      %dma_start3A_156 = tpu.memref_slice %arg10[%add3A_154, %dma_start3A_155] : memref<128x64xf32, #tpu.memory_space<vmem>> -> memref<1x64xf32, #tpu.memory_space<vmem>>
      %dma_start3A_157 = arith.constant 0 : i32
      %dma_start3A_158 = tpu.memref_slice %arg3[%squeeze3A_150, %dma_start3A_157] : memref<1000000x64xf32, #tpu.memory_space<hbm>> -> memref<1x64xf32, #tpu.memory_space<hbm>>
      %dma_start3A_159 = arith.constant 0 : i32
      %dma_start3A_160 = tpu.memref_slice %arg10[%add3A_154, %dma_start3A_159] : memref<128x64xf32, #tpu.memory_space<vmem>> -> memref<1x64xf32, #tpu.memory_space<vmem>>
      %dma_start3A_161 = arith.constant 0 : i32
      %dma_start3A_162 = tpu.memref_slice %arg3[%squeeze3A_150, %dma_start3A_161] : memref<1000000x64xf32, #tpu.memory_space<hbm>> -> memref<1x64xf32, #tpu.memory_space<hbm>>
      tpu.enqueue_dma source(%dma_start3A_162 : memref<1x64xf32, #tpu.memory_space<hbm>>) target(%dma_start3A_160 : memref<1x64xf32, #tpu.memory_space<vmem>>) target_semaphore(%arg15 : memref<!tpu.dma_semaphore, #tpu.memory_space<semaphore_mem>>)
      %slice3A_163 = vector.extract_strided_slice %get3A_53 {offsets = [8], sizes = [1], strides = [1]} : vector<16xi32> to vector<1xi32>
      %squeeze3A_164 = vector.extract %slice3A_163[0] : i32 from vector<1xi32>
      %mul3A_165 = arith.constant 16 : i32
      %mul3A_166 = arith.muli %scan3A_47, %mul3A_165 : i32
      %add3A_167 = arith.constant 8 : i32
      %add3A_168 = arith.addi %mul3A_166, %add3A_167 : i32
      %dma_start3A_169 = arith.constant 0 : i32
      %dma_start3A_170 = tpu.memref_slice %arg10[%add3A_168, %dma_start3A_169] : memref<128x64xf32, #tpu.memory_space<vmem>> -> memref<1x64xf32, #tpu.memory_space<vmem>>
      %dma_start3A_171 = arith.constant 0 : i32
      %dma_start3A_172 = tpu.memref_slice %arg3[%squeeze3A_164, %dma_start3A_171] : memref<1000000x64xf32, #tpu.memory_space<hbm>> -> memref<1x64xf32, #tpu.memory_space<hbm>>
      %dma_start3A_173 = arith.constant 0 : i32
      %dma_start3A_174 = tpu.memref_slice %arg10[%add3A_168, %dma_start3A_173] : memref<128x64xf32, #tpu.memory_space<vmem>> -> memref<1x64xf32, #tpu.memory_space<vmem>>
      %dma_start3A_175 = arith.constant 0 : i32
      %dma_start3A_176 = tpu.memref_slice %arg3[%squeeze3A_164, %dma_start3A_175] : memref<1000000x64xf32, #tpu.memory_space<hbm>> -> memref<1x64xf32, #tpu.memory_space<hbm>>
      tpu.enqueue_dma source(%dma_start3A_176 : memref<1x64xf32, #tpu.memory_space<hbm>>) target(%dma_start3A_174 : memref<1x64xf32, #tpu.memory_space<vmem>>) target_semaphore(%arg15 : memref<!tpu.dma_semaphore, #tpu.memory_space<semaphore_mem>>)
      %slice3A_177 = vector.extract_strided_slice %get3A_53 {offsets = [9], sizes = [1], strides = [1]} : vector<16xi32> to vector<1xi32>
      %squeeze3A_178 = vector.extract %slice3A_177[0] : i32 from vector<1xi32>
      %mul3A_179 = arith.constant 16 : i32
      %mul3A_180 = arith.muli %scan3A_47, %mul3A_179 : i32
      %add3A_181 = arith.constant 9 : i32
      %add3A_182 = arith.addi %mul3A_180, %add3A_181 : i32
      %dma_start3A_183 = arith.constant 0 : i32
      %dma_start3A_184 = tpu.memref_slice %arg10[%add3A_182, %dma_start3A_183] : memref<128x64xf32, #tpu.memory_space<vmem>> -> memref<1x64xf32, #tpu.memory_space<vmem>>
      %dma_start3A_185 = arith.constant 0 : i32
      %dma_start3A_186 = tpu.memref_slice %arg3[%squeeze3A_178, %dma_start3A_185] : memref<1000000x64xf32, #tpu.memory_space<hbm>> -> memref<1x64xf32, #tpu.memory_space<hbm>>
      %dma_start3A_187 = arith.constant 0 : i32
      %dma_start3A_188 = tpu.memref_slice %arg10[%add3A_182, %dma_start3A_187] : memref<128x64xf32, #tpu.memory_space<vmem>> -> memref<1x64xf32, #tpu.memory_space<vmem>>
      %dma_start3A_189 = arith.constant 0 : i32
      %dma_start3A_190 = tpu.memref_slice %arg3[%squeeze3A_178, %dma_start3A_189] : memref<1000000x64xf32, #tpu.memory_space<hbm>> -> memref<1x64xf32, #tpu.memory_space<hbm>>
      tpu.enqueue_dma source(%dma_start3A_190 : memref<1x64xf32, #tpu.memory_space<hbm>>) target(%dma_start3A_188 : memref<1x64xf32, #tpu.memory_space<vmem>>) target_semaphore(%arg15 : memref<!tpu.dma_semaphore, #tpu.memory_space<semaphore_mem>>)
      %slice3A_191 = vector.extract_strided_slice %get3A_53 {offsets = [10], sizes = [1], strides = [1]} : vector<16xi32> to vector<1xi32>
      %squeeze3A_192 = vector.extract %slice3A_191[0] : i32 from vector<1xi32>
      %mul3A_193 = arith.constant 16 : i32
      %mul3A_194 = arith.muli %scan3A_47, %mul3A_193 : i32
      %add3A_195 = arith.constant 10 : i32
      %add3A_196 = arith.addi %mul3A_194, %add3A_195 : i32
      %dma_start3A_197 = arith.constant 0 : i32
      %dma_start3A_198 = tpu.memref_slice %arg10[%add3A_196, %dma_start3A_197] : memref<128x64xf32, #tpu.memory_space<vmem>> -> memref<1x64xf32, #tpu.memory_space<vmem>>
      %dma_start3A_199 = arith.constant 0 : i32
      %dma_start3A_200 = tpu.memref_slice %arg3[%squeeze3A_192, %dma_start3A_199] : memref<1000000x64xf32, #tpu.memory_space<hbm>> -> memref<1x64xf32, #tpu.memory_space<hbm>>
      %dma_start3A_201 = arith.constant 0 : i32
      %dma_start3A_202 = tpu.memref_slice %arg10[%add3A_196, %dma_start3A_201] : memref<128x64xf32, #tpu.memory_space<vmem>> -> memref<1x64xf32, #tpu.memory_space<vmem>>
      %dma_start3A_203 = arith.constant 0 : i32
      %dma_start3A_204 = tpu.memref_slice %arg3[%squeeze3A_192, %dma_start3A_203] : memref<1000000x64xf32, #tpu.memory_space<hbm>> -> memref<1x64xf32, #tpu.memory_space<hbm>>
      tpu.enqueue_dma source(%dma_start3A_204 : memref<1x64xf32, #tpu.memory_space<hbm>>) target(%dma_start3A_202 : memref<1x64xf32, #tpu.memory_space<vmem>>) target_semaphore(%arg15 : memref<!tpu.dma_semaphore, #tpu.memory_space<semaphore_mem>>)
      %slice3A_205 = vector.extract_strided_slice %get3A_53 {offsets = [11], sizes = [1], strides = [1]} : vector<16xi32> to vector<1xi32>
      %squeeze3A_206 = vector.extract %slice3A_205[0] : i32 from vector<1xi32>
      %mul3A_207 = arith.constant 16 : i32
      %mul3A_208 = arith.muli %scan3A_47, %mul3A_207 : i32
      %add3A_209 = arith.constant 11 : i32
      %add3A_210 = arith.addi %mul3A_208, %add3A_209 : i32
      %dma_start3A_211 = arith.constant 0 : i32
      %dma_start3A_212 = tpu.memref_slice %arg10[%add3A_210, %dma_start3A_211] : memref<128x64xf32, #tpu.memory_space<vmem>> -> memref<1x64xf32, #tpu.memory_space<vmem>>
      %dma_start3A_213 = arith.constant 0 : i32
      %dma_start3A_214 = tpu.memref_slice %arg3[%squeeze3A_206, %dma_start3A_213] : memref<1000000x64xf32, #tpu.memory_space<hbm>> -> memref<1x64xf32, #tpu.memory_space<hbm>>
      %dma_start3A_215 = arith.constant 0 : i32
      %dma_start3A_216 = tpu.memref_slice %arg10[%add3A_210, %dma_start3A_215] : memref<128x64xf32, #tpu.memory_space<vmem>> -> memref<1x64xf32, #tpu.memory_space<vmem>>
      %dma_start3A_217 = arith.constant 0 : i32
      %dma_start3A_218 = tpu.memref_slice %arg3[%squeeze3A_206, %dma_start3A_217] : memref<1000000x64xf32, #tpu.memory_space<hbm>> -> memref<1x64xf32, #tpu.memory_space<hbm>>
      tpu.enqueue_dma source(%dma_start3A_218 : memref<1x64xf32, #tpu.memory_space<hbm>>) target(%dma_start3A_216 : memref<1x64xf32, #tpu.memory_space<vmem>>) target_semaphore(%arg15 : memref<!tpu.dma_semaphore, #tpu.memory_space<semaphore_mem>>)
      %slice3A_219 = vector.extract_strided_slice %get3A_53 {offsets = [12], sizes = [1], strides = [1]} : vector<16xi32> to vector<1xi32>
      %squeeze3A_220 = vector.extract %slice3A_219[0] : i32 from vector<1xi32>
      %mul3A_221 = arith.constant 16 : i32
      %mul3A_222 = arith.muli %scan3A_47, %mul3A_221 : i32
      %add3A_223 = arith.constant 12 : i32
      %add3A_224 = arith.addi %mul3A_222, %add3A_223 : i32
      %dma_start3A_225 = arith.constant 0 : i32
      %dma_start3A_226 = tpu.memref_slice %arg10[%add3A_224, %dma_start3A_225] : memref<128x64xf32, #tpu.memory_space<vmem>> -> memref<1x64xf32, #tpu.memory_space<vmem>>
      %dma_start3A_227 = arith.constant 0 : i32
      %dma_start3A_228 = tpu.memref_slice %arg3[%squeeze3A_220, %dma_start3A_227] : memref<1000000x64xf32, #tpu.memory_space<hbm>> -> memref<1x64xf32, #tpu.memory_space<hbm>>
      %dma_start3A_229 = arith.constant 0 : i32
      %dma_start3A_230 = tpu.memref_slice %arg10[%add3A_224, %dma_start3A_229] : memref<128x64xf32, #tpu.memory_space<vmem>> -> memref<1x64xf32, #tpu.memory_space<vmem>>
      %dma_start3A_231 = arith.constant 0 : i32
      %dma_start3A_232 = tpu.memref_slice %arg3[%squeeze3A_220, %dma_start3A_231] : memref<1000000x64xf32, #tpu.memory_space<hbm>> -> memref<1x64xf32, #tpu.memory_space<hbm>>
      tpu.enqueue_dma source(%dma_start3A_232 : memref<1x64xf32, #tpu.memory_space<hbm>>) target(%dma_start3A_230 : memref<1x64xf32, #tpu.memory_space<vmem>>) target_semaphore(%arg15 : memref<!tpu.dma_semaphore, #tpu.memory_space<semaphore_mem>>)
      %slice3A_233 = vector.extract_strided_slice %get3A_53 {offsets = [13], sizes = [1], strides = [1]} : vector<16xi32> to vector<1xi32>
      %squeeze3A_234 = vector.extract %slice3A_233[0] : i32 from vector<1xi32>
      %mul3A_235 = arith.constant 16 : i32
      %mul3A_236 = arith.muli %scan3A_47, %mul3A_235 : i32
      %add3A_237 = arith.constant 13 : i32
      %add3A_238 = arith.addi %mul3A_236, %add3A_237 : i32
      %dma_start3A_239 = arith.constant 0 : i32
      %dma_start3A_240 = tpu.memref_slice %arg10[%add3A_238, %dma_start3A_239] : memref<128x64xf32, #tpu.memory_space<vmem>> -> memref<1x64xf32, #tpu.memory_space<vmem>>
      %dma_start3A_241 = arith.constant 0 : i32
      %dma_start3A_242 = tpu.memref_slice %arg3[%squeeze3A_234, %dma_start3A_241] : memref<1000000x64xf32, #tpu.memory_space<hbm>> -> memref<1x64xf32, #tpu.memory_space<hbm>>
      %dma_start3A_243 = arith.constant 0 : i32
      %dma_start3A_244 = tpu.memref_slice %arg10[%add3A_238, %dma_start3A_243] : memref<128x64xf32, #tpu.memory_space<vmem>> -> memref<1x64xf32, #tpu.memory_space<vmem>>
      %dma_start3A_245 = arith.constant 0 : i32
      %dma_start3A_246 = tpu.memref_slice %arg3[%squeeze3A_234, %dma_start3A_245] : memref<1000000x64xf32, #tpu.memory_space<hbm>> -> memref<1x64xf32, #tpu.memory_space<hbm>>
      tpu.enqueue_dma source(%dma_start3A_246 : memref<1x64xf32, #tpu.memory_space<hbm>>) target(%dma_start3A_244 : memref<1x64xf32, #tpu.memory_space<vmem>>) target_semaphore(%arg15 : memref<!tpu.dma_semaphore, #tpu.memory_space<semaphore_mem>>)
      %slice3A_247 = vector.extract_strided_slice %get3A_53 {offsets = [14], sizes = [1], strides = [1]} : vector<16xi32> to vector<1xi32>
      %squeeze3A_248 = vector.extract %slice3A_247[0] : i32 from vector<1xi32>
      %mul3A_249 = arith.constant 16 : i32
      %mul3A_250 = arith.muli %scan3A_47, %mul3A_249 : i32
      %add3A_251 = arith.constant 14 : i32
      %add3A_252 = arith.addi %mul3A_250, %add3A_251 : i32
      %dma_start3A_253 = arith.constant 0 : i32
      %dma_start3A_254 = tpu.memref_slice %arg10[%add3A_252, %dma_start3A_253] : memref<128x64xf32, #tpu.memory_space<vmem>> -> memref<1x64xf32, #tpu.memory_space<vmem>>
      %dma_start3A_255 = arith.constant 0 : i32
      %dma_start3A_256 = tpu.memref_slice %arg3[%squeeze3A_248, %dma_start3A_255] : memref<1000000x64xf32, #tpu.memory_space<hbm>> -> memref<1x64xf32, #tpu.memory_space<hbm>>
      %dma_start3A_257 = arith.constant 0 : i32
      %dma_start3A_258 = tpu.memref_slice %arg10[%add3A_252, %dma_start3A_257] : memref<128x64xf32, #tpu.memory_space<vmem>> -> memref<1x64xf32, #tpu.memory_space<vmem>>
      %dma_start3A_259 = arith.constant 0 : i32
      %dma_start3A_260 = tpu.memref_slice %arg3[%squeeze3A_248, %dma_start3A_259] : memref<1000000x64xf32, #tpu.memory_space<hbm>> -> memref<1x64xf32, #tpu.memory_space<hbm>>
      tpu.enqueue_dma source(%dma_start3A_260 : memref<1x64xf32, #tpu.memory_space<hbm>>) target(%dma_start3A_258 : memref<1x64xf32, #tpu.memory_space<vmem>>) target_semaphore(%arg15 : memref<!tpu.dma_semaphore, #tpu.memory_space<semaphore_mem>>)
      %slice3A_261 = vector.extract_strided_slice %get3A_53 {offsets = [15], sizes = [1], strides = [1]} : vector<16xi32> to vector<1xi32>
      %squeeze3A_262 = vector.extract %slice3A_261[0] : i32 from vector<1xi32>
      %mul3A_263 = arith.constant 16 : i32
      %mul3A_264 = arith.muli %scan3A_47, %mul3A_263 : i32
      %add3A_265 = arith.constant 15 : i32
      %add3A_266 = arith.addi %mul3A_264, %add3A_265 : i32
      %dma_start3A_267 = arith.constant 0 : i32
      %dma_start3A_268 = tpu.memref_slice %arg10[%add3A_266, %dma_start3A_267] : memref<128x64xf32, #tpu.memory_space<vmem>> -> memref<1x64xf32, #tpu.memory_space<vmem>>
      %dma_start3A_269 = arith.constant 0 : i32
      %dma_start3A_270 = tpu.memref_slice %arg3[%squeeze3A_262, %dma_start3A_269] : memref<1000000x64xf32, #tpu.memory_space<hbm>> -> memref<1x64xf32, #tpu.memory_space<hbm>>
      %dma_start3A_271 = arith.constant 0 : i32
      %dma_start3A_272 = tpu.memref_slice %arg10[%add3A_266, %dma_start3A_271] : memref<128x64xf32, #tpu.memory_space<vmem>> -> memref<1x64xf32, #tpu.memory_space<vmem>>
      %dma_start3A_273 = arith.constant 0 : i32
      %dma_start3A_274 = tpu.memref_slice %arg3[%squeeze3A_262, %dma_start3A_273] : memref<1000000x64xf32, #tpu.memory_space<hbm>> -> memref<1x64xf32, #tpu.memory_space<hbm>>
      tpu.enqueue_dma source(%dma_start3A_274 : memref<1x64xf32, #tpu.memory_space<hbm>>) target(%dma_start3A_272 : memref<1x64xf32, #tpu.memory_space<vmem>>) target_semaphore(%arg15 : memref<!tpu.dma_semaphore, #tpu.memory_space<semaphore_mem>>)
    }
    %scan3A_31 = arith.constant 8 : i32
    %scan3A_32 = arith.constant 0 : i32
    %scan3A_33 = arith.constant 0 : i32
    %scan3A_34 = arith.constant 10 : i32
    %scan3A_35 = arith.addi %scan3A_33, %scan3A_34 : i32
    %scan3A_36 = arith.constant 1 : i32
    scf.for %scan3A_47 = %scan3A_33 to %scan3A_35 step %scan3A_36  : i32 {
      %mul3A_48 = arith.constant 5 : i32
      %mul3A_49 = arith.muli %mul3A_48, %scan3A_47 : i32
      %add3A_50 = arith.constant 0 : i32
      %add3A_51 = arith.addi %mul3A_49, %add3A_50 : i32
      %dma_wait3A_52 = arith.constant 0 : i32
      %dma_wait3A_53 = arith.constant 0 : i32
      %dma_wait3A_54 = tpu.memref_slice %arg3[%dma_wait3A_52, %dma_wait3A_53] : memref<1000000x64xf32, #tpu.memory_space<hbm>> -> memref<128x64xf32, #tpu.memory_space<hbm>>
      %dma_wait3A_55 = arith.constant 0 : i32
      %dma_wait3A_56 = arith.constant 0 : i32
      %dma_wait3A_57 = tpu.memref_slice %arg3[%dma_wait3A_55, %dma_wait3A_56] : memref<1000000x64xf32, #tpu.memory_space<hbm>> -> memref<128x64xf32, #tpu.memory_space<hbm>>
      tpu.wait_dma2 semaphore(%arg11 : memref<!tpu.dma_semaphore, #tpu.memory_space<semaphore_mem>>) src(%dma_wait3A_57 : memref<128x64xf32, #tpu.memory_space<hbm>>) dst(%arg6 : memref<128x64xf32, #tpu.memory_space<vmem>>)
      %mul3A_58 = arith.constant 128 : i32
      %mul3A_59 = arith.muli %add3A_51, %mul3A_58 : i32
      %add3A_60 = arith.addi %mul3A_2, %mul3A_59 : i32
      %shift_right_arithmetic3A_61 = arith.constant 12 : i32
      %shift_right_arithmetic3A_62 = arith.shrsi %add3A_60, %shift_right_arithmetic3A_61 : i32
      %and3A_63 = arith.constant 4095 : i32
      %and3A_64 = arith.andi %add3A_60, %and3A_63 : i32
      %multiple_of3A_65 = tpu.assume_multiple %and3A_64, 128 : i32
      %dma_start3A = arith.constant 0 : i32
      %dma_start3A_66 = tpu.memref_slice %arg4[%shift_right_arithmetic3A_62, %multiple_of3A_65, %dma_start3A] : memref<50x4096x64xf32, #tpu.memory_space<hbm>> -> memref<1x128x64xf32, #tpu.memory_space<hbm>>
      %dma_start3A_67 = tpu.memref_squeeze %dma_start3A_66 : memref<1x128x64xf32, #tpu.memory_space<hbm>> -> memref<128x64xf32, #tpu.memory_space<hbm>>
      %dma_start3A_68 = arith.constant 0 : i32
      %dma_start3A_69 = tpu.memref_slice %arg4[%shift_right_arithmetic3A_62, %multiple_of3A_65, %dma_start3A_68] : memref<50x4096x64xf32, #tpu.memory_space<hbm>> -> memref<1x128x64xf32, #tpu.memory_space<hbm>>
      %dma_start3A_70 = tpu.memref_squeeze %dma_start3A_69 : memref<1x128x64xf32, #tpu.memory_space<hbm>> -> memref<128x64xf32, #tpu.memory_space<hbm>>
      tpu.enqueue_dma source(%arg6 : memref<128x64xf32, #tpu.memory_space<vmem>>) target(%dma_start3A_70 : memref<128x64xf32, #tpu.memory_space<hbm>>) target_semaphore(%arg16 : memref<!tpu.dma_semaphore, #tpu.memory_space<semaphore_mem>>)
      %ge3A = arith.constant 1 : i32
      %ge3A_71 = arith.cmpi sge, %add3A_51, %ge3A : i32
      %convert_element_type3A = arith.extui %ge3A_71 : i1 to i32
      %cond3A = arith.constant 0 : i32
      %cond3A_72 = arith.cmpi ne, %convert_element_type3A, %cond3A : i32
      scf.if %cond3A_72 {
        %sub3A_239 = arith.constant 1 : i32
        %sub3A_240 = arith.subi %add3A_51, %sub3A_239 : i32
        %mul3A_241 = arith.constant 128 : i32
        %mul3A_242 = arith.muli %sub3A_240, %mul3A_241 : i32
        %add3A_243 = arith.addi %mul3A_2, %mul3A_242 : i32
        %shift_right_arithmetic3A_244 = arith.constant 12 : i32
        %shift_right_arithmetic3A_245 = arith.shrsi %add3A_243, %shift_right_arithmetic3A_244 : i32
        %and3A_246 = arith.constant 4095 : i32
        %and3A_247 = arith.andi %add3A_243, %and3A_246 : i32
        %multiple_of3A_248 = tpu.assume_multiple %and3A_247, 128 : i32
        %dma_wait3A_249 = arith.constant 0 : i32
        %dma_wait3A_250 = tpu.memref_slice %arg4[%shift_right_arithmetic3A_245, %multiple_of3A_248, %dma_wait3A_249] : memref<50x4096x64xf32, #tpu.memory_space<hbm>> -> memref<1x128x64xf32, #tpu.memory_space<hbm>>
        %dma_wait3A_251 = tpu.memref_squeeze %dma_wait3A_250 : memref<1x128x64xf32, #tpu.memory_space<hbm>> -> memref<128x64xf32, #tpu.memory_space<hbm>>
        %dma_wait3A_252 = arith.constant 0 : i32
        %dma_wait3A_253 = tpu.memref_slice %arg4[%shift_right_arithmetic3A_245, %multiple_of3A_248, %dma_wait3A_252] : memref<50x4096x64xf32, #tpu.memory_space<hbm>> -> memref<1x128x64xf32, #tpu.memory_space<hbm>>
        %dma_wait3A_254 = tpu.memref_squeeze %dma_wait3A_253 : memref<1x128x64xf32, #tpu.memory_space<hbm>> -> memref<128x64xf32, #tpu.memory_space<hbm>>
        tpu.wait_dma2 semaphore(%arg20 : memref<!tpu.dma_semaphore, #tpu.memory_space<semaphore_mem>>) src(%arg10 : memref<128x64xf32, #tpu.memory_space<vmem>>) dst(%dma_wait3A_254 : memref<128x64xf32, #tpu.memory_space<hbm>>)
      } else {
      }
      %ge3A_73 = arith.constant 1 : i32
      %ge3A_74 = arith.cmpi sge, %add3A_51, %ge3A_73 : i32
      %sub3A = arith.constant 1 : i32
      %sub3A_75 = arith.subi %add3A_51, %sub3A : i32
      %add3A_76 = arith.constant 5 : i32
      %add3A_77 = arith.addi %sub3A_75, %add3A_76 : i32
      %lt3A = arith.constant 50 : i32
      %lt3A_78 = arith.cmpi slt, %add3A_77, %lt3A : i32
      %and3A_79 = arith.andi %ge3A_74, %lt3A_78 : i1
      %convert_element_type3A_80 = arith.extui %and3A_79 : i1 to i32
      %cond3A_81 = arith.constant 0 : i32
      %cond3A_82 = arith.cmpi ne, %convert_element_type3A_80, %cond3A_81 : i32
      scf.if %cond3A_82 {
        %sub3A_239 = arith.constant 1 : i32
        %sub3A_240 = arith.subi %add3A_51, %sub3A_239 : i32
        %add3A_241 = arith.constant 5 : i32
        %add3A_242 = arith.addi %sub3A_240, %add3A_241 : i32
        %scan3A_243 = arith.constant 0 : i32
        %scan3A_244 = arith.constant 0 : i32
        %scan3A_245 = arith.constant 8 : i32
        %scan3A_246 = arith.addi %scan3A_244, %scan3A_245 : i32
        %scan3A_247 = arith.constant 1 : i32
        scf.for %scan3A_249 = %scan3A_244 to %scan3A_246 step %scan3A_247  : i32 {
          %mul3A_250 = arith.constant 16 : i32
          %mul3A_251 = arith.muli %scan3A_249, %mul3A_250 : i32
          %get3A = arith.index_cast %add3A_242 : i32 to index
          %get3A_252 = arith.index_cast %mul3A_251 : i32 to index
          %get3A_253 = tpu.vector_load %arg5[%get3A, %get3A_252] {strides = array<i32>} : memref<50x128xi32, #tpu.memory_space<vmem>>, vector<1x16xi32>,
          %get3A_254 = vector.shape_cast %get3A_253 : vector<1x16xi32> to vector<16xi32>
          %slice3A = vector.extract_strided_slice %get3A_254 {offsets = [0], sizes = [1], strides = [1]} : vector<16xi32> to vector<1xi32>
          %squeeze3A = vector.extract %slice3A[0] : i32 from vector<1xi32>
          %mul3A_255 = arith.constant 16 : i32
          %mul3A_256 = arith.muli %scan3A_249, %mul3A_255 : i32
          %add3A_257 = arith.constant 0 : i32
          %add3A_258 = arith.addi %mul3A_256, %add3A_257 : i32
          %dma_start3A_259 = arith.constant 0 : i32
          %dma_start3A_260 = tpu.memref_slice %arg10[%add3A_258, %dma_start3A_259] : memref<128x64xf32, #tpu.memory_space<vmem>> -> memref<1x64xf32, #tpu.memory_space<vmem>>
          %dma_start3A_261 = arith.constant 0 : i32
          %dma_start3A_262 = tpu.memref_slice %arg3[%squeeze3A, %dma_start3A_261] : memref<1000000x64xf32, #tpu.memory_space<hbm>> -> memref<1x64xf32, #tpu.memory_space<hbm>>
          %dma_start3A_263 = arith.constant 0 : i32
          %dma_start3A_264 = tpu.memref_slice %arg10[%add3A_258, %dma_start3A_263] : memref<128x64xf32, #tpu.memory_space<vmem>> -> memref<1x64xf32, #tpu.memory_space<vmem>>
          %dma_start3A_265 = arith.constant 0 : i32
          %dma_start3A_266 = tpu.memref_slice %arg3[%squeeze3A, %dma_start3A_265] : memref<1000000x64xf32, #tpu.memory_space<hbm>> -> memref<1x64xf32, #tpu.memory_space<hbm>>
          tpu.enqueue_dma source(%dma_start3A_266 : memref<1x64xf32, #tpu.memory_space<hbm>>) target(%dma_start3A_264 : memref<1x64xf32, #tpu.memory_space<vmem>>) target_semaphore(%arg15 : memref<!tpu.dma_semaphore, #tpu.memory_space<semaphore_mem>>)
          %slice3A_267 = vector.extract_strided_slice %get3A_254 {offsets = [1], sizes = [1], strides = [1]} : vector<16xi32> to vector<1xi32>
          %squeeze3A_268 = vector.extract %slice3A_267[0] : i32 from vector<1xi32>
          %mul3A_269 = arith.constant 16 : i32
          %mul3A_270 = arith.muli %scan3A_249, %mul3A_269 : i32
          %add3A_271 = arith.constant 1 : i32
          %add3A_272 = arith.addi %mul3A_270, %add3A_271 : i32
          %dma_start3A_273 = arith.constant 0 : i32
          %dma_start3A_274 = tpu.memref_slice %arg10[%add3A_272, %dma_start3A_273] : memref<128x64xf32, #tpu.memory_space<vmem>> -> memref<1x64xf32, #tpu.memory_space<vmem>>
          %dma_start3A_275 = arith.constant 0 : i32
          %dma_start3A_276 = tpu.memref_slice %arg3[%squeeze3A_268, %dma_start3A_275] : memref<1000000x64xf32, #tpu.memory_space<hbm>> -> memref<1x64xf32, #tpu.memory_space<hbm>>
          %dma_start3A_277 = arith.constant 0 : i32
          %dma_start3A_278 = tpu.memref_slice %arg10[%add3A_272, %dma_start3A_277] : memref<128x64xf32, #tpu.memory_space<vmem>> -> memref<1x64xf32, #tpu.memory_space<vmem>>
          %dma_start3A_279 = arith.constant 0 : i32
          %dma_start3A_280 = tpu.memref_slice %arg3[%squeeze3A_268, %dma_start3A_279] : memref<1000000x64xf32, #tpu.memory_space<hbm>> -> memref<1x64xf32, #tpu.memory_space<hbm>>
          tpu.enqueue_dma source(%dma_start3A_280 : memref<1x64xf32, #tpu.memory_space<hbm>>) target(%dma_start3A_278 : memref<1x64xf32, #tpu.memory_space<vmem>>) target_semaphore(%arg15 : memref<!tpu.dma_semaphore, #tpu.memory_space<semaphore_mem>>)
          %slice3A_281 = vector.extract_strided_slice %get3A_254 {offsets = [2], sizes = [1], strides = [1]} : vector<16xi32> to vector<1xi32>
          %squeeze3A_282 = vector.extract %slice3A_281[0] : i32 from vector<1xi32>
          %mul3A_283 = arith.constant 16 : i32
          %mul3A_284 = arith.muli %scan3A_249, %mul3A_283 : i32
          %add3A_285 = arith.constant 2 : i32
          %add3A_286 = arith.addi %mul3A_284, %add3A_285 : i32
          %dma_start3A_287 = arith.constant 0 : i32
          %dma_start3A_288 = tpu.memref_slice %arg10[%add3A_286, %dma_start3A_287] : memref<128x64xf32, #tpu.memory_space<vmem>> -> memref<1x64xf32, #tpu.memory_space<vmem>>
          %dma_start3A_289 = arith.constant 0 : i32
          %dma_start3A_290 = tpu.memref_slice %arg3[%squeeze3A_282, %dma_start3A_289] : memref<1000000x64xf32, #tpu.memory_space<hbm>> -> memref<1x64xf32, #tpu.memory_space<hbm>>
          %dma_start3A_291 = arith.constant 0 : i32
          %dma_start3A_292 = tpu.memref_slice %arg10[%add3A_286, %dma_start3A_291] : memref<128x64xf32, #tpu.memory_space<vmem>> -> memref<1x64xf32, #tpu.memory_space<vmem>>
          %dma_start3A_293 = arith.constant 0 : i32
          %dma_start3A_294 = tpu.memref_slice %arg3[%squeeze3A_282, %dma_start3A_293] : memref<1000000x64xf32, #tpu.memory_space<hbm>> -> memref<1x64xf32, #tpu.memory_space<hbm>>
          tpu.enqueue_dma source(%dma_start3A_294 : memref<1x64xf32, #tpu.memory_space<hbm>>) target(%dma_start3A_292 : memref<1x64xf32, #tpu.memory_space<vmem>>) target_semaphore(%arg15 : memref<!tpu.dma_semaphore, #tpu.memory_space<semaphore_mem>>)
          %slice3A_295 = vector.extract_strided_slice %get3A_254 {offsets = [3], sizes = [1], strides = [1]} : vector<16xi32> to vector<1xi32>
          %squeeze3A_296 = vector.extract %slice3A_295[0] : i32 from vector<1xi32>
          %mul3A_297 = arith.constant 16 : i32
          %mul3A_298 = arith.muli %scan3A_249, %mul3A_297 : i32
          %add3A_299 = arith.constant 3 : i32
          %add3A_300 = arith.addi %mul3A_298, %add3A_299 : i32
          %dma_start3A_301 = arith.constant 0 : i32
          %dma_start3A_302 = tpu.memref_slice %arg10[%add3A_300, %dma_start3A_301] : memref<128x64xf32, #tpu.memory_space<vmem>> -> memref<1x64xf32, #tpu.memory_space<vmem>>
          %dma_start3A_303 = arith.constant 0 : i32
          %dma_start3A_304 = tpu.memref_slice %arg3[%squeeze3A_296, %dma_start3A_303] : memref<1000000x64xf32, #tpu.memory_space<hbm>> -> memref<1x64xf32, #tpu.memory_space<hbm>>
          %dma_start3A_305 = arith.constant 0 : i32
          %dma_start3A_306 = tpu.memref_slice %arg10[%add3A_300, %dma_start3A_305] : memref<128x64xf32, #tpu.memory_space<vmem>> -> memref<1x64xf32, #tpu.memory_space<vmem>>
          %dma_start3A_307 = arith.constant 0 : i32
          %dma_start3A_308 = tpu.memref_slice %arg3[%squeeze3A_296, %dma_start3A_307] : memref<1000000x64xf32, #tpu.memory_space<hbm>> -> memref<1x64xf32, #tpu.memory_space<hbm>>
          tpu.enqueue_dma source(%dma_start3A_308 : memref<1x64xf32, #tpu.memory_space<hbm>>) target(%dma_start3A_306 : memref<1x64xf32, #tpu.memory_space<vmem>>) target_semaphore(%arg15 : memref<!tpu.dma_semaphore, #tpu.memory_space<semaphore_mem>>)
          %slice3A_309 = vector.extract_strided_slice %get3A_254 {offsets = [4], sizes = [1], strides = [1]} : vector<16xi32> to vector<1xi32>
          %squeeze3A_310 = vector.extract %slice3A_309[0] : i32 from vector<1xi32>
          %mul3A_311 = arith.constant 16 : i32
          %mul3A_312 = arith.muli %scan3A_249, %mul3A_311 : i32
          %add3A_313 = arith.constant 4 : i32
          %add3A_314 = arith.addi %mul3A_312, %add3A_313 : i32
          %dma_start3A_315 = arith.constant 0 : i32
          %dma_start3A_316 = tpu.memref_slice %arg10[%add3A_314, %dma_start3A_315] : memref<128x64xf32, #tpu.memory_space<vmem>> -> memref<1x64xf32, #tpu.memory_space<vmem>>
          %dma_start3A_317 = arith.constant 0 : i32
          %dma_start3A_318 = tpu.memref_slice %arg3[%squeeze3A_310, %dma_start3A_317] : memref<1000000x64xf32, #tpu.memory_space<hbm>> -> memref<1x64xf32, #tpu.memory_space<hbm>>
          %dma_start3A_319 = arith.constant 0 : i32
          %dma_start3A_320 = tpu.memref_slice %arg10[%add3A_314, %dma_start3A_319] : memref<128x64xf32, #tpu.memory_space<vmem>> -> memref<1x64xf32, #tpu.memory_space<vmem>>
          %dma_start3A_321 = arith.constant 0 : i32
          %dma_start3A_322 = tpu.memref_slice %arg3[%squeeze3A_310, %dma_start3A_321] : memref<1000000x64xf32, #tpu.memory_space<hbm>> -> memref<1x64xf32, #tpu.memory_space<hbm>>
          tpu.enqueue_dma source(%dma_start3A_322 : memref<1x64xf32, #tpu.memory_space<hbm>>) target(%dma_start3A_320 : memref<1x64xf32, #tpu.memory_space<vmem>>) target_semaphore(%arg15 : memref<!tpu.dma_semaphore, #tpu.memory_space<semaphore_mem>>)
          %slice3A_323 = vector.extract_strided_slice %get3A_254 {offsets = [5], sizes = [1], strides = [1]} : vector<16xi32> to vector<1xi32>
          %squeeze3A_324 = vector.extract %slice3A_323[0] : i32 from vector<1xi32>
          %mul3A_325 = arith.constant 16 : i32
          %mul3A_326 = arith.muli %scan3A_249, %mul3A_325 : i32
          %add3A_327 = arith.constant 5 : i32
          %add3A_328 = arith.addi %mul3A_326, %add3A_327 : i32
          %dma_start3A_329 = arith.constant 0 : i32
          %dma_start3A_330 = tpu.memref_slice %arg10[%add3A_328, %dma_start3A_329] : memref<128x64xf32, #tpu.memory_space<vmem>> -> memref<1x64xf32, #tpu.memory_space<vmem>>
          %dma_start3A_331 = arith.constant 0 : i32
          %dma_start3A_332 = tpu.memref_slice %arg3[%squeeze3A_324, %dma_start3A_331] : memref<1000000x64xf32, #tpu.memory_space<hbm>> -> memref<1x64xf32, #tpu.memory_space<hbm>>
          %dma_start3A_333 = arith.constant 0 : i32
          %dma_start3A_334 = tpu.memref_slice %arg10[%add3A_328, %dma_start3A_333] : memref<128x64xf32, #tpu.memory_space<vmem>> -> memref<1x64xf32, #tpu.memory_space<vmem>>
          %dma_start3A_335 = arith.constant 0 : i32
          %dma_start3A_336 = tpu.memref_slice %arg3[%squeeze3A_324, %dma_start3A_335] : memref<1000000x64xf32, #tpu.memory_space<hbm>> -> memref<1x64xf32, #tpu.memory_space<hbm>>
          tpu.enqueue_dma source(%dma_start3A_336 : memref<1x64xf32, #tpu.memory_space<hbm>>) target(%dma_start3A_334 : memref<1x64xf32, #tpu.memory_space<vmem>>) target_semaphore(%arg15 : memref<!tpu.dma_semaphore, #tpu.memory_space<semaphore_mem>>)
          %slice3A_337 = vector.extract_strided_slice %get3A_254 {offsets = [6], sizes = [1], strides = [1]} : vector<16xi32> to vector<1xi32>
          %squeeze3A_338 = vector.extract %slice3A_337[0] : i32 from vector<1xi32>
          %mul3A_339 = arith.constant 16 : i32
          %mul3A_340 = arith.muli %scan3A_249, %mul3A_339 : i32
          %add3A_341 = arith.constant 6 : i32
          %add3A_342 = arith.addi %mul3A_340, %add3A_341 : i32
          %dma_start3A_343 = arith.constant 0 : i32
          %dma_start3A_344 = tpu.memref_slice %arg10[%add3A_342, %dma_start3A_343] : memref<128x64xf32, #tpu.memory_space<vmem>> -> memref<1x64xf32, #tpu.memory_space<vmem>>
          %dma_start3A_345 = arith.constant 0 : i32
          %dma_start3A_346 = tpu.memref_slice %arg3[%squeeze3A_338, %dma_start3A_345] : memref<1000000x64xf32, #tpu.memory_space<hbm>> -> memref<1x64xf32, #tpu.memory_space<hbm>>
          %dma_start3A_347 = arith.constant 0 : i32
          %dma_start3A_348 = tpu.memref_slice %arg10[%add3A_342, %dma_start3A_347] : memref<128x64xf32, #tpu.memory_space<vmem>> -> memref<1x64xf32, #tpu.memory_space<vmem>>
          %dma_start3A_349 = arith.constant 0 : i32
          %dma_start3A_350 = tpu.memref_slice %arg3[%squeeze3A_338, %dma_start3A_349] : memref<1000000x64xf32, #tpu.memory_space<hbm>> -> memref<1x64xf32, #tpu.memory_space<hbm>>
          tpu.enqueue_dma source(%dma_start3A_350 : memref<1x64xf32, #tpu.memory_space<hbm>>) target(%dma_start3A_348 : memref<1x64xf32, #tpu.memory_space<vmem>>) target_semaphore(%arg15 : memref<!tpu.dma_semaphore, #tpu.memory_space<semaphore_mem>>)
          %slice3A_351 = vector.extract_strided_slice %get3A_254 {offsets = [7], sizes = [1], strides = [1]} : vector<16xi32> to vector<1xi32>
          %squeeze3A_352 = vector.extract %slice3A_351[0] : i32 from vector<1xi32>
          %mul3A_353 = arith.constant 16 : i32
          %mul3A_354 = arith.muli %scan3A_249, %mul3A_353 : i32
          %add3A_355 = arith.constant 7 : i32
          %add3A_356 = arith.addi %mul3A_354, %add3A_355 : i32
          %dma_start3A_357 = arith.constant 0 : i32
          %dma_start3A_358 = tpu.memref_slice %arg10[%add3A_356, %dma_start3A_357] : memref<128x64xf32, #tpu.memory_space<vmem>> -> memref<1x64xf32, #tpu.memory_space<vmem>>
          %dma_start3A_359 = arith.constant 0 : i32
          %dma_start3A_360 = tpu.memref_slice %arg3[%squeeze3A_352, %dma_start3A_359] : memref<1000000x64xf32, #tpu.memory_space<hbm>> -> memref<1x64xf32, #tpu.memory_space<hbm>>
          %dma_start3A_361 = arith.constant 0 : i32
          %dma_start3A_362 = tpu.memref_slice %arg10[%add3A_356, %dma_start3A_361] : memref<128x64xf32, #tpu.memory_space<vmem>> -> memref<1x64xf32, #tpu.memory_space<vmem>>
          %dma_start3A_363 = arith.constant 0 : i32
          %dma_start3A_364 = tpu.memref_slice %arg3[%squeeze3A_352, %dma_start3A_363] : memref<1000000x64xf32, #tpu.memory_space<hbm>> -> memref<1x64xf32, #tpu.memory_space<hbm>>
          tpu.enqueue_dma source(%dma_start3A_364 : memref<1x64xf32, #tpu.memory_space<hbm>>) target(%dma_start3A_362 : memref<1x64xf32, #tpu.memory_space<vmem>>) target_semaphore(%arg15 : memref<!tpu.dma_semaphore, #tpu.memory_space<semaphore_mem>>)
          %slice3A_365 = vector.extract_strided_slice %get3A_254 {offsets = [8], sizes = [1], strides = [1]} : vector<16xi32> to vector<1xi32>
          %squeeze3A_366 = vector.extract %slice3A_365[0] : i32 from vector<1xi32>
          %mul3A_367 = arith.constant 16 : i32
          %mul3A_368 = arith.muli %scan3A_249, %mul3A_367 : i32
          %add3A_369 = arith.constant 8 : i32
          %add3A_370 = arith.addi %mul3A_368, %add3A_369 : i32
          %dma_start3A_371 = arith.constant 0 : i32
          %dma_start3A_372 = tpu.memref_slice %arg10[%add3A_370, %dma_start3A_371] : memref<128x64xf32, #tpu.memory_space<vmem>> -> memref<1x64xf32, #tpu.memory_space<vmem>>
          %dma_start3A_373 = arith.constant 0 : i32
          %dma_start3A_374 = tpu.memref_slice %arg3[%squeeze3A_366, %dma_start3A_373] : memref<1000000x64xf32, #tpu.memory_space<hbm>> -> memref<1x64xf32, #tpu.memory_space<hbm>>
          %dma_start3A_375 = arith.constant 0 : i32
          %dma_start3A_376 = tpu.memref_slice %arg10[%add3A_370, %dma_start3A_375] : memref<128x64xf32, #tpu.memory_space<vmem>> -> memref<1x64xf32, #tpu.memory_space<vmem>>
          %dma_start3A_377 = arith.constant 0 : i32
          %dma_start3A_378 = tpu.memref_slice %arg3[%squeeze3A_366, %dma_start3A_377] : memref<1000000x64xf32, #tpu.memory_space<hbm>> -> memref<1x64xf32, #tpu.memory_space<hbm>>
          tpu.enqueue_dma source(%dma_start3A_378 : memref<1x64xf32, #tpu.memory_space<hbm>>) target(%dma_start3A_376 : memref<1x64xf32, #tpu.memory_space<vmem>>) target_semaphore(%arg15 : memref<!tpu.dma_semaphore, #tpu.memory_space<semaphore_mem>>)
          %slice3A_379 = vector.extract_strided_slice %get3A_254 {offsets = [9], sizes = [1], strides = [1]} : vector<16xi32> to vector<1xi32>
          %squeeze3A_380 = vector.extract %slice3A_379[0] : i32 from vector<1xi32>
          %mul3A_381 = arith.constant 16 : i32
          %mul3A_382 = arith.muli %scan3A_249, %mul3A_381 : i32
          %add3A_383 = arith.constant 9 : i32
          %add3A_384 = arith.addi %mul3A_382, %add3A_383 : i32
          %dma_start3A_385 = arith.constant 0 : i32
          %dma_start3A_386 = tpu.memref_slice %arg10[%add3A_384, %dma_start3A_385] : memref<128x64xf32, #tpu.memory_space<vmem>> -> memref<1x64xf32, #tpu.memory_space<vmem>>
          %dma_start3A_387 = arith.constant 0 : i32
          %dma_start3A_388 = tpu.memref_slice %arg3[%squeeze3A_380, %dma_start3A_387] : memref<1000000x64xf32, #tpu.memory_space<hbm>> -> memref<1x64xf32, #tpu.memory_space<hbm>>
          %dma_start3A_389 = arith.constant 0 : i32
          %dma_start3A_390 = tpu.memref_slice %arg10[%add3A_384, %dma_start3A_389] : memref<128x64xf32, #tpu.memory_space<vmem>> -> memref<1x64xf32, #tpu.memory_space<vmem>>
          %dma_start3A_391 = arith.constant 0 : i32
          %dma_start3A_392 = tpu.memref_slice %arg3[%squeeze3A_380, %dma_start3A_391] : memref<1000000x64xf32, #tpu.memory_space<hbm>> -> memref<1x64xf32, #tpu.memory_space<hbm>>
          tpu.enqueue_dma source(%dma_start3A_392 : memref<1x64xf32, #tpu.memory_space<hbm>>) target(%dma_start3A_390 : memref<1x64xf32, #tpu.memory_space<vmem>>) target_semaphore(%arg15 : memref<!tpu.dma_semaphore, #tpu.memory_space<semaphore_mem>>)
          %slice3A_393 = vector.extract_strided_slice %get3A_254 {offsets = [10], sizes = [1], strides = [1]} : vector<16xi32> to vector<1xi32>
          %squeeze3A_394 = vector.extract %slice3A_393[0] : i32 from vector<1xi32>
          %mul3A_395 = arith.constant 16 : i32
          %mul3A_396 = arith.muli %scan3A_249, %mul3A_395 : i32
          %add3A_397 = arith.constant 10 : i32
          %add3A_398 = arith.addi %mul3A_396, %add3A_397 : i32
          %dma_start3A_399 = arith.constant 0 : i32
          %dma_start3A_400 = tpu.memref_slice %arg10[%add3A_398, %dma_start3A_399] : memref<128x64xf32, #tpu.memory_space<vmem>> -> memref<1x64xf32, #tpu.memory_space<vmem>>
          %dma_start3A_401 = arith.constant 0 : i32
          %dma_start3A_402 = tpu.memref_slice %arg3[%squeeze3A_394, %dma_start3A_401] : memref<1000000x64xf32, #tpu.memory_space<hbm>> -> memref<1x64xf32, #tpu.memory_space<hbm>>
          %dma_start3A_403 = arith.constant 0 : i32
          %dma_start3A_404 = tpu.memref_slice %arg10[%add3A_398, %dma_start3A_403] : memref<128x64xf32, #tpu.memory_space<vmem>> -> memref<1x64xf32, #tpu.memory_space<vmem>>
          %dma_start3A_405 = arith.constant 0 : i32
          %dma_start3A_406 = tpu.memref_slice %arg3[%squeeze3A_394, %dma_start3A_405] : memref<1000000x64xf32, #tpu.memory_space<hbm>> -> memref<1x64xf32, #tpu.memory_space<hbm>>
          tpu.enqueue_dma source(%dma_start3A_406 : memref<1x64xf32, #tpu.memory_space<hbm>>) target(%dma_start3A_404 : memref<1x64xf32, #tpu.memory_space<vmem>>) target_semaphore(%arg15 : memref<!tpu.dma_semaphore, #tpu.memory_space<semaphore_mem>>)
          %slice3A_407 = vector.extract_strided_slice %get3A_254 {offsets = [11], sizes = [1], strides = [1]} : vector<16xi32> to vector<1xi32>
          %squeeze3A_408 = vector.extract %slice3A_407[0] : i32 from vector<1xi32>
          %mul3A_409 = arith.constant 16 : i32
          %mul3A_410 = arith.muli %scan3A_249, %mul3A_409 : i32
          %add3A_411 = arith.constant 11 : i32
          %add3A_412 = arith.addi %mul3A_410, %add3A_411 : i32
          %dma_start3A_413 = arith.constant 0 : i32
          %dma_start3A_414 = tpu.memref_slice %arg10[%add3A_412, %dma_start3A_413] : memref<128x64xf32, #tpu.memory_space<vmem>> -> memref<1x64xf32, #tpu.memory_space<vmem>>
          %dma_start3A_415 = arith.constant 0 : i32
          %dma_start3A_416 = tpu.memref_slice %arg3[%squeeze3A_408, %dma_start3A_415] : memref<1000000x64xf32, #tpu.memory_space<hbm>> -> memref<1x64xf32, #tpu.memory_space<hbm>>
          %dma_start3A_417 = arith.constant 0 : i32
          %dma_start3A_418 = tpu.memref_slice %arg10[%add3A_412, %dma_start3A_417] : memref<128x64xf32, #tpu.memory_space<vmem>> -> memref<1x64xf32, #tpu.memory_space<vmem>>
          %dma_start3A_419 = arith.constant 0 : i32
          %dma_start3A_420 = tpu.memref_slice %arg3[%squeeze3A_408, %dma_start3A_419] : memref<1000000x64xf32, #tpu.memory_space<hbm>> -> memref<1x64xf32, #tpu.memory_space<hbm>>
          tpu.enqueue_dma source(%dma_start3A_420 : memref<1x64xf32, #tpu.memory_space<hbm>>) target(%dma_start3A_418 : memref<1x64xf32, #tpu.memory_space<vmem>>) target_semaphore(%arg15 : memref<!tpu.dma_semaphore, #tpu.memory_space<semaphore_mem>>)
          %slice3A_421 = vector.extract_strided_slice %get3A_254 {offsets = [12], sizes = [1], strides = [1]} : vector<16xi32> to vector<1xi32>
          %squeeze3A_422 = vector.extract %slice3A_421[0] : i32 from vector<1xi32>
          %mul3A_423 = arith.constant 16 : i32
          %mul3A_424 = arith.muli %scan3A_249, %mul3A_423 : i32
          %add3A_425 = arith.constant 12 : i32
          %add3A_426 = arith.addi %mul3A_424, %add3A_425 : i32
          %dma_start3A_427 = arith.constant 0 : i32
          %dma_start3A_428 = tpu.memref_slice %arg10[%add3A_426, %dma_start3A_427] : memref<128x64xf32, #tpu.memory_space<vmem>> -> memref<1x64xf32, #tpu.memory_space<vmem>>
          %dma_start3A_429 = arith.constant 0 : i32
          %dma_start3A_430 = tpu.memref_slice %arg3[%squeeze3A_422, %dma_start3A_429] : memref<1000000x64xf32, #tpu.memory_space<hbm>> -> memref<1x64xf32, #tpu.memory_space<hbm>>
          %dma_start3A_431 = arith.constant 0 : i32
          %dma_start3A_432 = tpu.memref_slice %arg10[%add3A_426, %dma_start3A_431] : memref<128x64xf32, #tpu.memory_space<vmem>> -> memref<1x64xf32, #tpu.memory_space<vmem>>
          %dma_start3A_433 = arith.constant 0 : i32
          %dma_start3A_434 = tpu.memref_slice %arg3[%squeeze3A_422, %dma_start3A_433] : memref<1000000x64xf32, #tpu.memory_space<hbm>> -> memref<1x64xf32, #tpu.memory_space<hbm>>
          tpu.enqueue_dma source(%dma_start3A_434 : memref<1x64xf32, #tpu.memory_space<hbm>>) target(%dma_start3A_432 : memref<1x64xf32, #tpu.memory_space<vmem>>) target_semaphore(%arg15 : memref<!tpu.dma_semaphore, #tpu.memory_space<semaphore_mem>>)
          %slice3A_435 = vector.extract_strided_slice %get3A_254 {offsets = [13], sizes = [1], strides = [1]} : vector<16xi32> to vector<1xi32>
          %squeeze3A_436 = vector.extract %slice3A_435[0] : i32 from vector<1xi32>
          %mul3A_437 = arith.constant 16 : i32
          %mul3A_438 = arith.muli %scan3A_249, %mul3A_437 : i32
          %add3A_439 = arith.constant 13 : i32
          %add3A_440 = arith.addi %mul3A_438, %add3A_439 : i32
          %dma_start3A_441 = arith.constant 0 : i32
          %dma_start3A_442 = tpu.memref_slice %arg10[%add3A_440, %dma_start3A_441] : memref<128x64xf32, #tpu.memory_space<vmem>> -> memref<1x64xf32, #tpu.memory_space<vmem>>
          %dma_start3A_443 = arith.constant 0 : i32
          %dma_start3A_444 = tpu.memref_slice %arg3[%squeeze3A_436, %dma_start3A_443] : memref<1000000x64xf32, #tpu.memory_space<hbm>> -> memref<1x64xf32, #tpu.memory_space<hbm>>
          %dma_start3A_445 = arith.constant 0 : i32
          %dma_start3A_446 = tpu.memref_slice %arg10[%add3A_440, %dma_start3A_445] : memref<128x64xf32, #tpu.memory_space<vmem>> -> memref<1x64xf32, #tpu.memory_space<vmem>>
          %dma_start3A_447 = arith.constant 0 : i32
          %dma_start3A_448 = tpu.memref_slice %arg3[%squeeze3A_436, %dma_start3A_447] : memref<1000000x64xf32, #tpu.memory_space<hbm>> -> memref<1x64xf32, #tpu.memory_space<hbm>>
          tpu.enqueue_dma source(%dma_start3A_448 : memref<1x64xf32, #tpu.memory_space<hbm>>) target(%dma_start3A_446 : memref<1x64xf32, #tpu.memory_space<vmem>>) target_semaphore(%arg15 : memref<!tpu.dma_semaphore, #tpu.memory_space<semaphore_mem>>)
          %slice3A_449 = vector.extract_strided_slice %get3A_254 {offsets = [14], sizes = [1], strides = [1]} : vector<16xi32> to vector<1xi32>
          %squeeze3A_450 = vector.extract %slice3A_449[0] : i32 from vector<1xi32>
          %mul3A_451 = arith.constant 16 : i32
          %mul3A_452 = arith.muli %scan3A_249, %mul3A_451 : i32
          %add3A_453 = arith.constant 14 : i32
          %add3A_454 = arith.addi %mul3A_452, %add3A_453 : i32
          %dma_start3A_455 = arith.constant 0 : i32
          %dma_start3A_456 = tpu.memref_slice %arg10[%add3A_454, %dma_start3A_455] : memref<128x64xf32, #tpu.memory_space<vmem>> -> memref<1x64xf32, #tpu.memory_space<vmem>>
          %dma_start3A_457 = arith.constant 0 : i32
          %dma_start3A_458 = tpu.memref_slice %arg3[%squeeze3A_450, %dma_start3A_457] : memref<1000000x64xf32, #tpu.memory_space<hbm>> -> memref<1x64xf32, #tpu.memory_space<hbm>>
          %dma_start3A_459 = arith.constant 0 : i32
          %dma_start3A_460 = tpu.memref_slice %arg10[%add3A_454, %dma_start3A_459] : memref<128x64xf32, #tpu.memory_space<vmem>> -> memref<1x64xf32, #tpu.memory_space<vmem>>
          %dma_start3A_461 = arith.constant 0 : i32
          %dma_start3A_462 = tpu.memref_slice %arg3[%squeeze3A_450, %dma_start3A_461] : memref<1000000x64xf32, #tpu.memory_space<hbm>> -> memref<1x64xf32, #tpu.memory_space<hbm>>
          tpu.enqueue_dma source(%dma_start3A_462 : memref<1x64xf32, #tpu.memory_space<hbm>>) target(%dma_start3A_460 : memref<1x64xf32, #tpu.memory_space<vmem>>) target_semaphore(%arg15 : memref<!tpu.dma_semaphore, #tpu.memory_space<semaphore_mem>>)
          %slice3A_463 = vector.extract_strided_slice %get3A_254 {offsets = [15], sizes = [1], strides = [1]} : vector<16xi32> to vector<1xi32>
          %squeeze3A_464 = vector.extract %slice3A_463[0] : i32 from vector<1xi32>
          %mul3A_465 = arith.constant 16 : i32
          %mul3A_466 = arith.muli %scan3A_249, %mul3A_465 : i32
          %add3A_467 = arith.constant 15 : i32
          %add3A_468 = arith.addi %mul3A_466, %add3A_467 : i32
          %dma_start3A_469 = arith.constant 0 : i32
          %dma_start3A_470 = tpu.memref_slice %arg10[%add3A_468, %dma_start3A_469] : memref<128x64xf32, #tpu.memory_space<vmem>> -> memref<1x64xf32, #tpu.memory_space<vmem>>
          %dma_start3A_471 = arith.constant 0 : i32
          %dma_start3A_472 = tpu.memref_slice %arg3[%squeeze3A_464, %dma_start3A_471] : memref<1000000x64xf32, #tpu.memory_space<hbm>> -> memref<1x64xf32, #tpu.memory_space<hbm>>
          %dma_start3A_473 = arith.constant 0 : i32
          %dma_start3A_474 = tpu.memref_slice %arg10[%add3A_468, %dma_start3A_473] : memref<128x64xf32, #tpu.memory_space<vmem>> -> memref<1x64xf32, #tpu.memory_space<vmem>>
          %dma_start3A_475 = arith.constant 0 : i32
          %dma_start3A_476 = tpu.memref_slice %arg3[%squeeze3A_464, %dma_start3A_475] : memref<1000000x64xf32, #tpu.memory_space<hbm>> -> memref<1x64xf32, #tpu.memory_space<hbm>>
          tpu.enqueue_dma source(%dma_start3A_476 : memref<1x64xf32, #tpu.memory_space<hbm>>) target(%dma_start3A_474 : memref<1x64xf32, #tpu.memory_space<vmem>>) target_semaphore(%arg15 : memref<!tpu.dma_semaphore, #tpu.memory_space<semaphore_mem>>)
        }
        %scan3A_248 = arith.constant 8 : i32
      } else {
      }
      %add3A_83 = arith.constant 1 : i32
      %add3A_84 = arith.addi %mul3A_49, %add3A_83 : i32
      %dma_wait3A_85 = arith.constant 0 : i32
      %dma_wait3A_86 = arith.constant 0 : i32
      %dma_wait3A_87 = tpu.memref_slice %arg3[%dma_wait3A_85, %dma_wait3A_86] : memref<1000000x64xf32, #tpu.memory_space<hbm>> -> memref<128x64xf32, #tpu.memory_space<hbm>>
      %dma_wait3A_88 = arith.constant 0 : i32
      %dma_wait3A_89 = arith.constant 0 : i32
      %dma_wait3A_90 = tpu.memref_slice %arg3[%dma_wait3A_88, %dma_wait3A_89] : memref<1000000x64xf32, #tpu.memory_space<hbm>> -> memref<128x64xf32, #tpu.memory_space<hbm>>
      tpu.wait_dma2 semaphore(%arg12 : memref<!tpu.dma_semaphore, #tpu.memory_space<semaphore_mem>>) src(%dma_wait3A_90 : memref<128x64xf32, #tpu.memory_space<hbm>>) dst(%arg7 : memref<128x64xf32, #tpu.memory_space<vmem>>)
      %mul3A_91 = arith.constant 128 : i32
      %mul3A_92 = arith.muli %add3A_84, %mul3A_91 : i32
      %add3A_93 = arith.addi %mul3A_2, %mul3A_92 : i32
      %shift_right_arithmetic3A_94 = arith.constant 12 : i32
      %shift_right_arithmetic3A_95 = arith.shrsi %add3A_93, %shift_right_arithmetic3A_94 : i32
      %and3A_96 = arith.constant 4095 : i32
      %and3A_97 = arith.andi %add3A_93, %and3A_96 : i32
      %multiple_of3A_98 = tpu.assume_multiple %and3A_97, 128 : i32
      %dma_start3A_99 = arith.constant 0 : i32
      %dma_start3A_100 = tpu.memref_slice %arg4[%shift_right_arithmetic3A_95, %multiple_of3A_98, %dma_start3A_99] : memref<50x4096x64xf32, #tpu.memory_space<hbm>> -> memref<1x128x64xf32, #tpu.memory_space<hbm>>
      %dma_start3A_101 = tpu.memref_squeeze %dma_start3A_100 : memref<1x128x64xf32, #tpu.memory_space<hbm>> -> memref<128x64xf32, #tpu.memory_space<hbm>>
      %dma_start3A_102 = arith.constant 0 : i32
      %dma_start3A_103 = tpu.memref_slice %arg4[%shift_right_arithmetic3A_95, %multiple_of3A_98, %dma_start3A_102] : memref<50x4096x64xf32, #tpu.memory_space<hbm>> -> memref<1x128x64xf32, #tpu.memory_space<hbm>>
      %dma_start3A_104 = tpu.memref_squeeze %dma_start3A_103 : memref<1x128x64xf32, #tpu.memory_space<hbm>> -> memref<128x64xf32, #tpu.memory_space<hbm>>
      tpu.enqueue_dma source(%arg7 : memref<128x64xf32, #tpu.memory_space<vmem>>) target(%dma_start3A_104 : memref<128x64xf32, #tpu.memory_space<hbm>>) target_semaphore(%arg17 : memref<!tpu.dma_semaphore, #tpu.memory_space<semaphore_mem>>)
      %ge3A_105 = arith.constant 1 : i32
      %ge3A_106 = arith.cmpi sge, %add3A_84, %ge3A_105 : i32
      %convert_element_type3A_107 = arith.extui %ge3A_106 : i1 to i32
      %cond3A_108 = arith.constant 0 : i32
      %cond3A_109 = arith.cmpi ne, %convert_element_type3A_107, %cond3A_108 : i32
      scf.if %cond3A_109 {
        %sub3A_239 = arith.constant 1 : i32
        %sub3A_240 = arith.subi %add3A_84, %sub3A_239 : i32
        %mul3A_241 = arith.constant 128 : i32
        %mul3A_242 = arith.muli %sub3A_240, %mul3A_241 : i32
        %add3A_243 = arith.addi %mul3A_2, %mul3A_242 : i32
        %shift_right_arithmetic3A_244 = arith.constant 12 : i32
        %shift_right_arithmetic3A_245 = arith.shrsi %add3A_243, %shift_right_arithmetic3A_244 : i32
        %and3A_246 = arith.constant 4095 : i32
        %and3A_247 = arith.andi %add3A_243, %and3A_246 : i32
        %multiple_of3A_248 = tpu.assume_multiple %and3A_247, 128 : i32
        %dma_wait3A_249 = arith.constant 0 : i32
        %dma_wait3A_250 = tpu.memref_slice %arg4[%shift_right_arithmetic3A_245, %multiple_of3A_248, %dma_wait3A_249] : memref<50x4096x64xf32, #tpu.memory_space<hbm>> -> memref<1x128x64xf32, #tpu.memory_space<hbm>>
        %dma_wait3A_251 = tpu.memref_squeeze %dma_wait3A_250 : memref<1x128x64xf32, #tpu.memory_space<hbm>> -> memref<128x64xf32, #tpu.memory_space<hbm>>
        %dma_wait3A_252 = arith.constant 0 : i32
        %dma_wait3A_253 = tpu.memref_slice %arg4[%shift_right_arithmetic3A_245, %multiple_of3A_248, %dma_wait3A_252] : memref<50x4096x64xf32, #tpu.memory_space<hbm>> -> memref<1x128x64xf32, #tpu.memory_space<hbm>>
        %dma_wait3A_254 = tpu.memref_squeeze %dma_wait3A_253 : memref<1x128x64xf32, #tpu.memory_space<hbm>> -> memref<128x64xf32, #tpu.memory_space<hbm>>
        tpu.wait_dma2 semaphore(%arg16 : memref<!tpu.dma_semaphore, #tpu.memory_space<semaphore_mem>>) src(%arg6 : memref<128x64xf32, #tpu.memory_space<vmem>>) dst(%dma_wait3A_254 : memref<128x64xf32, #tpu.memory_space<hbm>>)
      } else {
      }
      %ge3A_110 = arith.constant 1 : i32
      %ge3A_111 = arith.cmpi sge, %add3A_84, %ge3A_110 : i32
      %sub3A_112 = arith.constant 1 : i32
      %sub3A_113 = arith.subi %add3A_84, %sub3A_112 : i32
      %add3A_114 = arith.constant 5 : i32
      %add3A_115 = arith.addi %sub3A_113, %add3A_114 : i32
      %lt3A_116 = arith.constant 50 : i32
      %lt3A_117 = arith.cmpi slt, %add3A_115, %lt3A_116 : i32
      %and3A_118 = arith.andi %ge3A_111, %lt3A_117 : i1
      %convert_element_type3A_119 = arith.extui %and3A_118 : i1 to i32
      %cond3A_120 = arith.constant 0 : i32
      %cond3A_121 = arith.cmpi ne, %convert_element_type3A_119, %cond3A_120 : i32
      scf.if %cond3A_121 {
        %sub3A_239 = arith.constant 1 : i32
        %sub3A_240 = arith.subi %add3A_84, %sub3A_239 : i32
        %add3A_241 = arith.constant 5 : i32
        %add3A_242 = arith.addi %sub3A_240, %add3A_241 : i32
        %scan3A_243 = arith.constant 0 : i32
        %scan3A_244 = arith.constant 0 : i32
        %scan3A_245 = arith.constant 8 : i32
        %scan3A_246 = arith.addi %scan3A_244, %scan3A_245 : i32
        %scan3A_247 = arith.constant 1 : i32
        scf.for %scan3A_249 = %scan3A_244 to %scan3A_246 step %scan3A_247  : i32 {
          %mul3A_250 = arith.constant 16 : i32
          %mul3A_251 = arith.muli %scan3A_249, %mul3A_250 : i32
          %get3A = arith.index_cast %add3A_242 : i32 to index
          %get3A_252 = arith.index_cast %mul3A_251 : i32 to index
          %get3A_253 = tpu.vector_load %arg5[%get3A, %get3A_252] {strides = array<i32>} : memref<50x128xi32, #tpu.memory_space<vmem>>, vector<1x16xi32>,
          %get3A_254 = vector.shape_cast %get3A_253 : vector<1x16xi32> to vector<16xi32>
          %slice3A = vector.extract_strided_slice %get3A_254 {offsets = [0], sizes = [1], strides = [1]} : vector<16xi32> to vector<1xi32>
          %squeeze3A = vector.extract %slice3A[0] : i32 from vector<1xi32>
          %mul3A_255 = arith.constant 16 : i32
          %mul3A_256 = arith.muli %scan3A_249, %mul3A_255 : i32
          %add3A_257 = arith.constant 0 : i32
          %add3A_258 = arith.addi %mul3A_256, %add3A_257 : i32
          %dma_start3A_259 = arith.constant 0 : i32
          %dma_start3A_260 = tpu.memref_slice %arg6[%add3A_258, %dma_start3A_259] : memref<128x64xf32, #tpu.memory_space<vmem>> -> memref<1x64xf32, #tpu.memory_space<vmem>>
          %dma_start3A_261 = arith.constant 0 : i32
          %dma_start3A_262 = tpu.memref_slice %arg3[%squeeze3A, %dma_start3A_261] : memref<1000000x64xf32, #tpu.memory_space<hbm>> -> memref<1x64xf32, #tpu.memory_space<hbm>>
          %dma_start3A_263 = arith.constant 0 : i32
          %dma_start3A_264 = tpu.memref_slice %arg6[%add3A_258, %dma_start3A_263] : memref<128x64xf32, #tpu.memory_space<vmem>> -> memref<1x64xf32, #tpu.memory_space<vmem>>
          %dma_start3A_265 = arith.constant 0 : i32
          %dma_start3A_266 = tpu.memref_slice %arg3[%squeeze3A, %dma_start3A_265] : memref<1000000x64xf32, #tpu.memory_space<hbm>> -> memref<1x64xf32, #tpu.memory_space<hbm>>
          tpu.enqueue_dma source(%dma_start3A_266 : memref<1x64xf32, #tpu.memory_space<hbm>>) target(%dma_start3A_264 : memref<1x64xf32, #tpu.memory_space<vmem>>) target_semaphore(%arg11 : memref<!tpu.dma_semaphore, #tpu.memory_space<semaphore_mem>>)
          %slice3A_267 = vector.extract_strided_slice %get3A_254 {offsets = [1], sizes = [1], strides = [1]} : vector<16xi32> to vector<1xi32>
          %squeeze3A_268 = vector.extract %slice3A_267[0] : i32 from vector<1xi32>
          %mul3A_269 = arith.constant 16 : i32
          %mul3A_270 = arith.muli %scan3A_249, %mul3A_269 : i32
          %add3A_271 = arith.constant 1 : i32
          %add3A_272 = arith.addi %mul3A_270, %add3A_271 : i32
          %dma_start3A_273 = arith.constant 0 : i32
          %dma_start3A_274 = tpu.memref_slice %arg6[%add3A_272, %dma_start3A_273] : memref<128x64xf32, #tpu.memory_space<vmem>> -> memref<1x64xf32, #tpu.memory_space<vmem>>
          %dma_start3A_275 = arith.constant 0 : i32
          %dma_start3A_276 = tpu.memref_slice %arg3[%squeeze3A_268, %dma_start3A_275] : memref<1000000x64xf32, #tpu.memory_space<hbm>> -> memref<1x64xf32, #tpu.memory_space<hbm>>
          %dma_start3A_277 = arith.constant 0 : i32
          %dma_start3A_278 = tpu.memref_slice %arg6[%add3A_272, %dma_start3A_277] : memref<128x64xf32, #tpu.memory_space<vmem>> -> memref<1x64xf32, #tpu.memory_space<vmem>>
          %dma_start3A_279 = arith.constant 0 : i32
          %dma_start3A_280 = tpu.memref_slice %arg3[%squeeze3A_268, %dma_start3A_279] : memref<1000000x64xf32, #tpu.memory_space<hbm>> -> memref<1x64xf32, #tpu.memory_space<hbm>>
          tpu.enqueue_dma source(%dma_start3A_280 : memref<1x64xf32, #tpu.memory_space<hbm>>) target(%dma_start3A_278 : memref<1x64xf32, #tpu.memory_space<vmem>>) target_semaphore(%arg11 : memref<!tpu.dma_semaphore, #tpu.memory_space<semaphore_mem>>)
          %slice3A_281 = vector.extract_strided_slice %get3A_254 {offsets = [2], sizes = [1], strides = [1]} : vector<16xi32> to vector<1xi32>
          %squeeze3A_282 = vector.extract %slice3A_281[0] : i32 from vector<1xi32>
          %mul3A_283 = arith.constant 16 : i32
          %mul3A_284 = arith.muli %scan3A_249, %mul3A_283 : i32
          %add3A_285 = arith.constant 2 : i32
          %add3A_286 = arith.addi %mul3A_284, %add3A_285 : i32
          %dma_start3A_287 = arith.constant 0 : i32
          %dma_start3A_288 = tpu.memref_slice %arg6[%add3A_286, %dma_start3A_287] : memref<128x64xf32, #tpu.memory_space<vmem>> -> memref<1x64xf32, #tpu.memory_space<vmem>>
          %dma_start3A_289 = arith.constant 0 : i32
          %dma_start3A_290 = tpu.memref_slice %arg3[%squeeze3A_282, %dma_start3A_289] : memref<1000000x64xf32, #tpu.memory_space<hbm>> -> memref<1x64xf32, #tpu.memory_space<hbm>>
          %dma_start3A_291 = arith.constant 0 : i32
          %dma_start3A_292 = tpu.memref_slice %arg6[%add3A_286, %dma_start3A_291] : memref<128x64xf32, #tpu.memory_space<vmem>> -> memref<1x64xf32, #tpu.memory_space<vmem>>
          %dma_start3A_293 = arith.constant 0 : i32
          %dma_start3A_294 = tpu.memref_slice %arg3[%squeeze3A_282, %dma_start3A_293] : memref<1000000x64xf32, #tpu.memory_space<hbm>> -> memref<1x64xf32, #tpu.memory_space<hbm>>
          tpu.enqueue_dma source(%dma_start3A_294 : memref<1x64xf32, #tpu.memory_space<hbm>>) target(%dma_start3A_292 : memref<1x64xf32, #tpu.memory_space<vmem>>) target_semaphore(%arg11 : memref<!tpu.dma_semaphore, #tpu.memory_space<semaphore_mem>>)
          %slice3A_295 = vector.extract_strided_slice %get3A_254 {offsets = [3], sizes = [1], strides = [1]} : vector<16xi32> to vector<1xi32>
          %squeeze3A_296 = vector.extract %slice3A_295[0] : i32 from vector<1xi32>
          %mul3A_297 = arith.constant 16 : i32
          %mul3A_298 = arith.muli %scan3A_249, %mul3A_297 : i32
          %add3A_299 = arith.constant 3 : i32
          %add3A_300 = arith.addi %mul3A_298, %add3A_299 : i32
          %dma_start3A_301 = arith.constant 0 : i32
          %dma_start3A_302 = tpu.memref_slice %arg6[%add3A_300, %dma_start3A_301] : memref<128x64xf32, #tpu.memory_space<vmem>> -> memref<1x64xf32, #tpu.memory_space<vmem>>
          %dma_start3A_303 = arith.constant 0 : i32
          %dma_start3A_304 = tpu.memref_slice %arg3[%squeeze3A_296, %dma_start3A_303] : memref<1000000x64xf32, #tpu.memory_space<hbm>> -> memref<1x64xf32, #tpu.memory_space<hbm>>
          %dma_start3A_305 = arith.constant 0 : i32
          %dma_start3A_306 = tpu.memref_slice %arg6[%add3A_300, %dma_start3A_305] : memref<128x64xf32, #tpu.memory_space<vmem>> -> memref<1x64xf32, #tpu.memory_space<vmem>>
          %dma_start3A_307 = arith.constant 0 : i32
          %dma_start3A_308 = tpu.memref_slice %arg3[%squeeze3A_296, %dma_start3A_307] : memref<1000000x64xf32, #tpu.memory_space<hbm>> -> memref<1x64xf32, #tpu.memory_space<hbm>>
          tpu.enqueue_dma source(%dma_start3A_308 : memref<1x64xf32, #tpu.memory_space<hbm>>) target(%dma_start3A_306 : memref<1x64xf32, #tpu.memory_space<vmem>>) target_semaphore(%arg11 : memref<!tpu.dma_semaphore, #tpu.memory_space<semaphore_mem>>)
          %slice3A_309 = vector.extract_strided_slice %get3A_254 {offsets = [4], sizes = [1], strides = [1]} : vector<16xi32> to vector<1xi32>
          %squeeze3A_310 = vector.extract %slice3A_309[0] : i32 from vector<1xi32>
          %mul3A_311 = arith.constant 16 : i32
          %mul3A_312 = arith.muli %scan3A_249, %mul3A_311 : i32
          %add3A_313 = arith.constant 4 : i32
          %add3A_314 = arith.addi %mul3A_312, %add3A_313 : i32
          %dma_start3A_315 = arith.constant 0 : i32
          %dma_start3A_316 = tpu.memref_slice %arg6[%add3A_314, %dma_start3A_315] : memref<128x64xf32, #tpu.memory_space<vmem>> -> memref<1x64xf32, #tpu.memory_space<vmem>>
          %dma_start3A_317 = arith.constant 0 : i32
          %dma_start3A_318 = tpu.memref_slice %arg3[%squeeze3A_310, %dma_start3A_317] : memref<1000000x64xf32, #tpu.memory_space<hbm>> -> memref<1x64xf32, #tpu.memory_space<hbm>>
          %dma_start3A_319 = arith.constant 0 : i32
          %dma_start3A_320 = tpu.memref_slice %arg6[%add3A_314, %dma_start3A_319] : memref<128x64xf32, #tpu.memory_space<vmem>> -> memref<1x64xf32, #tpu.memory_space<vmem>>
          %dma_start3A_321 = arith.constant 0 : i32
          %dma_start3A_322 = tpu.memref_slice %arg3[%squeeze3A_310, %dma_start3A_321] : memref<1000000x64xf32, #tpu.memory_space<hbm>> -> memref<1x64xf32, #tpu.memory_space<hbm>>
          tpu.enqueue_dma source(%dma_start3A_322 : memref<1x64xf32, #tpu.memory_space<hbm>>) target(%dma_start3A_320 : memref<1x64xf32, #tpu.memory_space<vmem>>) target_semaphore(%arg11 : memref<!tpu.dma_semaphore, #tpu.memory_space<semaphore_mem>>)
          %slice3A_323 = vector.extract_strided_slice %get3A_254 {offsets = [5], sizes = [1], strides = [1]} : vector<16xi32> to vector<1xi32>
          %squeeze3A_324 = vector.extract %slice3A_323[0] : i32 from vector<1xi32>
          %mul3A_325 = arith.constant 16 : i32
          %mul3A_326 = arith.muli %scan3A_249, %mul3A_325 : i32
          %add3A_327 = arith.constant 5 : i32
          %add3A_328 = arith.addi %mul3A_326, %add3A_327 : i32
          %dma_start3A_329 = arith.constant 0 : i32
          %dma_start3A_330 = tpu.memref_slice %arg6[%add3A_328, %dma_start3A_329] : memref<128x64xf32, #tpu.memory_space<vmem>> -> memref<1x64xf32, #tpu.memory_space<vmem>>
          %dma_start3A_331 = arith.constant 0 : i32
          %dma_start3A_332 = tpu.memref_slice %arg3[%squeeze3A_324, %dma_start3A_331] : memref<1000000x64xf32, #tpu.memory_space<hbm>> -> memref<1x64xf32, #tpu.memory_space<hbm>>
          %dma_start3A_333 = arith.constant 0 : i32
          %dma_start3A_334 = tpu.memref_slice %arg6[%add3A_328, %dma_start3A_333] : memref<128x64xf32, #tpu.memory_space<vmem>> -> memref<1x64xf32, #tpu.memory_space<vmem>>
          %dma_start3A_335 = arith.constant 0 : i32
          %dma_start3A_336 = tpu.memref_slice %arg3[%squeeze3A_324, %dma_start3A_335] : memref<1000000x64xf32, #tpu.memory_space<hbm>> -> memref<1x64xf32, #tpu.memory_space<hbm>>
          tpu.enqueue_dma source(%dma_start3A_336 : memref<1x64xf32, #tpu.memory_space<hbm>>) target(%dma_start3A_334 : memref<1x64xf32, #tpu.memory_space<vmem>>) target_semaphore(%arg11 : memref<!tpu.dma_semaphore, #tpu.memory_space<semaphore_mem>>)
          %slice3A_337 = vector.extract_strided_slice %get3A_254 {offsets = [6], sizes = [1], strides = [1]} : vector<16xi32> to vector<1xi32>
          %squeeze3A_338 = vector.extract %slice3A_337[0] : i32 from vector<1xi32>
          %mul3A_339 = arith.constant 16 : i32
          %mul3A_340 = arith.muli %scan3A_249, %mul3A_339 : i32
          %add3A_341 = arith.constant 6 : i32
          %add3A_342 = arith.addi %mul3A_340, %add3A_341 : i32
          %dma_start3A_343 = arith.constant 0 : i32
          %dma_start3A_344 = tpu.memref_slice %arg6[%add3A_342, %dma_start3A_343] : memref<128x64xf32, #tpu.memory_space<vmem>> -> memref<1x64xf32, #tpu.memory_space<vmem>>
          %dma_start3A_345 = arith.constant 0 : i32
          %dma_start3A_346 = tpu.memref_slice %arg3[%squeeze3A_338, %dma_start3A_345] : memref<1000000x64xf32, #tpu.memory_space<hbm>> -> memref<1x64xf32, #tpu.memory_space<hbm>>
          %dma_start3A_347 = arith.constant 0 : i32
          %dma_start3A_348 = tpu.memref_slice %arg6[%add3A_342, %dma_start3A_347] : memref<128x64xf32, #tpu.memory_space<vmem>> -> memref<1x64xf32, #tpu.memory_space<vmem>>
          %dma_start3A_349 = arith.constant 0 : i32
          %dma_start3A_350 = tpu.memref_slice %arg3[%squeeze3A_338, %dma_start3A_349] : memref<1000000x64xf32, #tpu.memory_space<hbm>> -> memref<1x64xf32, #tpu.memory_space<hbm>>
          tpu.enqueue_dma source(%dma_start3A_350 : memref<1x64xf32, #tpu.memory_space<hbm>>) target(%dma_start3A_348 : memref<1x64xf32, #tpu.memory_space<vmem>>) target_semaphore(%arg11 : memref<!tpu.dma_semaphore, #tpu.memory_space<semaphore_mem>>)
          %slice3A_351 = vector.extract_strided_slice %get3A_254 {offsets = [7], sizes = [1], strides = [1]} : vector<16xi32> to vector<1xi32>
          %squeeze3A_352 = vector.extract %slice3A_351[0] : i32 from vector<1xi32>
          %mul3A_353 = arith.constant 16 : i32
          %mul3A_354 = arith.muli %scan3A_249, %mul3A_353 : i32
          %add3A_355 = arith.constant 7 : i32
          %add3A_356 = arith.addi %mul3A_354, %add3A_355 : i32
          %dma_start3A_357 = arith.constant 0 : i32
          %dma_start3A_358 = tpu.memref_slice %arg6[%add3A_356, %dma_start3A_357] : memref<128x64xf32, #tpu.memory_space<vmem>> -> memref<1x64xf32, #tpu.memory_space<vmem>>
          %dma_start3A_359 = arith.constant 0 : i32
          %dma_start3A_360 = tpu.memref_slice %arg3[%squeeze3A_352, %dma_start3A_359] : memref<1000000x64xf32, #tpu.memory_space<hbm>> -> memref<1x64xf32, #tpu.memory_space<hbm>>
          %dma_start3A_361 = arith.constant 0 : i32
          %dma_start3A_362 = tpu.memref_slice %arg6[%add3A_356, %dma_start3A_361] : memref<128x64xf32, #tpu.memory_space<vmem>> -> memref<1x64xf32, #tpu.memory_space<vmem>>
          %dma_start3A_363 = arith.constant 0 : i32
          %dma_start3A_364 = tpu.memref_slice %arg3[%squeeze3A_352, %dma_start3A_363] : memref<1000000x64xf32, #tpu.memory_space<hbm>> -> memref<1x64xf32, #tpu.memory_space<hbm>>
          tpu.enqueue_dma source(%dma_start3A_364 : memref<1x64xf32, #tpu.memory_space<hbm>>) target(%dma_start3A_362 : memref<1x64xf32, #tpu.memory_space<vmem>>) target_semaphore(%arg11 : memref<!tpu.dma_semaphore, #tpu.memory_space<semaphore_mem>>)
          %slice3A_365 = vector.extract_strided_slice %get3A_254 {offsets = [8], sizes = [1], strides = [1]} : vector<16xi32> to vector<1xi32>
          %squeeze3A_366 = vector.extract %slice3A_365[0] : i32 from vector<1xi32>
          %mul3A_367 = arith.constant 16 : i32
          %mul3A_368 = arith.muli %scan3A_249, %mul3A_367 : i32
          %add3A_369 = arith.constant 8 : i32
          %add3A_370 = arith.addi %mul3A_368, %add3A_369 : i32
          %dma_start3A_371 = arith.constant 0 : i32
          %dma_start3A_372 = tpu.memref_slice %arg6[%add3A_370, %dma_start3A_371] : memref<128x64xf32, #tpu.memory_space<vmem>> -> memref<1x64xf32, #tpu.memory_space<vmem>>
          %dma_start3A_373 = arith.constant 0 : i32
          %dma_start3A_374 = tpu.memref_slice %arg3[%squeeze3A_366, %dma_start3A_373] : memref<1000000x64xf32, #tpu.memory_space<hbm>> -> memref<1x64xf32, #tpu.memory_space<hbm>>
          %dma_start3A_375 = arith.constant 0 : i32
          %dma_start3A_376 = tpu.memref_slice %arg6[%add3A_370, %dma_start3A_375] : memref<128x64xf32, #tpu.memory_space<vmem>> -> memref<1x64xf32, #tpu.memory_space<vmem>>
          %dma_start3A_377 = arith.constant 0 : i32
          %dma_start3A_378 = tpu.memref_slice %arg3[%squeeze3A_366, %dma_start3A_377] : memref<1000000x64xf32, #tpu.memory_space<hbm>> -> memref<1x64xf32, #tpu.memory_space<hbm>>
          tpu.enqueue_dma source(%dma_start3A_378 : memref<1x64xf32, #tpu.memory_space<hbm>>) target(%dma_start3A_376 : memref<1x64xf32, #tpu.memory_space<vmem>>) target_semaphore(%arg11 : memref<!tpu.dma_semaphore, #tpu.memory_space<semaphore_mem>>)
          %slice3A_379 = vector.extract_strided_slice %get3A_254 {offsets = [9], sizes = [1], strides = [1]} : vector<16xi32> to vector<1xi32>
          %squeeze3A_380 = vector.extract %slice3A_379[0] : i32 from vector<1xi32>
          %mul3A_381 = arith.constant 16 : i32
          %mul3A_382 = arith.muli %scan3A_249, %mul3A_381 : i32
          %add3A_383 = arith.constant 9 : i32
          %add3A_384 = arith.addi %mul3A_382, %add3A_383 : i32
          %dma_start3A_385 = arith.constant 0 : i32
          %dma_start3A_386 = tpu.memref_slice %arg6[%add3A_384, %dma_start3A_385] : memref<128x64xf32, #tpu.memory_space<vmem>> -> memref<1x64xf32, #tpu.memory_space<vmem>>
          %dma_start3A_387 = arith.constant 0 : i32
          %dma_start3A_388 = tpu.memref_slice %arg3[%squeeze3A_380, %dma_start3A_387] : memref<1000000x64xf32, #tpu.memory_space<hbm>> -> memref<1x64xf32, #tpu.memory_space<hbm>>
          %dma_start3A_389 = arith.constant 0 : i32
          %dma_start3A_390 = tpu.memref_slice %arg6[%add3A_384, %dma_start3A_389] : memref<128x64xf32, #tpu.memory_space<vmem>> -> memref<1x64xf32, #tpu.memory_space<vmem>>
          %dma_start3A_391 = arith.constant 0 : i32
          %dma_start3A_392 = tpu.memref_slice %arg3[%squeeze3A_380, %dma_start3A_391] : memref<1000000x64xf32, #tpu.memory_space<hbm>> -> memref<1x64xf32, #tpu.memory_space<hbm>>
          tpu.enqueue_dma source(%dma_start3A_392 : memref<1x64xf32, #tpu.memory_space<hbm>>) target(%dma_start3A_390 : memref<1x64xf32, #tpu.memory_space<vmem>>) target_semaphore(%arg11 : memref<!tpu.dma_semaphore, #tpu.memory_space<semaphore_mem>>)
          %slice3A_393 = vector.extract_strided_slice %get3A_254 {offsets = [10], sizes = [1], strides = [1]} : vector<16xi32> to vector<1xi32>
          %squeeze3A_394 = vector.extract %slice3A_393[0] : i32 from vector<1xi32>
          %mul3A_395 = arith.constant 16 : i32
          %mul3A_396 = arith.muli %scan3A_249, %mul3A_395 : i32
          %add3A_397 = arith.constant 10 : i32
          %add3A_398 = arith.addi %mul3A_396, %add3A_397 : i32
          %dma_start3A_399 = arith.constant 0 : i32
          %dma_start3A_400 = tpu.memref_slice %arg6[%add3A_398, %dma_start3A_399] : memref<128x64xf32, #tpu.memory_space<vmem>> -> memref<1x64xf32, #tpu.memory_space<vmem>>
          %dma_start3A_401 = arith.constant 0 : i32
          %dma_start3A_402 = tpu.memref_slice %arg3[%squeeze3A_394, %dma_start3A_401] : memref<1000000x64xf32, #tpu.memory_space<hbm>> -> memref<1x64xf32, #tpu.memory_space<hbm>>
          %dma_start3A_403 = arith.constant 0 : i32
          %dma_start3A_404 = tpu.memref_slice %arg6[%add3A_398, %dma_start3A_403] : memref<128x64xf32, #tpu.memory_space<vmem>> -> memref<1x64xf32, #tpu.memory_space<vmem>>
          %dma_start3A_405 = arith.constant 0 : i32
          %dma_start3A_406 = tpu.memref_slice %arg3[%squeeze3A_394, %dma_start3A_405] : memref<1000000x64xf32, #tpu.memory_space<hbm>> -> memref<1x64xf32, #tpu.memory_space<hbm>>
          tpu.enqueue_dma source(%dma_start3A_406 : memref<1x64xf32, #tpu.memory_space<hbm>>) target(%dma_start3A_404 : memref<1x64xf32, #tpu.memory_space<vmem>>) target_semaphore(%arg11 : memref<!tpu.dma_semaphore, #tpu.memory_space<semaphore_mem>>)
          %slice3A_407 = vector.extract_strided_slice %get3A_254 {offsets = [11], sizes = [1], strides = [1]} : vector<16xi32> to vector<1xi32>
          %squeeze3A_408 = vector.extract %slice3A_407[0] : i32 from vector<1xi32>
          %mul3A_409 = arith.constant 16 : i32
          %mul3A_410 = arith.muli %scan3A_249, %mul3A_409 : i32
          %add3A_411 = arith.constant 11 : i32
          %add3A_412 = arith.addi %mul3A_410, %add3A_411 : i32
          %dma_start3A_413 = arith.constant 0 : i32
          %dma_start3A_414 = tpu.memref_slice %arg6[%add3A_412, %dma_start3A_413] : memref<128x64xf32, #tpu.memory_space<vmem>> -> memref<1x64xf32, #tpu.memory_space<vmem>>
          %dma_start3A_415 = arith.constant 0 : i32
          %dma_start3A_416 = tpu.memref_slice %arg3[%squeeze3A_408, %dma_start3A_415] : memref<1000000x64xf32, #tpu.memory_space<hbm>> -> memref<1x64xf32, #tpu.memory_space<hbm>>
          %dma_start3A_417 = arith.constant 0 : i32
          %dma_start3A_418 = tpu.memref_slice %arg6[%add3A_412, %dma_start3A_417] : memref<128x64xf32, #tpu.memory_space<vmem>> -> memref<1x64xf32, #tpu.memory_space<vmem>>
          %dma_start3A_419 = arith.constant 0 : i32
          %dma_start3A_420 = tpu.memref_slice %arg3[%squeeze3A_408, %dma_start3A_419] : memref<1000000x64xf32, #tpu.memory_space<hbm>> -> memref<1x64xf32, #tpu.memory_space<hbm>>
          tpu.enqueue_dma source(%dma_start3A_420 : memref<1x64xf32, #tpu.memory_space<hbm>>) target(%dma_start3A_418 : memref<1x64xf32, #tpu.memory_space<vmem>>) target_semaphore(%arg11 : memref<!tpu.dma_semaphore, #tpu.memory_space<semaphore_mem>>)
          %slice3A_421 = vector.extract_strided_slice %get3A_254 {offsets = [12], sizes = [1], strides = [1]} : vector<16xi32> to vector<1xi32>
          %squeeze3A_422 = vector.extract %slice3A_421[0] : i32 from vector<1xi32>
          %mul3A_423 = arith.constant 16 : i32
          %mul3A_424 = arith.muli %scan3A_249, %mul3A_423 : i32
          %add3A_425 = arith.constant 12 : i32
          %add3A_426 = arith.addi %mul3A_424, %add3A_425 : i32
          %dma_start3A_427 = arith.constant 0 : i32
          %dma_start3A_428 = tpu.memref_slice %arg6[%add3A_426, %dma_start3A_427] : memref<128x64xf32, #tpu.memory_space<vmem>> -> memref<1x64xf32, #tpu.memory_space<vmem>>
          %dma_start3A_429 = arith.constant 0 : i32
          %dma_start3A_430 = tpu.memref_slice %arg3[%squeeze3A_422, %dma_start3A_429] : memref<1000000x64xf32, #tpu.memory_space<hbm>> -> memref<1x64xf32, #tpu.memory_space<hbm>>
          %dma_start3A_431 = arith.constant 0 : i32
          %dma_start3A_432 = tpu.memref_slice %arg6[%add3A_426, %dma_start3A_431] : memref<128x64xf32, #tpu.memory_space<vmem>> -> memref<1x64xf32, #tpu.memory_space<vmem>>
          %dma_start3A_433 = arith.constant 0 : i32
          %dma_start3A_434 = tpu.memref_slice %arg3[%squeeze3A_422, %dma_start3A_433] : memref<1000000x64xf32, #tpu.memory_space<hbm>> -> memref<1x64xf32, #tpu.memory_space<hbm>>
          tpu.enqueue_dma source(%dma_start3A_434 : memref<1x64xf32, #tpu.memory_space<hbm>>) target(%dma_start3A_432 : memref<1x64xf32, #tpu.memory_space<vmem>>) target_semaphore(%arg11 : memref<!tpu.dma_semaphore, #tpu.memory_space<semaphore_mem>>)
          %slice3A_435 = vector.extract_strided_slice %get3A_254 {offsets = [13], sizes = [1], strides = [1]} : vector<16xi32> to vector<1xi32>
          %squeeze3A_436 = vector.extract %slice3A_435[0] : i32 from vector<1xi32>
          %mul3A_437 = arith.constant 16 : i32
          %mul3A_438 = arith.muli %scan3A_249, %mul3A_437 : i32
          %add3A_439 = arith.constant 13 : i32
          %add3A_440 = arith.addi %mul3A_438, %add3A_439 : i32
          %dma_start3A_441 = arith.constant 0 : i32
          %dma_start3A_442 = tpu.memref_slice %arg6[%add3A_440, %dma_start3A_441] : memref<128x64xf32, #tpu.memory_space<vmem>> -> memref<1x64xf32, #tpu.memory_space<vmem>>
          %dma_start3A_443 = arith.constant 0 : i32
          %dma_start3A_444 = tpu.memref_slice %arg3[%squeeze3A_436, %dma_start3A_443] : memref<1000000x64xf32, #tpu.memory_space<hbm>> -> memref<1x64xf32, #tpu.memory_space<hbm>>
          %dma_start3A_445 = arith.constant 0 : i32
          %dma_start3A_446 = tpu.memref_slice %arg6[%add3A_440, %dma_start3A_445] : memref<128x64xf32, #tpu.memory_space<vmem>> -> memref<1x64xf32, #tpu.memory_space<vmem>>
          %dma_start3A_447 = arith.constant 0 : i32
          %dma_start3A_448 = tpu.memref_slice %arg3[%squeeze3A_436, %dma_start3A_447] : memref<1000000x64xf32, #tpu.memory_space<hbm>> -> memref<1x64xf32, #tpu.memory_space<hbm>>
          tpu.enqueue_dma source(%dma_start3A_448 : memref<1x64xf32, #tpu.memory_space<hbm>>) target(%dma_start3A_446 : memref<1x64xf32, #tpu.memory_space<vmem>>) target_semaphore(%arg11 : memref<!tpu.dma_semaphore, #tpu.memory_space<semaphore_mem>>)
          %slice3A_449 = vector.extract_strided_slice %get3A_254 {offsets = [14], sizes = [1], strides = [1]} : vector<16xi32> to vector<1xi32>
          %squeeze3A_450 = vector.extract %slice3A_449[0] : i32 from vector<1xi32>
          %mul3A_451 = arith.constant 16 : i32
          %mul3A_452 = arith.muli %scan3A_249, %mul3A_451 : i32
          %add3A_453 = arith.constant 14 : i32
          %add3A_454 = arith.addi %mul3A_452, %add3A_453 : i32
          %dma_start3A_455 = arith.constant 0 : i32
          %dma_start3A_456 = tpu.memref_slice %arg6[%add3A_454, %dma_start3A_455] : memref<128x64xf32, #tpu.memory_space<vmem>> -> memref<1x64xf32, #tpu.memory_space<vmem>>
          %dma_start3A_457 = arith.constant 0 : i32
          %dma_start3A_458 = tpu.memref_slice %arg3[%squeeze3A_450, %dma_start3A_457] : memref<1000000x64xf32, #tpu.memory_space<hbm>> -> memref<1x64xf32, #tpu.memory_space<hbm>>
          %dma_start3A_459 = arith.constant 0 : i32
          %dma_start3A_460 = tpu.memref_slice %arg6[%add3A_454, %dma_start3A_459] : memref<128x64xf32, #tpu.memory_space<vmem>> -> memref<1x64xf32, #tpu.memory_space<vmem>>
          %dma_start3A_461 = arith.constant 0 : i32
          %dma_start3A_462 = tpu.memref_slice %arg3[%squeeze3A_450, %dma_start3A_461] : memref<1000000x64xf32, #tpu.memory_space<hbm>> -> memref<1x64xf32, #tpu.memory_space<hbm>>
          tpu.enqueue_dma source(%dma_start3A_462 : memref<1x64xf32, #tpu.memory_space<hbm>>) target(%dma_start3A_460 : memref<1x64xf32, #tpu.memory_space<vmem>>) target_semaphore(%arg11 : memref<!tpu.dma_semaphore, #tpu.memory_space<semaphore_mem>>)
          %slice3A_463 = vector.extract_strided_slice %get3A_254 {offsets = [15], sizes = [1], strides = [1]} : vector<16xi32> to vector<1xi32>
          %squeeze3A_464 = vector.extract %slice3A_463[0] : i32 from vector<1xi32>
          %mul3A_465 = arith.constant 16 : i32
          %mul3A_466 = arith.muli %scan3A_249, %mul3A_465 : i32
          %add3A_467 = arith.constant 15 : i32
          %add3A_468 = arith.addi %mul3A_466, %add3A_467 : i32
          %dma_start3A_469 = arith.constant 0 : i32
          %dma_start3A_470 = tpu.memref_slice %arg6[%add3A_468, %dma_start3A_469] : memref<128x64xf32, #tpu.memory_space<vmem>> -> memref<1x64xf32, #tpu.memory_space<vmem>>
          %dma_start3A_471 = arith.constant 0 : i32
          %dma_start3A_472 = tpu.memref_slice %arg3[%squeeze3A_464, %dma_start3A_471] : memref<1000000x64xf32, #tpu.memory_space<hbm>> -> memref<1x64xf32, #tpu.memory_space<hbm>>
          %dma_start3A_473 = arith.constant 0 : i32
          %dma_start3A_474 = tpu.memref_slice %arg6[%add3A_468, %dma_start3A_473] : memref<128x64xf32, #tpu.memory_space<vmem>> -> memref<1x64xf32, #tpu.memory_space<vmem>>
          %dma_start3A_475 = arith.constant 0 : i32
          %dma_start3A_476 = tpu.memref_slice %arg3[%squeeze3A_464, %dma_start3A_475] : memref<1000000x64xf32, #tpu.memory_space<hbm>> -> memref<1x64xf32, #tpu.memory_space<hbm>>
          tpu.enqueue_dma source(%dma_start3A_476 : memref<1x64xf32, #tpu.memory_space<hbm>>) target(%dma_start3A_474 : memref<1x64xf32, #tpu.memory_space<vmem>>) target_semaphore(%arg11 : memref<!tpu.dma_semaphore, #tpu.memory_space<semaphore_mem>>)
        }
        %scan3A_248 = arith.constant 8 : i32
      } else {
      }
      %add3A_122 = arith.constant 2 : i32
      %add3A_123 = arith.addi %mul3A_49, %add3A_122 : i32
      %dma_wait3A_124 = arith.constant 0 : i32
      %dma_wait3A_125 = arith.constant 0 : i32
      %dma_wait3A_126 = tpu.memref_slice %arg3[%dma_wait3A_124, %dma_wait3A_125] : memref<1000000x64xf32, #tpu.memory_space<hbm>> -> memref<128x64xf32, #tpu.memory_space<hbm>>
      %dma_wait3A_127 = arith.constant 0 : i32
      %dma_wait3A_128 = arith.constant 0 : i32
      %dma_wait3A_129 = tpu.memref_slice %arg3[%dma_wait3A_127, %dma_wait3A_128] : memref<1000000x64xf32, #tpu.memory_space<hbm>> -> memref<128x64xf32, #tpu.memory_space<hbm>>
      tpu.wait_dma2 semaphore(%arg13 : memref<!tpu.dma_semaphore, #tpu.memory_space<semaphore_mem>>) src(%dma_wait3A_129 : memref<128x64xf32, #tpu.memory_space<hbm>>) dst(%arg8 : memref<128x64xf32, #tpu.memory_space<vmem>>)
      %mul3A_130 = arith.constant 128 : i32
      %mul3A_131 = arith.muli %add3A_123, %mul3A_130 : i32
      %add3A_132 = arith.addi %mul3A_2, %mul3A_131 : i32
      %shift_right_arithmetic3A_133 = arith.constant 12 : i32
      %shift_right_arithmetic3A_134 = arith.shrsi %add3A_132, %shift_right_arithmetic3A_133 : i32
      %and3A_135 = arith.constant 4095 : i32
      %and3A_136 = arith.andi %add3A_132, %and3A_135 : i32
      %multiple_of3A_137 = tpu.assume_multiple %and3A_136, 128 : i32
      %dma_start3A_138 = arith.constant 0 : i32
      %dma_start3A_139 = tpu.memref_slice %arg4[%shift_right_arithmetic3A_134, %multiple_of3A_137, %dma_start3A_138] : memref<50x4096x64xf32, #tpu.memory_space<hbm>> -> memref<1x128x64xf32, #tpu.memory_space<hbm>>
      %dma_start3A_140 = tpu.memref_squeeze %dma_start3A_139 : memref<1x128x64xf32, #tpu.memory_space<hbm>> -> memref<128x64xf32, #tpu.memory_space<hbm>>
      %dma_start3A_141 = arith.constant 0 : i32
      %dma_start3A_142 = tpu.memref_slice %arg4[%shift_right_arithmetic3A_134, %multiple_of3A_137, %dma_start3A_141] : memref<50x4096x64xf32, #tpu.memory_space<hbm>> -> memref<1x128x64xf32, #tpu.memory_space<hbm>>
      %dma_start3A_143 = tpu.memref_squeeze %dma_start3A_142 : memref<1x128x64xf32, #tpu.memory_space<hbm>> -> memref<128x64xf32, #tpu.memory_space<hbm>>
      tpu.enqueue_dma source(%arg8 : memref<128x64xf32, #tpu.memory_space<vmem>>) target(%dma_start3A_143 : memref<128x64xf32, #tpu.memory_space<hbm>>) target_semaphore(%arg18 : memref<!tpu.dma_semaphore, #tpu.memory_space<semaphore_mem>>)
      %ge3A_144 = arith.constant 1 : i32
      %ge3A_145 = arith.cmpi sge, %add3A_123, %ge3A_144 : i32
      %convert_element_type3A_146 = arith.extui %ge3A_145 : i1 to i32
      %cond3A_147 = arith.constant 0 : i32
      %cond3A_148 = arith.cmpi ne, %convert_element_type3A_146, %cond3A_147 : i32
      scf.if %cond3A_148 {
        %sub3A_239 = arith.constant 1 : i32
        %sub3A_240 = arith.subi %add3A_123, %sub3A_239 : i32
        %mul3A_241 = arith.constant 128 : i32
        %mul3A_242 = arith.muli %sub3A_240, %mul3A_241 : i32
        %add3A_243 = arith.addi %mul3A_2, %mul3A_242 : i32
        %shift_right_arithmetic3A_244 = arith.constant 12 : i32
        %shift_right_arithmetic3A_245 = arith.shrsi %add3A_243, %shift_right_arithmetic3A_244 : i32
        %and3A_246 = arith.constant 4095 : i32
        %and3A_247 = arith.andi %add3A_243, %and3A_246 : i32
        %multiple_of3A_248 = tpu.assume_multiple %and3A_247, 128 : i32
        %dma_wait3A_249 = arith.constant 0 : i32
        %dma_wait3A_250 = tpu.memref_slice %arg4[%shift_right_arithmetic3A_245, %multiple_of3A_248, %dma_wait3A_249] : memref<50x4096x64xf32, #tpu.memory_space<hbm>> -> memref<1x128x64xf32, #tpu.memory_space<hbm>>
        %dma_wait3A_251 = tpu.memref_squeeze %dma_wait3A_250 : memref<1x128x64xf32, #tpu.memory_space<hbm>> -> memref<128x64xf32, #tpu.memory_space<hbm>>
        %dma_wait3A_252 = arith.constant 0 : i32
        %dma_wait3A_253 = tpu.memref_slice %arg4[%shift_right_arithmetic3A_245, %multiple_of3A_248, %dma_wait3A_252] : memref<50x4096x64xf32, #tpu.memory_space<hbm>> -> memref<1x128x64xf32, #tpu.memory_space<hbm>>
        %dma_wait3A_254 = tpu.memref_squeeze %dma_wait3A_253 : memref<1x128x64xf32, #tpu.memory_space<hbm>> -> memref<128x64xf32, #tpu.memory_space<hbm>>
        tpu.wait_dma2 semaphore(%arg17 : memref<!tpu.dma_semaphore, #tpu.memory_space<semaphore_mem>>) src(%arg7 : memref<128x64xf32, #tpu.memory_space<vmem>>) dst(%dma_wait3A_254 : memref<128x64xf32, #tpu.memory_space<hbm>>)
      } else {
      }
      %ge3A_149 = arith.constant 1 : i32
      %ge3A_150 = arith.cmpi sge, %add3A_123, %ge3A_149 : i32
      %sub3A_151 = arith.constant 1 : i32
      %sub3A_152 = arith.subi %add3A_123, %sub3A_151 : i32
      %add3A_153 = arith.constant 5 : i32
      %add3A_154 = arith.addi %sub3A_152, %add3A_153 : i32
      %lt3A_155 = arith.constant 50 : i32
      %lt3A_156 = arith.cmpi slt, %add3A_154, %lt3A_155 : i32
      %and3A_157 = arith.andi %ge3A_150, %lt3A_156 : i1
      %convert_element_type3A_158 = arith.extui %and3A_157 : i1 to i32
      %cond3A_159 = arith.constant 0 : i32
      %cond3A_160 = arith.cmpi ne, %convert_element_type3A_158, %cond3A_159 : i32
      scf.if %cond3A_160 {
        %sub3A_239 = arith.constant 1 : i32
        %sub3A_240 = arith.subi %add3A_123, %sub3A_239 : i32
        %add3A_241 = arith.constant 5 : i32
        %add3A_242 = arith.addi %sub3A_240, %add3A_241 : i32
        %scan3A_243 = arith.constant 0 : i32
        %scan3A_244 = arith.constant 0 : i32
        %scan3A_245 = arith.constant 8 : i32
        %scan3A_246 = arith.addi %scan3A_244, %scan3A_245 : i32
        %scan3A_247 = arith.constant 1 : i32
        scf.for %scan3A_249 = %scan3A_244 to %scan3A_246 step %scan3A_247  : i32 {
          %mul3A_250 = arith.constant 16 : i32
          %mul3A_251 = arith.muli %scan3A_249, %mul3A_250 : i32
          %get3A = arith.index_cast %add3A_242 : i32 to index
          %get3A_252 = arith.index_cast %mul3A_251 : i32 to index
          %get3A_253 = tpu.vector_load %arg5[%get3A, %get3A_252] {strides = array<i32>} : memref<50x128xi32, #tpu.memory_space<vmem>>, vector<1x16xi32>,
          %get3A_254 = vector.shape_cast %get3A_253 : vector<1x16xi32> to vector<16xi32>
          %slice3A = vector.extract_strided_slice %get3A_254 {offsets = [0], sizes = [1], strides = [1]} : vector<16xi32> to vector<1xi32>
          %squeeze3A = vector.extract %slice3A[0] : i32 from vector<1xi32>
          %mul3A_255 = arith.constant 16 : i32
          %mul3A_256 = arith.muli %scan3A_249, %mul3A_255 : i32
          %add3A_257 = arith.constant 0 : i32
          %add3A_258 = arith.addi %mul3A_256, %add3A_257 : i32
          %dma_start3A_259 = arith.constant 0 : i32
          %dma_start3A_260 = tpu.memref_slice %arg7[%add3A_258, %dma_start3A_259] : memref<128x64xf32, #tpu.memory_space<vmem>> -> memref<1x64xf32, #tpu.memory_space<vmem>>
          %dma_start3A_261 = arith.constant 0 : i32
          %dma_start3A_262 = tpu.memref_slice %arg3[%squeeze3A, %dma_start3A_261] : memref<1000000x64xf32, #tpu.memory_space<hbm>> -> memref<1x64xf32, #tpu.memory_space<hbm>>
          %dma_start3A_263 = arith.constant 0 : i32
          %dma_start3A_264 = tpu.memref_slice %arg7[%add3A_258, %dma_start3A_263] : memref<128x64xf32, #tpu.memory_space<vmem>> -> memref<1x64xf32, #tpu.memory_space<vmem>>
          %dma_start3A_265 = arith.constant 0 : i32
          %dma_start3A_266 = tpu.memref_slice %arg3[%squeeze3A, %dma_start3A_265] : memref<1000000x64xf32, #tpu.memory_space<hbm>> -> memref<1x64xf32, #tpu.memory_space<hbm>>
          tpu.enqueue_dma source(%dma_start3A_266 : memref<1x64xf32, #tpu.memory_space<hbm>>) target(%dma_start3A_264 : memref<1x64xf32, #tpu.memory_space<vmem>>) target_semaphore(%arg12 : memref<!tpu.dma_semaphore, #tpu.memory_space<semaphore_mem>>)
          %slice3A_267 = vector.extract_strided_slice %get3A_254 {offsets = [1], sizes = [1], strides = [1]} : vector<16xi32> to vector<1xi32>
          %squeeze3A_268 = vector.extract %slice3A_267[0] : i32 from vector<1xi32>
          %mul3A_269 = arith.constant 16 : i32
          %mul3A_270 = arith.muli %scan3A_249, %mul3A_269 : i32
          %add3A_271 = arith.constant 1 : i32
          %add3A_272 = arith.addi %mul3A_270, %add3A_271 : i32
          %dma_start3A_273 = arith.constant 0 : i32
          %dma_start3A_274 = tpu.memref_slice %arg7[%add3A_272, %dma_start3A_273] : memref<128x64xf32, #tpu.memory_space<vmem>> -> memref<1x64xf32, #tpu.memory_space<vmem>>
          %dma_start3A_275 = arith.constant 0 : i32
          %dma_start3A_276 = tpu.memref_slice %arg3[%squeeze3A_268, %dma_start3A_275] : memref<1000000x64xf32, #tpu.memory_space<hbm>> -> memref<1x64xf32, #tpu.memory_space<hbm>>
          %dma_start3A_277 = arith.constant 0 : i32
          %dma_start3A_278 = tpu.memref_slice %arg7[%add3A_272, %dma_start3A_277] : memref<128x64xf32, #tpu.memory_space<vmem>> -> memref<1x64xf32, #tpu.memory_space<vmem>>
          %dma_start3A_279 = arith.constant 0 : i32
          %dma_start3A_280 = tpu.memref_slice %arg3[%squeeze3A_268, %dma_start3A_279] : memref<1000000x64xf32, #tpu.memory_space<hbm>> -> memref<1x64xf32, #tpu.memory_space<hbm>>
          tpu.enqueue_dma source(%dma_start3A_280 : memref<1x64xf32, #tpu.memory_space<hbm>>) target(%dma_start3A_278 : memref<1x64xf32, #tpu.memory_space<vmem>>) target_semaphore(%arg12 : memref<!tpu.dma_semaphore, #tpu.memory_space<semaphore_mem>>)
          %slice3A_281 = vector.extract_strided_slice %get3A_254 {offsets = [2], sizes = [1], strides = [1]} : vector<16xi32> to vector<1xi32>
          %squeeze3A_282 = vector.extract %slice3A_281[0] : i32 from vector<1xi32>
          %mul3A_283 = arith.constant 16 : i32
          %mul3A_284 = arith.muli %scan3A_249, %mul3A_283 : i32
          %add3A_285 = arith.constant 2 : i32
          %add3A_286 = arith.addi %mul3A_284, %add3A_285 : i32
          %dma_start3A_287 = arith.constant 0 : i32
          %dma_start3A_288 = tpu.memref_slice %arg7[%add3A_286, %dma_start3A_287] : memref<128x64xf32, #tpu.memory_space<vmem>> -> memref<1x64xf32, #tpu.memory_space<vmem>>
          %dma_start3A_289 = arith.constant 0 : i32
          %dma_start3A_290 = tpu.memref_slice %arg3[%squeeze3A_282, %dma_start3A_289] : memref<1000000x64xf32, #tpu.memory_space<hbm>> -> memref<1x64xf32, #tpu.memory_space<hbm>>
          %dma_start3A_291 = arith.constant 0 : i32
          %dma_start3A_292 = tpu.memref_slice %arg7[%add3A_286, %dma_start3A_291] : memref<128x64xf32, #tpu.memory_space<vmem>> -> memref<1x64xf32, #tpu.memory_space<vmem>>
          %dma_start3A_293 = arith.constant 0 : i32
          %dma_start3A_294 = tpu.memref_slice %arg3[%squeeze3A_282, %dma_start3A_293] : memref<1000000x64xf32, #tpu.memory_space<hbm>> -> memref<1x64xf32, #tpu.memory_space<hbm>>
          tpu.enqueue_dma source(%dma_start3A_294 : memref<1x64xf32, #tpu.memory_space<hbm>>) target(%dma_start3A_292 : memref<1x64xf32, #tpu.memory_space<vmem>>) target_semaphore(%arg12 : memref<!tpu.dma_semaphore, #tpu.memory_space<semaphore_mem>>)
          %slice3A_295 = vector.extract_strided_slice %get3A_254 {offsets = [3], sizes = [1], strides = [1]} : vector<16xi32> to vector<1xi32>
          %squeeze3A_296 = vector.extract %slice3A_295[0] : i32 from vector<1xi32>
          %mul3A_297 = arith.constant 16 : i32
          %mul3A_298 = arith.muli %scan3A_249, %mul3A_297 : i32
          %add3A_299 = arith.constant 3 : i32
          %add3A_300 = arith.addi %mul3A_298, %add3A_299 : i32
          %dma_start3A_301 = arith.constant 0 : i32
          %dma_start3A_302 = tpu.memref_slice %arg7[%add3A_300, %dma_start3A_301] : memref<128x64xf32, #tpu.memory_space<vmem>> -> memref<1x64xf32, #tpu.memory_space<vmem>>
          %dma_start3A_303 = arith.constant 0 : i32
          %dma_start3A_304 = tpu.memref_slice %arg3[%squeeze3A_296, %dma_start3A_303] : memref<1000000x64xf32, #tpu.memory_space<hbm>> -> memref<1x64xf32, #tpu.memory_space<hbm>>
          %dma_start3A_305 = arith.constant 0 : i32
          %dma_start3A_306 = tpu.memref_slice %arg7[%add3A_300, %dma_start3A_305] : memref<128x64xf32, #tpu.memory_space<vmem>> -> memref<1x64xf32, #tpu.memory_space<vmem>>
          %dma_start3A_307 = arith.constant 0 : i32
          %dma_start3A_308 = tpu.memref_slice %arg3[%squeeze3A_296, %dma_start3A_307] : memref<1000000x64xf32, #tpu.memory_space<hbm>> -> memref<1x64xf32, #tpu.memory_space<hbm>>
          tpu.enqueue_dma source(%dma_start3A_308 : memref<1x64xf32, #tpu.memory_space<hbm>>) target(%dma_start3A_306 : memref<1x64xf32, #tpu.memory_space<vmem>>) target_semaphore(%arg12 : memref<!tpu.dma_semaphore, #tpu.memory_space<semaphore_mem>>)
          %slice3A_309 = vector.extract_strided_slice %get3A_254 {offsets = [4], sizes = [1], strides = [1]} : vector<16xi32> to vector<1xi32>
          %squeeze3A_310 = vector.extract %slice3A_309[0] : i32 from vector<1xi32>
          %mul3A_311 = arith.constant 16 : i32
          %mul3A_312 = arith.muli %scan3A_249, %mul3A_311 : i32
          %add3A_313 = arith.constant 4 : i32
          %add3A_314 = arith.addi %mul3A_312, %add3A_313 : i32
          %dma_start3A_315 = arith.constant 0 : i32
          %dma_start3A_316 = tpu.memref_slice %arg7[%add3A_314, %dma_start3A_315] : memref<128x64xf32, #tpu.memory_space<vmem>> -> memref<1x64xf32, #tpu.memory_space<vmem>>
          %dma_start3A_317 = arith.constant 0 : i32
          %dma_start3A_318 = tpu.memref_slice %arg3[%squeeze3A_310, %dma_start3A_317] : memref<1000000x64xf32, #tpu.memory_space<hbm>> -> memref<1x64xf32, #tpu.memory_space<hbm>>
          %dma_start3A_319 = arith.constant 0 : i32
          %dma_start3A_320 = tpu.memref_slice %arg7[%add3A_314, %dma_start3A_319] : memref<128x64xf32, #tpu.memory_space<vmem>> -> memref<1x64xf32, #tpu.memory_space<vmem>>
          %dma_start3A_321 = arith.constant 0 : i32
          %dma_start3A_322 = tpu.memref_slice %arg3[%squeeze3A_310, %dma_start3A_321] : memref<1000000x64xf32, #tpu.memory_space<hbm>> -> memref<1x64xf32, #tpu.memory_space<hbm>>
          tpu.enqueue_dma source(%dma_start3A_322 : memref<1x64xf32, #tpu.memory_space<hbm>>) target(%dma_start3A_320 : memref<1x64xf32, #tpu.memory_space<vmem>>) target_semaphore(%arg12 : memref<!tpu.dma_semaphore, #tpu.memory_space<semaphore_mem>>)
          %slice3A_323 = vector.extract_strided_slice %get3A_254 {offsets = [5], sizes = [1], strides = [1]} : vector<16xi32> to vector<1xi32>
          %squeeze3A_324 = vector.extract %slice3A_323[0] : i32 from vector<1xi32>
          %mul3A_325 = arith.constant 16 : i32
          %mul3A_326 = arith.muli %scan3A_249, %mul3A_325 : i32
          %add3A_327 = arith.constant 5 : i32
          %add3A_328 = arith.addi %mul3A_326, %add3A_327 : i32
          %dma_start3A_329 = arith.constant 0 : i32
          %dma_start3A_330 = tpu.memref_slice %arg7[%add3A_328, %dma_start3A_329] : memref<128x64xf32, #tpu.memory_space<vmem>> -> memref<1x64xf32, #tpu.memory_space<vmem>>
          %dma_start3A_331 = arith.constant 0 : i32
          %dma_start3A_332 = tpu.memref_slice %arg3[%squeeze3A_324, %dma_start3A_331] : memref<1000000x64xf32, #tpu.memory_space<hbm>> -> memref<1x64xf32, #tpu.memory_space<hbm>>
          %dma_start3A_333 = arith.constant 0 : i32
          %dma_start3A_334 = tpu.memref_slice %arg7[%add3A_328, %dma_start3A_333] : memref<128x64xf32, #tpu.memory_space<vmem>> -> memref<1x64xf32, #tpu.memory_space<vmem>>
          %dma_start3A_335 = arith.constant 0 : i32
          %dma_start3A_336 = tpu.memref_slice %arg3[%squeeze3A_324, %dma_start3A_335] : memref<1000000x64xf32, #tpu.memory_space<hbm>> -> memref<1x64xf32, #tpu.memory_space<hbm>>
          tpu.enqueue_dma source(%dma_start3A_336 : memref<1x64xf32, #tpu.memory_space<hbm>>) target(%dma_start3A_334 : memref<1x64xf32, #tpu.memory_space<vmem>>) target_semaphore(%arg12 : memref<!tpu.dma_semaphore, #tpu.memory_space<semaphore_mem>>)
          %slice3A_337 = vector.extract_strided_slice %get3A_254 {offsets = [6], sizes = [1], strides = [1]} : vector<16xi32> to vector<1xi32>
          %squeeze3A_338 = vector.extract %slice3A_337[0] : i32 from vector<1xi32>
          %mul3A_339 = arith.constant 16 : i32
          %mul3A_340 = arith.muli %scan3A_249, %mul3A_339 : i32
          %add3A_341 = arith.constant 6 : i32
          %add3A_342 = arith.addi %mul3A_340, %add3A_341 : i32
          %dma_start3A_343 = arith.constant 0 : i32
          %dma_start3A_344 = tpu.memref_slice %arg7[%add3A_342, %dma_start3A_343] : memref<128x64xf32, #tpu.memory_space<vmem>> -> memref<1x64xf32, #tpu.memory_space<vmem>>
          %dma_start3A_345 = arith.constant 0 : i32
          %dma_start3A_346 = tpu.memref_slice %arg3[%squeeze3A_338, %dma_start3A_345] : memref<1000000x64xf32, #tpu.memory_space<hbm>> -> memref<1x64xf32, #tpu.memory_space<hbm>>
          %dma_start3A_347 = arith.constant 0 : i32
          %dma_start3A_348 = tpu.memref_slice %arg7[%add3A_342, %dma_start3A_347] : memref<128x64xf32, #tpu.memory_space<vmem>> -> memref<1x64xf32, #tpu.memory_space<vmem>>
          %dma_start3A_349 = arith.constant 0 : i32
          %dma_start3A_350 = tpu.memref_slice %arg3[%squeeze3A_338, %dma_start3A_349] : memref<1000000x64xf32, #tpu.memory_space<hbm>> -> memref<1x64xf32, #tpu.memory_space<hbm>>
          tpu.enqueue_dma source(%dma_start3A_350 : memref<1x64xf32, #tpu.memory_space<hbm>>) target(%dma_start3A_348 : memref<1x64xf32, #tpu.memory_space<vmem>>) target_semaphore(%arg12 : memref<!tpu.dma_semaphore, #tpu.memory_space<semaphore_mem>>)
          %slice3A_351 = vector.extract_strided_slice %get3A_254 {offsets = [7], sizes = [1], strides = [1]} : vector<16xi32> to vector<1xi32>
          %squeeze3A_352 = vector.extract %slice3A_351[0] : i32 from vector<1xi32>
          %mul3A_353 = arith.constant 16 : i32
          %mul3A_354 = arith.muli %scan3A_249, %mul3A_353 : i32
          %add3A_355 = arith.constant 7 : i32
          %add3A_356 = arith.addi %mul3A_354, %add3A_355 : i32
          %dma_start3A_357 = arith.constant 0 : i32
          %dma_start3A_358 = tpu.memref_slice %arg7[%add3A_356, %dma_start3A_357] : memref<128x64xf32, #tpu.memory_space<vmem>> -> memref<1x64xf32, #tpu.memory_space<vmem>>
          %dma_start3A_359 = arith.constant 0 : i32
          %dma_start3A_360 = tpu.memref_slice %arg3[%squeeze3A_352, %dma_start3A_359] : memref<1000000x64xf32, #tpu.memory_space<hbm>> -> memref<1x64xf32, #tpu.memory_space<hbm>>
          %dma_start3A_361 = arith.constant 0 : i32
          %dma_start3A_362 = tpu.memref_slice %arg7[%add3A_356, %dma_start3A_361] : memref<128x64xf32, #tpu.memory_space<vmem>> -> memref<1x64xf32, #tpu.memory_space<vmem>>
          %dma_start3A_363 = arith.constant 0 : i32
          %dma_start3A_364 = tpu.memref_slice %arg3[%squeeze3A_352, %dma_start3A_363] : memref<1000000x64xf32, #tpu.memory_space<hbm>> -> memref<1x64xf32, #tpu.memory_space<hbm>>
          tpu.enqueue_dma source(%dma_start3A_364 : memref<1x64xf32, #tpu.memory_space<hbm>>) target(%dma_start3A_362 : memref<1x64xf32, #tpu.memory_space<vmem>>) target_semaphore(%arg12 : memref<!tpu.dma_semaphore, #tpu.memory_space<semaphore_mem>>)
          %slice3A_365 = vector.extract_strided_slice %get3A_254 {offsets = [8], sizes = [1], strides = [1]} : vector<16xi32> to vector<1xi32>
          %squeeze3A_366 = vector.extract %slice3A_365[0] : i32 from vector<1xi32>
          %mul3A_367 = arith.constant 16 : i32
          %mul3A_368 = arith.muli %scan3A_249, %mul3A_367 : i32
          %add3A_369 = arith.constant 8 : i32
          %add3A_370 = arith.addi %mul3A_368, %add3A_369 : i32
          %dma_start3A_371 = arith.constant 0 : i32
          %dma_start3A_372 = tpu.memref_slice %arg7[%add3A_370, %dma_start3A_371] : memref<128x64xf32, #tpu.memory_space<vmem>> -> memref<1x64xf32, #tpu.memory_space<vmem>>
          %dma_start3A_373 = arith.constant 0 : i32
          %dma_start3A_374 = tpu.memref_slice %arg3[%squeeze3A_366, %dma_start3A_373] : memref<1000000x64xf32, #tpu.memory_space<hbm>> -> memref<1x64xf32, #tpu.memory_space<hbm>>
          %dma_start3A_375 = arith.constant 0 : i32
          %dma_start3A_376 = tpu.memref_slice %arg7[%add3A_370, %dma_start3A_375] : memref<128x64xf32, #tpu.memory_space<vmem>> -> memref<1x64xf32, #tpu.memory_space<vmem>>
          %dma_start3A_377 = arith.constant 0 : i32
          %dma_start3A_378 = tpu.memref_slice %arg3[%squeeze3A_366, %dma_start3A_377] : memref<1000000x64xf32, #tpu.memory_space<hbm>> -> memref<1x64xf32, #tpu.memory_space<hbm>>
          tpu.enqueue_dma source(%dma_start3A_378 : memref<1x64xf32, #tpu.memory_space<hbm>>) target(%dma_start3A_376 : memref<1x64xf32, #tpu.memory_space<vmem>>) target_semaphore(%arg12 : memref<!tpu.dma_semaphore, #tpu.memory_space<semaphore_mem>>)
          %slice3A_379 = vector.extract_strided_slice %get3A_254 {offsets = [9], sizes = [1], strides = [1]} : vector<16xi32> to vector<1xi32>
          %squeeze3A_380 = vector.extract %slice3A_379[0] : i32 from vector<1xi32>
          %mul3A_381 = arith.constant 16 : i32
          %mul3A_382 = arith.muli %scan3A_249, %mul3A_381 : i32
          %add3A_383 = arith.constant 9 : i32
          %add3A_384 = arith.addi %mul3A_382, %add3A_383 : i32
          %dma_start3A_385 = arith.constant 0 : i32
          %dma_start3A_386 = tpu.memref_slice %arg7[%add3A_384, %dma_start3A_385] : memref<128x64xf32, #tpu.memory_space<vmem>> -> memref<1x64xf32, #tpu.memory_space<vmem>>
          %dma_start3A_387 = arith.constant 0 : i32
          %dma_start3A_388 = tpu.memref_slice %arg3[%squeeze3A_380, %dma_start3A_387] : memref<1000000x64xf32, #tpu.memory_space<hbm>> -> memref<1x64xf32, #tpu.memory_space<hbm>>
          %dma_start3A_389 = arith.constant 0 : i32
          %dma_start3A_390 = tpu.memref_slice %arg7[%add3A_384, %dma_start3A_389] : memref<128x64xf32, #tpu.memory_space<vmem>> -> memref<1x64xf32, #tpu.memory_space<vmem>>
          %dma_start3A_391 = arith.constant 0 : i32
          %dma_start3A_392 = tpu.memref_slice %arg3[%squeeze3A_380, %dma_start3A_391] : memref<1000000x64xf32, #tpu.memory_space<hbm>> -> memref<1x64xf32, #tpu.memory_space<hbm>>
          tpu.enqueue_dma source(%dma_start3A_392 : memref<1x64xf32, #tpu.memory_space<hbm>>) target(%dma_start3A_390 : memref<1x64xf32, #tpu.memory_space<vmem>>) target_semaphore(%arg12 : memref<!tpu.dma_semaphore, #tpu.memory_space<semaphore_mem>>)
          %slice3A_393 = vector.extract_strided_slice %get3A_254 {offsets = [10], sizes = [1], strides = [1]} : vector<16xi32> to vector<1xi32>
          %squeeze3A_394 = vector.extract %slice3A_393[0] : i32 from vector<1xi32>
          %mul3A_395 = arith.constant 16 : i32
          %mul3A_396 = arith.muli %scan3A_249, %mul3A_395 : i32
          %add3A_397 = arith.constant 10 : i32
          %add3A_398 = arith.addi %mul3A_396, %add3A_397 : i32
          %dma_start3A_399 = arith.constant 0 : i32
          %dma_start3A_400 = tpu.memref_slice %arg7[%add3A_398, %dma_start3A_399] : memref<128x64xf32, #tpu.memory_space<vmem>> -> memref<1x64xf32, #tpu.memory_space<vmem>>
          %dma_start3A_401 = arith.constant 0 : i32
          %dma_start3A_402 = tpu.memref_slice %arg3[%squeeze3A_394, %dma_start3A_401] : memref<1000000x64xf32, #tpu.memory_space<hbm>> -> memref<1x64xf32, #tpu.memory_space<hbm>>
          %dma_start3A_403 = arith.constant 0 : i32
          %dma_start3A_404 = tpu.memref_slice %arg7[%add3A_398, %dma_start3A_403] : memref<128x64xf32, #tpu.memory_space<vmem>> -> memref<1x64xf32, #tpu.memory_space<vmem>>
          %dma_start3A_405 = arith.constant 0 : i32
          %dma_start3A_406 = tpu.memref_slice %arg3[%squeeze3A_394, %dma_start3A_405] : memref<1000000x64xf32, #tpu.memory_space<hbm>> -> memref<1x64xf32, #tpu.memory_space<hbm>>
          tpu.enqueue_dma source(%dma_start3A_406 : memref<1x64xf32, #tpu.memory_space<hbm>>) target(%dma_start3A_404 : memref<1x64xf32, #tpu.memory_space<vmem>>) target_semaphore(%arg12 : memref<!tpu.dma_semaphore, #tpu.memory_space<semaphore_mem>>)
          %slice3A_407 = vector.extract_strided_slice %get3A_254 {offsets = [11], sizes = [1], strides = [1]} : vector<16xi32> to vector<1xi32>
          %squeeze3A_408 = vector.extract %slice3A_407[0] : i32 from vector<1xi32>
          %mul3A_409 = arith.constant 16 : i32
          %mul3A_410 = arith.muli %scan3A_249, %mul3A_409 : i32
          %add3A_411 = arith.constant 11 : i32
          %add3A_412 = arith.addi %mul3A_410, %add3A_411 : i32
          %dma_start3A_413 = arith.constant 0 : i32
          %dma_start3A_414 = tpu.memref_slice %arg7[%add3A_412, %dma_start3A_413] : memref<128x64xf32, #tpu.memory_space<vmem>> -> memref<1x64xf32, #tpu.memory_space<vmem>>
          %dma_start3A_415 = arith.constant 0 : i32
          %dma_start3A_416 = tpu.memref_slice %arg3[%squeeze3A_408, %dma_start3A_415] : memref<1000000x64xf32, #tpu.memory_space<hbm>> -> memref<1x64xf32, #tpu.memory_space<hbm>>
          %dma_start3A_417 = arith.constant 0 : i32
          %dma_start3A_418 = tpu.memref_slice %arg7[%add3A_412, %dma_start3A_417] : memref<128x64xf32, #tpu.memory_space<vmem>> -> memref<1x64xf32, #tpu.memory_space<vmem>>
          %dma_start3A_419 = arith.constant 0 : i32
          %dma_start3A_420 = tpu.memref_slice %arg3[%squeeze3A_408, %dma_start3A_419] : memref<1000000x64xf32, #tpu.memory_space<hbm>> -> memref<1x64xf32, #tpu.memory_space<hbm>>
          tpu.enqueue_dma source(%dma_start3A_420 : memref<1x64xf32, #tpu.memory_space<hbm>>) target(%dma_start3A_418 : memref<1x64xf32, #tpu.memory_space<vmem>>) target_semaphore(%arg12 : memref<!tpu.dma_semaphore, #tpu.memory_space<semaphore_mem>>)
          %slice3A_421 = vector.extract_strided_slice %get3A_254 {offsets = [12], sizes = [1], strides = [1]} : vector<16xi32> to vector<1xi32>
          %squeeze3A_422 = vector.extract %slice3A_421[0] : i32 from vector<1xi32>
          %mul3A_423 = arith.constant 16 : i32
          %mul3A_424 = arith.muli %scan3A_249, %mul3A_423 : i32
          %add3A_425 = arith.constant 12 : i32
          %add3A_426 = arith.addi %mul3A_424, %add3A_425 : i32
          %dma_start3A_427 = arith.constant 0 : i32
          %dma_start3A_428 = tpu.memref_slice %arg7[%add3A_426, %dma_start3A_427] : memref<128x64xf32, #tpu.memory_space<vmem>> -> memref<1x64xf32, #tpu.memory_space<vmem>>
          %dma_start3A_429 = arith.constant 0 : i32
          %dma_start3A_430 = tpu.memref_slice %arg3[%squeeze3A_422, %dma_start3A_429] : memref<1000000x64xf32, #tpu.memory_space<hbm>> -> memref<1x64xf32, #tpu.memory_space<hbm>>
          %dma_start3A_431 = arith.constant 0 : i32
          %dma_start3A_432 = tpu.memref_slice %arg7[%add3A_426, %dma_start3A_431] : memref<128x64xf32, #tpu.memory_space<vmem>> -> memref<1x64xf32, #tpu.memory_space<vmem>>
          %dma_start3A_433 = arith.constant 0 : i32
          %dma_start3A_434 = tpu.memref_slice %arg3[%squeeze3A_422, %dma_start3A_433] : memref<1000000x64xf32, #tpu.memory_space<hbm>> -> memref<1x64xf32, #tpu.memory_space<hbm>>
          tpu.enqueue_dma source(%dma_start3A_434 : memref<1x64xf32, #tpu.memory_space<hbm>>) target(%dma_start3A_432 : memref<1x64xf32, #tpu.memory_space<vmem>>) target_semaphore(%arg12 : memref<!tpu.dma_semaphore, #tpu.memory_space<semaphore_mem>>)
          %slice3A_435 = vector.extract_strided_slice %get3A_254 {offsets = [13], sizes = [1], strides = [1]} : vector<16xi32> to vector<1xi32>
          %squeeze3A_436 = vector.extract %slice3A_435[0] : i32 from vector<1xi32>
          %mul3A_437 = arith.constant 16 : i32
          %mul3A_438 = arith.muli %scan3A_249, %mul3A_437 : i32
          %add3A_439 = arith.constant 13 : i32
          %add3A_440 = arith.addi %mul3A_438, %add3A_439 : i32
          %dma_start3A_441 = arith.constant 0 : i32
          %dma_start3A_442 = tpu.memref_slice %arg7[%add3A_440, %dma_start3A_441] : memref<128x64xf32, #tpu.memory_space<vmem>> -> memref<1x64xf32, #tpu.memory_space<vmem>>
          %dma_start3A_443 = arith.constant 0 : i32
          %dma_start3A_444 = tpu.memref_slice %arg3[%squeeze3A_436, %dma_start3A_443] : memref<1000000x64xf32, #tpu.memory_space<hbm>> -> memref<1x64xf32, #tpu.memory_space<hbm>>
          %dma_start3A_445 = arith.constant 0 : i32
          %dma_start3A_446 = tpu.memref_slice %arg7[%add3A_440, %dma_start3A_445] : memref<128x64xf32, #tpu.memory_space<vmem>> -> memref<1x64xf32, #tpu.memory_space<vmem>>
          %dma_start3A_447 = arith.constant 0 : i32
          %dma_start3A_448 = tpu.memref_slice %arg3[%squeeze3A_436, %dma_start3A_447] : memref<1000000x64xf32, #tpu.memory_space<hbm>> -> memref<1x64xf32, #tpu.memory_space<hbm>>
          tpu.enqueue_dma source(%dma_start3A_448 : memref<1x64xf32, #tpu.memory_space<hbm>>) target(%dma_start3A_446 : memref<1x64xf32, #tpu.memory_space<vmem>>) target_semaphore(%arg12 : memref<!tpu.dma_semaphore, #tpu.memory_space<semaphore_mem>>)
          %slice3A_449 = vector.extract_strided_slice %get3A_254 {offsets = [14], sizes = [1], strides = [1]} : vector<16xi32> to vector<1xi32>
          %squeeze3A_450 = vector.extract %slice3A_449[0] : i32 from vector<1xi32>
          %mul3A_451 = arith.constant 16 : i32
          %mul3A_452 = arith.muli %scan3A_249, %mul3A_451 : i32
          %add3A_453 = arith.constant 14 : i32
          %add3A_454 = arith.addi %mul3A_452, %add3A_453 : i32
          %dma_start3A_455 = arith.constant 0 : i32
          %dma_start3A_456 = tpu.memref_slice %arg7[%add3A_454, %dma_start3A_455] : memref<128x64xf32, #tpu.memory_space<vmem>> -> memref<1x64xf32, #tpu.memory_space<vmem>>
          %dma_start3A_457 = arith.constant 0 : i32
          %dma_start3A_458 = tpu.memref_slice %arg3[%squeeze3A_450, %dma_start3A_457] : memref<1000000x64xf32, #tpu.memory_space<hbm>> -> memref<1x64xf32, #tpu.memory_space<hbm>>
          %dma_start3A_459 = arith.constant 0 : i32
          %dma_start3A_460 = tpu.memref_slice %arg7[%add3A_454, %dma_start3A_459] : memref<128x64xf32, #tpu.memory_space<vmem>> -> memref<1x64xf32, #tpu.memory_space<vmem>>
          %dma_start3A_461 = arith.constant 0 : i32
          %dma_start3A_462 = tpu.memref_slice %arg3[%squeeze3A_450, %dma_start3A_461] : memref<1000000x64xf32, #tpu.memory_space<hbm>> -> memref<1x64xf32, #tpu.memory_space<hbm>>
          tpu.enqueue_dma source(%dma_start3A_462 : memref<1x64xf32, #tpu.memory_space<hbm>>) target(%dma_start3A_460 : memref<1x64xf32, #tpu.memory_space<vmem>>) target_semaphore(%arg12 : memref<!tpu.dma_semaphore, #tpu.memory_space<semaphore_mem>>)
          %slice3A_463 = vector.extract_strided_slice %get3A_254 {offsets = [15], sizes = [1], strides = [1]} : vector<16xi32> to vector<1xi32>
          %squeeze3A_464 = vector.extract %slice3A_463[0] : i32 from vector<1xi32>
          %mul3A_465 = arith.constant 16 : i32
          %mul3A_466 = arith.muli %scan3A_249, %mul3A_465 : i32
          %add3A_467 = arith.constant 15 : i32
          %add3A_468 = arith.addi %mul3A_466, %add3A_467 : i32
          %dma_start3A_469 = arith.constant 0 : i32
          %dma_start3A_470 = tpu.memref_slice %arg7[%add3A_468, %dma_start3A_469] : memref<128x64xf32, #tpu.memory_space<vmem>> -> memref<1x64xf32, #tpu.memory_space<vmem>>
          %dma_start3A_471 = arith.constant 0 : i32
          %dma_start3A_472 = tpu.memref_slice %arg3[%squeeze3A_464, %dma_start3A_471] : memref<1000000x64xf32, #tpu.memory_space<hbm>> -> memref<1x64xf32, #tpu.memory_space<hbm>>
          %dma_start3A_473 = arith.constant 0 : i32
          %dma_start3A_474 = tpu.memref_slice %arg7[%add3A_468, %dma_start3A_473] : memref<128x64xf32, #tpu.memory_space<vmem>> -> memref<1x64xf32, #tpu.memory_space<vmem>>
          %dma_start3A_475 = arith.constant 0 : i32
          %dma_start3A_476 = tpu.memref_slice %arg3[%squeeze3A_464, %dma_start3A_475] : memref<1000000x64xf32, #tpu.memory_space<hbm>> -> memref<1x64xf32, #tpu.memory_space<hbm>>
          tpu.enqueue_dma source(%dma_start3A_476 : memref<1x64xf32, #tpu.memory_space<hbm>>) target(%dma_start3A_474 : memref<1x64xf32, #tpu.memory_space<vmem>>) target_semaphore(%arg12 : memref<!tpu.dma_semaphore, #tpu.memory_space<semaphore_mem>>)
        }
        %scan3A_248 = arith.constant 8 : i32
      } else {
      }
      %add3A_161 = arith.constant 3 : i32
      %add3A_162 = arith.addi %mul3A_49, %add3A_161 : i32
      %dma_wait3A_163 = arith.constant 0 : i32
      %dma_wait3A_164 = arith.constant 0 : i32
      %dma_wait3A_165 = tpu.memref_slice %arg3[%dma_wait3A_163, %dma_wait3A_164] : memref<1000000x64xf32, #tpu.memory_space<hbm>> -> memref<128x64xf32, #tpu.memory_space<hbm>>
      %dma_wait3A_166 = arith.constant 0 : i32
      %dma_wait3A_167 = arith.constant 0 : i32
      %dma_wait3A_168 = tpu.memref_slice %arg3[%dma_wait3A_166, %dma_wait3A_167] : memref<1000000x64xf32, #tpu.memory_space<hbm>> -> memref<128x64xf32, #tpu.memory_space<hbm>>
      tpu.wait_dma2 semaphore(%arg14 : memref<!tpu.dma_semaphore, #tpu.memory_space<semaphore_mem>>) src(%dma_wait3A_168 : memref<128x64xf32, #tpu.memory_space<hbm>>) dst(%arg9 : memref<128x64xf32, #tpu.memory_space<vmem>>)
      %mul3A_169 = arith.constant 128 : i32
      %mul3A_170 = arith.muli %add3A_162, %mul3A_169 : i32
      %add3A_171 = arith.addi %mul3A_2, %mul3A_170 : i32
      %shift_right_arithmetic3A_172 = arith.constant 12 : i32
      %shift_right_arithmetic3A_173 = arith.shrsi %add3A_171, %shift_right_arithmetic3A_172 : i32
      %and3A_174 = arith.constant 4095 : i32
      %and3A_175 = arith.andi %add3A_171, %and3A_174 : i32
      %multiple_of3A_176 = tpu.assume_multiple %and3A_175, 128 : i32
      %dma_start3A_177 = arith.constant 0 : i32
      %dma_start3A_178 = tpu.memref_slice %arg4[%shift_right_arithmetic3A_173, %multiple_of3A_176, %dma_start3A_177] : memref<50x4096x64xf32, #tpu.memory_space<hbm>> -> memref<1x128x64xf32, #tpu.memory_space<hbm>>
      %dma_start3A_179 = tpu.memref_squeeze %dma_start3A_178 : memref<1x128x64xf32, #tpu.memory_space<hbm>> -> memref<128x64xf32, #tpu.memory_space<hbm>>
      %dma_start3A_180 = arith.constant 0 : i32
      %dma_start3A_181 = tpu.memref_slice %arg4[%shift_right_arithmetic3A_173, %multiple_of3A_176, %dma_start3A_180] : memref<50x4096x64xf32, #tpu.memory_space<hbm>> -> memref<1x128x64xf32, #tpu.memory_space<hbm>>
      %dma_start3A_182 = tpu.memref_squeeze %dma_start3A_181 : memref<1x128x64xf32, #tpu.memory_space<hbm>> -> memref<128x64xf32, #tpu.memory_space<hbm>>
      tpu.enqueue_dma source(%arg9 : memref<128x64xf32, #tpu.memory_space<vmem>>) target(%dma_start3A_182 : memref<128x64xf32, #tpu.memory_space<hbm>>) target_semaphore(%arg19 : memref<!tpu.dma_semaphore, #tpu.memory_space<semaphore_mem>>)
      %ge3A_183 = arith.constant 1 : i32
      %ge3A_184 = arith.cmpi sge, %add3A_162, %ge3A_183 : i32
      %convert_element_type3A_185 = arith.extui %ge3A_184 : i1 to i32
      %cond3A_186 = arith.constant 0 : i32
      %cond3A_187 = arith.cmpi ne, %convert_element_type3A_185, %cond3A_186 : i32
      scf.if %cond3A_187 {
        %sub3A_239 = arith.constant 1 : i32
        %sub3A_240 = arith.subi %add3A_162, %sub3A_239 : i32
        %mul3A_241 = arith.constant 128 : i32
        %mul3A_242 = arith.muli %sub3A_240, %mul3A_241 : i32
        %add3A_243 = arith.addi %mul3A_2, %mul3A_242 : i32
        %shift_right_arithmetic3A_244 = arith.constant 12 : i32
        %shift_right_arithmetic3A_245 = arith.shrsi %add3A_243, %shift_right_arithmetic3A_244 : i32
        %and3A_246 = arith.constant 4095 : i32
        %and3A_247 = arith.andi %add3A_243, %and3A_246 : i32
        %multiple_of3A_248 = tpu.assume_multiple %and3A_247, 128 : i32
        %dma_wait3A_249 = arith.constant 0 : i32
        %dma_wait3A_250 = tpu.memref_slice %arg4[%shift_right_arithmetic3A_245, %multiple_of3A_248, %dma_wait3A_249] : memref<50x4096x64xf32, #tpu.memory_space<hbm>> -> memref<1x128x64xf32, #tpu.memory_space<hbm>>
        %dma_wait3A_251 = tpu.memref_squeeze %dma_wait3A_250 : memref<1x128x64xf32, #tpu.memory_space<hbm>> -> memref<128x64xf32, #tpu.memory_space<hbm>>
        %dma_wait3A_252 = arith.constant 0 : i32
        %dma_wait3A_253 = tpu.memref_slice %arg4[%shift_right_arithmetic3A_245, %multiple_of3A_248, %dma_wait3A_252] : memref<50x4096x64xf32, #tpu.memory_space<hbm>> -> memref<1x128x64xf32, #tpu.memory_space<hbm>>
        %dma_wait3A_254 = tpu.memref_squeeze %dma_wait3A_253 : memref<1x128x64xf32, #tpu.memory_space<hbm>> -> memref<128x64xf32, #tpu.memory_space<hbm>>
        tpu.wait_dma2 semaphore(%arg18 : memref<!tpu.dma_semaphore, #tpu.memory_space<semaphore_mem>>) src(%arg8 : memref<128x64xf32, #tpu.memory_space<vmem>>) dst(%dma_wait3A_254 : memref<128x64xf32, #tpu.memory_space<hbm>>)
      } else {
      }
      %ge3A_188 = arith.constant 1 : i32
      %ge3A_189 = arith.cmpi sge, %add3A_162, %ge3A_188 : i32
      %sub3A_190 = arith.constant 1 : i32
      %sub3A_191 = arith.subi %add3A_162, %sub3A_190 : i32
      %add3A_192 = arith.constant 5 : i32
      %add3A_193 = arith.addi %sub3A_191, %add3A_192 : i32
      %lt3A_194 = arith.constant 50 : i32
      %lt3A_195 = arith.cmpi slt, %add3A_193, %lt3A_194 : i32
      %and3A_196 = arith.andi %ge3A_189, %lt3A_195 : i1
      %convert_element_type3A_197 = arith.extui %and3A_196 : i1 to i32
      %cond3A_198 = arith.constant 0 : i32
      %cond3A_199 = arith.cmpi ne, %convert_element_type3A_197, %cond3A_198 : i32
      scf.if %cond3A_199 {
        %sub3A_239 = arith.constant 1 : i32
        %sub3A_240 = arith.subi %add3A_162, %sub3A_239 : i32
        %add3A_241 = arith.constant 5 : i32
        %add3A_242 = arith.addi %sub3A_240, %add3A_241 : i32
        %scan3A_243 = arith.constant 0 : i32
        %scan3A_244 = arith.constant 0 : i32
        %scan3A_245 = arith.constant 8 : i32
        %scan3A_246 = arith.addi %scan3A_244, %scan3A_245 : i32
        %scan3A_247 = arith.constant 1 : i32
        scf.for %scan3A_249 = %scan3A_244 to %scan3A_246 step %scan3A_247  : i32 {
          %mul3A_250 = arith.constant 16 : i32
          %mul3A_251 = arith.muli %scan3A_249, %mul3A_250 : i32
          %get3A = arith.index_cast %add3A_242 : i32 to index
          %get3A_252 = arith.index_cast %mul3A_251 : i32 to index
          %get3A_253 = tpu.vector_load %arg5[%get3A, %get3A_252] {strides = array<i32>} : memref<50x128xi32, #tpu.memory_space<vmem>>, vector<1x16xi32>,
          %get3A_254 = vector.shape_cast %get3A_253 : vector<1x16xi32> to vector<16xi32>
          %slice3A = vector.extract_strided_slice %get3A_254 {offsets = [0], sizes = [1], strides = [1]} : vector<16xi32> to vector<1xi32>
          %squeeze3A = vector.extract %slice3A[0] : i32 from vector<1xi32>
          %mul3A_255 = arith.constant 16 : i32
          %mul3A_256 = arith.muli %scan3A_249, %mul3A_255 : i32
          %add3A_257 = arith.constant 0 : i32
          %add3A_258 = arith.addi %mul3A_256, %add3A_257 : i32
          %dma_start3A_259 = arith.constant 0 : i32
          %dma_start3A_260 = tpu.memref_slice %arg8[%add3A_258, %dma_start3A_259] : memref<128x64xf32, #tpu.memory_space<vmem>> -> memref<1x64xf32, #tpu.memory_space<vmem>>
          %dma_start3A_261 = arith.constant 0 : i32
          %dma_start3A_262 = tpu.memref_slice %arg3[%squeeze3A, %dma_start3A_261] : memref<1000000x64xf32, #tpu.memory_space<hbm>> -> memref<1x64xf32, #tpu.memory_space<hbm>>
          %dma_start3A_263 = arith.constant 0 : i32
          %dma_start3A_264 = tpu.memref_slice %arg8[%add3A_258, %dma_start3A_263] : memref<128x64xf32, #tpu.memory_space<vmem>> -> memref<1x64xf32, #tpu.memory_space<vmem>>
          %dma_start3A_265 = arith.constant 0 : i32
          %dma_start3A_266 = tpu.memref_slice %arg3[%squeeze3A, %dma_start3A_265] : memref<1000000x64xf32, #tpu.memory_space<hbm>> -> memref<1x64xf32, #tpu.memory_space<hbm>>
          tpu.enqueue_dma source(%dma_start3A_266 : memref<1x64xf32, #tpu.memory_space<hbm>>) target(%dma_start3A_264 : memref<1x64xf32, #tpu.memory_space<vmem>>) target_semaphore(%arg13 : memref<!tpu.dma_semaphore, #tpu.memory_space<semaphore_mem>>)
          %slice3A_267 = vector.extract_strided_slice %get3A_254 {offsets = [1], sizes = [1], strides = [1]} : vector<16xi32> to vector<1xi32>
          %squeeze3A_268 = vector.extract %slice3A_267[0] : i32 from vector<1xi32>
          %mul3A_269 = arith.constant 16 : i32
          %mul3A_270 = arith.muli %scan3A_249, %mul3A_269 : i32
          %add3A_271 = arith.constant 1 : i32
          %add3A_272 = arith.addi %mul3A_270, %add3A_271 : i32
          %dma_start3A_273 = arith.constant 0 : i32
          %dma_start3A_274 = tpu.memref_slice %arg8[%add3A_272, %dma_start3A_273] : memref<128x64xf32, #tpu.memory_space<vmem>> -> memref<1x64xf32, #tpu.memory_space<vmem>>
          %dma_start3A_275 = arith.constant 0 : i32
          %dma_start3A_276 = tpu.memref_slice %arg3[%squeeze3A_268, %dma_start3A_275] : memref<1000000x64xf32, #tpu.memory_space<hbm>> -> memref<1x64xf32, #tpu.memory_space<hbm>>
          %dma_start3A_277 = arith.constant 0 : i32
          %dma_start3A_278 = tpu.memref_slice %arg8[%add3A_272, %dma_start3A_277] : memref<128x64xf32, #tpu.memory_space<vmem>> -> memref<1x64xf32, #tpu.memory_space<vmem>>
          %dma_start3A_279 = arith.constant 0 : i32
          %dma_start3A_280 = tpu.memref_slice %arg3[%squeeze3A_268, %dma_start3A_279] : memref<1000000x64xf32, #tpu.memory_space<hbm>> -> memref<1x64xf32, #tpu.memory_space<hbm>>
          tpu.enqueue_dma source(%dma_start3A_280 : memref<1x64xf32, #tpu.memory_space<hbm>>) target(%dma_start3A_278 : memref<1x64xf32, #tpu.memory_space<vmem>>) target_semaphore(%arg13 : memref<!tpu.dma_semaphore, #tpu.memory_space<semaphore_mem>>)
          %slice3A_281 = vector.extract_strided_slice %get3A_254 {offsets = [2], sizes = [1], strides = [1]} : vector<16xi32> to vector<1xi32>
          %squeeze3A_282 = vector.extract %slice3A_281[0] : i32 from vector<1xi32>
          %mul3A_283 = arith.constant 16 : i32
          %mul3A_284 = arith.muli %scan3A_249, %mul3A_283 : i32
          %add3A_285 = arith.constant 2 : i32
          %add3A_286 = arith.addi %mul3A_284, %add3A_285 : i32
          %dma_start3A_287 = arith.constant 0 : i32
          %dma_start3A_288 = tpu.memref_slice %arg8[%add3A_286, %dma_start3A_287] : memref<128x64xf32, #tpu.memory_space<vmem>> -> memref<1x64xf32, #tpu.memory_space<vmem>>
          %dma_start3A_289 = arith.constant 0 : i32
          %dma_start3A_290 = tpu.memref_slice %arg3[%squeeze3A_282, %dma_start3A_289] : memref<1000000x64xf32, #tpu.memory_space<hbm>> -> memref<1x64xf32, #tpu.memory_space<hbm>>
          %dma_start3A_291 = arith.constant 0 : i32
          %dma_start3A_292 = tpu.memref_slice %arg8[%add3A_286, %dma_start3A_291] : memref<128x64xf32, #tpu.memory_space<vmem>> -> memref<1x64xf32, #tpu.memory_space<vmem>>
          %dma_start3A_293 = arith.constant 0 : i32
          %dma_start3A_294 = tpu.memref_slice %arg3[%squeeze3A_282, %dma_start3A_293] : memref<1000000x64xf32, #tpu.memory_space<hbm>> -> memref<1x64xf32, #tpu.memory_space<hbm>>
          tpu.enqueue_dma source(%dma_start3A_294 : memref<1x64xf32, #tpu.memory_space<hbm>>) target(%dma_start3A_292 : memref<1x64xf32, #tpu.memory_space<vmem>>) target_semaphore(%arg13 : memref<!tpu.dma_semaphore, #tpu.memory_space<semaphore_mem>>)
          %slice3A_295 = vector.extract_strided_slice %get3A_254 {offsets = [3], sizes = [1], strides = [1]} : vector<16xi32> to vector<1xi32>
          %squeeze3A_296 = vector.extract %slice3A_295[0] : i32 from vector<1xi32>
          %mul3A_297 = arith.constant 16 : i32
          %mul3A_298 = arith.muli %scan3A_249, %mul3A_297 : i32
          %add3A_299 = arith.constant 3 : i32
          %add3A_300 = arith.addi %mul3A_298, %add3A_299 : i32
          %dma_start3A_301 = arith.constant 0 : i32
          %dma_start3A_302 = tpu.memref_slice %arg8[%add3A_300, %dma_start3A_301] : memref<128x64xf32, #tpu.memory_space<vmem>> -> memref<1x64xf32, #tpu.memory_space<vmem>>
          %dma_start3A_303 = arith.constant 0 : i32
          %dma_start3A_304 = tpu.memref_slice %arg3[%squeeze3A_296, %dma_start3A_303] : memref<1000000x64xf32, #tpu.memory_space<hbm>> -> memref<1x64xf32, #tpu.memory_space<hbm>>
          %dma_start3A_305 = arith.constant 0 : i32
          %dma_start3A_306 = tpu.memref_slice %arg8[%add3A_300, %dma_start3A_305] : memref<128x64xf32, #tpu.memory_space<vmem>> -> memref<1x64xf32, #tpu.memory_space<vmem>>
          %dma_start3A_307 = arith.constant 0 : i32
          %dma_start3A_308 = tpu.memref_slice %arg3[%squeeze3A_296, %dma_start3A_307] : memref<1000000x64xf32, #tpu.memory_space<hbm>> -> memref<1x64xf32, #tpu.memory_space<hbm>>
          tpu.enqueue_dma source(%dma_start3A_308 : memref<1x64xf32, #tpu.memory_space<hbm>>) target(%dma_start3A_306 : memref<1x64xf32, #tpu.memory_space<vmem>>) target_semaphore(%arg13 : memref<!tpu.dma_semaphore, #tpu.memory_space<semaphore_mem>>)
          %slice3A_309 = vector.extract_strided_slice %get3A_254 {offsets = [4], sizes = [1], strides = [1]} : vector<16xi32> to vector<1xi32>
          %squeeze3A_310 = vector.extract %slice3A_309[0] : i32 from vector<1xi32>
          %mul3A_311 = arith.constant 16 : i32
          %mul3A_312 = arith.muli %scan3A_249, %mul3A_311 : i32
          %add3A_313 = arith.constant 4 : i32
          %add3A_314 = arith.addi %mul3A_312, %add3A_313 : i32
          %dma_start3A_315 = arith.constant 0 : i32
          %dma_start3A_316 = tpu.memref_slice %arg8[%add3A_314, %dma_start3A_315] : memref<128x64xf32, #tpu.memory_space<vmem>> -> memref<1x64xf32, #tpu.memory_space<vmem>>
          %dma_start3A_317 = arith.constant 0 : i32
          %dma_start3A_318 = tpu.memref_slice %arg3[%squeeze3A_310, %dma_start3A_317] : memref<1000000x64xf32, #tpu.memory_space<hbm>> -> memref<1x64xf32, #tpu.memory_space<hbm>>
          %dma_start3A_319 = arith.constant 0 : i32
          %dma_start3A_320 = tpu.memref_slice %arg8[%add3A_314, %dma_start3A_319] : memref<128x64xf32, #tpu.memory_space<vmem>> -> memref<1x64xf32, #tpu.memory_space<vmem>>
          %dma_start3A_321 = arith.constant 0 : i32
          %dma_start3A_322 = tpu.memref_slice %arg3[%squeeze3A_310, %dma_start3A_321] : memref<1000000x64xf32, #tpu.memory_space<hbm>> -> memref<1x64xf32, #tpu.memory_space<hbm>>
          tpu.enqueue_dma source(%dma_start3A_322 : memref<1x64xf32, #tpu.memory_space<hbm>>) target(%dma_start3A_320 : memref<1x64xf32, #tpu.memory_space<vmem>>) target_semaphore(%arg13 : memref<!tpu.dma_semaphore, #tpu.memory_space<semaphore_mem>>)
          %slice3A_323 = vector.extract_strided_slice %get3A_254 {offsets = [5], sizes = [1], strides = [1]} : vector<16xi32> to vector<1xi32>
          %squeeze3A_324 = vector.extract %slice3A_323[0] : i32 from vector<1xi32>
          %mul3A_325 = arith.constant 16 : i32
          %mul3A_326 = arith.muli %scan3A_249, %mul3A_325 : i32
          %add3A_327 = arith.constant 5 : i32
          %add3A_328 = arith.addi %mul3A_326, %add3A_327 : i32
          %dma_start3A_329 = arith.constant 0 : i32
          %dma_start3A_330 = tpu.memref_slice %arg8[%add3A_328, %dma_start3A_329] : memref<128x64xf32, #tpu.memory_space<vmem>> -> memref<1x64xf32, #tpu.memory_space<vmem>>
          %dma_start3A_331 = arith.constant 0 : i32
          %dma_start3A_332 = tpu.memref_slice %arg3[%squeeze3A_324, %dma_start3A_331] : memref<1000000x64xf32, #tpu.memory_space<hbm>> -> memref<1x64xf32, #tpu.memory_space<hbm>>
          %dma_start3A_333 = arith.constant 0 : i32
          %dma_start3A_334 = tpu.memref_slice %arg8[%add3A_328, %dma_start3A_333] : memref<128x64xf32, #tpu.memory_space<vmem>> -> memref<1x64xf32, #tpu.memory_space<vmem>>
          %dma_start3A_335 = arith.constant 0 : i32
          %dma_start3A_336 = tpu.memref_slice %arg3[%squeeze3A_324, %dma_start3A_335] : memref<1000000x64xf32, #tpu.memory_space<hbm>> -> memref<1x64xf32, #tpu.memory_space<hbm>>
          tpu.enqueue_dma source(%dma_start3A_336 : memref<1x64xf32, #tpu.memory_space<hbm>>) target(%dma_start3A_334 : memref<1x64xf32, #tpu.memory_space<vmem>>) target_semaphore(%arg13 : memref<!tpu.dma_semaphore, #tpu.memory_space<semaphore_mem>>)
          %slice3A_337 = vector.extract_strided_slice %get3A_254 {offsets = [6], sizes = [1], strides = [1]} : vector<16xi32> to vector<1xi32>
          %squeeze3A_338 = vector.extract %slice3A_337[0] : i32 from vector<1xi32>
          %mul3A_339 = arith.constant 16 : i32
          %mul3A_340 = arith.muli %scan3A_249, %mul3A_339 : i32
          %add3A_341 = arith.constant 6 : i32
          %add3A_342 = arith.addi %mul3A_340, %add3A_341 : i32
          %dma_start3A_343 = arith.constant 0 : i32
          %dma_start3A_344 = tpu.memref_slice %arg8[%add3A_342, %dma_start3A_343] : memref<128x64xf32, #tpu.memory_space<vmem>> -> memref<1x64xf32, #tpu.memory_space<vmem>>
          %dma_start3A_345 = arith.constant 0 : i32
          %dma_start3A_346 = tpu.memref_slice %arg3[%squeeze3A_338, %dma_start3A_345] : memref<1000000x64xf32, #tpu.memory_space<hbm>> -> memref<1x64xf32, #tpu.memory_space<hbm>>
          %dma_start3A_347 = arith.constant 0 : i32
          %dma_start3A_348 = tpu.memref_slice %arg8[%add3A_342, %dma_start3A_347] : memref<128x64xf32, #tpu.memory_space<vmem>> -> memref<1x64xf32, #tpu.memory_space<vmem>>
          %dma_start3A_349 = arith.constant 0 : i32
          %dma_start3A_350 = tpu.memref_slice %arg3[%squeeze3A_338, %dma_start3A_349] : memref<1000000x64xf32, #tpu.memory_space<hbm>> -> memref<1x64xf32, #tpu.memory_space<hbm>>
          tpu.enqueue_dma source(%dma_start3A_350 : memref<1x64xf32, #tpu.memory_space<hbm>>) target(%dma_start3A_348 : memref<1x64xf32, #tpu.memory_space<vmem>>) target_semaphore(%arg13 : memref<!tpu.dma_semaphore, #tpu.memory_space<semaphore_mem>>)
          %slice3A_351 = vector.extract_strided_slice %get3A_254 {offsets = [7], sizes = [1], strides = [1]} : vector<16xi32> to vector<1xi32>
          %squeeze3A_352 = vector.extract %slice3A_351[0] : i32 from vector<1xi32>
          %mul3A_353 = arith.constant 16 : i32
          %mul3A_354 = arith.muli %scan3A_249, %mul3A_353 : i32
          %add3A_355 = arith.constant 7 : i32
          %add3A_356 = arith.addi %mul3A_354, %add3A_355 : i32
          %dma_start3A_357 = arith.constant 0 : i32
          %dma_start3A_358 = tpu.memref_slice %arg8[%add3A_356, %dma_start3A_357] : memref<128x64xf32, #tpu.memory_space<vmem>> -> memref<1x64xf32, #tpu.memory_space<vmem>>
          %dma_start3A_359 = arith.constant 0 : i32
          %dma_start3A_360 = tpu.memref_slice %arg3[%squeeze3A_352, %dma_start3A_359] : memref<1000000x64xf32, #tpu.memory_space<hbm>> -> memref<1x64xf32, #tpu.memory_space<hbm>>
          %dma_start3A_361 = arith.constant 0 : i32
          %dma_start3A_362 = tpu.memref_slice %arg8[%add3A_356, %dma_start3A_361] : memref<128x64xf32, #tpu.memory_space<vmem>> -> memref<1x64xf32, #tpu.memory_space<vmem>>
          %dma_start3A_363 = arith.constant 0 : i32
          %dma_start3A_364 = tpu.memref_slice %arg3[%squeeze3A_352, %dma_start3A_363] : memref<1000000x64xf32, #tpu.memory_space<hbm>> -> memref<1x64xf32, #tpu.memory_space<hbm>>
          tpu.enqueue_dma source(%dma_start3A_364 : memref<1x64xf32, #tpu.memory_space<hbm>>) target(%dma_start3A_362 : memref<1x64xf32, #tpu.memory_space<vmem>>) target_semaphore(%arg13 : memref<!tpu.dma_semaphore, #tpu.memory_space<semaphore_mem>>)
          %slice3A_365 = vector.extract_strided_slice %get3A_254 {offsets = [8], sizes = [1], strides = [1]} : vector<16xi32> to vector<1xi32>
          %squeeze3A_366 = vector.extract %slice3A_365[0] : i32 from vector<1xi32>
          %mul3A_367 = arith.constant 16 : i32
          %mul3A_368 = arith.muli %scan3A_249, %mul3A_367 : i32
          %add3A_369 = arith.constant 8 : i32
          %add3A_370 = arith.addi %mul3A_368, %add3A_369 : i32
          %dma_start3A_371 = arith.constant 0 : i32
          %dma_start3A_372 = tpu.memref_slice %arg8[%add3A_370, %dma_start3A_371] : memref<128x64xf32, #tpu.memory_space<vmem>> -> memref<1x64xf32, #tpu.memory_space<vmem>>
          %dma_start3A_373 = arith.constant 0 : i32
          %dma_start3A_374 = tpu.memref_slice %arg3[%squeeze3A_366, %dma_start3A_373] : memref<1000000x64xf32, #tpu.memory_space<hbm>> -> memref<1x64xf32, #tpu.memory_space<hbm>>
          %dma_start3A_375 = arith.constant 0 : i32
          %dma_start3A_376 = tpu.memref_slice %arg8[%add3A_370, %dma_start3A_375] : memref<128x64xf32, #tpu.memory_space<vmem>> -> memref<1x64xf32, #tpu.memory_space<vmem>>
          %dma_start3A_377 = arith.constant 0 : i32
          %dma_start3A_378 = tpu.memref_slice %arg3[%squeeze3A_366, %dma_start3A_377] : memref<1000000x64xf32, #tpu.memory_space<hbm>> -> memref<1x64xf32, #tpu.memory_space<hbm>>
          tpu.enqueue_dma source(%dma_start3A_378 : memref<1x64xf32, #tpu.memory_space<hbm>>) target(%dma_start3A_376 : memref<1x64xf32, #tpu.memory_space<vmem>>) target_semaphore(%arg13 : memref<!tpu.dma_semaphore, #tpu.memory_space<semaphore_mem>>)
          %slice3A_379 = vector.extract_strided_slice %get3A_254 {offsets = [9], sizes = [1], strides = [1]} : vector<16xi32> to vector<1xi32>
          %squeeze3A_380 = vector.extract %slice3A_379[0] : i32 from vector<1xi32>
          %mul3A_381 = arith.constant 16 : i32
          %mul3A_382 = arith.muli %scan3A_249, %mul3A_381 : i32
          %add3A_383 = arith.constant 9 : i32
          %add3A_384 = arith.addi %mul3A_382, %add3A_383 : i32
          %dma_start3A_385 = arith.constant 0 : i32
          %dma_start3A_386 = tpu.memref_slice %arg8[%add3A_384, %dma_start3A_385] : memref<128x64xf32, #tpu.memory_space<vmem>> -> memref<1x64xf32, #tpu.memory_space<vmem>>
          %dma_start3A_387 = arith.constant 0 : i32
          %dma_start3A_388 = tpu.memref_slice %arg3[%squeeze3A_380, %dma_start3A_387] : memref<1000000x64xf32, #tpu.memory_space<hbm>> -> memref<1x64xf32, #tpu.memory_space<hbm>>
          %dma_start3A_389 = arith.constant 0 : i32
          %dma_start3A_390 = tpu.memref_slice %arg8[%add3A_384, %dma_start3A_389] : memref<128x64xf32, #tpu.memory_space<vmem>> -> memref<1x64xf32, #tpu.memory_space<vmem>>
          %dma_start3A_391 = arith.constant 0 : i32
          %dma_start3A_392 = tpu.memref_slice %arg3[%squeeze3A_380, %dma_start3A_391] : memref<1000000x64xf32, #tpu.memory_space<hbm>> -> memref<1x64xf32, #tpu.memory_space<hbm>>
          tpu.enqueue_dma source(%dma_start3A_392 : memref<1x64xf32, #tpu.memory_space<hbm>>) target(%dma_start3A_390 : memref<1x64xf32, #tpu.memory_space<vmem>>) target_semaphore(%arg13 : memref<!tpu.dma_semaphore, #tpu.memory_space<semaphore_mem>>)
          %slice3A_393 = vector.extract_strided_slice %get3A_254 {offsets = [10], sizes = [1], strides = [1]} : vector<16xi32> to vector<1xi32>
          %squeeze3A_394 = vector.extract %slice3A_393[0] : i32 from vector<1xi32>
          %mul3A_395 = arith.constant 16 : i32
          %mul3A_396 = arith.muli %scan3A_249, %mul3A_395 : i32
          %add3A_397 = arith.constant 10 : i32
          %add3A_398 = arith.addi %mul3A_396, %add3A_397 : i32
          %dma_start3A_399 = arith.constant 0 : i32
          %dma_start3A_400 = tpu.memref_slice %arg8[%add3A_398, %dma_start3A_399] : memref<128x64xf32, #tpu.memory_space<vmem>> -> memref<1x64xf32, #tpu.memory_space<vmem>>
          %dma_start3A_401 = arith.constant 0 : i32
          %dma_start3A_402 = tpu.memref_slice %arg3[%squeeze3A_394, %dma_start3A_401] : memref<1000000x64xf32, #tpu.memory_space<hbm>> -> memref<1x64xf32, #tpu.memory_space<hbm>>
          %dma_start3A_403 = arith.constant 0 : i32
          %dma_start3A_404 = tpu.memref_slice %arg8[%add3A_398, %dma_start3A_403] : memref<128x64xf32, #tpu.memory_space<vmem>> -> memref<1x64xf32, #tpu.memory_space<vmem>>
          %dma_start3A_405 = arith.constant 0 : i32
          %dma_start3A_406 = tpu.memref_slice %arg3[%squeeze3A_394, %dma_start3A_405] : memref<1000000x64xf32, #tpu.memory_space<hbm>> -> memref<1x64xf32, #tpu.memory_space<hbm>>
          tpu.enqueue_dma source(%dma_start3A_406 : memref<1x64xf32, #tpu.memory_space<hbm>>) target(%dma_start3A_404 : memref<1x64xf32, #tpu.memory_space<vmem>>) target_semaphore(%arg13 : memref<!tpu.dma_semaphore, #tpu.memory_space<semaphore_mem>>)
          %slice3A_407 = vector.extract_strided_slice %get3A_254 {offsets = [11], sizes = [1], strides = [1]} : vector<16xi32> to vector<1xi32>
          %squeeze3A_408 = vector.extract %slice3A_407[0] : i32 from vector<1xi32>
          %mul3A_409 = arith.constant 16 : i32
          %mul3A_410 = arith.muli %scan3A_249, %mul3A_409 : i32
          %add3A_411 = arith.constant 11 : i32
          %add3A_412 = arith.addi %mul3A_410, %add3A_411 : i32
          %dma_start3A_413 = arith.constant 0 : i32
          %dma_start3A_414 = tpu.memref_slice %arg8[%add3A_412, %dma_start3A_413] : memref<128x64xf32, #tpu.memory_space<vmem>> -> memref<1x64xf32, #tpu.memory_space<vmem>>
          %dma_start3A_415 = arith.constant 0 : i32
          %dma_start3A_416 = tpu.memref_slice %arg3[%squeeze3A_408, %dma_start3A_415] : memref<1000000x64xf32, #tpu.memory_space<hbm>> -> memref<1x64xf32, #tpu.memory_space<hbm>>
          %dma_start3A_417 = arith.constant 0 : i32
          %dma_start3A_418 = tpu.memref_slice %arg8[%add3A_412, %dma_start3A_417] : memref<128x64xf32, #tpu.memory_space<vmem>> -> memref<1x64xf32, #tpu.memory_space<vmem>>
          %dma_start3A_419 = arith.constant 0 : i32
          %dma_start3A_420 = tpu.memref_slice %arg3[%squeeze3A_408, %dma_start3A_419] : memref<1000000x64xf32, #tpu.memory_space<hbm>> -> memref<1x64xf32, #tpu.memory_space<hbm>>
          tpu.enqueue_dma source(%dma_start3A_420 : memref<1x64xf32, #tpu.memory_space<hbm>>) target(%dma_start3A_418 : memref<1x64xf32, #tpu.memory_space<vmem>>) target_semaphore(%arg13 : memref<!tpu.dma_semaphore, #tpu.memory_space<semaphore_mem>>)
          %slice3A_421 = vector.extract_strided_slice %get3A_254 {offsets = [12], sizes = [1], strides = [1]} : vector<16xi32> to vector<1xi32>
          %squeeze3A_422 = vector.extract %slice3A_421[0] : i32 from vector<1xi32>
          %mul3A_423 = arith.constant 16 : i32
          %mul3A_424 = arith.muli %scan3A_249, %mul3A_423 : i32
          %add3A_425 = arith.constant 12 : i32
          %add3A_426 = arith.addi %mul3A_424, %add3A_425 : i32
          %dma_start3A_427 = arith.constant 0 : i32
          %dma_start3A_428 = tpu.memref_slice %arg8[%add3A_426, %dma_start3A_427] : memref<128x64xf32, #tpu.memory_space<vmem>> -> memref<1x64xf32, #tpu.memory_space<vmem>>
          %dma_start3A_429 = arith.constant 0 : i32
          %dma_start3A_430 = tpu.memref_slice %arg3[%squeeze3A_422, %dma_start3A_429] : memref<1000000x64xf32, #tpu.memory_space<hbm>> -> memref<1x64xf32, #tpu.memory_space<hbm>>
          %dma_start3A_431 = arith.constant 0 : i32
          %dma_start3A_432 = tpu.memref_slice %arg8[%add3A_426, %dma_start3A_431] : memref<128x64xf32, #tpu.memory_space<vmem>> -> memref<1x64xf32, #tpu.memory_space<vmem>>
          %dma_start3A_433 = arith.constant 0 : i32
          %dma_start3A_434 = tpu.memref_slice %arg3[%squeeze3A_422, %dma_start3A_433] : memref<1000000x64xf32, #tpu.memory_space<hbm>> -> memref<1x64xf32, #tpu.memory_space<hbm>>
          tpu.enqueue_dma source(%dma_start3A_434 : memref<1x64xf32, #tpu.memory_space<hbm>>) target(%dma_start3A_432 : memref<1x64xf32, #tpu.memory_space<vmem>>) target_semaphore(%arg13 : memref<!tpu.dma_semaphore, #tpu.memory_space<semaphore_mem>>)
          %slice3A_435 = vector.extract_strided_slice %get3A_254 {offsets = [13], sizes = [1], strides = [1]} : vector<16xi32> to vector<1xi32>
          %squeeze3A_436 = vector.extract %slice3A_435[0] : i32 from vector<1xi32>
          %mul3A_437 = arith.constant 16 : i32
          %mul3A_438 = arith.muli %scan3A_249, %mul3A_437 : i32
          %add3A_439 = arith.constant 13 : i32
          %add3A_440 = arith.addi %mul3A_438, %add3A_439 : i32
          %dma_start3A_441 = arith.constant 0 : i32
          %dma_start3A_442 = tpu.memref_slice %arg8[%add3A_440, %dma_start3A_441] : memref<128x64xf32, #tpu.memory_space<vmem>> -> memref<1x64xf32, #tpu.memory_space<vmem>>
          %dma_start3A_443 = arith.constant 0 : i32
          %dma_start3A_444 = tpu.memref_slice %arg3[%squeeze3A_436, %dma_start3A_443] : memref<1000000x64xf32, #tpu.memory_space<hbm>> -> memref<1x64xf32, #tpu.memory_space<hbm>>
          %dma_start3A_445 = arith.constant 0 : i32
          %dma_start3A_446 = tpu.memref_slice %arg8[%add3A_440, %dma_start3A_445] : memref<128x64xf32, #tpu.memory_space<vmem>> -> memref<1x64xf32, #tpu.memory_space<vmem>>
          %dma_start3A_447 = arith.constant 0 : i32
          %dma_start3A_448 = tpu.memref_slice %arg3[%squeeze3A_436, %dma_start3A_447] : memref<1000000x64xf32, #tpu.memory_space<hbm>> -> memref<1x64xf32, #tpu.memory_space<hbm>>
          tpu.enqueue_dma source(%dma_start3A_448 : memref<1x64xf32, #tpu.memory_space<hbm>>) target(%dma_start3A_446 : memref<1x64xf32, #tpu.memory_space<vmem>>) target_semaphore(%arg13 : memref<!tpu.dma_semaphore, #tpu.memory_space<semaphore_mem>>)
          %slice3A_449 = vector.extract_strided_slice %get3A_254 {offsets = [14], sizes = [1], strides = [1]} : vector<16xi32> to vector<1xi32>
          %squeeze3A_450 = vector.extract %slice3A_449[0] : i32 from vector<1xi32>
          %mul3A_451 = arith.constant 16 : i32
          %mul3A_452 = arith.muli %scan3A_249, %mul3A_451 : i32
          %add3A_453 = arith.constant 14 : i32
          %add3A_454 = arith.addi %mul3A_452, %add3A_453 : i32
          %dma_start3A_455 = arith.constant 0 : i32
          %dma_start3A_456 = tpu.memref_slice %arg8[%add3A_454, %dma_start3A_455] : memref<128x64xf32, #tpu.memory_space<vmem>> -> memref<1x64xf32, #tpu.memory_space<vmem>>
          %dma_start3A_457 = arith.constant 0 : i32
          %dma_start3A_458 = tpu.memref_slice %arg3[%squeeze3A_450, %dma_start3A_457] : memref<1000000x64xf32, #tpu.memory_space<hbm>> -> memref<1x64xf32, #tpu.memory_space<hbm>>
          %dma_start3A_459 = arith.constant 0 : i32
          %dma_start3A_460 = tpu.memref_slice %arg8[%add3A_454, %dma_start3A_459] : memref<128x64xf32, #tpu.memory_space<vmem>> -> memref<1x64xf32, #tpu.memory_space<vmem>>
          %dma_start3A_461 = arith.constant 0 : i32
          %dma_start3A_462 = tpu.memref_slice %arg3[%squeeze3A_450, %dma_start3A_461] : memref<1000000x64xf32, #tpu.memory_space<hbm>> -> memref<1x64xf32, #tpu.memory_space<hbm>>
          tpu.enqueue_dma source(%dma_start3A_462 : memref<1x64xf32, #tpu.memory_space<hbm>>) target(%dma_start3A_460 : memref<1x64xf32, #tpu.memory_space<vmem>>) target_semaphore(%arg13 : memref<!tpu.dma_semaphore, #tpu.memory_space<semaphore_mem>>)
          %slice3A_463 = vector.extract_strided_slice %get3A_254 {offsets = [15], sizes = [1], strides = [1]} : vector<16xi32> to vector<1xi32>
          %squeeze3A_464 = vector.extract %slice3A_463[0] : i32 from vector<1xi32>
          %mul3A_465 = arith.constant 16 : i32
          %mul3A_466 = arith.muli %scan3A_249, %mul3A_465 : i32
          %add3A_467 = arith.constant 15 : i32
          %add3A_468 = arith.addi %mul3A_466, %add3A_467 : i32
          %dma_start3A_469 = arith.constant 0 : i32
          %dma_start3A_470 = tpu.memref_slice %arg8[%add3A_468, %dma_start3A_469] : memref<128x64xf32, #tpu.memory_space<vmem>> -> memref<1x64xf32, #tpu.memory_space<vmem>>
          %dma_start3A_471 = arith.constant 0 : i32
          %dma_start3A_472 = tpu.memref_slice %arg3[%squeeze3A_464, %dma_start3A_471] : memref<1000000x64xf32, #tpu.memory_space<hbm>> -> memref<1x64xf32, #tpu.memory_space<hbm>>
          %dma_start3A_473 = arith.constant 0 : i32
          %dma_start3A_474 = tpu.memref_slice %arg8[%add3A_468, %dma_start3A_473] : memref<128x64xf32, #tpu.memory_space<vmem>> -> memref<1x64xf32, #tpu.memory_space<vmem>>
          %dma_start3A_475 = arith.constant 0 : i32
          %dma_start3A_476 = tpu.memref_slice %arg3[%squeeze3A_464, %dma_start3A_475] : memref<1000000x64xf32, #tpu.memory_space<hbm>> -> memref<1x64xf32, #tpu.memory_space<hbm>>
          tpu.enqueue_dma source(%dma_start3A_476 : memref<1x64xf32, #tpu.memory_space<hbm>>) target(%dma_start3A_474 : memref<1x64xf32, #tpu.memory_space<vmem>>) target_semaphore(%arg13 : memref<!tpu.dma_semaphore, #tpu.memory_space<semaphore_mem>>)
        }
        %scan3A_248 = arith.constant 8 : i32
      } else {
      }
      %add3A_200 = arith.constant 4 : i32
      %add3A_201 = arith.addi %mul3A_49, %add3A_200 : i32
      %dma_wait3A_202 = arith.constant 0 : i32
      %dma_wait3A_203 = arith.constant 0 : i32
      %dma_wait3A_204 = tpu.memref_slice %arg3[%dma_wait3A_202, %dma_wait3A_203] : memref<1000000x64xf32, #tpu.memory_space<hbm>> -> memref<128x64xf32, #tpu.memory_space<hbm>>
      %dma_wait3A_205 = arith.constant 0 : i32
      %dma_wait3A_206 = arith.constant 0 : i32
      %dma_wait3A_207 = tpu.memref_slice %arg3[%dma_wait3A_205, %dma_wait3A_206] : memref<1000000x64xf32, #tpu.memory_space<hbm>> -> memref<128x64xf32, #tpu.memory_space<hbm>>
      tpu.wait_dma2 semaphore(%arg15 : memref<!tpu.dma_semaphore, #tpu.memory_space<semaphore_mem>>) src(%dma_wait3A_207 : memref<128x64xf32, #tpu.memory_space<hbm>>) dst(%arg10 : memref<128x64xf32, #tpu.memory_space<vmem>>)
      %mul3A_208 = arith.constant 128 : i32
      %mul3A_209 = arith.muli %add3A_201, %mul3A_208 : i32
      %add3A_210 = arith.addi %mul3A_2, %mul3A_209 : i32
      %shift_right_arithmetic3A_211 = arith.constant 12 : i32
      %shift_right_arithmetic3A_212 = arith.shrsi %add3A_210, %shift_right_arithmetic3A_211 : i32
      %and3A_213 = arith.constant 4095 : i32
      %and3A_214 = arith.andi %add3A_210, %and3A_213 : i32
      %multiple_of3A_215 = tpu.assume_multiple %and3A_214, 128 : i32
      %dma_start3A_216 = arith.constant 0 : i32
      %dma_start3A_217 = tpu.memref_slice %arg4[%shift_right_arithmetic3A_212, %multiple_of3A_215, %dma_start3A_216] : memref<50x4096x64xf32, #tpu.memory_space<hbm>> -> memref<1x128x64xf32, #tpu.memory_space<hbm>>
      %dma_start3A_218 = tpu.memref_squeeze %dma_start3A_217 : memref<1x128x64xf32, #tpu.memory_space<hbm>> -> memref<128x64xf32, #tpu.memory_space<hbm>>
      %dma_start3A_219 = arith.constant 0 : i32
      %dma_start3A_220 = tpu.memref_slice %arg4[%shift_right_arithmetic3A_212, %multiple_of3A_215, %dma_start3A_219] : memref<50x4096x64xf32, #tpu.memory_space<hbm>> -> memref<1x128x64xf32, #tpu.memory_space<hbm>>
      %dma_start3A_221 = tpu.memref_squeeze %dma_start3A_220 : memref<1x128x64xf32, #tpu.memory_space<hbm>> -> memref<128x64xf32, #tpu.memory_space<hbm>>
      tpu.enqueue_dma source(%arg10 : memref<128x64xf32, #tpu.memory_space<vmem>>) target(%dma_start3A_221 : memref<128x64xf32, #tpu.memory_space<hbm>>) target_semaphore(%arg20 : memref<!tpu.dma_semaphore, #tpu.memory_space<semaphore_mem>>)
      %ge3A_222 = arith.constant 1 : i32
      %ge3A_223 = arith.cmpi sge, %add3A_201, %ge3A_222 : i32
      %convert_element_type3A_224 = arith.extui %ge3A_223 : i1 to i32
      %cond3A_225 = arith.constant 0 : i32
      %cond3A_226 = arith.cmpi ne, %convert_element_type3A_224, %cond3A_225 : i32
      scf.if %cond3A_226 {
        %sub3A_239 = arith.constant 1 : i32
        %sub3A_240 = arith.subi %add3A_201, %sub3A_239 : i32
        %mul3A_241 = arith.constant 128 : i32
        %mul3A_242 = arith.muli %sub3A_240, %mul3A_241 : i32
        %add3A_243 = arith.addi %mul3A_2, %mul3A_242 : i32
        %shift_right_arithmetic3A_244 = arith.constant 12 : i32
        %shift_right_arithmetic3A_245 = arith.shrsi %add3A_243, %shift_right_arithmetic3A_244 : i32
        %and3A_246 = arith.constant 4095 : i32
        %and3A_247 = arith.andi %add3A_243, %and3A_246 : i32
        %multiple_of3A_248 = tpu.assume_multiple %and3A_247, 128 : i32
        %dma_wait3A_249 = arith.constant 0 : i32
        %dma_wait3A_250 = tpu.memref_slice %arg4[%shift_right_arithmetic3A_245, %multiple_of3A_248, %dma_wait3A_249] : memref<50x4096x64xf32, #tpu.memory_space<hbm>> -> memref<1x128x64xf32, #tpu.memory_space<hbm>>
        %dma_wait3A_251 = tpu.memref_squeeze %dma_wait3A_250 : memref<1x128x64xf32, #tpu.memory_space<hbm>> -> memref<128x64xf32, #tpu.memory_space<hbm>>
        %dma_wait3A_252 = arith.constant 0 : i32
        %dma_wait3A_253 = tpu.memref_slice %arg4[%shift_right_arithmetic3A_245, %multiple_of3A_248, %dma_wait3A_252] : memref<50x4096x64xf32, #tpu.memory_space<hbm>> -> memref<1x128x64xf32, #tpu.memory_space<hbm>>
        %dma_wait3A_254 = tpu.memref_squeeze %dma_wait3A_253 : memref<1x128x64xf32, #tpu.memory_space<hbm>> -> memref<128x64xf32, #tpu.memory_space<hbm>>
        tpu.wait_dma2 semaphore(%arg19 : memref<!tpu.dma_semaphore, #tpu.memory_space<semaphore_mem>>) src(%arg9 : memref<128x64xf32, #tpu.memory_space<vmem>>) dst(%dma_wait3A_254 : memref<128x64xf32, #tpu.memory_space<hbm>>)
      } else {
      }
      %ge3A_227 = arith.constant 1 : i32
      %ge3A_228 = arith.cmpi sge, %add3A_201, %ge3A_227 : i32
      %sub3A_229 = arith.constant 1 : i32
      %sub3A_230 = arith.subi %add3A_201, %sub3A_229 : i32
      %add3A_231 = arith.constant 5 : i32
      %add3A_232 = arith.addi %sub3A_230, %add3A_231 : i32
      %lt3A_233 = arith.constant 50 : i32
      %lt3A_234 = arith.cmpi slt, %add3A_232, %lt3A_233 : i32
      %and3A_235 = arith.andi %ge3A_228, %lt3A_234 : i1
      %convert_element_type3A_236 = arith.extui %and3A_235 : i1 to i32
      %cond3A_237 = arith.constant 0 : i32
      %cond3A_238 = arith.cmpi ne, %convert_element_type3A_236, %cond3A_237 : i32
      scf.if %cond3A_238 {
        %sub3A_239 = arith.constant 1 : i32
        %sub3A_240 = arith.subi %add3A_201, %sub3A_239 : i32
        %add3A_241 = arith.constant 5 : i32
        %add3A_242 = arith.addi %sub3A_240, %add3A_241 : i32
        %scan3A_243 = arith.constant 0 : i32
        %scan3A_244 = arith.constant 0 : i32
        %scan3A_245 = arith.constant 8 : i32
        %scan3A_246 = arith.addi %scan3A_244, %scan3A_245 : i32
        %scan3A_247 = arith.constant 1 : i32
        scf.for %scan3A_249 = %scan3A_244 to %scan3A_246 step %scan3A_247  : i32 {
          %mul3A_250 = arith.constant 16 : i32
          %mul3A_251 = arith.muli %scan3A_249, %mul3A_250 : i32
          %get3A = arith.index_cast %add3A_242 : i32 to index
          %get3A_252 = arith.index_cast %mul3A_251 : i32 to index
          %get3A_253 = tpu.vector_load %arg5[%get3A, %get3A_252] {strides = array<i32>} : memref<50x128xi32, #tpu.memory_space<vmem>>, vector<1x16xi32>,
          %get3A_254 = vector.shape_cast %get3A_253 : vector<1x16xi32> to vector<16xi32>
          %slice3A = vector.extract_strided_slice %get3A_254 {offsets = [0], sizes = [1], strides = [1]} : vector<16xi32> to vector<1xi32>
          %squeeze3A = vector.extract %slice3A[0] : i32 from vector<1xi32>
          %mul3A_255 = arith.constant 16 : i32
          %mul3A_256 = arith.muli %scan3A_249, %mul3A_255 : i32
          %add3A_257 = arith.constant 0 : i32
          %add3A_258 = arith.addi %mul3A_256, %add3A_257 : i32
          %dma_start3A_259 = arith.constant 0 : i32
          %dma_start3A_260 = tpu.memref_slice %arg9[%add3A_258, %dma_start3A_259] : memref<128x64xf32, #tpu.memory_space<vmem>> -> memref<1x64xf32, #tpu.memory_space<vmem>>
          %dma_start3A_261 = arith.constant 0 : i32
          %dma_start3A_262 = tpu.memref_slice %arg3[%squeeze3A, %dma_start3A_261] : memref<1000000x64xf32, #tpu.memory_space<hbm>> -> memref<1x64xf32, #tpu.memory_space<hbm>>
          %dma_start3A_263 = arith.constant 0 : i32
          %dma_start3A_264 = tpu.memref_slice %arg9[%add3A_258, %dma_start3A_263] : memref<128x64xf32, #tpu.memory_space<vmem>> -> memref<1x64xf32, #tpu.memory_space<vmem>>
          %dma_start3A_265 = arith.constant 0 : i32
          %dma_start3A_266 = tpu.memref_slice %arg3[%squeeze3A, %dma_start3A_265] : memref<1000000x64xf32, #tpu.memory_space<hbm>> -> memref<1x64xf32, #tpu.memory_space<hbm>>
          tpu.enqueue_dma source(%dma_start3A_266 : memref<1x64xf32, #tpu.memory_space<hbm>>) target(%dma_start3A_264 : memref<1x64xf32, #tpu.memory_space<vmem>>) target_semaphore(%arg14 : memref<!tpu.dma_semaphore, #tpu.memory_space<semaphore_mem>>)
          %slice3A_267 = vector.extract_strided_slice %get3A_254 {offsets = [1], sizes = [1], strides = [1]} : vector<16xi32> to vector<1xi32>
          %squeeze3A_268 = vector.extract %slice3A_267[0] : i32 from vector<1xi32>
          %mul3A_269 = arith.constant 16 : i32
          %mul3A_270 = arith.muli %scan3A_249, %mul3A_269 : i32
          %add3A_271 = arith.constant 1 : i32
          %add3A_272 = arith.addi %mul3A_270, %add3A_271 : i32
          %dma_start3A_273 = arith.constant 0 : i32
          %dma_start3A_274 = tpu.memref_slice %arg9[%add3A_272, %dma_start3A_273] : memref<128x64xf32, #tpu.memory_space<vmem>> -> memref<1x64xf32, #tpu.memory_space<vmem>>
          %dma_start3A_275 = arith.constant 0 : i32
          %dma_start3A_276 = tpu.memref_slice %arg3[%squeeze3A_268, %dma_start3A_275] : memref<1000000x64xf32, #tpu.memory_space<hbm>> -> memref<1x64xf32, #tpu.memory_space<hbm>>
          %dma_start3A_277 = arith.constant 0 : i32
          %dma_start3A_278 = tpu.memref_slice %arg9[%add3A_272, %dma_start3A_277] : memref<128x64xf32, #tpu.memory_space<vmem>> -> memref<1x64xf32, #tpu.memory_space<vmem>>
          %dma_start3A_279 = arith.constant 0 : i32
          %dma_start3A_280 = tpu.memref_slice %arg3[%squeeze3A_268, %dma_start3A_279] : memref<1000000x64xf32, #tpu.memory_space<hbm>> -> memref<1x64xf32, #tpu.memory_space<hbm>>
          tpu.enqueue_dma source(%dma_start3A_280 : memref<1x64xf32, #tpu.memory_space<hbm>>) target(%dma_start3A_278 : memref<1x64xf32, #tpu.memory_space<vmem>>) target_semaphore(%arg14 : memref<!tpu.dma_semaphore, #tpu.memory_space<semaphore_mem>>)
          %slice3A_281 = vector.extract_strided_slice %get3A_254 {offsets = [2], sizes = [1], strides = [1]} : vector<16xi32> to vector<1xi32>
          %squeeze3A_282 = vector.extract %slice3A_281[0] : i32 from vector<1xi32>
          %mul3A_283 = arith.constant 16 : i32
          %mul3A_284 = arith.muli %scan3A_249, %mul3A_283 : i32
          %add3A_285 = arith.constant 2 : i32
          %add3A_286 = arith.addi %mul3A_284, %add3A_285 : i32
          %dma_start3A_287 = arith.constant 0 : i32
          %dma_start3A_288 = tpu.memref_slice %arg9[%add3A_286, %dma_start3A_287] : memref<128x64xf32, #tpu.memory_space<vmem>> -> memref<1x64xf32, #tpu.memory_space<vmem>>
          %dma_start3A_289 = arith.constant 0 : i32
          %dma_start3A_290 = tpu.memref_slice %arg3[%squeeze3A_282, %dma_start3A_289] : memref<1000000x64xf32, #tpu.memory_space<hbm>> -> memref<1x64xf32, #tpu.memory_space<hbm>>
          %dma_start3A_291 = arith.constant 0 : i32
          %dma_start3A_292 = tpu.memref_slice %arg9[%add3A_286, %dma_start3A_291] : memref<128x64xf32, #tpu.memory_space<vmem>> -> memref<1x64xf32, #tpu.memory_space<vmem>>
          %dma_start3A_293 = arith.constant 0 : i32
          %dma_start3A_294 = tpu.memref_slice %arg3[%squeeze3A_282, %dma_start3A_293] : memref<1000000x64xf32, #tpu.memory_space<hbm>> -> memref<1x64xf32, #tpu.memory_space<hbm>>
          tpu.enqueue_dma source(%dma_start3A_294 : memref<1x64xf32, #tpu.memory_space<hbm>>) target(%dma_start3A_292 : memref<1x64xf32, #tpu.memory_space<vmem>>) target_semaphore(%arg14 : memref<!tpu.dma_semaphore, #tpu.memory_space<semaphore_mem>>)
          %slice3A_295 = vector.extract_strided_slice %get3A_254 {offsets = [3], sizes = [1], strides = [1]} : vector<16xi32> to vector<1xi32>
          %squeeze3A_296 = vector.extract %slice3A_295[0] : i32 from vector<1xi32>
          %mul3A_297 = arith.constant 16 : i32
          %mul3A_298 = arith.muli %scan3A_249, %mul3A_297 : i32
          %add3A_299 = arith.constant 3 : i32
          %add3A_300 = arith.addi %mul3A_298, %add3A_299 : i32
          %dma_start3A_301 = arith.constant 0 : i32
          %dma_start3A_302 = tpu.memref_slice %arg9[%add3A_300, %dma_start3A_301] : memref<128x64xf32, #tpu.memory_space<vmem>> -> memref<1x64xf32, #tpu.memory_space<vmem>>
          %dma_start3A_303 = arith.constant 0 : i32
          %dma_start3A_304 = tpu.memref_slice %arg3[%squeeze3A_296, %dma_start3A_303] : memref<1000000x64xf32, #tpu.memory_space<hbm>> -> memref<1x64xf32, #tpu.memory_space<hbm>>
          %dma_start3A_305 = arith.constant 0 : i32
          %dma_start3A_306 = tpu.memref_slice %arg9[%add3A_300, %dma_start3A_305] : memref<128x64xf32, #tpu.memory_space<vmem>> -> memref<1x64xf32, #tpu.memory_space<vmem>>
          %dma_start3A_307 = arith.constant 0 : i32
          %dma_start3A_308 = tpu.memref_slice %arg3[%squeeze3A_296, %dma_start3A_307] : memref<1000000x64xf32, #tpu.memory_space<hbm>> -> memref<1x64xf32, #tpu.memory_space<hbm>>
          tpu.enqueue_dma source(%dma_start3A_308 : memref<1x64xf32, #tpu.memory_space<hbm>>) target(%dma_start3A_306 : memref<1x64xf32, #tpu.memory_space<vmem>>) target_semaphore(%arg14 : memref<!tpu.dma_semaphore, #tpu.memory_space<semaphore_mem>>)
          %slice3A_309 = vector.extract_strided_slice %get3A_254 {offsets = [4], sizes = [1], strides = [1]} : vector<16xi32> to vector<1xi32>
          %squeeze3A_310 = vector.extract %slice3A_309[0] : i32 from vector<1xi32>
          %mul3A_311 = arith.constant 16 : i32
          %mul3A_312 = arith.muli %scan3A_249, %mul3A_311 : i32
          %add3A_313 = arith.constant 4 : i32
          %add3A_314 = arith.addi %mul3A_312, %add3A_313 : i32
          %dma_start3A_315 = arith.constant 0 : i32
          %dma_start3A_316 = tpu.memref_slice %arg9[%add3A_314, %dma_start3A_315] : memref<128x64xf32, #tpu.memory_space<vmem>> -> memref<1x64xf32, #tpu.memory_space<vmem>>
          %dma_start3A_317 = arith.constant 0 : i32
          %dma_start3A_318 = tpu.memref_slice %arg3[%squeeze3A_310, %dma_start3A_317] : memref<1000000x64xf32, #tpu.memory_space<hbm>> -> memref<1x64xf32, #tpu.memory_space<hbm>>
          %dma_start3A_319 = arith.constant 0 : i32
          %dma_start3A_320 = tpu.memref_slice %arg9[%add3A_314, %dma_start3A_319] : memref<128x64xf32, #tpu.memory_space<vmem>> -> memref<1x64xf32, #tpu.memory_space<vmem>>
          %dma_start3A_321 = arith.constant 0 : i32
          %dma_start3A_322 = tpu.memref_slice %arg3[%squeeze3A_310, %dma_start3A_321] : memref<1000000x64xf32, #tpu.memory_space<hbm>> -> memref<1x64xf32, #tpu.memory_space<hbm>>
          tpu.enqueue_dma source(%dma_start3A_322 : memref<1x64xf32, #tpu.memory_space<hbm>>) target(%dma_start3A_320 : memref<1x64xf32, #tpu.memory_space<vmem>>) target_semaphore(%arg14 : memref<!tpu.dma_semaphore, #tpu.memory_space<semaphore_mem>>)
          %slice3A_323 = vector.extract_strided_slice %get3A_254 {offsets = [5], sizes = [1], strides = [1]} : vector<16xi32> to vector<1xi32>
          %squeeze3A_324 = vector.extract %slice3A_323[0] : i32 from vector<1xi32>
          %mul3A_325 = arith.constant 16 : i32
          %mul3A_326 = arith.muli %scan3A_249, %mul3A_325 : i32
          %add3A_327 = arith.constant 5 : i32
          %add3A_328 = arith.addi %mul3A_326, %add3A_327 : i32
          %dma_start3A_329 = arith.constant 0 : i32
          %dma_start3A_330 = tpu.memref_slice %arg9[%add3A_328, %dma_start3A_329] : memref<128x64xf32, #tpu.memory_space<vmem>> -> memref<1x64xf32, #tpu.memory_space<vmem>>
          %dma_start3A_331 = arith.constant 0 : i32
          %dma_start3A_332 = tpu.memref_slice %arg3[%squeeze3A_324, %dma_start3A_331] : memref<1000000x64xf32, #tpu.memory_space<hbm>> -> memref<1x64xf32, #tpu.memory_space<hbm>>
          %dma_start3A_333 = arith.constant 0 : i32
          %dma_start3A_334 = tpu.memref_slice %arg9[%add3A_328, %dma_start3A_333] : memref<128x64xf32, #tpu.memory_space<vmem>> -> memref<1x64xf32, #tpu.memory_space<vmem>>
          %dma_start3A_335 = arith.constant 0 : i32
          %dma_start3A_336 = tpu.memref_slice %arg3[%squeeze3A_324, %dma_start3A_335] : memref<1000000x64xf32, #tpu.memory_space<hbm>> -> memref<1x64xf32, #tpu.memory_space<hbm>>
          tpu.enqueue_dma source(%dma_start3A_336 : memref<1x64xf32, #tpu.memory_space<hbm>>) target(%dma_start3A_334 : memref<1x64xf32, #tpu.memory_space<vmem>>) target_semaphore(%arg14 : memref<!tpu.dma_semaphore, #tpu.memory_space<semaphore_mem>>)
          %slice3A_337 = vector.extract_strided_slice %get3A_254 {offsets = [6], sizes = [1], strides = [1]} : vector<16xi32> to vector<1xi32>
          %squeeze3A_338 = vector.extract %slice3A_337[0] : i32 from vector<1xi32>
          %mul3A_339 = arith.constant 16 : i32
          %mul3A_340 = arith.muli %scan3A_249, %mul3A_339 : i32
          %add3A_341 = arith.constant 6 : i32
          %add3A_342 = arith.addi %mul3A_340, %add3A_341 : i32
          %dma_start3A_343 = arith.constant 0 : i32
          %dma_start3A_344 = tpu.memref_slice %arg9[%add3A_342, %dma_start3A_343] : memref<128x64xf32, #tpu.memory_space<vmem>> -> memref<1x64xf32, #tpu.memory_space<vmem>>
          %dma_start3A_345 = arith.constant 0 : i32
          %dma_start3A_346 = tpu.memref_slice %arg3[%squeeze3A_338, %dma_start3A_345] : memref<1000000x64xf32, #tpu.memory_space<hbm>> -> memref<1x64xf32, #tpu.memory_space<hbm>>
          %dma_start3A_347 = arith.constant 0 : i32
          %dma_start3A_348 = tpu.memref_slice %arg9[%add3A_342, %dma_start3A_347] : memref<128x64xf32, #tpu.memory_space<vmem>> -> memref<1x64xf32, #tpu.memory_space<vmem>>
          %dma_start3A_349 = arith.constant 0 : i32
          %dma_start3A_350 = tpu.memref_slice %arg3[%squeeze3A_338, %dma_start3A_349] : memref<1000000x64xf32, #tpu.memory_space<hbm>> -> memref<1x64xf32, #tpu.memory_space<hbm>>
          tpu.enqueue_dma source(%dma_start3A_350 : memref<1x64xf32, #tpu.memory_space<hbm>>) target(%dma_start3A_348 : memref<1x64xf32, #tpu.memory_space<vmem>>) target_semaphore(%arg14 : memref<!tpu.dma_semaphore, #tpu.memory_space<semaphore_mem>>)
          %slice3A_351 = vector.extract_strided_slice %get3A_254 {offsets = [7], sizes = [1], strides = [1]} : vector<16xi32> to vector<1xi32>
          %squeeze3A_352 = vector.extract %slice3A_351[0] : i32 from vector<1xi32>
          %mul3A_353 = arith.constant 16 : i32
          %mul3A_354 = arith.muli %scan3A_249, %mul3A_353 : i32
          %add3A_355 = arith.constant 7 : i32
          %add3A_356 = arith.addi %mul3A_354, %add3A_355 : i32
          %dma_start3A_357 = arith.constant 0 : i32
          %dma_start3A_358 = tpu.memref_slice %arg9[%add3A_356, %dma_start3A_357] : memref<128x64xf32, #tpu.memory_space<vmem>> -> memref<1x64xf32, #tpu.memory_space<vmem>>
          %dma_start3A_359 = arith.constant 0 : i32
          %dma_start3A_360 = tpu.memref_slice %arg3[%squeeze3A_352, %dma_start3A_359] : memref<1000000x64xf32, #tpu.memory_space<hbm>> -> memref<1x64xf32, #tpu.memory_space<hbm>>
          %dma_start3A_361 = arith.constant 0 : i32
          %dma_start3A_362 = tpu.memref_slice %arg9[%add3A_356, %dma_start3A_361] : memref<128x64xf32, #tpu.memory_space<vmem>> -> memref<1x64xf32, #tpu.memory_space<vmem>>
          %dma_start3A_363 = arith.constant 0 : i32
          %dma_start3A_364 = tpu.memref_slice %arg3[%squeeze3A_352, %dma_start3A_363] : memref<1000000x64xf32, #tpu.memory_space<hbm>> -> memref<1x64xf32, #tpu.memory_space<hbm>>
          tpu.enqueue_dma source(%dma_start3A_364 : memref<1x64xf32, #tpu.memory_space<hbm>>) target(%dma_start3A_362 : memref<1x64xf32, #tpu.memory_space<vmem>>) target_semaphore(%arg14 : memref<!tpu.dma_semaphore, #tpu.memory_space<semaphore_mem>>)
          %slice3A_365 = vector.extract_strided_slice %get3A_254 {offsets = [8], sizes = [1], strides = [1]} : vector<16xi32> to vector<1xi32>
          %squeeze3A_366 = vector.extract %slice3A_365[0] : i32 from vector<1xi32>
          %mul3A_367 = arith.constant 16 : i32
          %mul3A_368 = arith.muli %scan3A_249, %mul3A_367 : i32
          %add3A_369 = arith.constant 8 : i32
          %add3A_370 = arith.addi %mul3A_368, %add3A_369 : i32
          %dma_start3A_371 = arith.constant 0 : i32
          %dma_start3A_372 = tpu.memref_slice %arg9[%add3A_370, %dma_start3A_371] : memref<128x64xf32, #tpu.memory_space<vmem>> -> memref<1x64xf32, #tpu.memory_space<vmem>>
          %dma_start3A_373 = arith.constant 0 : i32
          %dma_start3A_374 = tpu.memref_slice %arg3[%squeeze3A_366, %dma_start3A_373] : memref<1000000x64xf32, #tpu.memory_space<hbm>> -> memref<1x64xf32, #tpu.memory_space<hbm>>
          %dma_start3A_375 = arith.constant 0 : i32
          %dma_start3A_376 = tpu.memref_slice %arg9[%add3A_370, %dma_start3A_375] : memref<128x64xf32, #tpu.memory_space<vmem>> -> memref<1x64xf32, #tpu.memory_space<vmem>>
          %dma_start3A_377 = arith.constant 0 : i32
          %dma_start3A_378 = tpu.memref_slice %arg3[%squeeze3A_366, %dma_start3A_377] : memref<1000000x64xf32, #tpu.memory_space<hbm>> -> memref<1x64xf32, #tpu.memory_space<hbm>>
          tpu.enqueue_dma source(%dma_start3A_378 : memref<1x64xf32, #tpu.memory_space<hbm>>) target(%dma_start3A_376 : memref<1x64xf32, #tpu.memory_space<vmem>>) target_semaphore(%arg14 : memref<!tpu.dma_semaphore, #tpu.memory_space<semaphore_mem>>)
          %slice3A_379 = vector.extract_strided_slice %get3A_254 {offsets = [9], sizes = [1], strides = [1]} : vector<16xi32> to vector<1xi32>
          %squeeze3A_380 = vector.extract %slice3A_379[0] : i32 from vector<1xi32>
          %mul3A_381 = arith.constant 16 : i32
          %mul3A_382 = arith.muli %scan3A_249, %mul3A_381 : i32
          %add3A_383 = arith.constant 9 : i32
          %add3A_384 = arith.addi %mul3A_382, %add3A_383 : i32
          %dma_start3A_385 = arith.constant 0 : i32
          %dma_start3A_386 = tpu.memref_slice %arg9[%add3A_384, %dma_start3A_385] : memref<128x64xf32, #tpu.memory_space<vmem>> -> memref<1x64xf32, #tpu.memory_space<vmem>>
          %dma_start3A_387 = arith.constant 0 : i32
          %dma_start3A_388 = tpu.memref_slice %arg3[%squeeze3A_380, %dma_start3A_387] : memref<1000000x64xf32, #tpu.memory_space<hbm>> -> memref<1x64xf32, #tpu.memory_space<hbm>>
          %dma_start3A_389 = arith.constant 0 : i32
          %dma_start3A_390 = tpu.memref_slice %arg9[%add3A_384, %dma_start3A_389] : memref<128x64xf32, #tpu.memory_space<vmem>> -> memref<1x64xf32, #tpu.memory_space<vmem>>
          %dma_start3A_391 = arith.constant 0 : i32
          %dma_start3A_392 = tpu.memref_slice %arg3[%squeeze3A_380, %dma_start3A_391] : memref<1000000x64xf32, #tpu.memory_space<hbm>> -> memref<1x64xf32, #tpu.memory_space<hbm>>
          tpu.enqueue_dma source(%dma_start3A_392 : memref<1x64xf32, #tpu.memory_space<hbm>>) target(%dma_start3A_390 : memref<1x64xf32, #tpu.memory_space<vmem>>) target_semaphore(%arg14 : memref<!tpu.dma_semaphore, #tpu.memory_space<semaphore_mem>>)
          %slice3A_393 = vector.extract_strided_slice %get3A_254 {offsets = [10], sizes = [1], strides = [1]} : vector<16xi32> to vector<1xi32>
          %squeeze3A_394 = vector.extract %slice3A_393[0] : i32 from vector<1xi32>
          %mul3A_395 = arith.constant 16 : i32
          %mul3A_396 = arith.muli %scan3A_249, %mul3A_395 : i32
          %add3A_397 = arith.constant 10 : i32
          %add3A_398 = arith.addi %mul3A_396, %add3A_397 : i32
          %dma_start3A_399 = arith.constant 0 : i32
          %dma_start3A_400 = tpu.memref_slice %arg9[%add3A_398, %dma_start3A_399] : memref<128x64xf32, #tpu.memory_space<vmem>> -> memref<1x64xf32, #tpu.memory_space<vmem>>
          %dma_start3A_401 = arith.constant 0 : i32
          %dma_start3A_402 = tpu.memref_slice %arg3[%squeeze3A_394, %dma_start3A_401] : memref<1000000x64xf32, #tpu.memory_space<hbm>> -> memref<1x64xf32, #tpu.memory_space<hbm>>
          %dma_start3A_403 = arith.constant 0 : i32
          %dma_start3A_404 = tpu.memref_slice %arg9[%add3A_398, %dma_start3A_403] : memref<128x64xf32, #tpu.memory_space<vmem>> -> memref<1x64xf32, #tpu.memory_space<vmem>>
          %dma_start3A_405 = arith.constant 0 : i32
          %dma_start3A_406 = tpu.memref_slice %arg3[%squeeze3A_394, %dma_start3A_405] : memref<1000000x64xf32, #tpu.memory_space<hbm>> -> memref<1x64xf32, #tpu.memory_space<hbm>>
          tpu.enqueue_dma source(%dma_start3A_406 : memref<1x64xf32, #tpu.memory_space<hbm>>) target(%dma_start3A_404 : memref<1x64xf32, #tpu.memory_space<vmem>>) target_semaphore(%arg14 : memref<!tpu.dma_semaphore, #tpu.memory_space<semaphore_mem>>)
          %slice3A_407 = vector.extract_strided_slice %get3A_254 {offsets = [11], sizes = [1], strides = [1]} : vector<16xi32> to vector<1xi32>
          %squeeze3A_408 = vector.extract %slice3A_407[0] : i32 from vector<1xi32>
          %mul3A_409 = arith.constant 16 : i32
          %mul3A_410 = arith.muli %scan3A_249, %mul3A_409 : i32
          %add3A_411 = arith.constant 11 : i32
          %add3A_412 = arith.addi %mul3A_410, %add3A_411 : i32
          %dma_start3A_413 = arith.constant 0 : i32
          %dma_start3A_414 = tpu.memref_slice %arg9[%add3A_412, %dma_start3A_413] : memref<128x64xf32, #tpu.memory_space<vmem>> -> memref<1x64xf32, #tpu.memory_space<vmem>>
          %dma_start3A_415 = arith.constant 0 : i32
          %dma_start3A_416 = tpu.memref_slice %arg3[%squeeze3A_408, %dma_start3A_415] : memref<1000000x64xf32, #tpu.memory_space<hbm>> -> memref<1x64xf32, #tpu.memory_space<hbm>>
          %dma_start3A_417 = arith.constant 0 : i32
          %dma_start3A_418 = tpu.memref_slice %arg9[%add3A_412, %dma_start3A_417] : memref<128x64xf32, #tpu.memory_space<vmem>> -> memref<1x64xf32, #tpu.memory_space<vmem>>
          %dma_start3A_419 = arith.constant 0 : i32
          %dma_start3A_420 = tpu.memref_slice %arg3[%squeeze3A_408, %dma_start3A_419] : memref<1000000x64xf32, #tpu.memory_space<hbm>> -> memref<1x64xf32, #tpu.memory_space<hbm>>
          tpu.enqueue_dma source(%dma_start3A_420 : memref<1x64xf32, #tpu.memory_space<hbm>>) target(%dma_start3A_418 : memref<1x64xf32, #tpu.memory_space<vmem>>) target_semaphore(%arg14 : memref<!tpu.dma_semaphore, #tpu.memory_space<semaphore_mem>>)
          %slice3A_421 = vector.extract_strided_slice %get3A_254 {offsets = [12], sizes = [1], strides = [1]} : vector<16xi32> to vector<1xi32>
          %squeeze3A_422 = vector.extract %slice3A_421[0] : i32 from vector<1xi32>
          %mul3A_423 = arith.constant 16 : i32
          %mul3A_424 = arith.muli %scan3A_249, %mul3A_423 : i32
          %add3A_425 = arith.constant 12 : i32
          %add3A_426 = arith.addi %mul3A_424, %add3A_425 : i32
          %dma_start3A_427 = arith.constant 0 : i32
          %dma_start3A_428 = tpu.memref_slice %arg9[%add3A_426, %dma_start3A_427] : memref<128x64xf32, #tpu.memory_space<vmem>> -> memref<1x64xf32, #tpu.memory_space<vmem>>
          %dma_start3A_429 = arith.constant 0 : i32
          %dma_start3A_430 = tpu.memref_slice %arg3[%squeeze3A_422, %dma_start3A_429] : memref<1000000x64xf32, #tpu.memory_space<hbm>> -> memref<1x64xf32, #tpu.memory_space<hbm>>
          %dma_start3A_431 = arith.constant 0 : i32
          %dma_start3A_432 = tpu.memref_slice %arg9[%add3A_426, %dma_start3A_431] : memref<128x64xf32, #tpu.memory_space<vmem>> -> memref<1x64xf32, #tpu.memory_space<vmem>>
          %dma_start3A_433 = arith.constant 0 : i32
          %dma_start3A_434 = tpu.memref_slice %arg3[%squeeze3A_422, %dma_start3A_433] : memref<1000000x64xf32, #tpu.memory_space<hbm>> -> memref<1x64xf32, #tpu.memory_space<hbm>>
          tpu.enqueue_dma source(%dma_start3A_434 : memref<1x64xf32, #tpu.memory_space<hbm>>) target(%dma_start3A_432 : memref<1x64xf32, #tpu.memory_space<vmem>>) target_semaphore(%arg14 : memref<!tpu.dma_semaphore, #tpu.memory_space<semaphore_mem>>)
          %slice3A_435 = vector.extract_strided_slice %get3A_254 {offsets = [13], sizes = [1], strides = [1]} : vector<16xi32> to vector<1xi32>
          %squeeze3A_436 = vector.extract %slice3A_435[0] : i32 from vector<1xi32>
          %mul3A_437 = arith.constant 16 : i32
          %mul3A_438 = arith.muli %scan3A_249, %mul3A_437 : i32
          %add3A_439 = arith.constant 13 : i32
          %add3A_440 = arith.addi %mul3A_438, %add3A_439 : i32
          %dma_start3A_441 = arith.constant 0 : i32
          %dma_start3A_442 = tpu.memref_slice %arg9[%add3A_440, %dma_start3A_441] : memref<128x64xf32, #tpu.memory_space<vmem>> -> memref<1x64xf32, #tpu.memory_space<vmem>>
          %dma_start3A_443 = arith.constant 0 : i32
          %dma_start3A_444 = tpu.memref_slice %arg3[%squeeze3A_436, %dma_start3A_443] : memref<1000000x64xf32, #tpu.memory_space<hbm>> -> memref<1x64xf32, #tpu.memory_space<hbm>>
          %dma_start3A_445 = arith.constant 0 : i32
          %dma_start3A_446 = tpu.memref_slice %arg9[%add3A_440, %dma_start3A_445] : memref<128x64xf32, #tpu.memory_space<vmem>> -> memref<1x64xf32, #tpu.memory_space<vmem>>
          %dma_start3A_447 = arith.constant 0 : i32
          %dma_start3A_448 = tpu.memref_slice %arg3[%squeeze3A_436, %dma_start3A_447] : memref<1000000x64xf32, #tpu.memory_space<hbm>> -> memref<1x64xf32, #tpu.memory_space<hbm>>
          tpu.enqueue_dma source(%dma_start3A_448 : memref<1x64xf32, #tpu.memory_space<hbm>>) target(%dma_start3A_446 : memref<1x64xf32, #tpu.memory_space<vmem>>) target_semaphore(%arg14 : memref<!tpu.dma_semaphore, #tpu.memory_space<semaphore_mem>>)
          %slice3A_449 = vector.extract_strided_slice %get3A_254 {offsets = [14], sizes = [1], strides = [1]} : vector<16xi32> to vector<1xi32>
          %squeeze3A_450 = vector.extract %slice3A_449[0] : i32 from vector<1xi32>
          %mul3A_451 = arith.constant 16 : i32
          %mul3A_452 = arith.muli %scan3A_249, %mul3A_451 : i32
          %add3A_453 = arith.constant 14 : i32
          %add3A_454 = arith.addi %mul3A_452, %add3A_453 : i32
          %dma_start3A_455 = arith.constant 0 : i32
          %dma_start3A_456 = tpu.memref_slice %arg9[%add3A_454, %dma_start3A_455] : memref<128x64xf32, #tpu.memory_space<vmem>> -> memref<1x64xf32, #tpu.memory_space<vmem>>
          %dma_start3A_457 = arith.constant 0 : i32
          %dma_start3A_458 = tpu.memref_slice %arg3[%squeeze3A_450, %dma_start3A_457] : memref<1000000x64xf32, #tpu.memory_space<hbm>> -> memref<1x64xf32, #tpu.memory_space<hbm>>
          %dma_start3A_459 = arith.constant 0 : i32
          %dma_start3A_460 = tpu.memref_slice %arg9[%add3A_454, %dma_start3A_459] : memref<128x64xf32, #tpu.memory_space<vmem>> -> memref<1x64xf32, #tpu.memory_space<vmem>>
          %dma_start3A_461 = arith.constant 0 : i32
          %dma_start3A_462 = tpu.memref_slice %arg3[%squeeze3A_450, %dma_start3A_461] : memref<1000000x64xf32, #tpu.memory_space<hbm>> -> memref<1x64xf32, #tpu.memory_space<hbm>>
          tpu.enqueue_dma source(%dma_start3A_462 : memref<1x64xf32, #tpu.memory_space<hbm>>) target(%dma_start3A_460 : memref<1x64xf32, #tpu.memory_space<vmem>>) target_semaphore(%arg14 : memref<!tpu.dma_semaphore, #tpu.memory_space<semaphore_mem>>)
          %slice3A_463 = vector.extract_strided_slice %get3A_254 {offsets = [15], sizes = [1], strides = [1]} : vector<16xi32> to vector<1xi32>
          %squeeze3A_464 = vector.extract %slice3A_463[0] : i32 from vector<1xi32>
          %mul3A_465 = arith.constant 16 : i32
          %mul3A_466 = arith.muli %scan3A_249, %mul3A_465 : i32
          %add3A_467 = arith.constant 15 : i32
          %add3A_468 = arith.addi %mul3A_466, %add3A_467 : i32
          %dma_start3A_469 = arith.constant 0 : i32
          %dma_start3A_470 = tpu.memref_slice %arg9[%add3A_468, %dma_start3A_469] : memref<128x64xf32, #tpu.memory_space<vmem>> -> memref<1x64xf32, #tpu.memory_space<vmem>>
          %dma_start3A_471 = arith.constant 0 : i32
          %dma_start3A_472 = tpu.memref_slice %arg3[%squeeze3A_464, %dma_start3A_471] : memref<1000000x64xf32, #tpu.memory_space<hbm>> -> memref<1x64xf32, #tpu.memory_space<hbm>>
          %dma_start3A_473 = arith.constant 0 : i32
          %dma_start3A_474 = tpu.memref_slice %arg9[%add3A_468, %dma_start3A_473] : memref<128x64xf32, #tpu.memory_space<vmem>> -> memref<1x64xf32, #tpu.memory_space<vmem>>
          %dma_start3A_475 = arith.constant 0 : i32
          %dma_start3A_476 = tpu.memref_slice %arg3[%squeeze3A_464, %dma_start3A_475] : memref<1000000x64xf32, #tpu.memory_space<hbm>> -> memref<1x64xf32, #tpu.memory_space<hbm>>
          tpu.enqueue_dma source(%dma_start3A_476 : memref<1x64xf32, #tpu.memory_space<hbm>>) target(%dma_start3A_474 : memref<1x64xf32, #tpu.memory_space<vmem>>) target_semaphore(%arg14 : memref<!tpu.dma_semaphore, #tpu.memory_space<semaphore_mem>>)
        }
        %scan3A_248 = arith.constant 8 : i32
      } else {
      }
    }
    %scan3A_37 = arith.constant 10 : i32
    %add3A_38 = arith.constant 6272 : i32
    %add3A_39 = arith.addi %mul3A_2, %add3A_38 : i32
    %shift_right_arithmetic3A = arith.constant 12 : i32
    %shift_right_arithmetic3A_40 = arith.shrsi %add3A_39, %shift_right_arithmetic3A : i32
    %and3A = arith.constant 4095 : i32
    %and3A_41 = arith.andi %add3A_39, %and3A : i32
    %multiple_of3A = tpu.assume_multiple %and3A_41, 128 : i32
    %dma_wait3A = arith.constant 0 : i32
    %dma_wait3A_42 = tpu.memref_slice %arg4[%shift_right_arithmetic3A_40, %multiple_of3A, %dma_wait3A] : memref<50x4096x64xf32, #tpu.memory_space<hbm>> -> memref<1x128x64xf32, #tpu.memory_space<hbm>>
    %dma_wait3A_43 = tpu.memref_squeeze %dma_wait3A_42 : memref<1x128x64xf32, #tpu.memory_space<hbm>> -> memref<128x64xf32, #tpu.memory_space<hbm>>
    %dma_wait3A_44 = arith.constant 0 : i32
    %dma_wait3A_45 = tpu.memref_slice %arg4[%shift_right_arithmetic3A_40, %multiple_of3A, %dma_wait3A_44] : memref<50x4096x64xf32, #tpu.memory_space<hbm>> -> memref<1x128x64xf32, #tpu.memory_space<hbm>>
    %dma_wait3A_46 = tpu.memref_squeeze %dma_wait3A_45 : memref<1x128x64xf32, #tpu.memory_space<hbm>> -> memref<128x64xf32, #tpu.memory_space<hbm>>
    tpu.wait_dma2 semaphore(%arg20 : memref<!tpu.dma_semaphore, #tpu.memory_space<semaphore_mem>>) src(%arg10 : memref<128x64xf32, #tpu.memory_space<vmem>>) dst(%dma_wait3A_46 : memref<128x64xf32, #tpu.memory_space<hbm>>)
    return
  }
}

</mosaic_0001>

<sc_bundles>
// kernel: kernel.3.cloned.1.call-start
scs
__scs_entry_jumppad:
0x0: {  	(pc) =	sbr.rel $0x88, $3  }
0x1: {  	(tag) =	ssettag $0x0;
	lr =	simm.s32 $0x1  }
0x2: {  	[smem:$0x3F9F] =	sst lr;
	_ =	strace $0xD0000000  }
0x3: {  	_ = 	snop  }
0x4: {  	_ = 	snop  }
0x5: {  	_ = 	snop  }
0x6: {  	_ = 	snop  }
0x7: {  	_ = 	snop  }
__scs_overlays_trampoline_lowered:
0x8: {  	[smem:$0x3FAE] =	sst s0  }
0x9: {  	[smem:$0x3FAF] =	sst s1  }
0xa: {  	[smem:$0x3FB0] =	sst s2  }
0xb: {  	[smem:$0x3FB1] =	sst s3  }
0xc: {  	[smem:$0x3FB2] =	sst s4  }
0xd: {  	[smem:$0x3FB3] =	sst s5  }
0xe: {  	[smem:$0x3FB4] =	sst s6  }
0xf: {  	[smem:$0x3FB5] =	sst s7  }
0x10: {  	[smem:$0x3FB6] =	sst s8  }
0x11: {  	[smem:$0x3FB7] =	sst s9;
	s0 =	simm.s32 @!p0 $0x0  }
0x12: {  	s1 =	sld [smem:$0x3F9D];
	s0 =	simm.s32 @p0 $0x1  }
0x13: {  	[smem:$0x3FB8] =	sst s0;
	s0 =	simm.s32 @!p1 $0x0  }
0x14: {  	s2 =	sld [smem:$0x3F9C];
	s0 =	simm.s32 @p1 $0x1  }
0x15: {  	[smem:$0x3FB9] =	sst s0;
	s0 =	simm.s32 @!p2 $0x0  }
0x16: {  	s3 =	sld [smem:$0x3FDB];
	s0 =	simm.s32 @p2 $0x1  }
0x17: {  	s4 =	simm.s32 $0x1BF5;
	[smem:$0x3FBB] =	sst s0  }
0x18: {  	s0 =	sld [smem:$0x3F9E];
	_ =	swait.ge [sflag:s4], $0x0  }
0x19: {  	s7 =	sld [smem:$0x3F9F]  }
0x1a: {  	s8 =	sadd.s32 $0xFFFFE003, lr  }
0x1b: {  	s9 =	sadd.s32 $0xFFFFFEF7, lr;
	s5 =	simm.s32 $0xFFFFFFFF;
	p2 =	slt.u32 s8, $0xFFFFF086  }
0x1c: {  	p1 =	slt.u32 s9, $0xF7A;
	s5 =	simm.s32 @!p2 $0x0  }
0x1d: {  	s5 =	simm.s32 @p1 $0x1;
	p0 =	seq.s32 s7, s2  }
0x1e: {  	s7 =	smul.u32 @!p0 $0xF7A, s2;
	p2 =	seq.s32 @!p0 s5, $0x0  }
0x1f: {  	s9 =	smul.u32 $0xF7A, s1;
	s8 =	simm.s32 @!p0 $0x1BF5;
	p2 =	por !p2, p0  }
0x20: {  	[sflag:s8] =	ssyncset.s32 @!p0 $0xFFFFF086;
	s6 =	sadd.s32 @!p0 s3, s7;
	s7 =	simm.s32 @!p0 $0x108  }
0x21: {  	s3 =	sadd.s32 s3, s9;
	s6 =	sadd.s32 @!p0 $0x88, s6;
	s7 =	simm.s32 @p2 $0x1082  }
0x22: {  	[simem:s7], [sflag:s8] =	dma.local @!p0 [hbm:s6], $0xF7A  }
0x23: {  	s9 =	sor.u32 $0xD0000000, s2;
	s6 =	simm.s32 $0x108;
	_ =	swait.ge @!p0 [sflag:s8], $0x0  }
0x24: {  	s3 =	sadd.s32 $0x88, s3;
	s6 =	simm.s32 @!p1 $0x1082;
	[sflag:s4] =	ssyncset.s32 $0xFFFFF086  }
0x25: {  	[simem:s6], [sflag:s4] =	dma.local [hbm:s3], $0xF7A  }
0x26: {  	[smem:$0x3F9F] =	sst s1;
	(tag) =	ssettag s2;
	_ =	strace s9  }
0x27: {  	s1 =	sld [smem:$0x3FAF]  }
0x28: {  	s2 =	sld [smem:$0x3FB0]  }
0x29: {  	s4 =	sld [smem:$0x3FB2]  }
0x2a: {  	p0 =	seq.s32 s5, $0x0;
	s5 =	sld [smem:$0x3FB3]  }
0x2b: {  	s6 =	sld [smem:$0x3FB4]  }
0x2c: {  	s7 =	sld [smem:$0x3FB5]  }
0x2d: {  	s3 =	simm.s32 $0x108;
	s8 =	sld [smem:$0x3FB6]  }
0x2e: {  	s3 =	simm.s32 @!p0 $0x1082;
	s9 =	sld [smem:$0x3FB7]  }
0x2f: {  	lr =	sadd.s32 s0, s3;
	s0 =	sld [smem:$0x3FAE]  }
0x30: {  	s3 =	sld [smem:$0x3FB1]  }
0x31: {  	[smem:$0x3FBA] =	sst s10  }
0x32: {  	s10 =	sld [smem:$0x3FB8];
	_ =	sdelay $0x3  }
0x33: {  	p0 =	seq.s32 s10, $0x1;
	s10 =	sld [smem:$0x3FBA];
	_ =	sdelay $0x3  }
0x34: {  	[smem:$0x3FBA] =	sst s10  }
0x35: {  	s10 =	sld [smem:$0x3FB9];
	_ =	sdelay $0x3  }
0x36: {  	p1 =	seq.s32 s10, $0x1;
	s10 =	sld [smem:$0x3FBA];
	_ =	sdelay $0x3  }
0x37: {  	[smem:$0x3FBA] =	sst s10  }
0x38: {  	s10 =	sld [smem:$0x3FBB]  }
0x39: {  	_ = 	snop;
	(pc) =	sbr.ind lr, $3  }
0x3a: {  	_ = 	snop  }
0x3b: {  	_ = 	snop  }
0x3c: {  	p2 =	seq.s32 s10, $0x1;
	s10 =	sld [smem:$0x3FBA]  }
0x3d: {  	_ =	shalt  }
0x3e: {  	_ =	shalt  }
0x3f: {  	_ =	shalt  }
0x40: {  	_ =	shalt  }
0x41: {  	_ =	shalt  }
0x42: {  	_ =	shalt  }
0x43: {  	_ =	shalt  }
0x44: {  	_ =	shalt  }
0x45: {  	_ =	shalt  }
0x46: {  	_ =	shalt  }
0x47: {  	_ =	shalt  }
0x48: {  	_ =	shalt  }
0x49: {  	_ =	shalt  }
0x4a: {  	_ =	shalt  }
0x4b: {  	_ =	shalt  }
0x4c: {  	_ =	shalt  }
0x4d: {  	_ =	shalt  }
0x4e: {  	_ =	shalt  }
0x4f: {  	_ =	shalt  }
0x50: {  	_ =	shalt  }
0x51: {  	_ =	shalt  }
0x52: {  	_ =	shalt  }
0x53: {  	_ =	shalt  }
0x54: {  	_ =	shalt  }
0x55: {  	_ =	shalt  }
0x56: {  	_ =	shalt  }
0x57: {  	_ =	shalt  }
0x58: {  	_ =	shalt  }
0x59: {  	_ =	shalt  }
0x5a: {  	_ =	shalt  }
0x5b: {  	_ =	shalt  }
0x5c: {  	_ =	shalt  }
0x5d: {  	_ =	shalt  }
0x5e: {  	_ =	shalt  }
0x5f: {  	_ =	shalt  }
0x60: {  	_ =	shalt  }
0x61: {  	_ =	shalt  }
0x62: {  	_ =	shalt  }
0x63: {  	_ =	shalt  }
0x64: {  	_ =	shalt  }
0x65: {  	_ =	shalt  }
0x66: {  	_ =	shalt  }
0x67: {  	_ =	shalt  }
0x68: {  	_ =	shalt  }
0x69: {  	_ =	shalt  }
0x6a: {  	_ =	shalt  }
0x6b: {  	_ =	shalt  }
0x6c: {  	_ =	shalt  }
0x6d: {  	_ =	shalt  }
0x6e: {  	_ =	shalt  }
0x6f: {  	_ =	shalt  }
0x70: {  	_ =	shalt  }
0x71: {  	_ =	shalt  }
0x72: {  	_ =	shalt  }
0x73: {  	_ =	shalt  }
0x74: {  	_ =	shalt  }
0x75: {  	_ =	shalt  }
0x76: {  	_ =	shalt  }
0x77: {  	_ =	shalt  }
0x78: {  	_ =	shalt  }
0x79: {  	_ =	shalt  }
0x7a: {  	_ =	shalt  }
0x7b: {  	_ =	shalt  }
0x7c: {  	_ =	shalt  }
0x7d: {  	_ =	shalt  }
0x7e: {  	_ =	shalt  }
0x7f: {  	_ =	shalt  }
0x80: {  	_ =	shalt  }
0x81: {  	_ =	shalt  }
0x82: {  	_ =	shalt  }
0x83: {  	_ =	shalt  }
0x84: {  	_ =	shalt  }
0x85: {  	_ =	shalt  }
0x86: {  	_ =	shalt  }
0x87: {  	_ =	shalt  }
.Lfunc_end0:
.L_simem_size_0:
called_computation.1_lowered:
.L_overlay_start_0:
0x88: {  	s2 =	sld [smem:$0x3FD9]  }
0x89: {  	s3 =	sld [smem:$0x3FFE];
	_ =	sdelay $0x1  }
0x8a: {  	s1 =	srdreg.scid  }
0x8b: {  	s0 =	sand.u32 $0x1, s1  }
0x8c: {  	s17 =	sshll.u32 s0, $0xA;
	s2 =	sadd.s32 s3, s2  }
0x8d: {  	s2 =	sadd.s32 s2, s17  }
0x8e: {  	[smem:$0x3FC6] =	sst s2  }
0x8f: {  	_ = 	snop  }
0x90: {  	s2 =	sld [smem:$0x3FD0];
	(tm) =	ssettm $0x1  }
0x91: {  	s18 =	sld [smem:$0x3FFB];
	_ =	sdelay $0x3  }
0x92: {  	_ =	strace s18  }
0x93: {  	s3 =	sld [smem:$0x3FFC];
	_ =	sdelay $0x3  }
0x94: {  	_ =	strace s3  }
0x95: {  	s3 =	sld [smem:$0x3FFD];
	_ =	sdelay $0x3  }
0x96: {  	_ =	strace s3  }
0x97: {  	_ =	strace $0x8FFFFFFF  }
0x98: {  	s19 =	sld [smem:$0x3FDB];
	_ =	sdelay $0x1  }
0x99: {  	s4 =	simm.s32 $_scs_section_size  }
0x9a: {  	s5 =	simm.s32 $_size__tile_overlayer_lowered;
	s6 =	simm.s32 $_tile_overlayer_lowered  }
0x9b: {  	s22 =	simm.s32 $0x1BFF;
	s21 =	sshll.u32 s6, $0x1;
	s3 =	sadd.s32 s4, s19  }
0x9c: {  	s7 =	simm.s32 $0x0;
	s20 =	sshll.u32 s5, $0x1;
	s5 =	sadd.s32 s21, s3  }
0x9d: {  	[timem:s7], [sflag:s22] =	dma.local [hbm:s5], s20  }
0x9e: {  	_ =	swait.ge [sflag:s22], s20  }
0x9f: {  	s4 =	ssub.s32 $0x0, s20;
	[sflag:s22] =	ssyncset.done $0x0  }
0xa0: {  	[sflag:s22] =	ssyncadd.s32 s4;
	_ =	sdelay $0x1  }
0xa1: {  	s23 =	simm.s32 $0x1B8B  }
0xa2: {  	_ =	swait.ge [sflag:s23], $0x1  }
0xa3: {  	[sflag:s23] =	ssyncset.done $0x0  }
0xa4: {  	s25 =	simm.s32 $0x1B8E;
	s24 =	sld [smem:$0x3FFE];
	[sflag:s23] =	ssyncadd.s32 $0xFFFFFFFF  }
0xa5: {  	s26 =	simm.s32 $execute0_lowered;
	[smem:$0x3FD2] =	sst s25  }
0xa6: {  	s5 =	sshll.u32 s26, $0x1;
	_ =	strace $0x80000046;
	[dreg:$0x1] =	wrdreg $0xFFFFFFFF  }
0xa7: {  	s28 =	simm.s32 $_size_execute0_lowered;
	s3 =	sadd.s32 s3, s5;
	[dreg:$0x0] =	wrdreg $0x0  }
0xa8: {  	s5 =	sshll.u32 s28, $0x1;
	[dreg:$0x2] =	wrdreg s3  }
0xa9: {  	[dreg:$0x3] =	wrdreg s5  }
0xaa: {  	[dreg:$0x4] =	wrdreg $0xC0  }
0xab: {  	_ =	task [dreg:s7], $0x5FFFF  }
0xac: {  	[dreg:$0x1] =	wrdreg $0xFFFFFFFF  }
0xad: {  	[dreg:$0x0] =	wrdreg $0x60  }
0xae: {  	[dreg:$0x2] =	wrdreg s2  }
0xaf: {  	[dreg:$0x3] =	wrdreg s24  }
0xb0: {  	[dreg:$0x4] =	wrdreg $0x9  }
0xb1: {  	_ =	task.clear_ibuf [dreg:s7], $0x5FFFF;
	_ =	strace $0x90000046  }
0xb2: {  	s29 =	simm.s32 $0x9;
	_ =	strace $0x80000048  }
0xb3: {  	_ =	swait.ge [sflag:s29], $0x1  }
0xb4: {  	[sflag:s29] =	ssyncadd.s32 $0xFFFFFFFF  }
0xb5: {  	_ =	strace $0x90000048  }
0xb6: {  	_ =	sfence  }
0xb7: {  	s30 =	sld [smem:$0x0];
	_ =	sdelay $0x2  }
0xb8: {  	s31 =	sshll.u32 s1, $0xD;
	s1 =	sshrl.u32 s1, $0x2  }
0xb9: {  	s3 =	sand.u32 $0x4000, s31;
	s1 =	sadd.s32 s1, s30  }
0xba: {  	s0 =	sor.u32 s3, s0;
	s1 =	sshll.u32 s1, $0x11  }
0xbb: {  	s0 =	sor.u32 s1, s0  }
0xbc: {  	s0 =	sadd.s32 $0x8F2B, s0  }
0xbd: {  	[sflag:s0] =	ssyncadd.remote.s32 $0x1  }
0xbe: {  	_ =	sfence.sel $0xFFFF  }
0xbf: {  	[dreg:$0x0] =	wrdreg $0xFFFFFFFF;
	(pc) =	sbr.abs _section_cstart, $3  }
0xc0: {  	[dreg:$0x1] =	wrdreg $0xFFFFFFFF  }
0xc1: {  	_ =	task.clear_ibuf [dreg:s7], $0x2FFFF;
	_ =	strace $0x9FFFFFFF  }
0xc2: {  	(tm) =	ssettm $0x7FFFFFFF  }
0xc3: {  	_ =	shalt  }
tec
execute0_lowered:
.L_overlay_start_1:
0x0: {  	(tag) =	ssettag $0x1  }
0x1: {  	s1 =	srdreg.scid;
	s2 =	stileid.u32  }
0x2: {  	s1 =	sand.u32 $0x1, s1;
	s4 =	sshll.u32 s2, $0x1  }
0x3: {  	s6 =	sor.u32 s1, s4  }
0x4: {  	s0 =	rddreg [dreg:$0x0];
	s8 =	smul.u32 $0x1900, s6  }
0x5: {  	s3 =	rddreg [dreg:$0x1];
	s2 =	simm.s32 $0x0;
	s7 =	smul.u32 $0x380, s6  }
0x6: {  	[smem:$0x7FF] =	sst s2;
	s30 =	smul.u32 $0x19000, s6  }
0x7: {  	_ =	strace $0x80000047;
	[dreg:$0x3] =	wrdreg s8  }
0x8: {  	s1 =	ssub.s32 $0x2, s1;
	s0 =	sadd.s32 s0, s7;
	[dreg:$0x8] =	wrdreg s30  }
.Ltmp0:
0x9: {  	s26 =	sor.u32 $0x80, s8;
	[dreg:$0x4] =	wrdreg s0;
	(pc) =	sbr.rel .LBB2_1-.Ltmp0, $4  }
0xa: {  	s25 =	sshrl.u32 s1, $0x1;
	s28 =	sadd.s32 $0x100, s8;
	[dreg:$0x5] =	wrdreg s26  }
0xb: {  	s1 =	ssub.s32 s1, s25;
	s29 =	sadd.s32 $0x180, s8;
	[dreg:$0x6] =	wrdreg s28  }
0xc: {  	s5 =	sadd.s32 $0xF42C00, s3;
	s31 =	smax.u32 s1, $0x1;
	[dreg:$0x7] =	wrdreg s29  }
0xd: {  	s4 =	sadd.s32 $0x800, s3;
	s3 =	simm.s32 $0x0;
	[dreg:$0x9] =	wrdreg s31  }
.LBB2_33:
0xe: {  	s1 =	simm.s32 $0xA  }
0xf: {  	_ =	swait.ge [sflag:s1], $0x4000  }
0x10: {  	s3 =	rddreg [dreg:$0xa]  }
0x11: {  	s0 =	rddreg [dreg:$0x9];
	s3 =	sadd.s32 $0x1, s3  }
0x12: {  	p0 =	sne.s32 s3, s0  }
.Ltmp1:
0x13: {  	_ = 	snop;
	(pc) =	sbr.rel @!p0 .LBB2_34-.Ltmp1, $3  }
0x14: {  	_ =	sdelay $0x1  }
0x15: {  	[sflag:s1] =	ssyncset.done $0x0  }
0x16: {  	[sflag:s1] =	ssyncadd.s32 $0xFFFFC000  }
.LBB2_1:
0x17: {  	[dreg:$0xa] =	wrdreg s3  }
0x18: {  	s0 =	rddreg [dreg:$0x4];
	s31 =	simm.s32 $0xB  }
0x19: {  	[tilespmem:s2], [sflag:$0xB] =	stream.linear.gather [hbm4b:s0+s2], $0x1900, $0x38;
	[tilespmem:$0x15C00] =	vst v63  }
0x1a: {  	_ =	swait.ge [sflag:s31], $0x1900  }
0x1b: {  	[sflag:s31] =	ssyncset.done $0x0  }
0x1c: {  	[sflag:s31] =	ssyncadd.s32 $0xFFFFE700  }
0x1d: {  	v0 =	vld [tilespmem:s2+$0x0];
	_ =	sdelay $0x4  }
0x1e: {  	v0 =	vshll.u32 v0, $0x4  }
0x1f: {  	(v2sf) =	vpush v0, $0x0  }
0x20: {  	(v2sf) =	vpush v0, $0x1  }
0x21: {  	(v2sf) =	vpush v0, $0x2;
	_ =	sdelay $0x1  }
0x22: {  	(v2sf) =	vpush v0, $0x4;
	_ =	sdelay $0x1  }
0x23: {  	(v2sf) =	vpush v0, $0x3  }
0x24: {  	(v2sf) =	vpush v0, $0x5  }
0x25: {  	s6 =	simm.s32 $0x2000;
	s1 =	simm.s32 $0x0;
	s11 =	simm.s32 $0x0;
	(v2sf) =	vpush v0, $0x6  }
.LBB2_2:
0x26: {  	p0 =	sne.s32 s6, $0xE000  }
0x27: {  	s13 =	sadd.s32 $0x1C80, s1;
	s19 =	sadd.s32 $0x2180, s1;
	s12 =	smov.u32 s6  }
0x28: {  	s6 =	sadd.s32 $0x2000, s6;
	s8 =	sadd.s32 $0x1F80, s1;
	s14 =	sadd.s32 $0x2200, s1;
	(v2sf) =	vpush v0, $0x7  }
0x29: {  	s10 =	sadd.s32 $0x1E80, s1;
	s3 =	sadd.s32 $0x2000, s1;
	s16 =	sadd.s32 $0x2280, s1  }
0x2a: {  	s15 =	sadd.s32 $0x1C00, s1;
	s22 =	sadd.s32 $0x1E00, s1;
	(v2sf) =	vpush v0, $0x8  }
0x2b: {  	s0 =	simm.s32 $0x0;
	s25 =	sadd.s32 $0x1F00, s1;
	s11 =	sadd.s32 $0x10, s11  }
0x2c: {  	s28 =	sadd.s32 $0x1D00, s1;
	s7 =	sadd.s32 $0x2100, s1;
	s9 =	spop (v2sf);
	(v2sf) =	vpush v0, $0x9  }
0x2d: {  	s29 =	sand.u32 $0x1FFFFFF0, s9;
	s9 =	sadd.s32 $0x2080, s1;
	s30 =	spop (v2sf)  }
0x2e: {  	s29 =	sadd.s32 s4, s29;
	s30 =	sand.u32 $0x1FFFFFF0, s30;
	s31 =	spop (v2sf);
	(v2sf) =	vpush v0, $0xA  }
0x2f: {  	[tilespmem:s15], [sflag:$0x1] =	stream.linear.gather [hbm4b:s29+s0], $0x80, $0x38;
	[tilespmem:$0x15C00] =	vst v63  }
0x30: {  	s15 =	sadd.s32 s4, s30;
	s29 =	sadd.s32 $0x1D80, s1;
	s30 =	spop (v2sf);
	(v2sf) =	vpush v0, $0xB  }
0x31: {  	[tilespmem:s13], [sflag:$0x1] =	stream.linear.gather [hbm4b:s15+s0], $0x80, $0x38;
	[tilespmem:$0x15C00] =	vst v63  }
0x32: {  	s13 =	sand.u32 $0x1FFFFFF0, s31;
	s15 =	sand.u32 $0x1FFFFFF0, s30;
	s30 =	spop (v2sf);
	(v2sf) =	vpush v0, $0xC  }
0x33: {  	s13 =	sadd.s32 s4, s13;
	s30 =	sand.u32 $0x1FFFFFF0, s30;
	s31 =	spop (v2sf)  }
0x34: {  	[tilespmem:s28], [sflag:$0x1] =	stream.linear.gather [hbm4b:s13+s0], $0x80, $0x38;
	(v2sf) =	vpush v0, $0xD;
	[tilespmem:$0x15C00] =	vst v63  }
0x35: {  	s13 =	sadd.s32 s4, s30;
	s28 =	sand.u32 $0x1FFFFFF0, s31;
	s30 =	spop (v2sf)  }
0x36: {  	[tilespmem:s29], [sflag:$0x1] =	stream.linear.gather [hbm4b:s13+s0], $0x80, $0x38;
	(v2sf) =	vpush v0, $0xE;
	[tilespmem:$0x15C00] =	vst v63  }
0x37: {  	s13 =	sadd.s32 s4, s15;
	s15 =	sand.u32 $0x1FFFFFF0, s30;
	s29 =	spop (v2sf)  }
0x38: {  	[tilespmem:s22], [sflag:$0x1] =	stream.linear.gather [hbm4b:s13+s0], $0x80, $0x38;
	(v2sf) =	vpush v0, $0xF;
	[tilespmem:$0x15C00] =	vst v63  }
0x39: {  	s13 =	sadd.s32 s4, s28;
	s22 =	sand.u32 $0x1FFFFFF0, s29;
	s28 =	spop (v2sf)  }
0x3a: {  	[tilespmem:s10], [sflag:$0x1] =	stream.linear.gather [hbm4b:s13+s0], $0x80, $0x38;
	[tilespmem:$0x15C00] =	vst v63  }
0x3b: {  	s10 =	sadd.s32 s4, s15;
	s13 =	sand.u32 $0x1FFFFFF0, s28;
	s15 =	spop (v2sf)  }
0x3c: {  	[tilespmem:s25], [sflag:$0x1] =	stream.linear.gather [hbm4b:s10+s0], $0x80, $0x38;
	[tilespmem:$0x15C00] =	vst v63  }
0x3d: {  	s10 =	sadd.s32 s4, s22;
	s15 =	sand.u32 $0x1FFFFFF0, s15;
	s22 =	spop (v2sf)  }
0x3e: {  	[tilespmem:s8], [sflag:$0x1] =	stream.linear.gather [hbm4b:s10+s0], $0x80, $0x38;
	[tilespmem:$0x15C00] =	vst v63  }
0x3f: {  	s8 =	sadd.s32 s4, s13;
	s10 =	sand.u32 $0x1FFFFFF0, s22;
	s13 =	spop (v2sf)  }
0x40: {  	[tilespmem:s3], [sflag:$0x1] =	stream.linear.gather [hbm4b:s8+s0], $0x80, $0x38;
	[tilespmem:$0x15C00] =	vst v63  }
0x41: {  	s3 =	sadd.s32 s4, s15;
	s8 =	sand.u32 $0x1FFFFFF0, s13;
	s13 =	spop (v2sf)  }
0x42: {  	[tilespmem:s9], [sflag:$0x1] =	stream.linear.gather [hbm4b:s3+s0], $0x80, $0x38;
	[tilespmem:$0x15C00] =	vst v63  }
0x43: {  	s3 =	sadd.s32 s4, s10;
	s9 =	sand.u32 $0x1FFFFFF0, s13;
	s10 =	spop (v2sf)  }
0x44: {  	[tilespmem:s7], [sflag:$0x1] =	stream.linear.gather [hbm4b:s3+s0], $0x80, $0x38;
	[tilespmem:$0x15C00] =	vst v63  }
0x45: {  	s3 =	sadd.s32 s4, s8;
	s7 =	sand.u32 $0x1FFFFFF0, s10;
	s8 =	spop (v2sf)  }
0x46: {  	[tilespmem:s19], [sflag:$0x1] =	stream.linear.gather [hbm4b:s3+s0], $0x80, $0x38;
	[tilespmem:$0x15C00] =	vst v63  }
0x47: {  	s3 =	sadd.s32 s4, s9;
	s8 =	sand.u32 $0x1FFFFFF0, s8;
	s9 =	spop (v2sf)  }
0x48: {  	[tilespmem:s14], [sflag:$0x1] =	stream.linear.gather [hbm4b:s3+s0], $0x80, $0x38;
	[tilespmem:$0x15C00] =	vst v63  }
0x49: {  	s3 =	sadd.s32 s4, s7;
	s7 =	sand.u32 $0x1FFFFFF0, s9  }
0x4a: {  	[tilespmem:s16], [sflag:$0x1] =	stream.linear.gather [hbm4b:s3+s0], $0x80, $0x38;
	[tilespmem:$0x15C00] =	vst v63  }
0x4b: {  	s8 =	sadd.s32 s4, s8;
	s3 =	sadd.s32 $0x2300, s1  }
0x4c: {  	[tilespmem:s3], [sflag:$0x1] =	stream.linear.gather [hbm4b:s8+s0], $0x80, $0x38;
	[tilespmem:$0x15C00] =	vst v63  }
0x4d: {  	s1 =	sadd.s32 $0x2380, s1;
	s3 =	sadd.s32 s4, s7  }
0x4e: {  	[tilespmem:s1], [sflag:$0x1] =	stream.linear.gather [hbm4b:s3+s0], $0x80, $0x38;
	[tilespmem:$0x15C00] =	vst v63  }
0x4f: {  	v0 =	vld [tilespmem:s11+$0x0];
	_ =	sdelay $0x4  }
0x50: {  	v0 =	vshll.u32 v0, $0x4  }
0x51: {  	(v2sf) =	vpush v0, $0x0  }
0x52: {  	(v2sf) =	vpush v0, $0x1  }
0x53: {  	(v2sf) =	vpush v0, $0x2;
	_ =	sdelay $0x1  }
0x54: {  	(v2sf) =	vpush v0, $0x4  }
.Ltmp2:
0x55: {  	(pc) =	sbr.rel @p0 .LBB2_2-.Ltmp2, $3  }
0x56: {  	(v2sf) =	vpush v0, $0x3  }
0x57: {  	(v2sf) =	vpush v0, $0x5;
	_ =	sdelay $0x1  }
0x58: {  	s1 =	sshra.s32 s12, $0x2;
	(v2sf) =	vpush v0, $0x6  }
0x59: {  	_ =	sdelay $0x1  }
0x5a: {  	s8 =	sadd.s32 $0x1C80, s1;
	s7 =	sadd.s32 $0x2180, s1  }
0x5b: {  	s9 =	sadd.s32 $0x1F80, s1;
	s3 =	sadd.s32 $0x2200, s1;
	(v2sf) =	vpush v0, $0x7;
	s10 =	sadd.s32 $0x1E80, s1  }
0x5c: {  	s11 =	sadd.s32 $0x2000, s1;
	s6 =	sadd.s32 $0x2280, s1;
	s12 =	sadd.s32 $0x1C00, s1  }
0x5d: {  	s13 =	sadd.s32 $0x1E00, s1;
	s14 =	sadd.s32 $0x1F00, s1;
	(v2sf) =	vpush v0, $0x8;
	s15 =	spop (v2sf)  }
0x5e: {  	s16 =	sadd.s32 $0x1D00, s1;
	s15 =	sand.u32 $0x1FFFFFF0, s15;
	s19 =	spop (v2sf)  }
0x5f: {  	(v2sf) =	vpush v0, $0x9;
	s15 =	sadd.s32 s4, s15;
	s19 =	sand.u32 $0x1FFFFFF0, s19;
	s22 =	spop (v2sf)  }
0x60: {  	[tilespmem:s12], [sflag:$0x1] =	stream.linear.gather [hbm4b:s15+s0], $0x80, $0x38;
	[tilespmem:$0x15C00] =	vst v63  }
0x61: {  	s25 =	sadd.s32 $0x1D80, s1;
	(v2sf) =	vpush v0, $0xA;
	s31 =	sadd.s32 s4, s19;
	s17 =	spop (v2sf)  }
0x62: {  	[tilespmem:s8], [sflag:$0x1] =	stream.linear.gather [hbm4b:s31+s0], $0x80, $0x38;
	[tilespmem:$0x15C00] =	vst v63  }
0x63: {  	s12 =	sadd.s32 $0x2100, s1;
	s18 =	sand.u32 $0x1FFFFFF0, s22;
	(v2sf) =	vpush v0, $0xB;
	s20 =	spop (v2sf)  }
0x64: {  	s15 =	sadd.s32 s4, s18;
	s8 =	sadd.s32 $0x2080, s1;
	s22 =	sand.u32 $0x1FFFFFF0, s20  }
0x65: {  	(v2sf) =	vpush v0, $0xC;
	[tilespmem:s16], [sflag:$0x1] =	stream.linear.gather [hbm4b:s15+s0], $0x80, $0x38;
	[tilespmem:$0x15C00] =	vst v63  }
0x66: {  	s21 =	sand.u32 $0x1FFFFFF0, s17;
	s23 =	spop (v2sf);
	s24 =	sadd.s32 s4, s22  }
0x67: {  	(v2sf) =	vpush v0, $0xD;
	[tilespmem:s25], [sflag:$0x1] =	stream.linear.gather [hbm4b:s24+s0], $0x80, $0x38;
	[tilespmem:$0x15C00] =	vst v63  }
0x68: {  	s15 =	sadd.s32 s4, s21;
	s16 =	sand.u32 $0x1FFFFFF0, s23;
	s26 =	spop (v2sf)  }
0x69: {  	(v2sf) =	vpush v0, $0xE;
	[tilespmem:s13], [sflag:$0x1] =	stream.linear.gather [hbm4b:s15+s0], $0x80, $0x38;
	[tilespmem:$0x15C00] =	vst v63  }
0x6a: {  	s16 =	sadd.s32 s4, s16;
	s28 =	sand.u32 $0x1FFFFFF0, s26;
	s29 =	spop (v2sf)  }
0x6b: {  	(v2sf) =	vpush v0, $0xF;
	[tilespmem:s10], [sflag:$0x1] =	stream.linear.gather [hbm4b:s16+s0], $0x80, $0x38;
	[tilespmem:$0x15C00] =	vst v63  }
0x6c: {  	s30 =	sand.u32 $0x1FFFFFF0, s29;
	s31 =	spop (v2sf);
	s13 =	sadd.s32 s4, s28  }
0x6d: {  	[tilespmem:s14], [sflag:$0x1] =	stream.linear.gather [hbm4b:s13+s0], $0x80, $0x38;
	[tilespmem:$0x15C00] =	vst v63  }
0x6e: {  	s15 =	sand.u32 $0x1FFFFFF0, s31;
	s10 =	sadd.s32 s4, s30;
	s16 =	spop (v2sf)  }
0x6f: {  	[tilespmem:s9], [sflag:$0x1] =	stream.linear.gather [hbm4b:s10+s0], $0x80, $0x38;
	[tilespmem:$0x15C00] =	vst v63  }
0x70: {  	s13 =	sadd.s32 s4, s15;
	s17 =	sand.u32 $0x1FFFFFF0, s16;
	s18 =	spop (v2sf)  }
0x71: {  	[tilespmem:s11], [sflag:$0x1] =	stream.linear.gather [hbm4b:s13+s0], $0x80, $0x38;
	[tilespmem:$0x15C00] =	vst v63  }
0x72: {  	s10 =	sand.u32 $0x1FFFFFF0, s18;
	s9 =	sadd.s32 s4, s17;
	s19 =	spop (v2sf)  }
0x73: {  	[tilespmem:s8], [sflag:$0x1] =	stream.linear.gather [hbm4b:s9+s0], $0x80, $0x38;
	[tilespmem:$0x15C00] =	vst v63  }
0x74: {  	s10 =	sadd.s32 s4, s10;
	s20 =	sand.u32 $0x1FFFFFF0, s19;
	s21 =	spop (v2sf)  }
0x75: {  	[tilespmem:s12], [sflag:$0x1] =	stream.linear.gather [hbm4b:s10+s0], $0x80, $0x38;
	[tilespmem:$0x15C00] =	vst v63  }
0x76: {  	s8 =	sadd.s32 s4, s20;
	s9 =	sand.u32 $0x1FFFFFF0, s21;
	s22 =	spop (v2sf)  }
0x77: {  	[tilespmem:s7], [sflag:$0x1] =	stream.linear.gather [hbm4b:s8+s0], $0x80, $0x38;
	[tilespmem:$0x15C00] =	vst v63  }
0x78: {  	s23 =	sand.u32 $0x1FFFFFF0, s22;
	s9 =	sadd.s32 s4, s9;
	s24 =	spop (v2sf)  }
0x79: {  	[tilespmem:s3], [sflag:$0x1] =	stream.linear.gather [hbm4b:s9+s0], $0x80, $0x38;
	[tilespmem:$0x15C00] =	vst v63  }
0x7a: {  	s25 =	sand.u32 $0x1FFFFFF0, s24;
	s26 =	spop (v2sf);
	s7 =	sadd.s32 s4, s23  }
0x7b: {  	[tilespmem:s6], [sflag:$0x1] =	stream.linear.gather [hbm4b:s7+s0], $0x80, $0x38;
	[tilespmem:$0x15C00] =	vst v63  }
0x7c: {  	s29 =	sadd.s32 $0x2300, s1;
	s28 =	sand.u32 $0x1FFFFFF0, s26;
	s3 =	sadd.s32 s4, s25  }
0x7d: {  	[tilespmem:s29], [sflag:$0x1] =	stream.linear.gather [hbm4b:s3+s0], $0x80, $0x38;
	[tilespmem:$0x15C00] =	vst v63  }
0x7e: {  	s30 =	sadd.s32 $0x2380, s1;
	s31 =	sadd.s32 s4, s28;
	s6 =	simm.s32 $0x80  }
0x7f: {  	[tilespmem:s30], [sflag:$0x1] =	stream.linear.gather [hbm4b:s31+s0], $0x80, $0x38;
	[tilespmem:$0x15C00] =	vst v63  }
0x80: {  	v0 =	vld [tilespmem:s6+$0x0];
	_ =	sdelay $0x4  }
0x81: {  	v0 =	vshll.u32 v0, $0x4  }
0x82: {  	(v2sf) =	vpush v0, $0x0  }
0x83: {  	(v2sf) =	vpush v0, $0x1  }
0x84: {  	(v2sf) =	vpush v0, $0x2;
	_ =	sdelay $0x1  }
0x85: {  	(v2sf) =	vpush v0, $0x4;
	_ =	sdelay $0x1  }
0x86: {  	(v2sf) =	vpush v0, $0x3  }
0x87: {  	(v2sf) =	vpush v0, $0x5  }
0x88: {  	s1 =	simm.s32 $0x0;
	s11 =	simm.s32 $0x2000;
	(v2sf) =	vpush v0, $0x6  }
.LBB2_4:
0x89: {  	p0 =	sne.s32 s11, $0xE000  }
0x8a: {  	s15 =	sadd.s32 $0x5C80, s1;
	s3 =	sadd.s32 $0x6180, s1;
	s12 =	smov.u32 s11  }
0x8b: {  	s11 =	sadd.s32 $0x2000, s11;
	s9 =	sadd.s32 $0x5F80, s1;
	s14 =	sadd.s32 $0x6200, s1;
	(v2sf) =	vpush v0, $0x7  }
0x8c: {  	s13 =	sadd.s32 $0x5E80, s1;
	s8 =	sadd.s32 $0x6000, s1;
	s16 =	sadd.s32 $0x6280, s1  }
0x8d: {  	s19 =	sadd.s32 $0x5C00, s1;
	s22 =	sadd.s32 $0x5E00, s1;
	(v2sf) =	vpush v0, $0x8  }
0x8e: {  	s25 =	sadd.s32 $0x5F00, s1;
	s6 =	sadd.s32 $0x10, s6  }
0x8f: {  	s28 =	sadd.s32 $0x5D00, s1;
	s7 =	sadd.s32 $0x6100, s1;
	s10 =	spop (v2sf);
	(v2sf) =	vpush v0, $0x9  }
0x90: {  	s29 =	sand.u32 $0x1FFFFFF0, s10;
	s10 =	sadd.s32 $0x6080, s1;
	s30 =	spop (v2sf)  }
0x91: {  	s29 =	sadd.s32 s4, s29;
	s30 =	sand.u32 $0x1FFFFFF0, s30;
	s31 =	spop (v2sf);
	(v2sf) =	vpush v0, $0xA  }
0x92: {  	[tilespmem:s19], [sflag:$0x2] =	stream.linear.gather [hbm4b:s29+s0], $0x80, $0x38;
	[tilespmem:$0x15C00] =	vst v63  }
0x93: {  	s19 =	sadd.s32 s4, s30;
	s29 =	sadd.s32 $0x5D80, s1;
	s30 =	spop (v2sf);
	(v2sf) =	vpush v0, $0xB  }
0x94: {  	[tilespmem:s15], [sflag:$0x2] =	stream.linear.gather [hbm4b:s19+s0], $0x80, $0x38;
	[tilespmem:$0x15C00] =	vst v63  }
0x95: {  	s15 =	sand.u32 $0x1FFFFFF0, s31;
	s19 =	sand.u32 $0x1FFFFFF0, s30;
	s30 =	spop (v2sf);
	(v2sf) =	vpush v0, $0xC  }
0x96: {  	s15 =	sadd.s32 s4, s15;
	s30 =	sand.u32 $0x1FFFFFF0, s30;
	s31 =	spop (v2sf)  }
0x97: {  	[tilespmem:s28], [sflag:$0x2] =	stream.linear.gather [hbm4b:s15+s0], $0x80, $0x38;
	(v2sf) =	vpush v0, $0xD;
	[tilespmem:$0x15C00] =	vst v63  }
0x98: {  	s15 =	sadd.s32 s4, s30;
	s28 =	sand.u32 $0x1FFFFFF0, s31;
	s30 =	spop (v2sf)  }
0x99: {  	[tilespmem:s29], [sflag:$0x2] =	stream.linear.gather [hbm4b:s15+s0], $0x80, $0x38;
	(v2sf) =	vpush v0, $0xE;
	[tilespmem:$0x15C00] =	vst v63  }
0x9a: {  	s15 =	sadd.s32 s4, s19;
	s19 =	sand.u32 $0x1FFFFFF0, s30;
	s29 =	spop (v2sf)  }
0x9b: {  	[tilespmem:s22], [sflag:$0x2] =	stream.linear.gather [hbm4b:s15+s0], $0x80, $0x38;
	(v2sf) =	vpush v0, $0xF;
	[tilespmem:$0x15C00] =	vst v63  }
0x9c: {  	s15 =	sadd.s32 s4, s28;
	s22 =	sand.u32 $0x1FFFFFF0, s29;
	s28 =	spop (v2sf)  }
0x9d: {  	[tilespmem:s13], [sflag:$0x2] =	stream.linear.gather [hbm4b:s15+s0], $0x80, $0x38;
	[tilespmem:$0x15C00] =	vst v63  }
0x9e: {  	s13 =	sadd.s32 s4, s19;
	s15 =	sand.u32 $0x1FFFFFF0, s28;
	s19 =	spop (v2sf)  }
0x9f: {  	[tilespmem:s25], [sflag:$0x2] =	stream.linear.gather [hbm4b:s13+s0], $0x80, $0x38;
	[tilespmem:$0x15C00] =	vst v63  }
0xa0: {  	s13 =	sadd.s32 s4, s22;
	s19 =	sand.u32 $0x1FFFFFF0, s19;
	s22 =	spop (v2sf)  }
0xa1: {  	[tilespmem:s9], [sflag:$0x2] =	stream.linear.gather [hbm4b:s13+s0], $0x80, $0x38;
	[tilespmem:$0x15C00] =	vst v63  }
0xa2: {  	s9 =	sadd.s32 s4, s15;
	s13 =	sand.u32 $0x1FFFFFF0, s22;
	s15 =	spop (v2sf)  }
0xa3: {  	[tilespmem:s8], [sflag:$0x2] =	stream.linear.gather [hbm4b:s9+s0], $0x80, $0x38;
	[tilespmem:$0x15C00] =	vst v63  }
0xa4: {  	s8 =	sadd.s32 s4, s19;
	s9 =	sand.u32 $0x1FFFFFF0, s15;
	s15 =	spop (v2sf)  }
0xa5: {  	[tilespmem:s10], [sflag:$0x2] =	stream.linear.gather [hbm4b:s8+s0], $0x80, $0x38;
	[tilespmem:$0x15C00] =	vst v63  }
0xa6: {  	s8 =	sadd.s32 s4, s13;
	s10 =	sand.u32 $0x1FFFFFF0, s15;
	s13 =	spop (v2sf)  }
0xa7: {  	[tilespmem:s7], [sflag:$0x2] =	stream.linear.gather [hbm4b:s8+s0], $0x80, $0x38;
	[tilespmem:$0x15C00] =	vst v63  }
0xa8: {  	s7 =	sadd.s32 s4, s9;
	s8 =	sand.u32 $0x1FFFFFF0, s13;
	s9 =	spop (v2sf)  }
0xa9: {  	[tilespmem:s3], [sflag:$0x2] =	stream.linear.gather [hbm4b:s7+s0], $0x80, $0x38;
	[tilespmem:$0x15C00] =	vst v63  }
0xaa: {  	s3 =	sadd.s32 s4, s10;
	s7 =	sand.u32 $0x1FFFFFF0, s9;
	s9 =	spop (v2sf)  }
0xab: {  	[tilespmem:s14], [sflag:$0x2] =	stream.linear.gather [hbm4b:s3+s0], $0x80, $0x38;
	[tilespmem:$0x15C00] =	vst v63  }
0xac: {  	s3 =	sadd.s32 s4, s8;
	s8 =	sand.u32 $0x1FFFFFF0, s9  }
0xad: {  	[tilespmem:s16], [sflag:$0x2] =	stream.linear.gather [hbm4b:s3+s0], $0x80, $0x38;
	[tilespmem:$0x15C00] =	vst v63  }
0xae: {  	s7 =	sadd.s32 s4, s7;
	s3 =	sadd.s32 $0x6300, s1  }
0xaf: {  	[tilespmem:s3], [sflag:$0x2] =	stream.linear.gather [hbm4b:s7+s0], $0x80, $0x38;
	[tilespmem:$0x15C00] =	vst v63  }
0xb0: {  	s1 =	sadd.s32 $0x6380, s1;
	s3 =	sadd.s32 s4, s8  }
0xb1: {  	[tilespmem:s1], [sflag:$0x2] =	stream.linear.gather [hbm4b:s3+s0], $0x80, $0x38;
	[tilespmem:$0x15C00] =	vst v63  }
0xb2: {  	v0 =	vld [tilespmem:s6+$0x0];
	_ =	sdelay $0x4  }
0xb3: {  	v0 =	vshll.u32 v0, $0x4  }
0xb4: {  	(v2sf) =	vpush v0, $0x0  }
0xb5: {  	(v2sf) =	vpush v0, $0x1  }
0xb6: {  	(v2sf) =	vpush v0, $0x2;
	_ =	sdelay $0x1  }
0xb7: {  	(v2sf) =	vpush v0, $0x4  }
.Ltmp3:
0xb8: {  	(pc) =	sbr.rel @p0 .LBB2_4-.Ltmp3, $3  }
0xb9: {  	(v2sf) =	vpush v0, $0x3  }
0xba: {  	(v2sf) =	vpush v0, $0x5;
	_ =	sdelay $0x1  }
0xbb: {  	s1 =	sshra.s32 s12, $0x2;
	(v2sf) =	vpush v0, $0x6  }
0xbc: {  	_ =	sdelay $0x1  }
0xbd: {  	s8 =	sadd.s32 $0x5C80, s1;
	s7 =	sadd.s32 $0x6180, s1  }
0xbe: {  	s9 =	sadd.s32 $0x5F80, s1;
	s3 =	sadd.s32 $0x6200, s1;
	(v2sf) =	vpush v0, $0x7;
	s10 =	sadd.s32 $0x5E80, s1  }
0xbf: {  	s11 =	sadd.s32 $0x6000, s1;
	s6 =	sadd.s32 $0x6280, s1;
	s12 =	sadd.s32 $0x5C00, s1  }
0xc0: {  	s13 =	sadd.s32 $0x5E00, s1;
	s14 =	sadd.s32 $0x5F00, s1;
	(v2sf) =	vpush v0, $0x8;
	s15 =	spop (v2sf)  }
0xc1: {  	s16 =	sadd.s32 $0x5D00, s1;
	s15 =	sand.u32 $0x1FFFFFF0, s15;
	s19 =	spop (v2sf)  }
0xc2: {  	(v2sf) =	vpush v0, $0x9;
	s15 =	sadd.s32 s4, s15;
	s19 =	sand.u32 $0x1FFFFFF0, s19;
	s22 =	spop (v2sf)  }
0xc3: {  	[tilespmem:s12], [sflag:$0x2] =	stream.linear.gather [hbm4b:s15+s0], $0x80, $0x38;
	[tilespmem:$0x15C00] =	vst v63  }
0xc4: {  	s25 =	sadd.s32 $0x5D80, s1;
	(v2sf) =	vpush v0, $0xA;
	s31 =	sadd.s32 s4, s19;
	s17 =	spop (v2sf)  }
0xc5: {  	[tilespmem:s8], [sflag:$0x2] =	stream.linear.gather [hbm4b:s31+s0], $0x80, $0x38;
	[tilespmem:$0x15C00] =	vst v63  }
0xc6: {  	s12 =	sadd.s32 $0x6100, s1;
	s18 =	sand.u32 $0x1FFFFFF0, s22;
	(v2sf) =	vpush v0, $0xB;
	s20 =	spop (v2sf)  }
0xc7: {  	s15 =	sadd.s32 s4, s18;
	s8 =	sadd.s32 $0x6080, s1;
	s22 =	sand.u32 $0x1FFFFFF0, s20  }
0xc8: {  	(v2sf) =	vpush v0, $0xC;
	[tilespmem:s16], [sflag:$0x2] =	stream.linear.gather [hbm4b:s15+s0], $0x80, $0x38;
	[tilespmem:$0x15C00] =	vst v63  }
0xc9: {  	s21 =	sand.u32 $0x1FFFFFF0, s17;
	s23 =	spop (v2sf);
	s24 =	sadd.s32 s4, s22  }
0xca: {  	(v2sf) =	vpush v0, $0xD;
	[tilespmem:s25], [sflag:$0x2] =	stream.linear.gather [hbm4b:s24+s0], $0x80, $0x38;
	[tilespmem:$0x15C00] =	vst v63  }
0xcb: {  	s15 =	sadd.s32 s4, s21;
	s16 =	sand.u32 $0x1FFFFFF0, s23;
	s26 =	spop (v2sf)  }
0xcc: {  	(v2sf) =	vpush v0, $0xE;
	[tilespmem:s13], [sflag:$0x2] =	stream.linear.gather [hbm4b:s15+s0], $0x80, $0x38;
	[tilespmem:$0x15C00] =	vst v63  }
0xcd: {  	s16 =	sadd.s32 s4, s16;
	s28 =	sand.u32 $0x1FFFFFF0, s26;
	s29 =	spop (v2sf)  }
0xce: {  	(v2sf) =	vpush v0, $0xF;
	[tilespmem:s10], [sflag:$0x2] =	stream.linear.gather [hbm4b:s16+s0], $0x80, $0x38;
	[tilespmem:$0x15C00] =	vst v63  }
0xcf: {  	s30 =	sand.u32 $0x1FFFFFF0, s29;
	s31 =	spop (v2sf);
	s13 =	sadd.s32 s4, s28  }
0xd0: {  	[tilespmem:s14], [sflag:$0x2] =	stream.linear.gather [hbm4b:s13+s0], $0x80, $0x38;
	[tilespmem:$0x15C00] =	vst v63  }
0xd1: {  	s15 =	sand.u32 $0x1FFFFFF0, s31;
	s10 =	sadd.s32 s4, s30;
	s16 =	spop (v2sf)  }
0xd2: {  	[tilespmem:s9], [sflag:$0x2] =	stream.linear.gather [hbm4b:s10+s0], $0x80, $0x38;
	[tilespmem:$0x15C00] =	vst v63  }
0xd3: {  	s13 =	sadd.s32 s4, s15;
	s17 =	sand.u32 $0x1FFFFFF0, s16;
	s18 =	spop (v2sf)  }
0xd4: {  	[tilespmem:s11], [sflag:$0x2] =	stream.linear.gather [hbm4b:s13+s0], $0x80, $0x38;
	[tilespmem:$0x15C00] =	vst v63  }
0xd5: {  	s10 =	sand.u32 $0x1FFFFFF0, s18;
	s9 =	sadd.s32 s4, s17;
	s19 =	spop (v2sf)  }
0xd6: {  	[tilespmem:s8], [sflag:$0x2] =	stream.linear.gather [hbm4b:s9+s0], $0x80, $0x38;
	[tilespmem:$0x15C00] =	vst v63  }
0xd7: {  	s10 =	sadd.s32 s4, s10;
	s20 =	sand.u32 $0x1FFFFFF0, s19;
	s21 =	spop (v2sf)  }
0xd8: {  	[tilespmem:s12], [sflag:$0x2] =	stream.linear.gather [hbm4b:s10+s0], $0x80, $0x38;
	[tilespmem:$0x15C00] =	vst v63  }
0xd9: {  	s8 =	sadd.s32 s4, s20;
	s9 =	sand.u32 $0x1FFFFFF0, s21;
	s22 =	spop (v2sf)  }
0xda: {  	[tilespmem:s7], [sflag:$0x2] =	stream.linear.gather [hbm4b:s8+s0], $0x80, $0x38;
	[tilespmem:$0x15C00] =	vst v63  }
0xdb: {  	s23 =	sand.u32 $0x1FFFFFF0, s22;
	s9 =	sadd.s32 s4, s9;
	s24 =	spop (v2sf)  }
0xdc: {  	[tilespmem:s3], [sflag:$0x2] =	stream.linear.gather [hbm4b:s9+s0], $0x80, $0x38;
	[tilespmem:$0x15C00] =	vst v63  }
0xdd: {  	s25 =	sand.u32 $0x1FFFFFF0, s24;
	s26 =	spop (v2sf);
	s7 =	sadd.s32 s4, s23  }
0xde: {  	[tilespmem:s6], [sflag:$0x2] =	stream.linear.gather [hbm4b:s7+s0], $0x80, $0x38;
	[tilespmem:$0x15C00] =	vst v63  }
0xdf: {  	s29 =	sadd.s32 $0x6300, s1;
	s28 =	sand.u32 $0x1FFFFFF0, s26;
	s3 =	sadd.s32 s4, s25  }
0xe0: {  	[tilespmem:s29], [sflag:$0x2] =	stream.linear.gather [hbm4b:s3+s0], $0x80, $0x38;
	[tilespmem:$0x15C00] =	vst v63  }
0xe1: {  	s30 =	sadd.s32 $0x6380, s1;
	s31 =	sadd.s32 s4, s28;
	s6 =	simm.s32 $0x100  }
0xe2: {  	[tilespmem:s30], [sflag:$0x2] =	stream.linear.gather [hbm4b:s31+s0], $0x80, $0x38;
	[tilespmem:$0x15C00] =	vst v63  }
0xe3: {  	v0 =	vld [tilespmem:s6+$0x0];
	_ =	sdelay $0x4  }
0xe4: {  	v0 =	vshll.u32 v0, $0x4  }
0xe5: {  	(v2sf) =	vpush v0, $0x0  }
0xe6: {  	(v2sf) =	vpush v0, $0x1  }
0xe7: {  	(v2sf) =	vpush v0, $0x2;
	_ =	sdelay $0x1  }
0xe8: {  	(v2sf) =	vpush v0, $0x4;
	_ =	sdelay $0x1  }
0xe9: {  	(v2sf) =	vpush v0, $0x3  }
0xea: {  	(v2sf) =	vpush v0, $0x5  }
0xeb: {  	s1 =	simm.s32 $0x0;
	s11 =	simm.s32 $0x2000;
	(v2sf) =	vpush v0, $0x6  }
.LBB2_6:
0xec: {  	p0 =	sne.s32 s11, $0xE000  }
0xed: {  	s13 =	sadd.s32 $0x9C80, s1;
	s19 =	sadd.s32 $0xA180, s1;
	s12 =	smov.u32 s11  }
0xee: {  	s11 =	sadd.s32 $0x2000, s11;
	s8 =	sadd.s32 $0x9F80, s1;
	s14 =	sadd.s32 $0xA200, s1;
	(v2sf) =	vpush v0, $0x7  }
0xef: {  	s10 =	sadd.s32 $0x9E80, s1;
	s3 =	sadd.s32 $0xA000, s1;
	s16 =	sadd.s32 $0xA280, s1  }
0xf0: {  	s15 =	sadd.s32 $0x9C00, s1;
	s22 =	sadd.s32 $0x9E00, s1;
	(v2sf) =	vpush v0, $0x8  }
0xf1: {  	s0 =	simm.s32 $0x0;
	s25 =	sadd.s32 $0x9F00, s1;
	s6 =	sadd.s32 $0x10, s6  }
0xf2: {  	s28 =	sadd.s32 $0x9D00, s1;
	s7 =	sadd.s32 $0xA100, s1;
	s9 =	spop (v2sf);
	(v2sf) =	vpush v0, $0x9  }
0xf3: {  	s29 =	sand.u32 $0x1FFFFFF0, s9;
	s9 =	sadd.s32 $0xA080, s1;
	s30 =	spop (v2sf)  }
0xf4: {  	s29 =	sadd.s32 s4, s29;
	s30 =	sand.u32 $0x1FFFFFF0, s30;
	s31 =	spop (v2sf);
	(v2sf) =	vpush v0, $0xA  }
0xf5: {  	[tilespmem:s15], [sflag:$0x3] =	stream.linear.gather [hbm4b:s29+s0], $0x80, $0x38;
	[tilespmem:$0x15C00] =	vst v63  }
0xf6: {  	s15 =	sadd.s32 s4, s30;
	s29 =	sadd.s32 $0x9D80, s1;
	s30 =	spop (v2sf);
	(v2sf) =	vpush v0, $0xB  }
0xf7: {  	[tilespmem:s13], [sflag:$0x3] =	stream.linear.gather [hbm4b:s15+s0], $0x80, $0x38;
	[tilespmem:$0x15C00] =	vst v63  }
0xf8: {  	s13 =	sand.u32 $0x1FFFFFF0, s31;
	s15 =	sand.u32 $0x1FFFFFF0, s30;
	s30 =	spop (v2sf);
	(v2sf) =	vpush v0, $0xC  }
0xf9: {  	s13 =	sadd.s32 s4, s13;
	s30 =	sand.u32 $0x1FFFFFF0, s30;
	s31 =	spop (v2sf)  }
0xfa: {  	[tilespmem:s28], [sflag:$0x3] =	stream.linear.gather [hbm4b:s13+s0], $0x80, $0x38;
	(v2sf) =	vpush v0, $0xD;
	[tilespmem:$0x15C00] =	vst v63  }
0xfb: {  	s13 =	sadd.s32 s4, s30;
	s28 =	sand.u32 $0x1FFFFFF0, s31;
	s30 =	spop (v2sf)  }
0xfc: {  	[tilespmem:s29], [sflag:$0x3] =	stream.linear.gather [hbm4b:s13+s0], $0x80, $0x38;
	(v2sf) =	vpush v0, $0xE;
	[tilespmem:$0x15C00] =	vst v63  }
0xfd: {  	s13 =	sadd.s32 s4, s15;
	s15 =	sand.u32 $0x1FFFFFF0, s30;
	s29 =	spop (v2sf)  }
0xfe: {  	[tilespmem:s22], [sflag:$0x3] =	stream.linear.gather [hbm4b:s13+s0], $0x80, $0x38;
	(v2sf) =	vpush v0, $0xF;
	[tilespmem:$0x15C00] =	vst v63  }
0xff: {  	s13 =	sadd.s32 s4, s28;
	s22 =	sand.u32 $0x1FFFFFF0, s29;
	s28 =	spop (v2sf)  }
0x100: {  	[tilespmem:s10], [sflag:$0x3] =	stream.linear.gather [hbm4b:s13+s0], $0x80, $0x38;
	[tilespmem:$0x15C00] =	vst v63  }
0x101: {  	s10 =	sadd.s32 s4, s15;
	s13 =	sand.u32 $0x1FFFFFF0, s28;
	s15 =	spop (v2sf)  }
0x102: {  	[tilespmem:s25], [sflag:$0x3] =	stream.linear.gather [hbm4b:s10+s0], $0x80, $0x38;
	[tilespmem:$0x15C00] =	vst v63  }
0x103: {  	s10 =	sadd.s32 s4, s22;
	s15 =	sand.u32 $0x1FFFFFF0, s15;
	s22 =	spop (v2sf)  }
0x104: {  	[tilespmem:s8], [sflag:$0x3] =	stream.linear.gather [hbm4b:s10+s0], $0x80, $0x38;
	[tilespmem:$0x15C00] =	vst v63  }
0x105: {  	s8 =	sadd.s32 s4, s13;
	s10 =	sand.u32 $0x1FFFFFF0, s22;
	s13 =	spop (v2sf)  }
0x106: {  	[tilespmem:s3], [sflag:$0x3] =	stream.linear.gather [hbm4b:s8+s0], $0x80, $0x38;
	[tilespmem:$0x15C00] =	vst v63  }
0x107: {  	s3 =	sadd.s32 s4, s15;
	s8 =	sand.u32 $0x1FFFFFF0, s13;
	s13 =	spop (v2sf)  }
0x108: {  	[tilespmem:s9], [sflag:$0x3] =	stream.linear.gather [hbm4b:s3+s0], $0x80, $0x38;
	[tilespmem:$0x15C00] =	vst v63  }
0x109: {  	s3 =	sadd.s32 s4, s10;
	s9 =	sand.u32 $0x1FFFFFF0, s13;
	s10 =	spop (v2sf)  }
0x10a: {  	[tilespmem:s7], [sflag:$0x3] =	stream.linear.gather [hbm4b:s3+s0], $0x80, $0x38;
	[tilespmem:$0x15C00] =	vst v63  }
0x10b: {  	s3 =	sadd.s32 s4, s8;
	s7 =	sand.u32 $0x1FFFFFF0, s10;
	s8 =	spop (v2sf)  }
0x10c: {  	[tilespmem:s19], [sflag:$0x3] =	stream.linear.gather [hbm4b:s3+s0], $0x80, $0x38;
	[tilespmem:$0x15C00] =	vst v63  }
0x10d: {  	s3 =	sadd.s32 s4, s9;
	s8 =	sand.u32 $0x1FFFFFF0, s8;
	s9 =	spop (v2sf)  }
0x10e: {  	[tilespmem:s14], [sflag:$0x3] =	stream.linear.gather [hbm4b:s3+s0], $0x80, $0x38;
	[tilespmem:$0x15C00] =	vst v63  }
0x10f: {  	s3 =	sadd.s32 s4, s7;
	s7 =	sand.u32 $0x1FFFFFF0, s9  }
0x110: {  	[tilespmem:s16], [sflag:$0x3] =	stream.linear.gather [hbm4b:s3+s0], $0x80, $0x38;
	[tilespmem:$0x15C00] =	vst v63  }
0x111: {  	s8 =	sadd.s32 s4, s8;
	s3 =	sadd.s32 $0xA300, s1  }
0x112: {  	[tilespmem:s3], [sflag:$0x3] =	stream.linear.gather [hbm4b:s8+s0], $0x80, $0x38;
	[tilespmem:$0x15C00] =	vst v63  }
0x113: {  	s1 =	sadd.s32 $0xA380, s1;
	s3 =	sadd.s32 s4, s7  }
0x114: {  	[tilespmem:s1], [sflag:$0x3] =	stream.linear.gather [hbm4b:s3+s0], $0x80, $0x38;
	[tilespmem:$0x15C00] =	vst v63  }
0x115: {  	v0 =	vld [tilespmem:s6+$0x0];
	_ =	sdelay $0x4  }
0x116: {  	v0 =	vshll.u32 v0, $0x4  }
0x117: {  	(v2sf) =	vpush v0, $0x0  }
0x118: {  	(v2sf) =	vpush v0, $0x1  }
0x119: {  	(v2sf) =	vpush v0, $0x2;
	_ =	sdelay $0x1  }
0x11a: {  	(v2sf) =	vpush v0, $0x4  }
.Ltmp4:
0x11b: {  	(pc) =	sbr.rel @p0 .LBB2_6-.Ltmp4, $3  }
0x11c: {  	(v2sf) =	vpush v0, $0x3  }
0x11d: {  	(v2sf) =	vpush v0, $0x5;
	_ =	sdelay $0x1  }
0x11e: {  	s1 =	sshra.s32 s12, $0x2;
	(v2sf) =	vpush v0, $0x6  }
0x11f: {  	_ =	sdelay $0x1  }
0x120: {  	s8 =	sadd.s32 $0x9C80, s1;
	s7 =	sadd.s32 $0xA180, s1  }
0x121: {  	s9 =	sadd.s32 $0x9F80, s1;
	s3 =	sadd.s32 $0xA200, s1;
	(v2sf) =	vpush v0, $0x7;
	s10 =	sadd.s32 $0x9E80, s1  }
0x122: {  	s11 =	sadd.s32 $0xA000, s1;
	s6 =	sadd.s32 $0xA280, s1;
	s12 =	sadd.s32 $0x9C00, s1  }
0x123: {  	s13 =	sadd.s32 $0x9E00, s1;
	s14 =	sadd.s32 $0x9F00, s1;
	(v2sf) =	vpush v0, $0x8;
	s15 =	spop (v2sf)  }
0x124: {  	s16 =	sadd.s32 $0x9D00, s1;
	s15 =	sand.u32 $0x1FFFFFF0, s15;
	s19 =	spop (v2sf)  }
0x125: {  	(v2sf) =	vpush v0, $0x9;
	s15 =	sadd.s32 s4, s15;
	s19 =	sand.u32 $0x1FFFFFF0, s19;
	s22 =	spop (v2sf)  }
0x126: {  	[tilespmem:s12], [sflag:$0x3] =	stream.linear.gather [hbm4b:s15+s0], $0x80, $0x38;
	[tilespmem:$0x15C00] =	vst v63  }
0x127: {  	s25 =	sadd.s32 $0x9D80, s1;
	(v2sf) =	vpush v0, $0xA;
	s29 =	sadd.s32 s4, s19;
	s31 =	spop (v2sf)  }
0x128: {  	[tilespmem:s8], [sflag:$0x3] =	stream.linear.gather [hbm4b:s29+s0], $0x80, $0x38;
	[tilespmem:$0x15C00] =	vst v63  }
0x129: {  	s12 =	sadd.s32 $0xA100, s1;
	s17 =	sand.u32 $0x1FFFFFF0, s22;
	(v2sf) =	vpush v0, $0xB;
	s18 =	spop (v2sf)  }
0x12a: {  	s15 =	sadd.s32 s4, s17;
	s8 =	sadd.s32 $0xA080, s1;
	s22 =	sand.u32 $0x1FFFFFF0, s18  }
0x12b: {  	(v2sf) =	vpush v0, $0xC;
	[tilespmem:s16], [sflag:$0x3] =	stream.linear.gather [hbm4b:s15+s0], $0x80, $0x38;
	[tilespmem:$0x15C00] =	vst v63  }
0x12c: {  	s20 =	sand.u32 $0x1FFFFFF0, s31;
	s21 =	spop (v2sf);
	s23 =	sadd.s32 s4, s22  }
0x12d: {  	(v2sf) =	vpush v0, $0xD;
	[tilespmem:s25], [sflag:$0x3] =	stream.linear.gather [hbm4b:s23+s0], $0x80, $0x38;
	[tilespmem:$0x15C00] =	vst v63  }
0x12e: {  	s15 =	sadd.s32 s4, s20;
	s16 =	sand.u32 $0x1FFFFFF0, s21;
	s24 =	spop (v2sf)  }
0x12f: {  	(v2sf) =	vpush v0, $0xE;
	[tilespmem:s13], [sflag:$0x3] =	stream.linear.gather [hbm4b:s15+s0], $0x80, $0x38;
	[tilespmem:$0x15C00] =	vst v63  }
0x130: {  	s16 =	sadd.s32 s4, s16;
	s25 =	sand.u32 $0x1FFFFFF0, s24;
	s26 =	spop (v2sf)  }
0x131: {  	(v2sf) =	vpush v0, $0xF;
	[tilespmem:s10], [sflag:$0x3] =	stream.linear.gather [hbm4b:s16+s0], $0x80, $0x38;
	[tilespmem:$0x15C00] =	vst v63  }
0x132: {  	s28 =	sand.u32 $0x1FFFFFF0, s26;
	s29 =	spop (v2sf);
	s13 =	sadd.s32 s4, s25  }
0x133: {  	[tilespmem:s14], [sflag:$0x3] =	stream.linear.gather [hbm4b:s13+s0], $0x80, $0x38;
	[tilespmem:$0x15C00] =	vst v63  }
0x134: {  	s31 =	sand.u32 $0x1FFFFFF0, s29;
	s10 =	sadd.s32 s4, s28;
	s15 =	spop (v2sf)  }
0x135: {  	[tilespmem:s9], [sflag:$0x3] =	stream.linear.gather [hbm4b:s10+s0], $0x80, $0x38;
	[tilespmem:$0x15C00] =	vst v63  }
0x136: {  	s13 =	sadd.s32 s4, s31;
	s16 =	sand.u32 $0x1FFFFFF0, s15;
	s17 =	spop (v2sf)  }
0x137: {  	[tilespmem:s11], [sflag:$0x3] =	stream.linear.gather [hbm4b:s13+s0], $0x80, $0x38;
	[tilespmem:$0x15C00] =	vst v63  }
0x138: {  	s10 =	sand.u32 $0x1FFFFFF0, s17;
	s9 =	sadd.s32 s4, s16;
	s18 =	spop (v2sf)  }
0x139: {  	[tilespmem:s8], [sflag:$0x3] =	stream.linear.gather [hbm4b:s9+s0], $0x80, $0x38;
	[tilespmem:$0x15C00] =	vst v63  }
0x13a: {  	s10 =	sadd.s32 s4, s10;
	s19 =	sand.u32 $0x1FFFFFF0, s18;
	s20 =	spop (v2sf)  }
0x13b: {  	[tilespmem:s12], [sflag:$0x3] =	stream.linear.gather [hbm4b:s10+s0], $0x80, $0x38;
	[tilespmem:$0x15C00] =	vst v63  }
0x13c: {  	s8 =	sadd.s32 s4, s19;
	s9 =	sand.u32 $0x1FFFFFF0, s20;
	s21 =	spop (v2sf)  }
0x13d: {  	[tilespmem:s7], [sflag:$0x3] =	stream.linear.gather [hbm4b:s8+s0], $0x80, $0x38;
	[tilespmem:$0x15C00] =	vst v63  }
0x13e: {  	s22 =	sand.u32 $0x1FFFFFF0, s21;
	s9 =	sadd.s32 s4, s9;
	s23 =	spop (v2sf)  }
0x13f: {  	[tilespmem:s3], [sflag:$0x3] =	stream.linear.gather [hbm4b:s9+s0], $0x80, $0x38;
	[tilespmem:$0x15C00] =	vst v63  }
0x140: {  	s24 =	sand.u32 $0x1FFFFFF0, s23;
	s25 =	spop (v2sf);
	s7 =	sadd.s32 s4, s22  }
0x141: {  	[tilespmem:s6], [sflag:$0x3] =	stream.linear.gather [hbm4b:s7+s0], $0x80, $0x38;
	[tilespmem:$0x15C00] =	vst v63  }
0x142: {  	s28 =	sadd.s32 $0xA300, s1;
	s26 =	sand.u32 $0x1FFFFFF0, s25;
	s3 =	sadd.s32 s4, s24  }
0x143: {  	[tilespmem:s28], [sflag:$0x3] =	stream.linear.gather [hbm4b:s3+s0], $0x80, $0x38;
	[tilespmem:$0x15C00] =	vst v63  }
0x144: {  	s29 =	sadd.s32 $0xA380, s1;
	s31 =	sadd.s32 s4, s26;
	s6 =	simm.s32 $0x180  }
0x145: {  	[tilespmem:s29], [sflag:$0x3] =	stream.linear.gather [hbm4b:s31+s0], $0x80, $0x38;
	[tilespmem:$0x15C00] =	vst v63  }
0x146: {  	v0 =	vld [tilespmem:s6+$0x0];
	_ =	sdelay $0x4  }
0x147: {  	v0 =	vshll.u32 v0, $0x4  }
0x148: {  	(v2sf) =	vpush v0, $0x0  }
0x149: {  	(v2sf) =	vpush v0, $0x1  }
0x14a: {  	(v2sf) =	vpush v0, $0x2;
	_ =	sdelay $0x1  }
0x14b: {  	(v2sf) =	vpush v0, $0x4;
	_ =	sdelay $0x1  }
0x14c: {  	(v2sf) =	vpush v0, $0x3  }
0x14d: {  	(v2sf) =	vpush v0, $0x5  }
0x14e: {  	s30 =	simm.s32 $0x200;
	s1 =	simm.s32 $0x0;
	s11 =	simm.s32 $0x2000;
	(v2sf) =	vpush v0, $0x6  }
.LBB2_8:
0x14f: {  	p0 =	sne.s32 s11, $0xE000  }
0x150: {  	s15 =	sadd.s32 $0xDC80, s1;
	s3 =	sadd.s32 $0xE180, s1;
	s12 =	smov.u32 s11  }
0x151: {  	s11 =	sadd.s32 $0x2000, s11;
	s9 =	sadd.s32 $0xDF80, s1;
	s14 =	sadd.s32 $0xE200, s1;
	(v2sf) =	vpush v0, $0x7  }
0x152: {  	s13 =	sadd.s32 $0xDE80, s1;
	s8 =	sadd.s32 $0xE000, s1;
	s16 =	sadd.s32 $0xE280, s1  }
0x153: {  	s19 =	sadd.s32 $0xDC00, s1;
	s22 =	sadd.s32 $0xDE00, s1;
	(v2sf) =	vpush v0, $0x8  }
0x154: {  	s25 =	sadd.s32 $0xDF00, s1;
	s6 =	sadd.s32 $0x10, s6  }
0x155: {  	s28 =	sadd.s32 $0xDD00, s1;
	s7 =	sadd.s32 $0xE100, s1;
	s10 =	spop (v2sf);
	(v2sf) =	vpush v0, $0x9  }
0x156: {  	s29 =	sand.u32 $0x1FFFFFF0, s10;
	s10 =	sadd.s32 $0xE080, s1;
	s31 =	spop (v2sf)  }
0x157: {  	s29 =	sadd.s32 s4, s29;
	s31 =	sand.u32 $0x1FFFFFF0, s31;
	s17 =	spop (v2sf);
	(v2sf) =	vpush v0, $0xA  }
0x158: {  	[tilespmem:s19], [sflag:$0x4] =	stream.linear.gather [hbm4b:s29+s0], $0x80, $0x38;
	[tilespmem:$0x15C00] =	vst v63  }
0x159: {  	s19 =	sadd.s32 s4, s31;
	s29 =	sadd.s32 $0xDD80, s1;
	s31 =	spop (v2sf);
	(v2sf) =	vpush v0, $0xB  }
0x15a: {  	[tilespmem:s15], [sflag:$0x4] =	stream.linear.gather [hbm4b:s19+s0], $0x80, $0x38;
	[tilespmem:$0x15C00] =	vst v63  }
0x15b: {  	s15 =	sand.u32 $0x1FFFFFF0, s17;
	s17 =	sand.u32 $0x1FFFFFF0, s31;
	s19 =	spop (v2sf);
	(v2sf) =	vpush v0, $0xC  }
0x15c: {  	s15 =	sadd.s32 s4, s15;
	s19 =	sand.u32 $0x1FFFFFF0, s19;
	s31 =	spop (v2sf)  }
0x15d: {  	[tilespmem:s28], [sflag:$0x4] =	stream.linear.gather [hbm4b:s15+s0], $0x80, $0x38;
	(v2sf) =	vpush v0, $0xD;
	[tilespmem:$0x15C00] =	vst v63  }
0x15e: {  	s15 =	sadd.s32 s4, s19;
	s19 =	sand.u32 $0x1FFFFFF0, s31;
	s28 =	spop (v2sf)  }
0x15f: {  	[tilespmem:s29], [sflag:$0x4] =	stream.linear.gather [hbm4b:s15+s0], $0x80, $0x38;
	(v2sf) =	vpush v0, $0xE;
	[tilespmem:$0x15C00] =	vst v63  }
0x160: {  	s15 =	sadd.s32 s4, s17;
	s17 =	sand.u32 $0x1FFFFFF0, s28;
	s28 =	spop (v2sf)  }
0x161: {  	[tilespmem:s22], [sflag:$0x4] =	stream.linear.gather [hbm4b:s15+s0], $0x80, $0x38;
	(v2sf) =	vpush v0, $0xF;
	[tilespmem:$0x15C00] =	vst v63  }
0x162: {  	s15 =	sadd.s32 s4, s19;
	s19 =	sand.u32 $0x1FFFFFF0, s28;
	s22 =	spop (v2sf)  }
0x163: {  	[tilespmem:s13], [sflag:$0x4] =	stream.linear.gather [hbm4b:s15+s0], $0x80, $0x38;
	[tilespmem:$0x15C00] =	vst v63  }
0x164: {  	s13 =	sadd.s32 s4, s17;
	s15 =	sand.u32 $0x1FFFFFF0, s22;
	s17 =	spop (v2sf)  }
0x165: {  	[tilespmem:s25], [sflag:$0x4] =	stream.linear.gather [hbm4b:s13+s0], $0x80, $0x38;
	[tilespmem:$0x15C00] =	vst v63  }
0x166: {  	s13 =	sadd.s32 s4, s19;
	s17 =	sand.u32 $0x1FFFFFF0, s17;
	s19 =	spop (v2sf)  }
0x167: {  	[tilespmem:s9], [sflag:$0x4] =	stream.linear.gather [hbm4b:s13+s0], $0x80, $0x38;
	[tilespmem:$0x15C00] =	vst v63  }
0x168: {  	s9 =	sadd.s32 s4, s15;
	s13 =	sand.u32 $0x1FFFFFF0, s19;
	s15 =	spop (v2sf)  }
0x169: {  	[tilespmem:s8], [sflag:$0x4] =	stream.linear.gather [hbm4b:s9+s0], $0x80, $0x38;
	[tilespmem:$0x15C00] =	vst v63  }
0x16a: {  	s8 =	sadd.s32 s4, s17;
	s9 =	sand.u32 $0x1FFFFFF0, s15;
	s15 =	spop (v2sf)  }
0x16b: {  	[tilespmem:s10], [sflag:$0x4] =	stream.linear.gather [hbm4b:s8+s0], $0x80, $0x38;
	[tilespmem:$0x15C00] =	vst v63  }
0x16c: {  	s8 =	sadd.s32 s4, s13;
	s10 =	sand.u32 $0x1FFFFFF0, s15;
	s13 =	spop (v2sf)  }
0x16d: {  	[tilespmem:s7], [sflag:$0x4] =	stream.linear.gather [hbm4b:s8+s0], $0x80, $0x38;
	[tilespmem:$0x15C00] =	vst v63  }
0x16e: {  	s7 =	sadd.s32 s4, s9;
	s8 =	sand.u32 $0x1FFFFFF0, s13;
	s9 =	spop (v2sf)  }
0x16f: {  	[tilespmem:s3], [sflag:$0x4] =	stream.linear.gather [hbm4b:s7+s0], $0x80, $0x38;
	[tilespmem:$0x15C00] =	vst v63  }
0x170: {  	s3 =	sadd.s32 s4, s10;
	s7 =	sand.u32 $0x1FFFFFF0, s9;
	s9 =	spop (v2sf)  }
0x171: {  	[tilespmem:s14], [sflag:$0x4] =	stream.linear.gather [hbm4b:s3+s0], $0x80, $0x38;
	[tilespmem:$0x15C00] =	vst v63  }
0x172: {  	s3 =	sadd.s32 s4, s8;
	s8 =	sand.u32 $0x1FFFFFF0, s9  }
0x173: {  	[tilespmem:s16], [sflag:$0x4] =	stream.linear.gather [hbm4b:s3+s0], $0x80, $0x38;
	[tilespmem:$0x15C00] =	vst v63  }
0x174: {  	s7 =	sadd.s32 s4, s7;
	s3 =	sadd.s32 $0xE300, s1  }
0x175: {  	[tilespmem:s3], [sflag:$0x4] =	stream.linear.gather [hbm4b:s7+s0], $0x80, $0x38;
	[tilespmem:$0x15C00] =	vst v63  }
0x176: {  	s1 =	sadd.s32 $0xE380, s1;
	s3 =	sadd.s32 s4, s8  }
0x177: {  	[tilespmem:s1], [sflag:$0x4] =	stream.linear.gather [hbm4b:s3+s0], $0x80, $0x38;
	[tilespmem:$0x15C00] =	vst v63  }
0x178: {  	v0 =	vld [tilespmem:s6+$0x0];
	_ =	sdelay $0x4  }
0x179: {  	v0 =	vshll.u32 v0, $0x4  }
0x17a: {  	(v2sf) =	vpush v0, $0x0  }
0x17b: {  	(v2sf) =	vpush v0, $0x1  }
0x17c: {  	(v2sf) =	vpush v0, $0x2;
	_ =	sdelay $0x1  }
0x17d: {  	(v2sf) =	vpush v0, $0x4  }
.Ltmp5:
0x17e: {  	(pc) =	sbr.rel @p0 .LBB2_8-.Ltmp5, $3  }
0x17f: {  	(v2sf) =	vpush v0, $0x3  }
0x180: {  	(v2sf) =	vpush v0, $0x5;
	_ =	sdelay $0x1  }
0x181: {  	s1 =	sshra.s32 s12, $0x2;
	(v2sf) =	vpush v0, $0x6  }
0x182: {  	_ =	sdelay $0x1  }
0x183: {  	s8 =	sadd.s32 $0xDC80, s1;
	s7 =	sadd.s32 $0xE180, s1  }
0x184: {  	s9 =	sadd.s32 $0xDF80, s1;
	s3 =	sadd.s32 $0xE200, s1;
	(v2sf) =	vpush v0, $0x7;
	s10 =	sadd.s32 $0xDE80, s1  }
0x185: {  	s11 =	sadd.s32 $0xE000, s1;
	s6 =	sadd.s32 $0xE280, s1;
	s12 =	sadd.s32 $0xDC00, s1  }
0x186: {  	s13 =	sadd.s32 $0xDE00, s1;
	s14 =	sadd.s32 $0xDF00, s1;
	(v2sf) =	vpush v0, $0x8;
	s15 =	spop (v2sf)  }
0x187: {  	s16 =	sadd.s32 $0xDD00, s1;
	s15 =	sand.u32 $0x1FFFFFF0, s15;
	s17 =	spop (v2sf)  }
0x188: {  	(v2sf) =	vpush v0, $0x9;
	s15 =	sadd.s32 s4, s15;
	s17 =	sand.u32 $0x1FFFFFF0, s17;
	s19 =	spop (v2sf)  }
0x189: {  	[tilespmem:s12], [sflag:$0x4] =	stream.linear.gather [hbm4b:s15+s0], $0x80, $0x38;
	[tilespmem:$0x15C00] =	vst v63  }
0x18a: {  	s22 =	sadd.s32 $0xDD80, s1;
	(v2sf) =	vpush v0, $0xA;
	s28 =	sadd.s32 s4, s17;
	s29 =	spop (v2sf)  }
0x18b: {  	[tilespmem:s8], [sflag:$0x4] =	stream.linear.gather [hbm4b:s28+s0], $0x80, $0x38;
	[tilespmem:$0x15C00] =	vst v63  }
0x18c: {  	s12 =	sadd.s32 $0xE100, s1;
	s31 =	sand.u32 $0x1FFFFFF0, s19;
	(v2sf) =	vpush v0, $0xB;
	s18 =	spop (v2sf)  }
0x18d: {  	s15 =	sadd.s32 s4, s31;
	s8 =	sadd.s32 $0xE080, s1;
	s19 =	sand.u32 $0x1FFFFFF0, s18  }
0x18e: {  	(v2sf) =	vpush v0, $0xC;
	[tilespmem:s16], [sflag:$0x4] =	stream.linear.gather [hbm4b:s15+s0], $0x80, $0x38;
	[tilespmem:$0x15C00] =	vst v63  }
0x18f: {  	s20 =	sand.u32 $0x1FFFFFF0, s29;
	s21 =	spop (v2sf);
	s23 =	sadd.s32 s4, s19  }
0x190: {  	(v2sf) =	vpush v0, $0xD;
	[tilespmem:s22], [sflag:$0x4] =	stream.linear.gather [hbm4b:s23+s0], $0x80, $0x38;
	[tilespmem:$0x15C00] =	vst v63  }
0x191: {  	s15 =	sadd.s32 s4, s20;
	s16 =	sand.u32 $0x1FFFFFF0, s21;
	s24 =	spop (v2sf)  }
0x192: {  	(v2sf) =	vpush v0, $0xE;
	[tilespmem:s13], [sflag:$0x4] =	stream.linear.gather [hbm4b:s15+s0], $0x80, $0x38;
	[tilespmem:$0x15C00] =	vst v63  }
0x193: {  	s16 =	sadd.s32 s4, s16;
	s25 =	sand.u32 $0x1FFFFFF0, s24;
	s26 =	spop (v2sf)  }
0x194: {  	(v2sf) =	vpush v0, $0xF;
	[tilespmem:s10], [sflag:$0x4] =	stream.linear.gather [hbm4b:s16+s0], $0x80, $0x38;
	[tilespmem:$0x15C00] =	vst v63  }
0x195: {  	s28 =	sand.u32 $0x1FFFFFF0, s26;
	s29 =	spop (v2sf);
	s13 =	sadd.s32 s4, s25  }
0x196: {  	[tilespmem:s14], [sflag:$0x4] =	stream.linear.gather [hbm4b:s13+s0], $0x80, $0x38;
	[tilespmem:$0x15C00] =	vst v63  }
0x197: {  	s31 =	sand.u32 $0x1FFFFFF0, s29;
	s10 =	sadd.s32 s4, s28;
	s15 =	spop (v2sf)  }
0x198: {  	[tilespmem:s9], [sflag:$0x4] =	stream.linear.gather [hbm4b:s10+s0], $0x80, $0x38;
	[tilespmem:$0x15C00] =	vst v63  }
0x199: {  	s13 =	sadd.s32 s4, s31;
	s16 =	sand.u32 $0x1FFFFFF0, s15;
	s17 =	spop (v2sf)  }
0x19a: {  	[tilespmem:s11], [sflag:$0x4] =	stream.linear.gather [hbm4b:s13+s0], $0x80, $0x38;
	[tilespmem:$0x15C00] =	vst v63  }
0x19b: {  	s10 =	sand.u32 $0x1FFFFFF0, s17;
	s9 =	sadd.s32 s4, s16;
	s18 =	spop (v2sf)  }
0x19c: {  	[tilespmem:s8], [sflag:$0x4] =	stream.linear.gather [hbm4b:s9+s0], $0x80, $0x38;
	[tilespmem:$0x15C00] =	vst v63  }
0x19d: {  	s10 =	sadd.s32 s4, s10;
	s19 =	sand.u32 $0x1FFFFFF0, s18;
	s20 =	spop (v2sf)  }
0x19e: {  	[tilespmem:s12], [sflag:$0x4] =	stream.linear.gather [hbm4b:s10+s0], $0x80, $0x38;
	[tilespmem:$0x15C00] =	vst v63  }
0x19f: {  	s8 =	sadd.s32 s4, s19;
	s9 =	sand.u32 $0x1FFFFFF0, s20;
	s21 =	spop (v2sf)  }
0x1a0: {  	[tilespmem:s7], [sflag:$0x4] =	stream.linear.gather [hbm4b:s8+s0], $0x80, $0x38;
	[tilespmem:$0x15C00] =	vst v63  }
0x1a1: {  	s22 =	sand.u32 $0x1FFFFFF0, s21;
	s9 =	sadd.s32 s4, s9;
	s23 =	spop (v2sf)  }
0x1a2: {  	[tilespmem:s3], [sflag:$0x4] =	stream.linear.gather [hbm4b:s9+s0], $0x80, $0x38;
	[tilespmem:$0x15C00] =	vst v63  }
0x1a3: {  	s24 =	sand.u32 $0x1FFFFFF0, s23;
	s25 =	spop (v2sf);
	s7 =	sadd.s32 s4, s22  }
0x1a4: {  	[tilespmem:s6], [sflag:$0x4] =	stream.linear.gather [hbm4b:s7+s0], $0x80, $0x38;
	[tilespmem:$0x15C00] =	vst v63  }
0x1a5: {  	s28 =	sadd.s32 $0xE300, s1;
	s26 =	sand.u32 $0x1FFFFFF0, s25;
	s3 =	sadd.s32 s4, s24  }
0x1a6: {  	[tilespmem:s28], [sflag:$0x4] =	stream.linear.gather [hbm4b:s3+s0], $0x80, $0x38;
	[tilespmem:$0x15C00] =	vst v63  }
0x1a7: {  	s29 =	sadd.s32 $0xE380, s1;
	s31 =	sadd.s32 s4, s26  }
0x1a8: {  	[tilespmem:s29], [sflag:$0x4] =	stream.linear.gather [hbm4b:s31+s0], $0x80, $0x38;
	[tilespmem:$0x15C00] =	vst v63  }
0x1a9: {  	v0 =	vld [tilespmem:s30+$0x0];
	_ =	sdelay $0x4  }
0x1aa: {  	v0 =	vshll.u32 v0, $0x4  }
0x1ab: {  	(v2sf) =	vpush v0, $0x0  }
0x1ac: {  	(v2sf) =	vpush v0, $0x1  }
0x1ad: {  	(v2sf) =	vpush v0, $0x2;
	_ =	sdelay $0x1  }
0x1ae: {  	(v2sf) =	vpush v0, $0x4;
	_ =	sdelay $0x1  }
0x1af: {  	(v2sf) =	vpush v0, $0x3  }
0x1b0: {  	(v2sf) =	vpush v0, $0x5  }
0x1b1: {  	s1 =	simm.s32 $0x2000;
	s6 =	simm.s32 $0x200;
	s0 =	simm.s32 $0x0;
	(v2sf) =	vpush v0, $0x6  }
.LBB2_10:
0x1b2: {  	p0 =	sne.s32 s1, $0xE000  }
0x1b3: {  	s13 =	sadd.s32 $0x11C80, s0;
	s16 =	sadd.s32 $0x12180, s0;
	s11 =	smov.u32 s1  }
0x1b4: {  	s1 =	sadd.s32 $0x2000, s1;
	s8 =	sadd.s32 $0x11F80, s0;
	s12 =	sadd.s32 $0x12200, s0;
	(v2sf) =	vpush v0, $0x7  }
0x1b5: {  	s10 =	sadd.s32 $0x11E80, s0;
	s3 =	sadd.s32 $0x12000, s0;
	s14 =	sadd.s32 $0x12280, s0  }
0x1b6: {  	s15 =	sadd.s32 $0x11C00, s0;
	s17 =	sadd.s32 $0x11E00, s0;
	(v2sf) =	vpush v0, $0x8  }
0x1b7: {  	s31 =	simm.s32 $0x0;
	s19 =	sadd.s32 $0x11F00, s0;
	s6 =	sadd.s32 $0x10, s6  }
0x1b8: {  	s22 =	sadd.s32 $0x11D00, s0;
	s7 =	sadd.s32 $0x12100, s0;
	s9 =	spop (v2sf);
	(v2sf) =	vpush v0, $0x9  }
0x1b9: {  	s25 =	sand.u32 $0x1FFFFFF0, s9;
	s9 =	sadd.s32 $0x12080, s0;
	s28 =	spop (v2sf)  }
0x1ba: {  	s25 =	sadd.s32 s4, s25;
	s28 =	sand.u32 $0x1FFFFFF0, s28;
	s29 =	spop (v2sf);
	(v2sf) =	vpush v0, $0xA  }
0x1bb: {  	[tilespmem:s15], [sflag:$0x5] =	stream.linear.gather [hbm4b:s25+s31], $0x80, $0x38;
	[tilespmem:$0x15C00] =	vst v63  }
0x1bc: {  	s15 =	sadd.s32 s4, s28;
	s25 =	sadd.s32 $0x11D80, s0;
	s28 =	spop (v2sf);
	(v2sf) =	vpush v0, $0xB  }
0x1bd: {  	[tilespmem:s13], [sflag:$0x5] =	stream.linear.gather [hbm4b:s15+s31], $0x80, $0x38;
	[tilespmem:$0x15C00] =	vst v63  }
0x1be: {  	s13 =	sand.u32 $0x1FFFFFF0, s29;
	s15 =	sand.u32 $0x1FFFFFF0, s28;
	s28 =	spop (v2sf);
	(v2sf) =	vpush v0, $0xC  }
0x1bf: {  	s13 =	sadd.s32 s4, s13;
	s28 =	sand.u32 $0x1FFFFFF0, s28;
	s29 =	spop (v2sf)  }
0x1c0: {  	[tilespmem:s22], [sflag:$0x5] =	stream.linear.gather [hbm4b:s13+s31], $0x80, $0x38;
	(v2sf) =	vpush v0, $0xD;
	[tilespmem:$0x15C00] =	vst v63  }
0x1c1: {  	s13 =	sadd.s32 s4, s28;
	s22 =	sand.u32 $0x1FFFFFF0, s29;
	s28 =	spop (v2sf)  }
0x1c2: {  	[tilespmem:s25], [sflag:$0x5] =	stream.linear.gather [hbm4b:s13+s31], $0x80, $0x38;
	(v2sf) =	vpush v0, $0xE;
	[tilespmem:$0x15C00] =	vst v63  }
0x1c3: {  	s13 =	sadd.s32 s4, s15;
	s15 =	sand.u32 $0x1FFFFFF0, s28;
	s25 =	spop (v2sf)  }
0x1c4: {  	[tilespmem:s17], [sflag:$0x5] =	stream.linear.gather [hbm4b:s13+s31], $0x80, $0x38;
	(v2sf) =	vpush v0, $0xF;
	[tilespmem:$0x15C00] =	vst v63  }
0x1c5: {  	s13 =	sadd.s32 s4, s22;
	s17 =	sand.u32 $0x1FFFFFF0, s25;
	s22 =	spop (v2sf)  }
0x1c6: {  	[tilespmem:s10], [sflag:$0x5] =	stream.linear.gather [hbm4b:s13+s31], $0x80, $0x38;
	[tilespmem:$0x15C00] =	vst v63  }
0x1c7: {  	s10 =	sadd.s32 s4, s15;
	s13 =	sand.u32 $0x1FFFFFF0, s22;
	s15 =	spop (v2sf)  }
0x1c8: {  	[tilespmem:s19], [sflag:$0x5] =	stream.linear.gather [hbm4b:s10+s31], $0x80, $0x38;
	[tilespmem:$0x15C00] =	vst v63  }
0x1c9: {  	s10 =	sadd.s32 s4, s17;
	s15 =	sand.u32 $0x1FFFFFF0, s15;
	s17 =	spop (v2sf)  }
0x1ca: {  	[tilespmem:s8], [sflag:$0x5] =	stream.linear.gather [hbm4b:s10+s31], $0x80, $0x38;
	[tilespmem:$0x15C00] =	vst v63  }
0x1cb: {  	s8 =	sadd.s32 s4, s13;
	s10 =	sand.u32 $0x1FFFFFF0, s17;
	s13 =	spop (v2sf)  }
0x1cc: {  	[tilespmem:s3], [sflag:$0x5] =	stream.linear.gather [hbm4b:s8+s31], $0x80, $0x38;
	[tilespmem:$0x15C00] =	vst v63  }
0x1cd: {  	s3 =	sadd.s32 s4, s15;
	s8 =	sand.u32 $0x1FFFFFF0, s13;
	s13 =	spop (v2sf)  }
0x1ce: {  	[tilespmem:s9], [sflag:$0x5] =	stream.linear.gather [hbm4b:s3+s31], $0x80, $0x38;
	[tilespmem:$0x15C00] =	vst v63  }
0x1cf: {  	s3 =	sadd.s32 s4, s10;
	s9 =	sand.u32 $0x1FFFFFF0, s13;
	s10 =	spop (v2sf)  }
0x1d0: {  	[tilespmem:s7], [sflag:$0x5] =	stream.linear.gather [hbm4b:s3+s31], $0x80, $0x38;
	[tilespmem:$0x15C00] =	vst v63  }
0x1d1: {  	s3 =	sadd.s32 s4, s8;
	s7 =	sand.u32 $0x1FFFFFF0, s10;
	s8 =	spop (v2sf)  }
0x1d2: {  	[tilespmem:s16], [sflag:$0x5] =	stream.linear.gather [hbm4b:s3+s31], $0x80, $0x38;
	[tilespmem:$0x15C00] =	vst v63  }
0x1d3: {  	s3 =	sadd.s32 s4, s9;
	s8 =	sand.u32 $0x1FFFFFF0, s8;
	s9 =	spop (v2sf)  }
0x1d4: {  	[tilespmem:s12], [sflag:$0x5] =	stream.linear.gather [hbm4b:s3+s31], $0x80, $0x38;
	[tilespmem:$0x15C00] =	vst v63  }
0x1d5: {  	s3 =	sadd.s32 s4, s7;
	s7 =	sand.u32 $0x1FFFFFF0, s9  }
0x1d6: {  	[tilespmem:s14], [sflag:$0x5] =	stream.linear.gather [hbm4b:s3+s31], $0x80, $0x38;
	[tilespmem:$0x15C00] =	vst v63  }
0x1d7: {  	s8 =	sadd.s32 s4, s8;
	s3 =	sadd.s32 $0x12300, s0  }
0x1d8: {  	[tilespmem:s3], [sflag:$0x5] =	stream.linear.gather [hbm4b:s8+s31], $0x80, $0x38;
	[tilespmem:$0x15C00] =	vst v63  }
0x1d9: {  	s0 =	sadd.s32 $0x12380, s0;
	s3 =	sadd.s32 s4, s7  }
0x1da: {  	[tilespmem:s0], [sflag:$0x5] =	stream.linear.gather [hbm4b:s3+s31], $0x80, $0x38;
	[tilespmem:$0x15C00] =	vst v63  }
0x1db: {  	v0 =	vld [tilespmem:s6+$0x0];
	_ =	sdelay $0x4  }
0x1dc: {  	v0 =	vshll.u32 v0, $0x4  }
0x1dd: {  	(v2sf) =	vpush v0, $0x0  }
0x1de: {  	(v2sf) =	vpush v0, $0x1  }
0x1df: {  	(v2sf) =	vpush v0, $0x2;
	_ =	sdelay $0x1  }
0x1e0: {  	(v2sf) =	vpush v0, $0x4  }
.Ltmp6:
0x1e1: {  	(pc) =	sbr.rel @p0 .LBB2_10-.Ltmp6, $3  }
0x1e2: {  	(v2sf) =	vpush v0, $0x3  }
0x1e3: {  	(v2sf) =	vpush v0, $0x5;
	_ =	sdelay $0x1  }
0x1e4: {  	s0 =	sshra.s32 s11, $0x2;
	(v2sf) =	vpush v0, $0x6  }
0x1e5: {  	_ =	sdelay $0x1  }
0x1e6: {  	s7 =	sadd.s32 $0x11C80, s0;
	s6 =	sadd.s32 $0x12180, s0;
	(v2sf) =	vpush v0, $0x7  }
0x1e7: {  	s8 =	sadd.s32 $0x11F80, s0;
	s1 =	sadd.s32 $0x12200, s0;
	s9 =	sadd.s32 $0x11E80, s0  }
0x1e8: {  	s10 =	sadd.s32 $0x12000, s0;
	s3 =	sadd.s32 $0x12280, s0;
	s11 =	sadd.s32 $0x11C00, s0;
	(v2sf) =	vpush v0, $0x8  }
0x1e9: {  	s12 =	sadd.s32 $0x11E00, s0;
	s13 =	sadd.s32 $0x11F00, s0;
	s14 =	spop (v2sf)  }
0x1ea: {  	s15 =	sadd.s32 $0x11D00, s0;
	s14 =	sand.u32 $0x1FFFFFF0, s14;
	s16 =	spop (v2sf)  }
0x1eb: {  	s14 =	sadd.s32 s4, s14;
	s16 =	sand.u32 $0x1FFFFFF0, s16;
	s17 =	spop (v2sf)  }
0x1ec: {  	(v2sf) =	vpush v0, $0x9;
	[tilespmem:s11], [sflag:$0x5] =	stream.linear.gather [hbm4b:s14+s31], $0x80, $0x38;
	[tilespmem:$0x15C00] =	vst v63  }
0x1ed: {  	s19 =	sadd.s32 $0x11D80, s0;
	s28 =	sadd.s32 s4, s16;
	s29 =	spop (v2sf)  }
0x1ee: {  	(v2sf) =	vpush v0, $0xA;
	[tilespmem:s7], [sflag:$0x5] =	stream.linear.gather [hbm4b:s28+s31], $0x80, $0x38;
	[tilespmem:$0x15C00] =	vst v63  }
0x1ef: {  	s11 =	sadd.s32 $0x12100, s0;
	s17 =	sand.u32 $0x1FFFFFF0, s17;
	s18 =	spop (v2sf)  }
0x1f0: {  	(v2sf) =	vpush v0, $0xB;
	s14 =	sadd.s32 s4, s17;
	s7 =	sadd.s32 $0x12080, s0;
	s17 =	sand.u32 $0x1FFFFFF0, s18  }
0x1f1: {  	[tilespmem:s15], [sflag:$0x5] =	stream.linear.gather [hbm4b:s14+s31], $0x80, $0x38;
	[tilespmem:$0x15C00] =	vst v63  }
0x1f2: {  	s20 =	sand.u32 $0x1FFFFFF0, s29;
	(v2sf) =	vpush v0, $0xC;
	s21 =	spop (v2sf);
	s22 =	sadd.s32 s4, s17  }
0x1f3: {  	[tilespmem:s19], [sflag:$0x5] =	stream.linear.gather [hbm4b:s22+s31], $0x80, $0x38;
	[tilespmem:$0x15C00] =	vst v63  }
0x1f4: {  	(v2sf) =	vpush v0, $0xD;
	s14 =	sadd.s32 s4, s20;
	s15 =	sand.u32 $0x1FFFFFF0, s21;
	s23 =	spop (v2sf)  }
0x1f5: {  	s15 =	sadd.s32 s4, s15;
	s24 =	sand.u32 $0x1FFFFFF0, s23;
	s25 =	spop (v2sf)  }
0x1f6: {  	(v2sf) =	vpush v0, $0xE;
	[tilespmem:s12], [sflag:$0x5] =	stream.linear.gather [hbm4b:s14+s31], $0x80, $0x38;
	[tilespmem:$0x15C00] =	vst v63  }
0x1f7: {  	s26 =	sand.u32 $0x1FFFFFF0, s25;
	s28 =	spop (v2sf);
	s12 =	sadd.s32 s4, s24  }
0x1f8: {  	(v2sf) =	vpush v0, $0xF;
	[tilespmem:s9], [sflag:$0x5] =	stream.linear.gather [hbm4b:s15+s31], $0x80, $0x38;
	[tilespmem:$0x15C00] =	vst v63  }
0x1f9: {  	s29 =	sand.u32 $0x1FFFFFF0, s28;
	s28 =	sadd.s32 $0x12380, s0;
	s9 =	sadd.s32 s4, s26  }
0x1fa: {  	[tilespmem:s13], [sflag:$0x5] =	stream.linear.gather [hbm4b:s12+s31], $0x80, $0x38;
	[tilespmem:$0x15C00] =	vst v63  }
0x1fb: {  	s26 =	sadd.s32 $0x12300, s0;
	s0 =	simm.s32 $0x300;
	s14 =	spop (v2sf)  }
0x1fc: {  	[tilespmem:s8], [sflag:$0x5] =	stream.linear.gather [hbm4b:s9+s31], $0x80, $0x38;
	[tilespmem:$0x15C00] =	vst v63  }
0x1fd: {  	s12 =	sadd.s32 s4, s29;
	s15 =	sand.u32 $0x1FFFFFF0, s14;
	s16 =	spop (v2sf)  }
0x1fe: {  	[tilespmem:s10], [sflag:$0x5] =	stream.linear.gather [hbm4b:s12+s31], $0x80, $0x38;
	[tilespmem:$0x15C00] =	vst v63  }
0x1ff: {  	s9 =	sand.u32 $0x1FFFFFF0, s16;
	s8 =	sadd.s32 s4, s15;
	s17 =	spop (v2sf)  }
0x200: {  	[tilespmem:s7], [sflag:$0x5] =	stream.linear.gather [hbm4b:s8+s31], $0x80, $0x38;
	[tilespmem:$0x15C00] =	vst v63  }
0x201: {  	s9 =	sadd.s32 s4, s9;
	s18 =	sand.u32 $0x1FFFFFF0, s17;
	s19 =	spop (v2sf)  }
0x202: {  	[tilespmem:s11], [sflag:$0x5] =	stream.linear.gather [hbm4b:s9+s31], $0x80, $0x38;
	[tilespmem:$0x15C00] =	vst v63  }
0x203: {  	s7 =	sadd.s32 s4, s18;
	s8 =	sand.u32 $0x1FFFFFF0, s19;
	s20 =	spop (v2sf)  }
0x204: {  	[tilespmem:s6], [sflag:$0x5] =	stream.linear.gather [hbm4b:s7+s31], $0x80, $0x38;
	[tilespmem:$0x15C00] =	vst v63  }
0x205: {  	s21 =	sand.u32 $0x1FFFFFF0, s20;
	s8 =	sadd.s32 s4, s8;
	s22 =	spop (v2sf)  }
0x206: {  	[tilespmem:s1], [sflag:$0x5] =	stream.linear.gather [hbm4b:s8+s31], $0x80, $0x38;
	[tilespmem:$0x15C00] =	vst v63  }
0x207: {  	s23 =	sand.u32 $0x1FFFFFF0, s22;
	s24 =	spop (v2sf);
	s6 =	sadd.s32 s4, s21  }
0x208: {  	[tilespmem:s3], [sflag:$0x5] =	stream.linear.gather [hbm4b:s6+s31], $0x80, $0x38;
	[tilespmem:$0x15C00] =	vst v63  }
0x209: {  	s11 =	simm.s32 $0x400;
	s25 =	sand.u32 $0x1FFFFFF0, s24;
	s1 =	sadd.s32 s4, s23  }
0x20a: {  	[tilespmem:s26], [sflag:$0x5] =	stream.linear.gather [hbm4b:s1+s31], $0x80, $0x38;
	[tilespmem:$0x15C00] =	vst v63  }
0x20b: {  	s22 =	simm.s32 $0x280;
	s29 =	sadd.s32 s4, s25;
	s6 =	simm.s32 $0x380  }
0x20c: {  	[tilespmem:s28], [sflag:$0x5] =	stream.linear.gather [hbm4b:s29+s31], $0x80, $0x38;
	[tilespmem:$0x15C00] =	vst v63  }
.LBB2_12:
0x20d: {  	s3 =	simm.s32 $0x1  }
0x20e: {  	s29 =	smul.u32 $0x280, s31;
	p0 =	seq.s32 s31, $0x0;
	_ =	swait.ge [sflag:s3], $0x4000  }
.Ltmp7:
0x20f: {  	s1 =	rddreg [dreg:$0x3];
	(pc) =	sbr.rel @p0 .LBB2_13-.Ltmp7, $4  }
0x210: {  	s1 =	sadd.s32 s1, s29  }
0x211: {  	[sflag:s3] =	ssyncset.done $0x0;
	s1 =	sshll.u32 s1, $0x4  }
0x212: {  	s28 =	simm.s32 $0x1C00;
	[sflag:s3] =	ssyncadd.s32 $0xFFFFC000;
	s1 =	sadd.s32 s5, s1  }
0x213: {  	[hbm4b:s1+s2] =	stream.linear.scatter [tilespmem:s28], [sflag:$0x6], $0x4000, $0x38;
	[tilespmem:$0x15C00] =	vst v63  }
0x214: {  	s1 =	simm.s32 $0xA  }
0x215: {  	_ =	swait.ge [sflag:s1], $0x4000  }
0x216: {  	[sflag:s1] =	ssyncset.done $0x0  }
0x217: {  	[sflag:s1] =	ssyncadd.s32 $0xFFFFC000  }
0x218: {  	v0 =	vld [tilespmem:s30+$0x0];
	_ =	sdelay $0x4  }
0x219: {  	v0 =	vshll.u32 v0, $0x4  }
0x21a: {  	(v2sf) =	vpush v0, $0x0  }
0x21b: {  	(v2sf) =	vpush v0, $0x1  }
0x21c: {  	(v2sf) =	vpush v0, $0x2;
	_ =	sdelay $0x1  }
0x21d: {  	(v2sf) =	vpush v0, $0x4;
	_ =	sdelay $0x1  }
0x21e: {  	s28 =	smul.u32 $0x5, s31;
	(v2sf) =	vpush v0, $0x3  }
0x21f: {  	s16 =	simm.s32 $0x2000;
	(v2sf) =	vpush v0, $0x5  }
0x220: {  	s14 =	simm.s32 $0x0;
	s19 =	smov.u32 s30;
	s12 =	sadd.s32 $0x4, s28;
	(v2sf) =	vpush v0, $0x6  }
.LBB2_15:
0x221: {  	p0 =	sne.s32 s16, $0xE000  }
0x222: {  	s15 =	sadd.s32 $0x11C80, s14;
	s3 =	sadd.s32 $0x12180, s14;
	s1 =	smov.u32 s16  }
0x223: {  	s16 =	sadd.s32 $0x2000, s16;
	s9 =	sadd.s32 $0x11F80, s14;
	s25 =	sadd.s32 $0x12200, s14;
	(v2sf) =	vpush v0, $0x7  }
0x224: {  	s13 =	sadd.s32 $0x11E80, s14;
	s8 =	sadd.s32 $0x12000, s14;
	s28 =	sadd.s32 $0x12280, s14  }
0x225: {  	s17 =	sadd.s32 $0x11C00, s14;
	s18 =	sadd.s32 $0x11E00, s14;
	(v2sf) =	vpush v0, $0x8  }
0x226: {  	s20 =	sadd.s32 $0x11F00, s14;
	s19 =	sadd.s32 $0x10, s19  }
0x227: {  	s21 =	sadd.s32 $0x11D00, s14;
	s7 =	sadd.s32 $0x12100, s14;
	s10 =	spop (v2sf);
	(v2sf) =	vpush v0, $0x9  }
0x228: {  	s23 =	sand.u32 $0x1FFFFFF0, s10;
	s10 =	sadd.s32 $0x12080, s14;
	s24 =	spop (v2sf)  }
0x229: {  	s23 =	sadd.s32 s4, s23;
	s24 =	sand.u32 $0x1FFFFFF0, s24;
	s26 =	spop (v2sf);
	(v2sf) =	vpush v0, $0xA  }
0x22a: {  	[tilespmem:s17], [sflag:$0x5] =	stream.linear.gather [hbm4b:s23+s2], $0x80, $0x38;
	[tilespmem:$0x15C00] =	vst v63  }
0x22b: {  	s17 =	sadd.s32 s4, s24;
	s23 =	sadd.s32 $0x11D80, s14;
	s24 =	spop (v2sf);
	(v2sf) =	vpush v0, $0xB  }
0x22c: {  	[tilespmem:s15], [sflag:$0x5] =	stream.linear.gather [hbm4b:s17+s2], $0x80, $0x38;
	[tilespmem:$0x15C00] =	vst v63  }
0x22d: {  	s15 =	sand.u32 $0x1FFFFFF0, s26;
	s17 =	sand.u32 $0x1FFFFFF0, s24;
	s24 =	spop (v2sf);
	(v2sf) =	vpush v0, $0xC  }
0x22e: {  	s15 =	sadd.s32 s4, s15;
	s24 =	sand.u32 $0x1FFFFFF0, s24;
	s26 =	spop (v2sf)  }
0x22f: {  	[tilespmem:s21], [sflag:$0x5] =	stream.linear.gather [hbm4b:s15+s2], $0x80, $0x38;
	(v2sf) =	vpush v0, $0xD;
	[tilespmem:$0x15C00] =	vst v63  }
0x230: {  	s15 =	sadd.s32 s4, s24;
	s21 =	sand.u32 $0x1FFFFFF0, s26;
	s24 =	spop (v2sf)  }
0x231: {  	[tilespmem:s23], [sflag:$0x5] =	stream.linear.gather [hbm4b:s15+s2], $0x80, $0x38;
	(v2sf) =	vpush v0, $0xE;
	[tilespmem:$0x15C00] =	vst v63  }
0x232: {  	s15 =	sadd.s32 s4, s17;
	s17 =	sand.u32 $0x1FFFFFF0, s24;
	s23 =	spop (v2sf)  }
0x233: {  	[tilespmem:s18], [sflag:$0x5] =	stream.linear.gather [hbm4b:s15+s2], $0x80, $0x38;
	(v2sf) =	vpush v0, $0xF;
	[tilespmem:$0x15C00] =	vst v63  }
0x234: {  	s15 =	sadd.s32 s4, s21;
	s18 =	sand.u32 $0x1FFFFFF0, s23;
	s21 =	spop (v2sf)  }
0x235: {  	[tilespmem:s13], [sflag:$0x5] =	stream.linear.gather [hbm4b:s15+s2], $0x80, $0x38;
	[tilespmem:$0x15C00] =	vst v63  }
0x236: {  	s13 =	sadd.s32 s4, s17;
	s15 =	sand.u32 $0x1FFFFFF0, s21;
	s17 =	spop (v2sf)  }
0x237: {  	[tilespmem:s20], [sflag:$0x5] =	stream.linear.gather [hbm4b:s13+s2], $0x80, $0x38;
	[tilespmem:$0x15C00] =	vst v63  }
0x238: {  	s13 =	sadd.s32 s4, s18;
	s17 =	sand.u32 $0x1FFFFFF0, s17;
	s18 =	spop (v2sf)  }
0x239: {  	[tilespmem:s9], [sflag:$0x5] =	stream.linear.gather [hbm4b:s13+s2], $0x80, $0x38;
	[tilespmem:$0x15C00] =	vst v63  }
0x23a: {  	s9 =	sadd.s32 s4, s15;
	s13 =	sand.u32 $0x1FFFFFF0, s18;
	s15 =	spop (v2sf)  }
0x23b: {  	[tilespmem:s8], [sflag:$0x5] =	stream.linear.gather [hbm4b:s9+s2], $0x80, $0x38;
	[tilespmem:$0x15C00] =	vst v63  }
0x23c: {  	s8 =	sadd.s32 s4, s17;
	s9 =	sand.u32 $0x1FFFFFF0, s15;
	s15 =	spop (v2sf)  }
0x23d: {  	[tilespmem:s10], [sflag:$0x5] =	stream.linear.gather [hbm4b:s8+s2], $0x80, $0x38;
	[tilespmem:$0x15C00] =	vst v63  }
0x23e: {  	s8 =	sadd.s32 s4, s13;
	s10 =	sand.u32 $0x1FFFFFF0, s15;
	s13 =	spop (v2sf)  }
0x23f: {  	[tilespmem:s7], [sflag:$0x5] =	stream.linear.gather [hbm4b:s8+s2], $0x80, $0x38;
	[tilespmem:$0x15C00] =	vst v63  }
0x240: {  	s7 =	sadd.s32 s4, s9;
	s8 =	sand.u32 $0x1FFFFFF0, s13;
	s9 =	spop (v2sf)  }
0x241: {  	[tilespmem:s3], [sflag:$0x5] =	stream.linear.gather [hbm4b:s7+s2], $0x80, $0x38;
	[tilespmem:$0x15C00] =	vst v63  }
0x242: {  	s3 =	sadd.s32 s4, s10;
	s7 =	sand.u32 $0x1FFFFFF0, s9;
	s9 =	spop (v2sf)  }
0x243: {  	[tilespmem:s25], [sflag:$0x5] =	stream.linear.gather [hbm4b:s3+s2], $0x80, $0x38;
	[tilespmem:$0x15C00] =	vst v63  }
0x244: {  	s3 =	sadd.s32 s4, s8;
	s8 =	sand.u32 $0x1FFFFFF0, s9  }
0x245: {  	[tilespmem:s28], [sflag:$0x5] =	stream.linear.gather [hbm4b:s3+s2], $0x80, $0x38;
	[tilespmem:$0x15C00] =	vst v63  }
0x246: {  	s7 =	sadd.s32 s4, s7;
	s3 =	sadd.s32 $0x12300, s14  }
0x247: {  	[tilespmem:s3], [sflag:$0x5] =	stream.linear.gather [hbm4b:s7+s2], $0x80, $0x38;
	[tilespmem:$0x15C00] =	vst v63  }
0x248: {  	s3 =	sadd.s32 $0x12380, s14;
	s7 =	sadd.s32 s4, s8  }
0x249: {  	[tilespmem:s3], [sflag:$0x5] =	stream.linear.gather [hbm4b:s7+s2], $0x80, $0x38;
	[tilespmem:$0x15C00] =	vst v63  }
0x24a: {  	v0 =	vld [tilespmem:s19+$0x0];
	_ =	sdelay $0x4  }
0x24b: {  	v0 =	vshll.u32 v0, $0x4  }
0x24c: {  	(v2sf) =	vpush v0, $0x0  }
0x24d: {  	(v2sf) =	vpush v0, $0x1  }
0x24e: {  	(v2sf) =	vpush v0, $0x2;
	_ =	sdelay $0x1  }
0x24f: {  	(v2sf) =	vpush v0, $0x4  }
.Ltmp8:
0x250: {  	(pc) =	sbr.rel @p0 .LBB2_15-.Ltmp8, $3  }
0x251: {  	(v2sf) =	vpush v0, $0x3  }
0x252: {  	(v2sf) =	vpush v0, $0x5;
	_ =	sdelay $0x1  }
0x253: {  	s14 =	sshra.s32 s1, $0x2;
	(v2sf) =	vpush v0, $0x6  }
0x254: {  	_ =	sdelay $0x2  }
0x255: {  	s8 =	sadd.s32 $0x11C80, s14;
	s7 =	sadd.s32 $0x12180, s14;
	s9 =	sadd.s32 $0x11F80, s14;
	(v2sf) =	vpush v0, $0x7  }
0x256: {  	s10 =	sadd.s32 $0x11E80, s14;
	s13 =	sadd.s32 $0x12000, s14;
	s15 =	sadd.s32 $0x11C00, s14  }
0x257: {  	s16 =	sadd.s32 $0x11E00, s14;
	s17 =	sadd.s32 $0x11F00, s14;
	(v2sf) =	vpush v0, $0x8;
	s18 =	spop (v2sf)  }
0x258: {  	s19 =	sadd.s32 $0x11D00, s14;
	s18 =	sand.u32 $0x1FFFFFF0, s18;
	s20 =	spop (v2sf)  }
0x259: {  	(v2sf) =	vpush v0, $0x9;
	s18 =	sadd.s32 s4, s18;
	s20 =	sand.u32 $0x1FFFFFF0, s20;
	s21 =	spop (v2sf)  }
0x25a: {  	[tilespmem:s15], [sflag:$0x5] =	stream.linear.gather [hbm4b:s18+s2], $0x80, $0x38;
	[tilespmem:$0x15C00] =	vst v63  }
0x25b: {  	(v2sf) =	vpush v0, $0xA;
	s23 =	sadd.s32 s4, s20;
	s25 =	sand.u32 $0x1FFFFFF0, s21;
	s24 =	spop (v2sf)  }
0x25c: {  	[tilespmem:s8], [sflag:$0x5] =	stream.linear.gather [hbm4b:s23+s2], $0x80, $0x38;
	[tilespmem:$0x15C00] =	vst v63  }
0x25d: {  	s15 =	sadd.s32 $0x12100, s14;
	(v2sf) =	vpush v0, $0xB;
	s18 =	sadd.s32 s4, s25;
	s26 =	spop (v2sf)  }
0x25e: {  	s8 =	sadd.s32 $0x12080, s14;
	s23 =	sadd.s32 $0x11D80, s14;
	s21 =	sand.u32 $0x1FFFFFF0, s26  }
0x25f: {  	(v2sf) =	vpush v0, $0xC;
	[tilespmem:s19], [sflag:$0x5] =	stream.linear.gather [hbm4b:s18+s2], $0x80, $0x38;
	[tilespmem:$0x15C00] =	vst v63  }
0x260: {  	s28 =	sand.u32 $0x1FFFFFF0, s24;
	s24 =	spop (v2sf);
	s25 =	sadd.s32 s4, s21  }
0x261: {  	(v2sf) =	vpush v0, $0xD;
	[tilespmem:s23], [sflag:$0x5] =	stream.linear.gather [hbm4b:s25+s2], $0x80, $0x38;
	[tilespmem:$0x15C00] =	vst v63  }
0x262: {  	s18 =	sadd.s32 s4, s28;
	s19 =	sand.u32 $0x1FFFFFF0, s24;
	s26 =	spop (v2sf)  }
0x263: {  	[tilespmem:s16], [sflag:$0x5] =	stream.linear.gather [hbm4b:s18+s2], $0x80, $0x38;
	[tilespmem:$0x15C00] =	vst v63  }
0x264: {  	s19 =	sadd.s32 s4, s19;
	s28 =	sand.u32 $0x1FFFFFF0, s26;
	s20 =	spop (v2sf)  }
0x265: {  	(v2sf) =	vpush v0, $0xE;
	[tilespmem:s10], [sflag:$0x5] =	stream.linear.gather [hbm4b:s19+s2], $0x80, $0x38;
	[tilespmem:$0x15C00] =	vst v63  }
0x266: {  	s21 =	sand.u32 $0x1FFFFFF0, s20;
	s23 =	spop (v2sf);
	s16 =	sadd.s32 s4, s28  }
0x267: {  	(v2sf) =	vpush v0, $0xF;
	[tilespmem:s17], [sflag:$0x5] =	stream.linear.gather [hbm4b:s16+s2], $0x80, $0x38;
	[tilespmem:$0x15C00] =	vst v63  }
0x268: {  	s24 =	sand.u32 $0x1FFFFFF0, s23;
	s10 =	sadd.s32 s4, s21;
	s25 =	spop (v2sf)  }
0x269: {  	[tilespmem:s9], [sflag:$0x5] =	stream.linear.gather [hbm4b:s10+s2], $0x80, $0x38;
	[tilespmem:$0x15C00] =	vst v63  }
0x26a: {  	s16 =	sadd.s32 s4, s24;
	s26 =	sand.u32 $0x1FFFFFF0, s25;
	s28 =	spop (v2sf)  }
0x26b: {  	[tilespmem:s13], [sflag:$0x5] =	stream.linear.gather [hbm4b:s16+s2], $0x80, $0x38;
	[tilespmem:$0x15C00] =	vst v63  }
0x26c: {  	s10 =	sand.u32 $0x1FFFFFF0, s28;
	s9 =	sadd.s32 s4, s26;
	s16 =	spop (v2sf)  }
0x26d: {  	[tilespmem:s8], [sflag:$0x5] =	stream.linear.gather [hbm4b:s9+s2], $0x80, $0x38;
	[tilespmem:$0x15C00] =	vst v63  }
0x26e: {  	s10 =	sadd.s32 s4, s10;
	s17 =	sand.u32 $0x1FFFFFF0, s16;
	s18 =	spop (v2sf)  }
0x26f: {  	[tilespmem:s15], [sflag:$0x5] =	stream.linear.gather [hbm4b:s10+s2], $0x80, $0x38;
	[tilespmem:$0x15C00] =	vst v63  }
0x270: {  	s8 =	sadd.s32 s4, s17;
	s9 =	sand.u32 $0x1FFFFFF0, s18;
	s19 =	spop (v2sf)  }
0x271: {  	[tilespmem:s7], [sflag:$0x5] =	stream.linear.gather [hbm4b:s8+s2], $0x80, $0x38;
	[tilespmem:$0x15C00] =	vst v63  }
0x272: {  	s1 =	sadd.s32 $0x12200, s14;
	s20 =	sand.u32 $0x1FFFFFF0, s19;
	s9 =	sadd.s32 s4, s9  }
0x273: {  	[tilespmem:s1], [sflag:$0x5] =	stream.linear.gather [hbm4b:s9+s2], $0x80, $0x38;
	[tilespmem:$0x15C00] =	vst v63  }
0x274: {  	s3 =	sadd.s32 $0x12280, s14;
	s21 =	spop (v2sf);
	s7 =	sadd.s32 s4, s20  }
0x275: {  	[tilespmem:s3], [sflag:$0x5] =	stream.linear.gather [hbm4b:s7+s2], $0x80, $0x38;
	[tilespmem:$0x15C00] =	vst v63  }
.Ltmp9:
0x276: {  	s23 =	sand.u32 $0x1FFFFFF0, s21;
	s24 =	spop (v2sf);
	(pc) =	sbr.rel .LBB2_17-.Ltmp9, $4  }
0x277: {  	s26 =	sadd.s32 $0x12300, s14;
	s25 =	sand.u32 $0x1FFFFFF0, s24;
	s1 =	sadd.s32 s4, s23  }
0x278: {  	[tilespmem:s26], [sflag:$0x5] =	stream.linear.gather [hbm4b:s1+s2], $0x80, $0x38;
	[tilespmem:$0x15C00] =	vst v63  }
0x279: {  	s12 =	sshll.u32 s12, $0xB;
	s28 =	sadd.s32 $0x12380, s14;
	s3 =	sadd.s32 s4, s25  }
0x27a: {  	[tilespmem:s28], [sflag:$0x5] =	stream.linear.gather [hbm4b:s3+s2], $0x80, $0x38;
	[tilespmem:$0x15C00] =	vst v63  }
.LBB2_13:
0x27b: {  	s12 =	simm.s32 $0x2000  }
.LBB2_17:
0x27c: {  	s1 =	rddreg [dreg:$0x5];
	s3 =	simm.s32 $0x2  }
0x27d: {  	s14 =	simm.s32 $0x0;
	s26 =	simm.s32 $0x5C00;
	s1 =	sadd.s32 s29, s1  }
0x27e: {  	s28 =	simm.s32 $0x6;
	_ =	swait.ge [sflag:s3], $0x4000;
	s1 =	sshll.u32 s1, $0x4  }
0x27f: {  	p0 =	seq.s32 s31, $0x9;
	[sflag:s3] =	ssyncset.done $0x0;
	s1 =	sand.u32 $0xFFFF800, s1  }
.Ltmp10:
0x280: {  	[sflag:s3] =	ssyncadd.s32 $0xFFFFC000;
	s1 =	sadd.s32 s5, s1;
	(pc) =	sbr.rel @p0 .LBB2_21-.Ltmp10, $4  }
0x281: {  	[hbm4b:s1+s14] =	stream.linear.scatter [tilespmem:s26], [sflag:$0x7], $0x4000, $0x38;
	[tilespmem:$0x15C00] =	vst v63  }
0x282: {  	_ =	swait.ge [sflag:s28], $0x4000  }
0x283: {  	[sflag:s28] =	ssyncset.done $0x0  }
0x284: {  	[sflag:s28] =	ssyncadd.s32 $0xFFFFC000  }
0x285: {  	v0 =	vld [tilespmem:s22+$0x0];
	_ =	sdelay $0x4  }
0x286: {  	v0 =	vshll.u32 v0, $0x4  }
0x287: {  	(v2sf) =	vpush v0, $0x0  }
0x288: {  	(v2sf) =	vpush v0, $0x1  }
0x289: {  	(v2sf) =	vpush v0, $0x2;
	_ =	sdelay $0x1  }
0x28a: {  	(v2sf) =	vpush v0, $0x4;
	_ =	sdelay $0x1  }
0x28b: {  	[dreg:$0xb] =	wrdreg s11;
	s11 =	smov.u32 s12;
	s12 =	smov.u32 s6;
	(v2sf) =	vpush v0, $0x3  }
0x28c: {  	s6 =	smov.u32 s0;
	s1 =	smov.u32 s22;
	s0 =	smov.u32 s5;
	(v2sf) =	vpush v0, $0x5  }
0x28d: {  	s5 =	smov.u32 s30;
	s19 =	simm.s32 $0x2000;
	s16 =	simm.s32 $0x0;
	(v2sf) =	vpush v0, $0x6  }
.LBB2_19:
0x28e: {  	p1 =	sne.s32 s19, $0xE000  }
0x28f: {  	s17 =	sadd.s32 $0x1C80, s16;
	s7 =	sadd.s32 $0x2180, s16;
	s25 =	smov.u32 s19  }
0x290: {  	s19 =	sadd.s32 $0x2000, s19;
	s10 =	sadd.s32 $0x1F80, s16;
	s28 =	sadd.s32 $0x2200, s16;
	(v2sf) =	vpush v0, $0x7  }
0x291: {  	s15 =	sadd.s32 $0x1E80, s16;
	s9 =	sadd.s32 $0x2000, s16;
	s3 =	sadd.s32 $0x2280, s16  }
0x292: {  	s18 =	sadd.s32 $0x1C00, s16;
	s20 =	sadd.s32 $0x1E00, s16;
	(v2sf) =	vpush v0, $0x8  }
0x293: {  	s21 =	sadd.s32 $0x1F00, s16;
	s1 =	sadd.s32 $0x10, s1  }
0x294: {  	s23 =	sadd.s32 $0x1D00, s16;
	s8 =	sadd.s32 $0x2100, s16;
	s13 =	spop (v2sf);
	(v2sf) =	vpush v0, $0x9  }
0x295: {  	s24 =	sand.u32 $0x1FFFFFF0, s13;
	s13 =	sadd.s32 $0x2080, s16;
	s26 =	spop (v2sf)  }
0x296: {  	s24 =	sadd.s32 s4, s24;
	s26 =	sand.u32 $0x1FFFFFF0, s26;
	s30 =	spop (v2sf);
	(v2sf) =	vpush v0, $0xA  }
0x297: {  	[tilespmem:s18], [sflag:$0x1] =	stream.linear.gather [hbm4b:s24+s2], $0x80, $0x38;
	[tilespmem:$0x15C00] =	vst v63  }
0x298: {  	s18 =	sadd.s32 s4, s26;
	s24 =	sadd.s32 $0x1D80, s16;
	s26 =	spop (v2sf);
	(v2sf) =	vpush v0, $0xB  }
0x299: {  	[tilespmem:s17], [sflag:$0x1] =	stream.linear.gather [hbm4b:s18+s2], $0x80, $0x38;
	[tilespmem:$0x15C00] =	vst v63  }
0x29a: {  	s17 =	sand.u32 $0x1FFFFFF0, s30;
	s18 =	sand.u32 $0x1FFFFFF0, s26;
	s26 =	spop (v2sf);
	(v2sf) =	vpush v0, $0xC  }
0x29b: {  	s17 =	sadd.s32 s4, s17;
	s26 =	sand.u32 $0x1FFFFFF0, s26;
	s30 =	spop (v2sf)  }
0x29c: {  	[tilespmem:s23], [sflag:$0x1] =	stream.linear.gather [hbm4b:s17+s2], $0x80, $0x38;
	(v2sf) =	vpush v0, $0xD;
	[tilespmem:$0x15C00] =	vst v63  }
0x29d: {  	s17 =	sadd.s32 s4, s26;
	s23 =	sand.u32 $0x1FFFFFF0, s30;
	s26 =	spop (v2sf)  }
0x29e: {  	[tilespmem:s24], [sflag:$0x1] =	stream.linear.gather [hbm4b:s17+s2], $0x80, $0x38;
	(v2sf) =	vpush v0, $0xE;
	[tilespmem:$0x15C00] =	vst v63  }
0x29f: {  	s17 =	sadd.s32 s4, s18;
	s18 =	sand.u32 $0x1FFFFFF0, s26;
	s24 =	spop (v2sf)  }
0x2a0: {  	[tilespmem:s20], [sflag:$0x1] =	stream.linear.gather [hbm4b:s17+s2], $0x80, $0x38;
	(v2sf) =	vpush v0, $0xF;
	[tilespmem:$0x15C00] =	vst v63  }
0x2a1: {  	s17 =	sadd.s32 s4, s23;
	s20 =	sand.u32 $0x1FFFFFF0, s24;
	s23 =	spop (v2sf)  }
0x2a2: {  	[tilespmem:s15], [sflag:$0x1] =	stream.linear.gather [hbm4b:s17+s2], $0x80, $0x38;
	[tilespmem:$0x15C00] =	vst v63  }
0x2a3: {  	s15 =	sadd.s32 s4, s18;
	s17 =	sand.u32 $0x1FFFFFF0, s23;
	s18 =	spop (v2sf)  }
0x2a4: {  	[tilespmem:s21], [sflag:$0x1] =	stream.linear.gather [hbm4b:s15+s2], $0x80, $0x38;
	[tilespmem:$0x15C00] =	vst v63  }
0x2a5: {  	s15 =	sadd.s32 s4, s20;
	s18 =	sand.u32 $0x1FFFFFF0, s18;
	s20 =	spop (v2sf)  }
0x2a6: {  	[tilespmem:s10], [sflag:$0x1] =	stream.linear.gather [hbm4b:s15+s2], $0x80, $0x38;
	[tilespmem:$0x15C00] =	vst v63  }
0x2a7: {  	s10 =	sadd.s32 s4, s17;
	s15 =	sand.u32 $0x1FFFFFF0, s20;
	s17 =	spop (v2sf)  }
0x2a8: {  	[tilespmem:s9], [sflag:$0x1] =	stream.linear.gather [hbm4b:s10+s2], $0x80, $0x38;
	[tilespmem:$0x15C00] =	vst v63  }
0x2a9: {  	s9 =	sadd.s32 s4, s18;
	s10 =	sand.u32 $0x1FFFFFF0, s17;
	s17 =	spop (v2sf)  }
0x2aa: {  	[tilespmem:s13], [sflag:$0x1] =	stream.linear.gather [hbm4b:s9+s2], $0x80, $0x38;
	[tilespmem:$0x15C00] =	vst v63  }
0x2ab: {  	s9 =	sadd.s32 s4, s15;
	s13 =	sand.u32 $0x1FFFFFF0, s17;
	s15 =	spop (v2sf)  }
0x2ac: {  	[tilespmem:s8], [sflag:$0x1] =	stream.linear.gather [hbm4b:s9+s2], $0x80, $0x38;
	[tilespmem:$0x15C00] =	vst v63  }
0x2ad: {  	s8 =	sadd.s32 s4, s10;
	s9 =	sand.u32 $0x1FFFFFF0, s15;
	s10 =	spop (v2sf)  }
0x2ae: {  	[tilespmem:s7], [sflag:$0x1] =	stream.linear.gather [hbm4b:s8+s2], $0x80, $0x38;
	[tilespmem:$0x15C00] =	vst v63  }
0x2af: {  	s7 =	sadd.s32 s4, s13;
	s8 =	sand.u32 $0x1FFFFFF0, s10;
	s10 =	spop (v2sf)  }
0x2b0: {  	[tilespmem:s28], [sflag:$0x1] =	stream.linear.gather [hbm4b:s7+s2], $0x80, $0x38;
	[tilespmem:$0x15C00] =	vst v63  }
0x2b1: {  	s7 =	sadd.s32 s4, s9;
	s9 =	sand.u32 $0x1FFFFFF0, s10  }
0x2b2: {  	[tilespmem:s3], [sflag:$0x1] =	stream.linear.gather [hbm4b:s7+s2], $0x80, $0x38;
	[tilespmem:$0x15C00] =	vst v63  }
0x2b3: {  	s3 =	sadd.s32 $0x2300, s16;
	s7 =	sadd.s32 s4, s8  }
0x2b4: {  	[tilespmem:s3], [sflag:$0x1] =	stream.linear.gather [hbm4b:s7+s2], $0x80, $0x38;
	[tilespmem:$0x15C00] =	vst v63  }
0x2b5: {  	s3 =	sadd.s32 $0x2380, s16;
	s7 =	sadd.s32 s4, s9  }
0x2b6: {  	[tilespmem:s3], [sflag:$0x1] =	stream.linear.gather [hbm4b:s7+s2], $0x80, $0x38;
	[tilespmem:$0x15C00] =	vst v63  }
0x2b7: {  	v0 =	vld [tilespmem:s1+$0x0];
	_ =	sdelay $0x4  }
0x2b8: {  	v0 =	vshll.u32 v0, $0x4  }
0x2b9: {  	(v2sf) =	vpush v0, $0x0  }
0x2ba: {  	(v2sf) =	vpush v0, $0x1  }
0x2bb: {  	(v2sf) =	vpush v0, $0x2;
	_ =	sdelay $0x1  }
0x2bc: {  	(v2sf) =	vpush v0, $0x4  }
.Ltmp11:
0x2bd: {  	(pc) =	sbr.rel @p1 .LBB2_19-.Ltmp11, $3  }
0x2be: {  	(v2sf) =	vpush v0, $0x3  }
0x2bf: {  	(v2sf) =	vpush v0, $0x5;
	_ =	sdelay $0x1  }
0x2c0: {  	s16 =	sshra.s32 s25, $0x2;
	(v2sf) =	vpush v0, $0x6  }
0x2c1: {  	s8 =	sadd.s32 $0x1C80, s16  }
0x2c2: {  	s7 =	sadd.s32 $0x2180, s16;
	s9 =	sadd.s32 $0x1F80, s16;
	s1 =	sadd.s32 $0x2200, s16  }
0x2c3: {  	s10 =	sadd.s32 $0x1E80, s16;
	s13 =	sadd.s32 $0x2000, s16;
	s3 =	sadd.s32 $0x2280, s16  }
0x2c4: {  	(v2sf) =	vpush v0, $0x7;
	s15 =	sadd.s32 $0x1C00, s16;
	s17 =	sadd.s32 $0x1E00, s16;
	s18 =	sadd.s32 $0x1F00, s16  }
0x2c5: {  	s20 =	sadd.s32 $0x1D00, s16;
	s24 =	sadd.s32 $0x1D80, s16;
	s30 =	smov.u32 s5  }
0x2c6: {  	s5 =	smov.u32 s0;
	s0 =	smov.u32 s6;
	(v2sf) =	vpush v0, $0x8;
	s19 =	spop (v2sf)  }
0x2c7: {  	s6 =	smov.u32 s12;
	s19 =	sand.u32 $0x1FFFFFF0, s19;
	s21 =	spop (v2sf)  }
0x2c8: {  	(v2sf) =	vpush v0, $0x9;
	s19 =	sadd.s32 s4, s19;
	s21 =	sand.u32 $0x1FFFFFF0, s21;
	s23 =	spop (v2sf)  }
0x2c9: {  	[tilespmem:s15], [sflag:$0x1] =	stream.linear.gather [hbm4b:s19+s2], $0x80, $0x38;
	[tilespmem:$0x15C00] =	vst v63  }
0x2ca: {  	s12 =	smov.u32 s11;
	(v2sf) =	vpush v0, $0xA;
	s26 =	sadd.s32 s4, s21;
	s28 =	spop (v2sf)  }
0x2cb: {  	[tilespmem:s8], [sflag:$0x1] =	stream.linear.gather [hbm4b:s26+s2], $0x80, $0x38;
	[tilespmem:$0x15C00] =	vst v63  }
0x2cc: {  	s15 =	sadd.s32 $0x2100, s16;
	s23 =	sand.u32 $0x1FFFFFF0, s23;
	(v2sf) =	vpush v0, $0xB;
	s25 =	spop (v2sf)  }
0x2cd: {  	s19 =	sadd.s32 s4, s23;
	s8 =	sadd.s32 $0x2080, s16;
	s23 =	sand.u32 $0x1FFFFFF0, s25  }
0x2ce: {  	(v2sf) =	vpush v0, $0xC;
	[tilespmem:s20], [sflag:$0x1] =	stream.linear.gather [hbm4b:s19+s2], $0x80, $0x38;
	[tilespmem:$0x15C00] =	vst v63  }
0x2cf: {  	s26 =	sand.u32 $0x1FFFFFF0, s28;
	s28 =	spop (v2sf);
	s23 =	sadd.s32 s4, s23  }
0x2d0: {  	(v2sf) =	vpush v0, $0xD;
	[tilespmem:s24], [sflag:$0x1] =	stream.linear.gather [hbm4b:s23+s2], $0x80, $0x38;
	[tilespmem:$0x15C00] =	vst v63  }
0x2d1: {  	s19 =	sadd.s32 s4, s26;
	s20 =	sand.u32 $0x1FFFFFF0, s28;
	s25 =	spop (v2sf)  }
0x2d2: {  	(v2sf) =	vpush v0, $0xE;
	[tilespmem:s17], [sflag:$0x1] =	stream.linear.gather [hbm4b:s19+s2], $0x80, $0x38;
	[tilespmem:$0x15C00] =	vst v63  }
0x2d3: {  	s20 =	sadd.s32 s4, s20;
	s26 =	sand.u32 $0x1FFFFFF0, s25;
	s28 =	spop (v2sf)  }
0x2d4: {  	(v2sf) =	vpush v0, $0xF;
	[tilespmem:s10], [sflag:$0x1] =	stream.linear.gather [hbm4b:s20+s2], $0x80, $0x38;
	[tilespmem:$0x15C00] =	vst v63  }
0x2d5: {  	s21 =	spop (v2sf);
	s17 =	sadd.s32 s4, s26;
	s20 =	sand.u32 $0x1FFFFFF0, s28  }
0x2d6: {  	[tilespmem:s18], [sflag:$0x1] =	stream.linear.gather [hbm4b:s17+s2], $0x80, $0x38;
	[tilespmem:$0x15C00] =	vst v63  }
0x2d7: {  	s23 =	sand.u32 $0x1FFFFFF0, s21;
	s10 =	sadd.s32 s4, s20;
	s24 =	spop (v2sf)  }
0x2d8: {  	[tilespmem:s9], [sflag:$0x1] =	stream.linear.gather [hbm4b:s10+s2], $0x80, $0x38;
	[tilespmem:$0x15C00] =	vst v63  }
0x2d9: {  	s17 =	sadd.s32 s4, s23;
	s25 =	sand.u32 $0x1FFFFFF0, s24;
	s26 =	spop (v2sf)  }
0x2da: {  	[tilespmem:s13], [sflag:$0x1] =	stream.linear.gather [hbm4b:s17+s2], $0x80, $0x38;
	[tilespmem:$0x15C00] =	vst v63  }
0x2db: {  	s10 =	sand.u32 $0x1FFFFFF0, s26;
	s9 =	sadd.s32 s4, s25;
	s28 =	spop (v2sf)  }
0x2dc: {  	[tilespmem:s8], [sflag:$0x1] =	stream.linear.gather [hbm4b:s9+s2], $0x80, $0x38;
	[tilespmem:$0x15C00] =	vst v63  }
0x2dd: {  	s10 =	sadd.s32 s4, s10;
	s17 =	sand.u32 $0x1FFFFFF0, s28;
	s18 =	spop (v2sf)  }
0x2de: {  	[tilespmem:s15], [sflag:$0x1] =	stream.linear.gather [hbm4b:s10+s2], $0x80, $0x38;
	[tilespmem:$0x15C00] =	vst v63  }
0x2df: {  	s8 =	sadd.s32 s4, s17;
	s9 =	sand.u32 $0x1FFFFFF0, s18;
	s19 =	spop (v2sf)  }
0x2e0: {  	[tilespmem:s7], [sflag:$0x1] =	stream.linear.gather [hbm4b:s8+s2], $0x80, $0x38;
	[tilespmem:$0x15C00] =	vst v63  }
0x2e1: {  	s20 =	sand.u32 $0x1FFFFFF0, s19;
	s9 =	sadd.s32 s4, s9;
	s21 =	spop (v2sf)  }
0x2e2: {  	[tilespmem:s1], [sflag:$0x1] =	stream.linear.gather [hbm4b:s9+s2], $0x80, $0x38;
	[tilespmem:$0x15C00] =	vst v63  }
0x2e3: {  	s23 =	sand.u32 $0x1FFFFFF0, s21;
	s24 =	spop (v2sf);
	s7 =	sadd.s32 s4, s20  }
0x2e4: {  	[tilespmem:s3], [sflag:$0x1] =	stream.linear.gather [hbm4b:s7+s2], $0x80, $0x38;
	[tilespmem:$0x15C00] =	vst v63  }
0x2e5: {  	s26 =	sadd.s32 $0x2300, s16;
	s25 =	sand.u32 $0x1FFFFFF0, s24;
	s1 =	sadd.s32 s4, s23  }
0x2e6: {  	[tilespmem:s26], [sflag:$0x1] =	stream.linear.gather [hbm4b:s1+s2], $0x80, $0x38;
	[tilespmem:$0x15C00] =	vst v63  }
0x2e7: {  	s11 =	rddreg [dreg:$0xb];
	s28 =	sadd.s32 $0x2380, s16;
	s3 =	sadd.s32 s4, s25  }
0x2e8: {  	[tilespmem:s28], [sflag:$0x1] =	stream.linear.gather [hbm4b:s3+s2], $0x80, $0x38;
	[tilespmem:$0x15C00] =	vst v63  }
.LBB2_21:
0x2e9: {  	s1 =	rddreg [dreg:$0x6]  }
0x2ea: {  	s3 =	simm.s32 $0x3;
	s1 =	sadd.s32 s29, s1  }
0x2eb: {  	s26 =	simm.s32 $0x9C00;
	_ =	swait.ge [sflag:s3], $0x4000;
	s1 =	sshll.u32 s1, $0x4  }
0x2ec: {  	s28 =	simm.s32 $0x7;
	[sflag:s3] =	ssyncset.done $0x0;
	s1 =	sand.u32 $0xFFFF800, s1  }
.Ltmp12:
0x2ed: {  	[sflag:s3] =	ssyncadd.s32 $0xFFFFC000;
	s1 =	sadd.s32 s5, s1;
	(pc) =	sbr.rel @p0 .LBB2_25-.Ltmp12, $4  }
0x2ee: {  	[hbm4b:s1+s14] =	stream.linear.scatter [tilespmem:s26], [sflag:$0x8], $0x4000, $0x38;
	[tilespmem:$0x15C00] =	vst v63  }
0x2ef: {  	_ =	swait.ge [sflag:s28], $0x4000  }
0x2f0: {  	[sflag:s28] =	ssyncset.done $0x0  }
0x2f1: {  	[sflag:s28] =	ssyncadd.s32 $0xFFFFC000  }
0x2f2: {  	v0 =	vld [tilespmem:s0+$0x0];
	_ =	sdelay $0x4  }
0x2f3: {  	v0 =	vshll.u32 v0, $0x4  }
0x2f4: {  	(v2sf) =	vpush v0, $0x0  }
0x2f5: {  	(v2sf) =	vpush v0, $0x1  }
0x2f6: {  	(v2sf) =	vpush v0, $0x2;
	_ =	sdelay $0x1  }
0x2f7: {  	(v2sf) =	vpush v0, $0x4;
	_ =	sdelay $0x1  }
0x2f8: {  	(v2sf) =	vpush v0, $0x3  }
0x2f9: {  	(v2sf) =	vpush v0, $0x5  }
0x2fa: {  	s16 =	simm.s32 $0x2000;
	s14 =	simm.s32 $0x0;
	s1 =	smov.u32 s0;
	(v2sf) =	vpush v0, $0x6  }
.LBB2_23:
0x2fb: {  	p1 =	sne.s32 s16, $0xE000  }
0x2fc: {  	s17 =	sadd.s32 $0x5C80, s14;
	s7 =	sadd.s32 $0x6180, s14;
	s19 =	smov.u32 s16  }
0x2fd: {  	s16 =	sadd.s32 $0x2000, s16;
	s10 =	sadd.s32 $0x5F80, s14;
	s3 =	sadd.s32 $0x6200, s14;
	(v2sf) =	vpush v0, $0x7  }
0x2fe: {  	s15 =	sadd.s32 $0x5E80, s14;
	s9 =	sadd.s32 $0x6000, s14;
	s25 =	sadd.s32 $0x6280, s14  }
0x2ff: {  	s18 =	sadd.s32 $0x5C00, s14;
	s20 =	sadd.s32 $0x5E00, s14;
	(v2sf) =	vpush v0, $0x8  }
0x300: {  	s21 =	sadd.s32 $0x5F00, s14;
	s1 =	sadd.s32 $0x10, s1  }
0x301: {  	s23 =	sadd.s32 $0x5D00, s14;
	s8 =	sadd.s32 $0x6100, s14;
	s13 =	spop (v2sf);
	(v2sf) =	vpush v0, $0x9  }
0x302: {  	s24 =	sand.u32 $0x1FFFFFF0, s13;
	s13 =	sadd.s32 $0x6080, s14;
	s26 =	spop (v2sf)  }
0x303: {  	s24 =	sadd.s32 s4, s24;
	s26 =	sand.u32 $0x1FFFFFF0, s26;
	s28 =	spop (v2sf);
	(v2sf) =	vpush v0, $0xA  }
0x304: {  	[tilespmem:s18], [sflag:$0x2] =	stream.linear.gather [hbm4b:s24+s2], $0x80, $0x38;
	[tilespmem:$0x15C00] =	vst v63  }
0x305: {  	s18 =	sadd.s32 s4, s26;
	s24 =	sadd.s32 $0x5D80, s14;
	s26 =	spop (v2sf);
	(v2sf) =	vpush v0, $0xB  }
0x306: {  	[tilespmem:s17], [sflag:$0x2] =	stream.linear.gather [hbm4b:s18+s2], $0x80, $0x38;
	[tilespmem:$0x15C00] =	vst v63  }
0x307: {  	s17 =	sand.u32 $0x1FFFFFF0, s28;
	s18 =	sand.u32 $0x1FFFFFF0, s26;
	s26 =	spop (v2sf);
	(v2sf) =	vpush v0, $0xC  }
0x308: {  	s17 =	sadd.s32 s4, s17;
	s26 =	sand.u32 $0x1FFFFFF0, s26;
	s28 =	spop (v2sf)  }
0x309: {  	[tilespmem:s23], [sflag:$0x2] =	stream.linear.gather [hbm4b:s17+s2], $0x80, $0x38;
	(v2sf) =	vpush v0, $0xD;
	[tilespmem:$0x15C00] =	vst v63  }
0x30a: {  	s17 =	sadd.s32 s4, s26;
	s23 =	sand.u32 $0x1FFFFFF0, s28;
	s26 =	spop (v2sf)  }
0x30b: {  	[tilespmem:s24], [sflag:$0x2] =	stream.linear.gather [hbm4b:s17+s2], $0x80, $0x38;
	(v2sf) =	vpush v0, $0xE;
	[tilespmem:$0x15C00] =	vst v63  }
0x30c: {  	s17 =	sadd.s32 s4, s18;
	s18 =	sand.u32 $0x1FFFFFF0, s26;
	s24 =	spop (v2sf)  }
0x30d: {  	[tilespmem:s20], [sflag:$0x2] =	stream.linear.gather [hbm4b:s17+s2], $0x80, $0x38;
	(v2sf) =	vpush v0, $0xF;
	[tilespmem:$0x15C00] =	vst v63  }
0x30e: {  	s17 =	sadd.s32 s4, s23;
	s20 =	sand.u32 $0x1FFFFFF0, s24;
	s23 =	spop (v2sf)  }
0x30f: {  	[tilespmem:s15], [sflag:$0x2] =	stream.linear.gather [hbm4b:s17+s2], $0x80, $0x38;
	[tilespmem:$0x15C00] =	vst v63  }
0x310: {  	s15 =	sadd.s32 s4, s18;
	s17 =	sand.u32 $0x1FFFFFF0, s23;
	s18 =	spop (v2sf)  }
0x311: {  	[tilespmem:s21], [sflag:$0x2] =	stream.linear.gather [hbm4b:s15+s2], $0x80, $0x38;
	[tilespmem:$0x15C00] =	vst v63  }
0x312: {  	s15 =	sadd.s32 s4, s20;
	s18 =	sand.u32 $0x1FFFFFF0, s18;
	s20 =	spop (v2sf)  }
0x313: {  	[tilespmem:s10], [sflag:$0x2] =	stream.linear.gather [hbm4b:s15+s2], $0x80, $0x38;
	[tilespmem:$0x15C00] =	vst v63  }
0x314: {  	s10 =	sadd.s32 s4, s17;
	s15 =	sand.u32 $0x1FFFFFF0, s20;
	s17 =	spop (v2sf)  }
0x315: {  	[tilespmem:s9], [sflag:$0x2] =	stream.linear.gather [hbm4b:s10+s2], $0x80, $0x38;
	[tilespmem:$0x15C00] =	vst v63  }
0x316: {  	s9 =	sadd.s32 s4, s18;
	s10 =	sand.u32 $0x1FFFFFF0, s17;
	s17 =	spop (v2sf)  }
0x317: {  	[tilespmem:s13], [sflag:$0x2] =	stream.linear.gather [hbm4b:s9+s2], $0x80, $0x38;
	[tilespmem:$0x15C00] =	vst v63  }
0x318: {  	s9 =	sadd.s32 s4, s15;
	s13 =	sand.u32 $0x1FFFFFF0, s17;
	s15 =	spop (v2sf)  }
0x319: {  	[tilespmem:s8], [sflag:$0x2] =	stream.linear.gather [hbm4b:s9+s2], $0x80, $0x38;
	[tilespmem:$0x15C00] =	vst v63  }
0x31a: {  	s8 =	sadd.s32 s4, s10;
	s9 =	sand.u32 $0x1FFFFFF0, s15;
	s10 =	spop (v2sf)  }
0x31b: {  	[tilespmem:s7], [sflag:$0x2] =	stream.linear.gather [hbm4b:s8+s2], $0x80, $0x38;
	[tilespmem:$0x15C00] =	vst v63  }
0x31c: {  	s7 =	sadd.s32 s4, s13;
	s8 =	sand.u32 $0x1FFFFFF0, s10;
	s10 =	spop (v2sf)  }
0x31d: {  	[tilespmem:s3], [sflag:$0x2] =	stream.linear.gather [hbm4b:s7+s2], $0x80, $0x38;
	[tilespmem:$0x15C00] =	vst v63  }
0x31e: {  	s3 =	sadd.s32 s4, s9;
	s7 =	sand.u32 $0x1FFFFFF0, s10  }
0x31f: {  	[tilespmem:s25], [sflag:$0x2] =	stream.linear.gather [hbm4b:s3+s2], $0x80, $0x38;
	[tilespmem:$0x15C00] =	vst v63  }
0x320: {  	s8 =	sadd.s32 s4, s8;
	s3 =	sadd.s32 $0x6300, s14  }
0x321: {  	[tilespmem:s3], [sflag:$0x2] =	stream.linear.gather [hbm4b:s8+s2], $0x80, $0x38;
	[tilespmem:$0x15C00] =	vst v63  }
0x322: {  	s7 =	sadd.s32 s4, s7;
	s3 =	sadd.s32 $0x6380, s14  }
0x323: {  	[tilespmem:s3], [sflag:$0x2] =	stream.linear.gather [hbm4b:s7+s2], $0x80, $0x38;
	[tilespmem:$0x15C00] =	vst v63  }
0x324: {  	v0 =	vld [tilespmem:s1+$0x0];
	_ =	sdelay $0x4  }
0x325: {  	v0 =	vshll.u32 v0, $0x4  }
0x326: {  	(v2sf) =	vpush v0, $0x0  }
0x327: {  	(v2sf) =	vpush v0, $0x1  }
0x328: {  	(v2sf) =	vpush v0, $0x2;
	_ =	sdelay $0x1  }
0x329: {  	(v2sf) =	vpush v0, $0x4  }
.Ltmp13:
0x32a: {  	(pc) =	sbr.rel @p1 .LBB2_23-.Ltmp13, $3  }
0x32b: {  	(v2sf) =	vpush v0, $0x3  }
0x32c: {  	(v2sf) =	vpush v0, $0x5;
	_ =	sdelay $0x1  }
0x32d: {  	s14 =	sshra.s32 s19, $0x2;
	(v2sf) =	vpush v0, $0x6  }
0x32e: {  	_ =	sdelay $0x1  }
0x32f: {  	s8 =	sadd.s32 $0x5C80, s14;
	s7 =	sadd.s32 $0x6180, s14  }
0x330: {  	s9 =	sadd.s32 $0x5F80, s14;
	s1 =	sadd.s32 $0x6200, s14;
	(v2sf) =	vpush v0, $0x7;
	s10 =	sadd.s32 $0x5E80, s14  }
0x331: {  	s13 =	sadd.s32 $0x6000, s14;
	s3 =	sadd.s32 $0x6280, s14;
	s15 =	sadd.s32 $0x5C00, s14  }
0x332: {  	s16 =	sadd.s32 $0x5E00, s14;
	s17 =	sadd.s32 $0x5F00, s14;
	(v2sf) =	vpush v0, $0x8;
	s18 =	spop (v2sf)  }
0x333: {  	s19 =	sadd.s32 $0x5D00, s14;
	s18 =	sand.u32 $0x1FFFFFF0, s18;
	s20 =	spop (v2sf)  }
0x334: {  	(v2sf) =	vpush v0, $0x9;
	s18 =	sadd.s32 s4, s18;
	s20 =	sand.u32 $0x1FFFFFF0, s20;
	s21 =	spop (v2sf)  }
0x335: {  	[tilespmem:s15], [sflag:$0x2] =	stream.linear.gather [hbm4b:s18+s2], $0x80, $0x38;
	[tilespmem:$0x15C00] =	vst v63  }
0x336: {  	(v2sf) =	vpush v0, $0xA;
	s23 =	sadd.s32 s4, s20;
	s25 =	sand.u32 $0x1FFFFFF0, s21;
	s24 =	spop (v2sf)  }
0x337: {  	[tilespmem:s8], [sflag:$0x2] =	stream.linear.gather [hbm4b:s23+s2], $0x80, $0x38;
	[tilespmem:$0x15C00] =	vst v63  }
0x338: {  	s15 =	sadd.s32 $0x6100, s14;
	(v2sf) =	vpush v0, $0xB;
	s18 =	sadd.s32 s4, s25;
	s26 =	spop (v2sf)  }
0x339: {  	s8 =	sadd.s32 $0x6080, s14;
	s23 =	sadd.s32 $0x5D80, s14;
	s21 =	sand.u32 $0x1FFFFFF0, s26  }
0x33a: {  	(v2sf) =	vpush v0, $0xC;
	[tilespmem:s19], [sflag:$0x2] =	stream.linear.gather [hbm4b:s18+s2], $0x80, $0x38;
	[tilespmem:$0x15C00] =	vst v63  }
0x33b: {  	s28 =	sand.u32 $0x1FFFFFF0, s24;
	s24 =	spop (v2sf);
	s25 =	sadd.s32 s4, s21  }
0x33c: {  	(v2sf) =	vpush v0, $0xD;
	[tilespmem:s23], [sflag:$0x2] =	stream.linear.gather [hbm4b:s25+s2], $0x80, $0x38;
	[tilespmem:$0x15C00] =	vst v63  }
0x33d: {  	s18 =	sadd.s32 s4, s28;
	s19 =	sand.u32 $0x1FFFFFF0, s24;
	s26 =	spop (v2sf)  }
0x33e: {  	(v2sf) =	vpush v0, $0xE;
	[tilespmem:s16], [sflag:$0x2] =	stream.linear.gather [hbm4b:s18+s2], $0x80, $0x38;
	[tilespmem:$0x15C00] =	vst v63  }
0x33f: {  	s19 =	sadd.s32 s4, s19;
	s28 =	sand.u32 $0x1FFFFFF0, s26;
	s20 =	spop (v2sf)  }
0x340: {  	(v2sf) =	vpush v0, $0xF;
	[tilespmem:s10], [sflag:$0x2] =	stream.linear.gather [hbm4b:s19+s2], $0x80, $0x38;
	[tilespmem:$0x15C00] =	vst v63  }
0x341: {  	s21 =	sand.u32 $0x1FFFFFF0, s20;
	s23 =	spop (v2sf);
	s16 =	sadd.s32 s4, s28  }
0x342: {  	[tilespmem:s17], [sflag:$0x2] =	stream.linear.gather [hbm4b:s16+s2], $0x80, $0x38;
	[tilespmem:$0x15C00] =	vst v63  }
0x343: {  	s24 =	sand.u32 $0x1FFFFFF0, s23;
	s10 =	sadd.s32 s4, s21;
	s25 =	spop (v2sf)  }
0x344: {  	[tilespmem:s9], [sflag:$0x2] =	stream.linear.gather [hbm4b:s10+s2], $0x80, $0x38;
	[tilespmem:$0x15C00] =	vst v63  }
0x345: {  	s16 =	sadd.s32 s4, s24;
	s26 =	sand.u32 $0x1FFFFFF0, s25;
	s28 =	spop (v2sf)  }
0x346: {  	[tilespmem:s13], [sflag:$0x2] =	stream.linear.gather [hbm4b:s16+s2], $0x80, $0x38;
	[tilespmem:$0x15C00] =	vst v63  }
0x347: {  	s10 =	sand.u32 $0x1FFFFFF0, s28;
	s9 =	sadd.s32 s4, s26;
	s16 =	spop (v2sf)  }
0x348: {  	[tilespmem:s8], [sflag:$0x2] =	stream.linear.gather [hbm4b:s9+s2], $0x80, $0x38;
	[tilespmem:$0x15C00] =	vst v63  }
0x349: {  	s10 =	sadd.s32 s4, s10;
	s17 =	sand.u32 $0x1FFFFFF0, s16;
	s18 =	spop (v2sf)  }
0x34a: {  	[tilespmem:s15], [sflag:$0x2] =	stream.linear.gather [hbm4b:s10+s2], $0x80, $0x38;
	[tilespmem:$0x15C00] =	vst v63  }
0x34b: {  	s8 =	sadd.s32 s4, s17;
	s9 =	sand.u32 $0x1FFFFFF0, s18;
	s19 =	spop (v2sf)  }
0x34c: {  	[tilespmem:s7], [sflag:$0x2] =	stream.linear.gather [hbm4b:s8+s2], $0x80, $0x38;
	[tilespmem:$0x15C00] =	vst v63  }
0x34d: {  	s20 =	sand.u32 $0x1FFFFFF0, s19;
	s9 =	sadd.s32 s4, s9;
	s21 =	spop (v2sf)  }
0x34e: {  	[tilespmem:s1], [sflag:$0x2] =	stream.linear.gather [hbm4b:s9+s2], $0x80, $0x38;
	[tilespmem:$0x15C00] =	vst v63  }
0x34f: {  	s23 =	sand.u32 $0x1FFFFFF0, s21;
	s24 =	spop (v2sf);
	s7 =	sadd.s32 s4, s20  }
0x350: {  	[tilespmem:s3], [sflag:$0x2] =	stream.linear.gather [hbm4b:s7+s2], $0x80, $0x38;
	[tilespmem:$0x15C00] =	vst v63  }
0x351: {  	s26 =	sadd.s32 $0x6300, s14;
	s25 =	sand.u32 $0x1FFFFFF0, s24;
	s1 =	sadd.s32 s4, s23  }
0x352: {  	[tilespmem:s26], [sflag:$0x2] =	stream.linear.gather [hbm4b:s1+s2], $0x80, $0x38;
	[tilespmem:$0x15C00] =	vst v63  }
0x353: {  	s28 =	sadd.s32 $0x6380, s14;
	s3 =	sadd.s32 s4, s25  }
0x354: {  	[tilespmem:s28], [sflag:$0x2] =	stream.linear.gather [hbm4b:s3+s2], $0x80, $0x38;
	[tilespmem:$0x15C00] =	vst v63  }
.LBB2_25:
0x355: {  	s1 =	rddreg [dreg:$0x7]  }
0x356: {  	s3 =	simm.s32 $0x4;
	s14 =	simm.s32 $0x0;
	s1 =	sadd.s32 s29, s1  }
0x357: {  	s28 =	simm.s32 $0xDC00;
	_ =	swait.ge [sflag:s3], $0x4000;
	s1 =	sshll.u32 s1, $0x4  }
0x358: {  	s29 =	simm.s32 $0x8;
	[sflag:s3] =	ssyncset.done $0x0;
	s1 =	sand.u32 $0xFFFF800, s1  }
.Ltmp14:
0x359: {  	[sflag:s3] =	ssyncadd.s32 $0xFFFFC000;
	s1 =	sadd.s32 s5, s1;
	(pc) =	sbr.rel @p0 .LBB2_29-.Ltmp14, $4  }
0x35a: {  	[hbm4b:s1+s14] =	stream.linear.scatter [tilespmem:s28], [sflag:$0x9], $0x4000, $0x38;
	[tilespmem:$0x15C00] =	vst v63  }
0x35b: {  	_ =	swait.ge [sflag:s29], $0x4000  }
0x35c: {  	[sflag:s29] =	ssyncset.done $0x0  }
0x35d: {  	[sflag:s29] =	ssyncadd.s32 $0xFFFFC000  }
0x35e: {  	v0 =	vld [tilespmem:s6+$0x0];
	_ =	sdelay $0x4  }
0x35f: {  	v0 =	vshll.u32 v0, $0x4  }
0x360: {  	(v2sf) =	vpush v0, $0x0  }
0x361: {  	(v2sf) =	vpush v0, $0x1  }
0x362: {  	(v2sf) =	vpush v0, $0x2;
	_ =	sdelay $0x1  }
0x363: {  	(v2sf) =	vpush v0, $0x4;
	_ =	sdelay $0x1  }
0x364: {  	(v2sf) =	vpush v0, $0x3  }
0x365: {  	(v2sf) =	vpush v0, $0x5  }
0x366: {  	s19 =	simm.s32 $0x2000;
	s16 =	simm.s32 $0x0;
	s1 =	smov.u32 s6;
	(v2sf) =	vpush v0, $0x6  }
.LBB2_27:
0x367: {  	p1 =	sne.s32 s19, $0xE000  }
0x368: {  	s17 =	sadd.s32 $0x9C80, s16;
	s7 =	sadd.s32 $0xA180, s16;
	s25 =	smov.u32 s19  }
0x369: {  	s19 =	sadd.s32 $0x2000, s19;
	s10 =	sadd.s32 $0x9F80, s16;
	s3 =	sadd.s32 $0xA200, s16;
	(v2sf) =	vpush v0, $0x7  }
0x36a: {  	s15 =	sadd.s32 $0x9E80, s16;
	s9 =	sadd.s32 $0xA000, s16;
	s28 =	sadd.s32 $0xA280, s16  }
0x36b: {  	s18 =	sadd.s32 $0x9C00, s16;
	s20 =	sadd.s32 $0x9E00, s16;
	(v2sf) =	vpush v0, $0x8  }
0x36c: {  	s21 =	sadd.s32 $0x9F00, s16;
	s1 =	sadd.s32 $0x10, s1  }
0x36d: {  	s23 =	sadd.s32 $0x9D00, s16;
	s8 =	sadd.s32 $0xA100, s16;
	s13 =	spop (v2sf);
	(v2sf) =	vpush v0, $0x9  }
0x36e: {  	s24 =	sand.u32 $0x1FFFFFF0, s13;
	s13 =	sadd.s32 $0xA080, s16;
	s26 =	spop (v2sf)  }
0x36f: {  	s24 =	sadd.s32 s4, s24;
	s26 =	sand.u32 $0x1FFFFFF0, s26;
	s29 =	spop (v2sf);
	(v2sf) =	vpush v0, $0xA  }
0x370: {  	[tilespmem:s18], [sflag:$0x3] =	stream.linear.gather [hbm4b:s24+s2], $0x80, $0x38;
	[tilespmem:$0x15C00] =	vst v63  }
0x371: {  	s18 =	sadd.s32 s4, s26;
	s24 =	sadd.s32 $0x9D80, s16;
	s26 =	spop (v2sf);
	(v2sf) =	vpush v0, $0xB  }
0x372: {  	[tilespmem:s17], [sflag:$0x3] =	stream.linear.gather [hbm4b:s18+s2], $0x80, $0x38;
	[tilespmem:$0x15C00] =	vst v63  }
0x373: {  	s17 =	sand.u32 $0x1FFFFFF0, s29;
	s18 =	sand.u32 $0x1FFFFFF0, s26;
	s26 =	spop (v2sf);
	(v2sf) =	vpush v0, $0xC  }
0x374: {  	s17 =	sadd.s32 s4, s17;
	s26 =	sand.u32 $0x1FFFFFF0, s26;
	s29 =	spop (v2sf)  }
0x375: {  	[tilespmem:s23], [sflag:$0x3] =	stream.linear.gather [hbm4b:s17+s2], $0x80, $0x38;
	(v2sf) =	vpush v0, $0xD;
	[tilespmem:$0x15C00] =	vst v63  }
0x376: {  	s17 =	sadd.s32 s4, s26;
	s23 =	sand.u32 $0x1FFFFFF0, s29;
	s26 =	spop (v2sf)  }
0x377: {  	[tilespmem:s24], [sflag:$0x3] =	stream.linear.gather [hbm4b:s17+s2], $0x80, $0x38;
	(v2sf) =	vpush v0, $0xE;
	[tilespmem:$0x15C00] =	vst v63  }
0x378: {  	s17 =	sadd.s32 s4, s18;
	s18 =	sand.u32 $0x1FFFFFF0, s26;
	s24 =	spop (v2sf)  }
0x379: {  	[tilespmem:s20], [sflag:$0x3] =	stream.linear.gather [hbm4b:s17+s2], $0x80, $0x38;
	(v2sf) =	vpush v0, $0xF;
	[tilespmem:$0x15C00] =	vst v63  }
0x37a: {  	s17 =	sadd.s32 s4, s23;
	s20 =	sand.u32 $0x1FFFFFF0, s24;
	s23 =	spop (v2sf)  }
0x37b: {  	[tilespmem:s15], [sflag:$0x3] =	stream.linear.gather [hbm4b:s17+s2], $0x80, $0x38;
	[tilespmem:$0x15C00] =	vst v63  }
0x37c: {  	s15 =	sadd.s32 s4, s18;
	s17 =	sand.u32 $0x1FFFFFF0, s23;
	s18 =	spop (v2sf)  }
0x37d: {  	[tilespmem:s21], [sflag:$0x3] =	stream.linear.gather [hbm4b:s15+s2], $0x80, $0x38;
	[tilespmem:$0x15C00] =	vst v63  }
0x37e: {  	s15 =	sadd.s32 s4, s20;
	s18 =	sand.u32 $0x1FFFFFF0, s18;
	s20 =	spop (v2sf)  }
0x37f: {  	[tilespmem:s10], [sflag:$0x3] =	stream.linear.gather [hbm4b:s15+s2], $0x80, $0x38;
	[tilespmem:$0x15C00] =	vst v63  }
0x380: {  	s10 =	sadd.s32 s4, s17;
	s15 =	sand.u32 $0x1FFFFFF0, s20;
	s17 =	spop (v2sf)  }
0x381: {  	[tilespmem:s9], [sflag:$0x3] =	stream.linear.gather [hbm4b:s10+s2], $0x80, $0x38;
	[tilespmem:$0x15C00] =	vst v63  }
0x382: {  	s9 =	sadd.s32 s4, s18;
	s10 =	sand.u32 $0x1FFFFFF0, s17;
	s17 =	spop (v2sf)  }
0x383: {  	[tilespmem:s13], [sflag:$0x3] =	stream.linear.gather [hbm4b:s9+s2], $0x80, $0x38;
	[tilespmem:$0x15C00] =	vst v63  }
0x384: {  	s9 =	sadd.s32 s4, s15;
	s13 =	sand.u32 $0x1FFFFFF0, s17;
	s15 =	spop (v2sf)  }
0x385: {  	[tilespmem:s8], [sflag:$0x3] =	stream.linear.gather [hbm4b:s9+s2], $0x80, $0x38;
	[tilespmem:$0x15C00] =	vst v63  }
0x386: {  	s8 =	sadd.s32 s4, s10;
	s9 =	sand.u32 $0x1FFFFFF0, s15;
	s10 =	spop (v2sf)  }
0x387: {  	[tilespmem:s7], [sflag:$0x3] =	stream.linear.gather [hbm4b:s8+s2], $0x80, $0x38;
	[tilespmem:$0x15C00] =	vst v63  }
0x388: {  	s7 =	sadd.s32 s4, s13;
	s8 =	sand.u32 $0x1FFFFFF0, s10;
	s10 =	spop (v2sf)  }
0x389: {  	[tilespmem:s3], [sflag:$0x3] =	stream.linear.gather [hbm4b:s7+s2], $0x80, $0x38;
	[tilespmem:$0x15C00] =	vst v63  }
0x38a: {  	s3 =	sadd.s32 s4, s9;
	s7 =	sand.u32 $0x1FFFFFF0, s10  }
0x38b: {  	[tilespmem:s28], [sflag:$0x3] =	stream.linear.gather [hbm4b:s3+s2], $0x80, $0x38;
	[tilespmem:$0x15C00] =	vst v63  }
0x38c: {  	s8 =	sadd.s32 s4, s8;
	s3 =	sadd.s32 $0xA300, s16  }
0x38d: {  	[tilespmem:s3], [sflag:$0x3] =	stream.linear.gather [hbm4b:s8+s2], $0x80, $0x38;
	[tilespmem:$0x15C00] =	vst v63  }
0x38e: {  	s7 =	sadd.s32 s4, s7;
	s3 =	sadd.s32 $0xA380, s16  }
0x38f: {  	[tilespmem:s3], [sflag:$0x3] =	stream.linear.gather [hbm4b:s7+s2], $0x80, $0x38;
	[tilespmem:$0x15C00] =	vst v63  }
0x390: {  	v0 =	vld [tilespmem:s1+$0x0];
	_ =	sdelay $0x4  }
0x391: {  	v0 =	vshll.u32 v0, $0x4  }
0x392: {  	(v2sf) =	vpush v0, $0x0  }
0x393: {  	(v2sf) =	vpush v0, $0x1  }
0x394: {  	(v2sf) =	vpush v0, $0x2;
	_ =	sdelay $0x1  }
0x395: {  	(v2sf) =	vpush v0, $0x4  }
.Ltmp15:
0x396: {  	(pc) =	sbr.rel @p1 .LBB2_27-.Ltmp15, $3  }
0x397: {  	(v2sf) =	vpush v0, $0x3  }
0x398: {  	(v2sf) =	vpush v0, $0x5;
	_ =	sdelay $0x1  }
0x399: {  	s16 =	sshra.s32 s25, $0x2;
	(v2sf) =	vpush v0, $0x6  }
0x39a: {  	_ =	sdelay $0x1  }
0x39b: {  	s8 =	sadd.s32 $0x9C80, s16;
	s7 =	sadd.s32 $0xA180, s16  }
0x39c: {  	s9 =	sadd.s32 $0x9F80, s16;
	s1 =	sadd.s32 $0xA200, s16;
	(v2sf) =	vpush v0, $0x7;
	s10 =	sadd.s32 $0x9E80, s16  }
0x39d: {  	s13 =	sadd.s32 $0xA000, s16;
	s3 =	sadd.s32 $0xA280, s16;
	s15 =	sadd.s32 $0x9C00, s16  }
0x39e: {  	s17 =	sadd.s32 $0x9E00, s16;
	s18 =	sadd.s32 $0x9F00, s16;
	(v2sf) =	vpush v0, $0x8;
	s19 =	spop (v2sf)  }
0x39f: {  	s20 =	sadd.s32 $0x9D00, s16;
	s19 =	sand.u32 $0x1FFFFFF0, s19;
	s21 =	spop (v2sf)  }
0x3a0: {  	(v2sf) =	vpush v0, $0x9;
	s19 =	sadd.s32 s4, s19;
	s21 =	sand.u32 $0x1FFFFFF0, s21;
	s23 =	spop (v2sf)  }
0x3a1: {  	[tilespmem:s15], [sflag:$0x3] =	stream.linear.gather [hbm4b:s19+s2], $0x80, $0x38;
	[tilespmem:$0x15C00] =	vst v63  }
0x3a2: {  	(v2sf) =	vpush v0, $0xA;
	s24 =	sadd.s32 s4, s21;
	s26 =	sand.u32 $0x1FFFFFF0, s23;
	s25 =	spop (v2sf)  }
0x3a3: {  	[tilespmem:s8], [sflag:$0x3] =	stream.linear.gather [hbm4b:s24+s2], $0x80, $0x38;
	[tilespmem:$0x15C00] =	vst v63  }
0x3a4: {  	s15 =	sadd.s32 $0xA100, s16;
	(v2sf) =	vpush v0, $0xB;
	s19 =	sadd.s32 s4, s26;
	s28 =	spop (v2sf)  }
0x3a5: {  	s8 =	sadd.s32 $0xA080, s16;
	s24 =	sadd.s32 $0x9D80, s16;
	s23 =	sand.u32 $0x1FFFFFF0, s28  }
0x3a6: {  	(v2sf) =	vpush v0, $0xC;
	[tilespmem:s20], [sflag:$0x3] =	stream.linear.gather [hbm4b:s19+s2], $0x80, $0x38;
	[tilespmem:$0x15C00] =	vst v63  }
0x3a7: {  	s29 =	sand.u32 $0x1FFFFFF0, s25;
	s25 =	spop (v2sf);
	s26 =	sadd.s32 s4, s23  }
0x3a8: {  	(v2sf) =	vpush v0, $0xD;
	[tilespmem:s24], [sflag:$0x3] =	stream.linear.gather [hbm4b:s26+s2], $0x80, $0x38;
	[tilespmem:$0x15C00] =	vst v63  }
0x3a9: {  	s19 =	sadd.s32 s4, s29;
	s20 =	sand.u32 $0x1FFFFFF0, s25;
	s28 =	spop (v2sf)  }
0x3aa: {  	(v2sf) =	vpush v0, $0xE;
	[tilespmem:s17], [sflag:$0x3] =	stream.linear.gather [hbm4b:s19+s2], $0x80, $0x38;
	[tilespmem:$0x15C00] =	vst v63  }
0x3ab: {  	s20 =	sadd.s32 s4, s20;
	s29 =	sand.u32 $0x1FFFFFF0, s28;
	s21 =	spop (v2sf)  }
0x3ac: {  	(v2sf) =	vpush v0, $0xF;
	[tilespmem:s10], [sflag:$0x3] =	stream.linear.gather [hbm4b:s20+s2], $0x80, $0x38;
	[tilespmem:$0x15C00] =	vst v63  }
0x3ad: {  	s23 =	sand.u32 $0x1FFFFFF0, s21;
	s24 =	spop (v2sf);
	s17 =	sadd.s32 s4, s29  }
0x3ae: {  	[tilespmem:s18], [sflag:$0x3] =	stream.linear.gather [hbm4b:s17+s2], $0x80, $0x38;
	[tilespmem:$0x15C00] =	vst v63  }
0x3af: {  	s25 =	sand.u32 $0x1FFFFFF0, s24;
	s10 =	sadd.s32 s4, s23;
	s26 =	spop (v2sf)  }
0x3b0: {  	[tilespmem:s9], [sflag:$0x3] =	stream.linear.gather [hbm4b:s10+s2], $0x80, $0x38;
	[tilespmem:$0x15C00] =	vst v63  }
0x3b1: {  	s17 =	sadd.s32 s4, s25;
	s28 =	sand.u32 $0x1FFFFFF0, s26;
	s29 =	spop (v2sf)  }
0x3b2: {  	[tilespmem:s13], [sflag:$0x3] =	stream.linear.gather [hbm4b:s17+s2], $0x80, $0x38;
	[tilespmem:$0x15C00] =	vst v63  }
0x3b3: {  	s10 =	sand.u32 $0x1FFFFFF0, s29;
	s9 =	sadd.s32 s4, s28;
	s17 =	spop (v2sf)  }
0x3b4: {  	[tilespmem:s8], [sflag:$0x3] =	stream.linear.gather [hbm4b:s9+s2], $0x80, $0x38;
	[tilespmem:$0x15C00] =	vst v63  }
0x3b5: {  	s10 =	sadd.s32 s4, s10;
	s18 =	sand.u32 $0x1FFFFFF0, s17;
	s19 =	spop (v2sf)  }
0x3b6: {  	[tilespmem:s15], [sflag:$0x3] =	stream.linear.gather [hbm4b:s10+s2], $0x80, $0x38;
	[tilespmem:$0x15C00] =	vst v63  }
0x3b7: {  	s8 =	sadd.s32 s4, s18;
	s9 =	sand.u32 $0x1FFFFFF0, s19;
	s20 =	spop (v2sf)  }
0x3b8: {  	[tilespmem:s7], [sflag:$0x3] =	stream.linear.gather [hbm4b:s8+s2], $0x80, $0x38;
	[tilespmem:$0x15C00] =	vst v63  }
0x3b9: {  	s21 =	sand.u32 $0x1FFFFFF0, s20;
	s9 =	sadd.s32 s4, s9;
	s23 =	spop (v2sf)  }
0x3ba: {  	[tilespmem:s1], [sflag:$0x3] =	stream.linear.gather [hbm4b:s9+s2], $0x80, $0x38;
	[tilespmem:$0x15C00] =	vst v63  }
0x3bb: {  	s24 =	sand.u32 $0x1FFFFFF0, s23;
	s25 =	spop (v2sf);
	s7 =	sadd.s32 s4, s21  }
0x3bc: {  	[tilespmem:s3], [sflag:$0x3] =	stream.linear.gather [hbm4b:s7+s2], $0x80, $0x38;
	[tilespmem:$0x15C00] =	vst v63  }
0x3bd: {  	s28 =	sadd.s32 $0xA300, s16;
	s26 =	sand.u32 $0x1FFFFFF0, s25;
	s1 =	sadd.s32 s4, s24  }
0x3be: {  	[tilespmem:s28], [sflag:$0x3] =	stream.linear.gather [hbm4b:s1+s2], $0x80, $0x38;
	[tilespmem:$0x15C00] =	vst v63  }
0x3bf: {  	s29 =	sadd.s32 $0xA380, s16;
	s3 =	sadd.s32 s4, s26  }
0x3c0: {  	[tilespmem:s29], [sflag:$0x3] =	stream.linear.gather [hbm4b:s3+s2], $0x80, $0x38;
	[tilespmem:$0x15C00] =	vst v63  }
.LBB2_29:
0x3c1: {  	s3 =	simm.s32 $0x5  }
0x3c2: {  	_ =	swait.ge [sflag:s3], $0x4000  }
0x3c3: {  	s1 =	rddreg [dreg:$0x8]  }
0x3c4: {  	s28 =	simm.s32 $0x11C00;
	s1 =	sadd.s32 s1, s12  }
0x3c5: {  	s29 =	simm.s32 $0x9;
	[sflag:s3] =	ssyncset.done $0x0;
	s1 =	sand.u32 $0xFFFF800, s1  }
.Ltmp16:
0x3c6: {  	[sflag:s3] =	ssyncadd.s32 $0xFFFFC000;
	s1 =	sadd.s32 s5, s1;
	(pc) =	sbr.rel @p0 .LBB2_33-.Ltmp16, $4  }
0x3c7: {  	[hbm4b:s1+s14] =	stream.linear.scatter [tilespmem:s28], [sflag:$0xA], $0x4000, $0x38;
	[tilespmem:$0x15C00] =	vst v63  }
0x3c8: {  	_ =	swait.ge [sflag:s29], $0x4000  }
0x3c9: {  	[sflag:s29] =	ssyncset.done $0x0  }
0x3ca: {  	[sflag:s29] =	ssyncadd.s32 $0xFFFFC000  }
0x3cb: {  	v0 =	vld [tilespmem:s11+$0x0];
	_ =	sdelay $0x4  }
0x3cc: {  	v0 =	vshll.u32 v0, $0x4  }
0x3cd: {  	(v2sf) =	vpush v0, $0x0  }
0x3ce: {  	(v2sf) =	vpush v0, $0x1  }
0x3cf: {  	(v2sf) =	vpush v0, $0x2;
	_ =	sdelay $0x1  }
0x3d0: {  	(v2sf) =	vpush v0, $0x4;
	_ =	sdelay $0x1  }
0x3d1: {  	(v2sf) =	vpush v0, $0x3  }
0x3d2: {  	(v2sf) =	vpush v0, $0x5  }
0x3d3: {  	s14 =	simm.s32 $0x2000;
	s12 =	simm.s32 $0x0;
	s1 =	smov.u32 s11;
	(v2sf) =	vpush v0, $0x6  }
.LBB2_31:
0x3d4: {  	p0 =	sne.s32 s14, $0xE000  }
0x3d5: {  	s17 =	sadd.s32 $0xDC80, s12;
	s7 =	sadd.s32 $0xE180, s12;
	s16 =	smov.u32 s14  }
0x3d6: {  	s14 =	sadd.s32 $0x2000, s14;
	s10 =	sadd.s32 $0xDF80, s12;
	s3 =	sadd.s32 $0xE200, s12;
	(v2sf) =	vpush v0, $0x7  }
0x3d7: {  	s15 =	sadd.s32 $0xDE80, s12;
	s9 =	sadd.s32 $0xE000, s12;
	s19 =	sadd.s32 $0xE280, s12  }
0x3d8: {  	s18 =	sadd.s32 $0xDC00, s12;
	s20 =	sadd.s32 $0xDE00, s12;
	(v2sf) =	vpush v0, $0x8  }
0x3d9: {  	s21 =	sadd.s32 $0xDF00, s12;
	s1 =	sadd.s32 $0x10, s1  }
0x3da: {  	s23 =	sadd.s32 $0xDD00, s12;
	s8 =	sadd.s32 $0xE100, s12;
	s13 =	spop (v2sf);
	(v2sf) =	vpush v0, $0x9  }
0x3db: {  	s24 =	sand.u32 $0x1FFFFFF0, s13;
	s13 =	sadd.s32 $0xE080, s12;
	s25 =	spop (v2sf)  }
0x3dc: {  	s24 =	sadd.s32 s4, s24;
	s25 =	sand.u32 $0x1FFFFFF0, s25;
	s26 =	spop (v2sf);
	(v2sf) =	vpush v0, $0xA  }
0x3dd: {  	[tilespmem:s18], [sflag:$0x4] =	stream.linear.gather [hbm4b:s24+s2], $0x80, $0x38;
	[tilespmem:$0x15C00] =	vst v63  }
0x3de: {  	s18 =	sadd.s32 s4, s25;
	s24 =	sadd.s32 $0xDD80, s12;
	s25 =	spop (v2sf);
	(v2sf) =	vpush v0, $0xB  }
0x3df: {  	[tilespmem:s17], [sflag:$0x4] =	stream.linear.gather [hbm4b:s18+s2], $0x80, $0x38;
	[tilespmem:$0x15C00] =	vst v63  }
0x3e0: {  	s17 =	sand.u32 $0x1FFFFFF0, s26;
	s18 =	sand.u32 $0x1FFFFFF0, s25;
	s25 =	spop (v2sf);
	(v2sf) =	vpush v0, $0xC  }
0x3e1: {  	s17 =	sadd.s32 s4, s17;
	s25 =	sand.u32 $0x1FFFFFF0, s25;
	s26 =	spop (v2sf)  }
0x3e2: {  	[tilespmem:s23], [sflag:$0x4] =	stream.linear.gather [hbm4b:s17+s2], $0x80, $0x38;
	(v2sf) =	vpush v0, $0xD;
	[tilespmem:$0x15C00] =	vst v63  }
0x3e3: {  	s17 =	sadd.s32 s4, s25;
	s23 =	sand.u32 $0x1FFFFFF0, s26;
	s25 =	spop (v2sf)  }
0x3e4: {  	[tilespmem:s24], [sflag:$0x4] =	stream.linear.gather [hbm4b:s17+s2], $0x80, $0x38;
	(v2sf) =	vpush v0, $0xE;
	[tilespmem:$0x15C00] =	vst v63  }
0x3e5: {  	s17 =	sadd.s32 s4, s18;
	s18 =	sand.u32 $0x1FFFFFF0, s25;
	s24 =	spop (v2sf)  }
0x3e6: {  	[tilespmem:s20], [sflag:$0x4] =	stream.linear.gather [hbm4b:s17+s2], $0x80, $0x38;
	(v2sf) =	vpush v0, $0xF;
	[tilespmem:$0x15C00] =	vst v63  }
0x3e7: {  	s17 =	sadd.s32 s4, s23;
	s20 =	sand.u32 $0x1FFFFFF0, s24;
	s23 =	spop (v2sf)  }
0x3e8: {  	[tilespmem:s15], [sflag:$0x4] =	stream.linear.gather [hbm4b:s17+s2], $0x80, $0x38;
	[tilespmem:$0x15C00] =	vst v63  }
0x3e9: {  	s15 =	sadd.s32 s4, s18;
	s17 =	sand.u32 $0x1FFFFFF0, s23;
	s18 =	spop (v2sf)  }
0x3ea: {  	[tilespmem:s21], [sflag:$0x4] =	stream.linear.gather [hbm4b:s15+s2], $0x80, $0x38;
	[tilespmem:$0x15C00] =	vst v63  }
0x3eb: {  	s15 =	sadd.s32 s4, s20;
	s18 =	sand.u32 $0x1FFFFFF0, s18;
	s20 =	spop (v2sf)  }
0x3ec: {  	[tilespmem:s10], [sflag:$0x4] =	stream.linear.gather [hbm4b:s15+s2], $0x80, $0x38;
	[tilespmem:$0x15C00] =	vst v63  }
0x3ed: {  	s10 =	sadd.s32 s4, s17;
	s15 =	sand.u32 $0x1FFFFFF0, s20;
	s17 =	spop (v2sf)  }
0x3ee: {  	[tilespmem:s9], [sflag:$0x4] =	stream.linear.gather [hbm4b:s10+s2], $0x80, $0x38;
	[tilespmem:$0x15C00] =	vst v63  }
0x3ef: {  	s9 =	sadd.s32 s4, s18;
	s10 =	sand.u32 $0x1FFFFFF0, s17;
	s17 =	spop (v2sf)  }
0x3f0: {  	[tilespmem:s13], [sflag:$0x4] =	stream.linear.gather [hbm4b:s9+s2], $0x80, $0x38;
	[tilespmem:$0x15C00] =	vst v63  }
0x3f1: {  	s9 =	sadd.s32 s4, s15;
	s13 =	sand.u32 $0x1FFFFFF0, s17;
	s15 =	spop (v2sf)  }
0x3f2: {  	[tilespmem:s8], [sflag:$0x4] =	stream.linear.gather [hbm4b:s9+s2], $0x80, $0x38;
	[tilespmem:$0x15C00] =	vst v63  }
0x3f3: {  	s8 =	sadd.s32 s4, s10;
	s9 =	sand.u32 $0x1FFFFFF0, s15;
	s10 =	spop (v2sf)  }
0x3f4: {  	[tilespmem:s7], [sflag:$0x4] =	stream.linear.gather [hbm4b:s8+s2], $0x80, $0x38;
	[tilespmem:$0x15C00] =	vst v63  }
0x3f5: {  	s7 =	sadd.s32 s4, s13;
	s8 =	sand.u32 $0x1FFFFFF0, s10;
	s10 =	spop (v2sf)  }
0x3f6: {  	[tilespmem:s3], [sflag:$0x4] =	stream.linear.gather [hbm4b:s7+s2], $0x80, $0x38;
	[tilespmem:$0x15C00] =	vst v63  }
0x3f7: {  	s3 =	sadd.s32 s4, s9;
	s7 =	sand.u32 $0x1FFFFFF0, s10  }
0x3f8: {  	[tilespmem:s19], [sflag:$0x4] =	stream.linear.gather [hbm4b:s3+s2], $0x80, $0x38;
	[tilespmem:$0x15C00] =	vst v63  }
0x3f9: {  	s8 =	sadd.s32 s4, s8;
	s3 =	sadd.s32 $0xE300, s12  }
0x3fa: {  	[tilespmem:s3], [sflag:$0x4] =	stream.linear.gather [hbm4b:s8+s2], $0x80, $0x38;
	[tilespmem:$0x15C00] =	vst v63  }
0x3fb: {  	s7 =	sadd.s32 s4, s7;
	s3 =	sadd.s32 $0xE380, s12  }
0x3fc: {  	[tilespmem:s3], [sflag:$0x4] =	stream.linear.gather [hbm4b:s7+s2], $0x80, $0x38;
	[tilespmem:$0x15C00] =	vst v63  }
0x3fd: {  	v0 =	vld [tilespmem:s1+$0x0];
	_ =	sdelay $0x4  }
0x3fe: {  	v0 =	vshll.u32 v0, $0x4  }
0x3ff: {  	(v2sf) =	vpush v0, $0x0  }
0x400: {  	(v2sf) =	vpush v0, $0x1  }
0x401: {  	(v2sf) =	vpush v0, $0x2;
	_ =	sdelay $0x1  }
0x402: {  	(v2sf) =	vpush v0, $0x4  }
.Ltmp17:
0x403: {  	(pc) =	sbr.rel @p0 .LBB2_31-.Ltmp17, $3  }
0x404: {  	(v2sf) =	vpush v0, $0x3  }
0x405: {  	(v2sf) =	vpush v0, $0x5;
	_ =	sdelay $0x1  }
0x406: {  	s12 =	sshra.s32 s16, $0x2;
	(v2sf) =	vpush v0, $0x6  }
0x407: {  	_ = 	snop  }
0x408: {  	s8 =	sadd.s32 $0xDC80, s12;
	s7 =	sadd.s32 $0xE180, s12  }
0x409: {  	s9 =	sadd.s32 $0xDF80, s12;
	s1 =	sadd.s32 $0xE200, s12;
	s10 =	sadd.s32 $0xDE80, s12  }
0x40a: {  	(v2sf) =	vpush v0, $0x7;
	s13 =	sadd.s32 $0xE000, s12;
	s3 =	sadd.s32 $0xE280, s12;
	s14 =	sadd.s32 $0xDC00, s12  }
0x40b: {  	s15 =	sadd.s32 $0xDE00, s12;
	s16 =	sadd.s32 $0xDF00, s12;
	s18 =	sadd.s32 $0xDD00, s12  }
0x40c: {  	s31 =	sadd.s32 $0x1, s31;
	s30 =	sadd.s32 $0x280, s30;
	(v2sf) =	vpush v0, $0x8;
	s17 =	spop (v2sf)  }
0x40d: {  	s22 =	sadd.s32 $0x280, s22;
	s17 =	sand.u32 $0x1FFFFFF0, s17;
	s19 =	spop (v2sf)  }
0x40e: {  	(v2sf) =	vpush v0, $0x9;
	s17 =	sadd.s32 s4, s17;
	s19 =	sand.u32 $0x1FFFFFF0, s19;
	s20 =	spop (v2sf)  }
0x40f: {  	[tilespmem:s14], [sflag:$0x4] =	stream.linear.gather [hbm4b:s17+s2], $0x80, $0x38;
	[tilespmem:$0x15C00] =	vst v63  }
0x410: {  	(v2sf) =	vpush v0, $0xA;
	s21 =	sadd.s32 s4, s19;
	s24 =	sand.u32 $0x1FFFFFF0, s20;
	s23 =	spop (v2sf)  }
0x411: {  	[tilespmem:s8], [sflag:$0x4] =	stream.linear.gather [hbm4b:s21+s2], $0x80, $0x38;
	[tilespmem:$0x15C00] =	vst v63  }
0x412: {  	s14 =	sadd.s32 $0xE100, s12;
	(v2sf) =	vpush v0, $0xB;
	s17 =	sadd.s32 s4, s24;
	s25 =	spop (v2sf)  }
0x413: {  	s8 =	sadd.s32 $0xE080, s12;
	s21 =	sadd.s32 $0xDD80, s12;
	s20 =	sand.u32 $0x1FFFFFF0, s25  }
0x414: {  	(v2sf) =	vpush v0, $0xC;
	[tilespmem:s18], [sflag:$0x4] =	stream.linear.gather [hbm4b:s17+s2], $0x80, $0x38;
	[tilespmem:$0x15C00] =	vst v63  }
0x415: {  	s26 =	sand.u32 $0x1FFFFFF0, s23;
	s28 =	spop (v2sf);
	s29 =	sadd.s32 s4, s20  }
0x416: {  	(v2sf) =	vpush v0, $0xD;
	[tilespmem:s21], [sflag:$0x4] =	stream.linear.gather [hbm4b:s29+s2], $0x80, $0x38;
	[tilespmem:$0x15C00] =	vst v63  }
0x417: {  	s17 =	sadd.s32 s4, s26;
	s18 =	sand.u32 $0x1FFFFFF0, s28;
	s20 =	spop (v2sf)  }
0x418: {  	[tilespmem:s15], [sflag:$0x4] =	stream.linear.gather [hbm4b:s17+s2], $0x80, $0x38;
	[tilespmem:$0x15C00] =	vst v63  }
0x419: {  	s18 =	sadd.s32 s4, s18;
	s21 =	sand.u32 $0x1FFFFFF0, s20;
	s23 =	spop (v2sf)  }
0x41a: {  	(v2sf) =	vpush v0, $0xE;
	[tilespmem:s10], [sflag:$0x4] =	stream.linear.gather [hbm4b:s18+s2], $0x80, $0x38;
	[tilespmem:$0x15C00] =	vst v63  }
0x41b: {  	s24 =	sand.u32 $0x1FFFFFF0, s23;
	s25 =	spop (v2sf);
	s15 =	sadd.s32 s4, s21  }
0x41c: {  	(v2sf) =	vpush v0, $0xF;
	[tilespmem:s16], [sflag:$0x4] =	stream.linear.gather [hbm4b:s15+s2], $0x80, $0x38;
	[tilespmem:$0x15C00] =	vst v63  }
0x41d: {  	s26 =	sand.u32 $0x1FFFFFF0, s25;
	s10 =	sadd.s32 s4, s24;
	s28 =	spop (v2sf)  }
0x41e: {  	[tilespmem:s9], [sflag:$0x4] =	stream.linear.gather [hbm4b:s10+s2], $0x80, $0x38;
	[tilespmem:$0x15C00] =	vst v63  }
0x41f: {  	s15 =	sadd.s32 s4, s26;
	s29 =	sand.u32 $0x1FFFFFF0, s28;
	s16 =	spop (v2sf)  }
0x420: {  	[tilespmem:s13], [sflag:$0x4] =	stream.linear.gather [hbm4b:s15+s2], $0x80, $0x38;
	[tilespmem:$0x15C00] =	vst v63  }
0x421: {  	s10 =	sand.u32 $0x1FFFFFF0, s16;
	s9 =	sadd.s32 s4, s29;
	s17 =	spop (v2sf)  }
0x422: {  	[tilespmem:s8], [sflag:$0x4] =	stream.linear.gather [hbm4b:s9+s2], $0x80, $0x38;
	[tilespmem:$0x15C00] =	vst v63  }
0x423: {  	s10 =	sadd.s32 s4, s10;
	s18 =	sand.u32 $0x1FFFFFF0, s17;
	s19 =	spop (v2sf)  }
0x424: {  	[tilespmem:s14], [sflag:$0x4] =	stream.linear.gather [hbm4b:s10+s2], $0x80, $0x38;
	[tilespmem:$0x15C00] =	vst v63  }
0x425: {  	s8 =	sadd.s32 s4, s18;
	s9 =	sand.u32 $0x1FFFFFF0, s19;
	s20 =	spop (v2sf)  }
0x426: {  	[tilespmem:s7], [sflag:$0x4] =	stream.linear.gather [hbm4b:s8+s2], $0x80, $0x38;
	[tilespmem:$0x15C00] =	vst v63  }
0x427: {  	s0 =	sadd.s32 $0x280, s0;
	s21 =	sand.u32 $0x1FFFFFF0, s20;
	s9 =	sadd.s32 s4, s9  }
0x428: {  	[tilespmem:s1], [sflag:$0x4] =	stream.linear.gather [hbm4b:s9+s2], $0x80, $0x38;
	[tilespmem:$0x15C00] =	vst v63  }
0x429: {  	s6 =	sadd.s32 $0x280, s6;
	s23 =	spop (v2sf);
	s7 =	sadd.s32 s4, s21  }
0x42a: {  	[tilespmem:s3], [sflag:$0x4] =	stream.linear.gather [hbm4b:s7+s2], $0x80, $0x38;
	[tilespmem:$0x15C00] =	vst v63  }
.Ltmp18:
0x42b: {  	s24 =	sand.u32 $0x1FFFFFF0, s23;
	s25 =	spop (v2sf);
	(pc) =	sbr.rel .LBB2_12-.Ltmp18, $4  }
0x42c: {  	s28 =	sadd.s32 $0xE300, s12;
	s26 =	sand.u32 $0x1FFFFFF0, s25;
	s1 =	sadd.s32 s4, s24  }
0x42d: {  	[tilespmem:s28], [sflag:$0x4] =	stream.linear.gather [hbm4b:s1+s2], $0x80, $0x38;
	[tilespmem:$0x15C00] =	vst v63  }
0x42e: {  	s11 =	sadd.s32 $0x280, s11;
	s29 =	sadd.s32 $0xE380, s12;
	s3 =	sadd.s32 s4, s26  }
0x42f: {  	[tilespmem:s29], [sflag:$0x4] =	stream.linear.gather [hbm4b:s3+s2], $0x80, $0x38;
	[tilespmem:$0x15C00] =	vst v63  }
.LBB2_34:
0x430: {  	_ =	sfence.sel $0x180000  }
0x431: {  	[bflag:$0x0] =	sbarrier.arrive $0xFFFF  }
0x432: {  	_ =	strace $0x90000047  }
0x433: {  	s0 =	stileid.u32;
	[bflag:$0x2] =	sbarrier.arrive $0xFFFF  }
0x434: {  	p0 =	sne.s32 s0, $0x0;
	s0 =	rddreg [dreg:$0x2]  }
0x435: {  	s0 =	sadd.s32 @!p0 $0x100000, s0  }
0x436: {  	[sflag:s0] =	ssyncadd.tile.s32 @!p0 $0x1;
	_ =	shalt  }
.Lfunc_end2:
_tile_overlayer_lowered:
.L_overlay_start_2:
0x437: {  	(tag) =	ssettag $0x2  }
0x438: {  	s0 =	rddreg [dreg:$0x0];
	s2 =	stileid.u32  }
0x439: {  	s1 =	rddreg [dreg:$0x1];
	p0 =	sne.s32 s2, $0x0  }
0x43a: {  	s3 =	rddreg [dreg:$0x2];
	[bflag:$0x3] =	sbarrier.arrive $0xFFFF;
	s2 =	simm.s32 @!p0 $0x1C0B  }
0x43b: {  	[timem:s3], [sflag:s2] =	dma.local @!p0 [hbm:s0], s1  }
0x43c: {  	s0 =	simm.s32 @!p0 $0xB  }
0x43d: {  	_ =	swait.ge @!p0 [sflag:s0], s1  }
0x43e: {  	s1 =	ssub.s32 @!p0 $0x0, s1;
	[sflag:s0] =	ssyncset.done @!p0 $0x0  }
0x43f: {  	[sflag:s0] =	ssyncadd.s32 @!p0 s1  }
0x440: {  	[bflag:$0x3] =	sbarrier.arrive $0xFFFF  }
0x441: {  	_ =	shalt  }

// kernel: sparse-core-data-format-call.cloned.1.call-start
scs
called_computation_lowered:
.L_overlay_start_0:
0x0: {  	s2 =	sld [smem:$0x3FD9]  }
0x1: {  	s3 =	sld [smem:$0x3FFE];
	_ =	sdelay $0x1  }
0x2: {  	s1 =	srdreg.scid  }
0x3: {  	s0 =	sand.u32 $0x1, s1  }
0x4: {  	s18 =	sshll.u32 s0, $0xA;
	s2 =	sadd.s32 s3, s2  }
0x5: {  	s2 =	sadd.s32 s2, s18  }
0x6: {  	[smem:$0x3FC6] =	sst s2  }
0x7: {  	_ = 	snop  }
0x8: {  	s2 =	sld [smem:$0x3FD0];
	(tm) =	ssettm $0x1  }
0x9: {  	s19 =	sld [smem:$0x3FFB];
	_ =	sdelay $0x3  }
0xa: {  	_ =	strace s19  }
0xb: {  	s3 =	sld [smem:$0x3FFC];
	_ =	sdelay $0x3  }
0xc: {  	_ =	strace s3  }
0xd: {  	s3 =	sld [smem:$0x3FFD];
	_ =	sdelay $0x3  }
0xe: {  	_ =	strace s3  }
0xf: {  	_ =	strace $0x8FFFFFFF  }
0x10: {  	s20 =	sld [smem:$0x3FDB];
	_ =	sdelay $0x1  }
0x11: {  	s4 =	simm.s32 $_scs_section_size  }
0x12: {  	s5 =	simm.s32 $_size__tile_overlayer_lowered;
	s6 =	simm.s32 $_tile_overlayer_lowered  }
0x13: {  	s23 =	simm.s32 $0x1BFF;
	s22 =	sshll.u32 s6, $0x1;
	s3 =	sadd.s32 s4, s20  }
0x14: {  	s7 =	simm.s32 $0x0;
	s21 =	sshll.u32 s5, $0x1;
	s5 =	sadd.s32 s22, s3  }
0x15: {  	[timem:s7], [sflag:s23] =	dma.local [hbm:s5], s21  }
0x16: {  	_ =	swait.ge [sflag:s23], s21  }
0x17: {  	s4 =	ssub.s32 $0x0, s21;
	[sflag:s23] =	ssyncset.done $0x0  }
0x18: {  	[sflag:s23] =	ssyncadd.s32 s4;
	_ =	sdelay $0x1  }
0x19: {  	s24 =	simm.s32 $0x1B8B  }
0x1a: {  	_ =	swait.ge [sflag:s24], $0x1  }
0x1b: {  	[sflag:s24] =	ssyncset.done $0x0  }
0x1c: {  	s26 =	simm.s32 $0x1B8E;
	s25 =	sld [smem:$0x3FFE];
	[sflag:s24] =	ssyncadd.s32 $0xFFFFFFFF  }
0x1d: {  	s27 =	simm.s32 $execute0_lowered;
	[smem:$0x3FD2] =	sst s26  }
0x1e: {  	s5 =	sshll.u32 s27, $0x1;
	_ =	strace $0x80000049;
	[dreg:$0x1] =	wrdreg $0xFFFFFFFF  }
0x1f: {  	s28 =	simm.s32 $_size_execute0_lowered;
	s3 =	sadd.s32 s3, s5;
	[dreg:$0x0] =	wrdreg $0x0  }
0x20: {  	s5 =	sshll.u32 s28, $0x1;
	[dreg:$0x2] =	wrdreg s3  }
0x21: {  	[dreg:$0x3] =	wrdreg s5  }
0x22: {  	[dreg:$0x4] =	wrdreg $0xC0  }
0x23: {  	_ =	task [dreg:s7], $0x5FFFF  }
0x24: {  	[dreg:$0x1] =	wrdreg $0xFFFFFFFF  }
0x25: {  	[dreg:$0x0] =	wrdreg $0x60  }
0x26: {  	[dreg:$0x2] =	wrdreg s25  }
0x27: {  	[dreg:$0x3] =	wrdreg s2  }
0x28: {  	[dreg:$0x4] =	wrdreg $0x9  }
0x29: {  	_ =	task.clear_ibuf [dreg:s7], $0x5FFFF;
	_ =	strace $0x90000049  }
0x2a: {  	s29 =	simm.s32 $0x9;
	_ =	strace $0x8000004B  }
0x2b: {  	_ =	swait.ge [sflag:s29], $0x1  }
0x2c: {  	[sflag:s29] =	ssyncadd.s32 $0xFFFFFFFF  }
0x2d: {  	_ =	strace $0x9000004B  }
0x2e: {  	_ =	sfence  }
0x2f: {  	s30 =	sld [smem:$0x0];
	_ =	sdelay $0x2  }
0x30: {  	s31 =	sshll.u32 s1, $0xD;
	s1 =	sshrl.u32 s1, $0x2  }
0x31: {  	s3 =	sand.u32 $0x4000, s31;
	s1 =	sadd.s32 s1, s30  }
0x32: {  	s0 =	sor.u32 s3, s0;
	s1 =	sshll.u32 s1, $0x11  }
0x33: {  	s0 =	sor.u32 s1, s0  }
0x34: {  	s0 =	sadd.s32 $0x8F2B, s0  }
0x35: {  	[sflag:s0] =	ssyncadd.remote.s32 $0x1  }
0x36: {  	_ =	sfence.sel $0xFFFF  }
0x37: {  	[dreg:$0x0] =	wrdreg $0xFFFFFFFF;
	(pc) =	sbr.abs _section_cstart, $3  }
0x38: {  	[dreg:$0x1] =	wrdreg $0xFFFFFFFF  }
0x39: {  	_ =	task.clear_ibuf [dreg:s7], $0x2FFFF;
	_ =	strace $0x9FFFFFFF  }
0x3a: {  	(tm) =	ssettm $0x7FFFFFFF  }
0x3b: {  	_ =	shalt  }
tec
execute0_lowered:
.L_overlay_start_1:
0x0: {  	(tag) =	ssettag $0x1  }
0x1: {  	s0 =	srdreg.scid  }
0x2: {  	s1 =	sshll.u32 s0, $0x4  }
0x3: {  	s5 =	rddreg [dreg:$0x0];
	s0 =	stileid.u32;
	s1 =	sand.u32 $0x10, s1  }
0x4: {  	s3 =	rddreg [dreg:$0x1];
	s31 =	simm.s32 $0x2;
	s4 =	sor.u32 s0, s1  }
0x5: {  	s13 =	simm.s32 $0x0;
	s9 =	simm.s32 $0x400;
	s2 =	sshll.u32 s4, $0x7  }
0x6: {  	s10 =	simm.s32 $0x8000;
	s14 =	simm.s32 $0x0;
	s6 =	ssub.s32 $0x1000, s2  }
0x7: {  	s1 =	rddreg [dreg:$0x2];
	_ =	strace $0x8000004A;
	s7 =	sand.u32 $0xF80, s6  }
0x8: {  	s4 =	sshll.u32 s4, $0xB;
	p0 =	sne.s32 s7, $0x0;
	s7 =	simm.s32 $0x1  }
.Ltmp0:
0x9: {  	s6 =	sshrl.u32 s6, $0xC;
	s7 =	simm.s32 @!p0 $0x0;
	(pc) =	sbr.rel .LBB1_1-.Ltmp0, $4  }
0xa: {  	s8 =	sadd.s32 s4, s5;
	s4 =	simm.s32 $0x1;
	s30 =	sadd.s32 s7, s6  }
0xb: {  	s11 =	simm.s32 $0x0;
	[sflag:s4] =	ssyncpa.u1 $0x0;
	s5 =	smul.u32 $0x19, s30  }
0xc: {  	s12 =	simm.s32 $0x0;
	[sflag:s31] =	ssyncpa.u1 $0x0;
	p0 =	por $0x0, $0x0  }
0xd: {  	s6 =	sadd.s32 $0xF42C00, s8;
	s7 =	sadd.s32 $0xF52C00, s8;
	s8 =	sadd.s32 $0x1, s5  }
.LBB1_7:
0xe: {  	s15 =	sadd.s32 $0x2, s11  }
0xf: {  	p2 =	sgt.s32 s15, $0x31  }
0x10: {  	s15 =	simm.s32 @p2 $0x0;
	p2 =	sne.s32 s12, s8  }
.Ltmp1:
0x11: {  	p1 =	slt.u32 s12, $0x2;
	(pc) =	sbr.rel @!p2 .LBB1_8-.Ltmp1, $4  }
0x12: {  	s13 =	simm.s32 @!p1 $0x2  }
0x13: {  	s16 =	sadd.s32 $0x1, s12;
	s14 =	smov.u32 s11;
	_ =	swait.ge @!p1 [sflag:s13], $0x4000  }
0x14: {  	p0 =	por !p0, !p0;
	s12 =	smov.u32 s16;
	[sflag:s13] =	ssyncset.done @!p1 $0x0  }
0x15: {  	s11 =	smov.u32 s15;
	[sflag:s13] =	ssyncadd.s32 @!p1 $0xFFFFC000;
	s13 =	smov.u32 s2  }
.LBB1_1:
0x16: {  	p1 =	sge.u32 s12, s5  }
0x17: {  	s15 =	sxor.u32 @!p1 $0xFFFFFFFF, s12  }
0x18: {  	s16 =	sshll.u32 @!p1 s11, $0x10;
	s18 =	simm.s32 @!p1 $0x40;
	s15 =	sshll.u32 @!p1 s15, $0xE  }
0x19: {  	s19 =	simm.s32 @!p1 $0x80;
	s17 =	sadd.s32 @!p1 s16, s6;
	s15 =	sand.u32 @!p1 $0x4000, s15  }
0x1a: {  	[tilespmem:s15], [sflag:$0x1] =	stream.strided.gather @!p1 [hbm4b:s17+s18], $0x2000, s19, s18, $0x38;
	[tilespmem:$0x10100] =	vst v63  }
0x1b: {  	s31 =	sadd.s32 $0xFFFFFFFF, s12;
	s16 =	sadd.s32 @!p1 s16, s7;
	s15 =	sor.u32 @!p1 $0x2000, s15  }
0x1c: {  	[tilespmem:s15], [sflag:$0x1] =	stream.strided.gather @!p1 [hbm4b:s16+s18], $0x2000, s19, s18, $0x38;
	[tilespmem:$0x10100] =	vst v63  }
0x1d: {  	p1 =	sge.u32 s31, s5  }
.Ltmp2:
0x1e: {  	_ = 	snop;
	(pc) =	sbr.rel @p1 .LBB1_7-.Ltmp2, $1  }
0x1f: {  	_ =	sdelay $0x3  }
0x20: {  	s15 =	simm.s32 $0x1;
	s17 =	sand.u32 $0x1, s12  }
0x21: {  	_ =	swait.ge [sflag:s4], $0x4000;
	s15 =	simm.s32 @!p0 $0x0;
	s17 =	smul.u32 $0x10200, s17  }
0x22: {  	p2 =	por $0x1, $0x1;
	[sflag:s4] =	ssyncset.done $0x0;
	s16 =	smul.u32 $0x10200, s15  }
0x23: {  	s18 =	sshll.u32 s15, $0x10;
	[sflag:s4] =	ssyncadd.s32 $0xFFFFC000;
	s30 =	sshrl.u32 s17, $0x2  }
0x24: {  	s31 =	sshrl.u32 s18, $0x2;
	s18 =	simm.s32 $0x0;
	s16 =	sshrl.u32 s16, $0x2  }
0x25: {  	s15 =	sor.u32 $0x8000, s30;
	s17 =	sadd.s32 $0x20, s31;
	s16 =	sor.u32 $0x8000, s16  }
.LBB1_3:
0x26: {  	s19 =	sshll.u32 s18, $0xD  }
0x27: {  	s19 =	sand.u32 $0x3FFFE000, s19  }
0x28: {  	s21 =	sadd.s32 s19, s17  }
0x29: {  	s31 =	smul.u32 $0x8100, s18;
	v3 =	vld [tilespmem:s21+$0x10]  }
0x2a: {  	v1 =	vld [tilespmem:s21+$0xFFFFFFF0]  }
0x2b: {  	s18 =	sshra.s32 s31, $0x2;
	v0 =	vld [tilespmem:s21+$0x0]  }
0x2c: {  	s18 =	sadd.s32 s18, s16;
	v2 =	vld [tilespmem:s21+$0xFFFFFFE0]  }
0x2d: {  	s19 =	sadd.s32 $0x0, s18  }
0x2e: {  	p1 =	por p2, p2;
	s20 =	simm.s32 $0x4;
	s21 =	sadd.s32 $0x40, s21;
	[tilespmem:s19+$0x1830 ss:$0x81] =	vst.msk $0xffff, v3  }
.LBB1_4:
0x2f: {  	v3 =	vld [tilespmem:s21+$0x10];
	p2 =	sne.s32 s20, $0x1FC;
	[tilespmem:s19+$0x810 ss:$0x81] =	vst.msk $0xffff, v1;
	s22 =	smov.u32 s20;
	s20 =	sadd.s32 $0x4, s20  }
.Ltmp3:
0x30: {  	v1 =	vld [tilespmem:s21+$0xFFFFFFF0];
	[tilespmem:s19+$0x1020 ss:$0x81] =	vst.msk $0xffff, v0;
	(pc) =	sbr.rel @p2 .LBB1_4-.Ltmp3, $4  }
0x31: {  	v0 =	vld [tilespmem:s21+$0x0];
	[tilespmem:s19+$0x0 ss:$0x81] =	vst.msk $0xffff, v2  }
0x32: {  	s19 =	sshra.s32 s22, $0x2;
	v2 =	vld [tilespmem:s21+$0xFFFFFFE0]  }
0x33: {  	s19 =	sadd.s32 s19, s18  }
0x34: {  	s21 =	sadd.s32 $0x40, s21;
	[tilespmem:s19+$0x1830 ss:$0x81] =	vst.msk $0xffff, v3  }
.Ltmp4:
0x35: {  	(pc) =	sbr.rel @p1 .LBB1_3-.Ltmp4, $4  }
0x36: {  	_ = 	snop  }
0x37: {  	[tilespmem:s19+$0x810 ss:$0x81] =	vst.msk $0xffff, v1  }
0x38: {  	[tilespmem:s19+$0x1020 ss:$0x81] =	vst.msk $0xffff, v0  }
0x39: {  	s18 =	simm.s32 $0x1;
	p2 =	por $0x0, $0x0;
	[tilespmem:s19+$0x0 ss:$0x81] =	vst.msk $0xffff, v2  }
.Ltmp5:
0x3a: {  	(pc) =	sbr.rel .LBB1_7-.Ltmp5, $4  }
0x3b: {  	s14 =	sshll.u32 s14, $0xF  }
0x3c: {  	s14 =	sadd.s32 s3, s14  }
0x3d: {  	s13 =	sadd.s32 s13, s14  }
0x3e: {  	[hbm4b:s13+s9] =	stream.strided.scatter [tilespmem:s15], [sflag:$0x2], $0x4000, s10, s9, $0x20;
	[tilespmem:$0x10100] =	vst v63  }
.LBB1_8:
0x3f: {  	_ =	sfence.sel $0x180000  }
0x40: {  	s2 =	simm.s32 $0x1;
	[bflag:$0x0] =	sbarrier.arrive $0xFFFF  }
0x41: {  	s31 =	simm.s32 $0x2;
	[sflag:s2] =	ssyncpa.u1 $0x1  }
0x42: {  	[sflag:s31] =	ssyncpa.u1 $0x1  }
0x43: {  	p0 =	sne.s32 s0, $0x0;
	_ =	strace $0x9000004A  }
0x44: {  	s0 =	sadd.s32 @!p0 $0x100000, s1;
	[bflag:$0x2] =	sbarrier.arrive $0xFFFF  }
0x45: {  	[sflag:s0] =	ssyncadd.tile.s32 @!p0 $0x1;
	_ =	shalt  }
.Lfunc_end1:
_tile_overlayer_lowered:
.L_overlay_start_2:
0x46: {  	(tag) =	ssettag $0x2  }
0x47: {  	s0 =	rddreg [dreg:$0x0];
	s2 =	stileid.u32  }
0x48: {  	s1 =	rddreg [dreg:$0x1];
	p0 =	sne.s32 s2, $0x0  }
0x49: {  	s3 =	rddreg [dreg:$0x2];
	[bflag:$0x3] =	sbarrier.arrive $0xFFFF;
	s2 =	simm.s32 @!p0 $0x1C01  }
0x4a: {  	[timem:s3], [sflag:s2] =	dma.local @!p0 [hbm:s0], s1  }
0x4b: {  	s0 =	simm.s32 @!p0 $0x1  }
0x4c: {  	_ =	swait.ge @!p0 [sflag:s0], s1  }
0x4d: {  	s1 =	ssub.s32 @!p0 $0x0, s1;
	[sflag:s0] =	ssyncset.done @!p0 $0x0  }
0x4e: {  	[sflag:s0] =	ssyncadd.s32 @!p0 s1  }
0x4f: {  	[bflag:$0x3] =	sbarrier.arrive $0xFFFF  }
0x50: {  	_ =	shalt  }

</sc_bundles>
